<compile_context>
chip_gen: v7x
topology: tpu7x:2x2x1
jax: 0.10.2.dev20260603
libtpu: 0.0.44.dev20260713+nightly
codegen_flags: <defaults>
</compile_context>

<pallas_src>
import functools

import jax
import jax.numpy as jnp
from jax import lax
from jax.experimental import pallas as pl
from jax.experimental.pallas import tpu as pltpu
from jax.experimental.pallas import tpu_sc as plsc

N_NODES = 10000
N_EDGES = 320000
D_IN = 128

NPAD = 10240
NW = 32
CH = 128
GB = 4
EPAD = 327680
NG = EPAD // (NW * GB * CH)
RPT = NPAD // 16

_f32 = jnp.float32



def _tc1_body(x_ref, wl_ref, wr_ref, b_ref, p_ref, s_ref):
    x = x_ref[...]
    p_ref[...] = jnp.dot(x, wl_ref[...], preferred_element_type=_f32)
    s_ref[...] = jnp.dot(x, wr_ref[...], preferred_element_type=_f32) + b_ref[...]


def _tc1(x_pad, W_l, W_r, b):
    h = W_l.shape[1]
    return pl.pallas_call(
        _tc1_body,
        out_shape=[
            jax.ShapeDtypeStruct((NPAD, h), _f32),
            jax.ShapeDtypeStruct((NPAD, h), _f32),
        ],
    )(x_pad, W_l, W_r, b.reshape(1, h))


def _tc2_body(pa_ref, pb_ref, da_ref, db_ref, s1_ref, wl_ref, wr_ref, b_ref,
              p2_ref, s2_ref, inv_ref):
    inv = 1.0 / jnp.maximum(da_ref[...] + db_ref[...], 1.0)
    h = jnp.maximum((pa_ref[...] + pb_ref[...]) * inv + s1_ref[...], 0.0)
    p2_ref[...] = jnp.dot(h, wl_ref[...], preferred_element_type=_f32)
    s2_ref[...] = jnp.dot(h, wr_ref[...], preferred_element_type=_f32) + b_ref[...]
    inv_ref[...] = inv


def _tc2(part, deg2, s1, W_l, W_r, b):
    h1 = s1.shape[1]
    h2 = W_l.shape[1]
    return pl.pallas_call(
        _tc2_body,
        grid=(1,),
        in_specs=[
            pl.BlockSpec((NPAD, h1), lambda i: (0, 0)),
            pl.BlockSpec((NPAD, h1), lambda i: (1, 0)),
            pl.BlockSpec((NPAD, 1), lambda i: (0, 0)),
            pl.BlockSpec((NPAD, 1), lambda i: (1, 0)),
            pl.BlockSpec((NPAD, h1), lambda i: (0, 0)),
            pl.BlockSpec((h1, h2), lambda i: (0, 0)),
            pl.BlockSpec((h1, h2), lambda i: (0, 0)),
            pl.BlockSpec((1, h2), lambda i: (0, 0)),
        ],
        out_specs=[
            pl.BlockSpec((NPAD, h2), lambda i: (0, 0)),
            pl.BlockSpec((NPAD, h2), lambda i: (0, 0)),
            pl.BlockSpec((NPAD, 1), lambda i: (0, 0)),
        ],
        out_shape=[
            jax.ShapeDtypeStruct((NPAD, h2), _f32),
            jax.ShapeDtypeStruct((NPAD, h2), _f32),
            jax.ShapeDtypeStruct((NPAD, 1), _f32),
        ],
    )(part, part, deg2, deg2, s1, W_l, W_r, b.reshape(1, h2))


def _tc3_body(pa_ref, pb_ref, inv_ref, s2_ref, w_ref, out_ref):
    h = jnp.maximum((pa_ref[...] + pb_ref[...]) * inv_ref[...] + s2_ref[...], 0.0)
    out_ref[...] = jnp.dot(h, w_ref[...], preferred_element_type=_f32)


def _tc3(part, inv, s2, w):
    h2 = s2.shape[1]
    dout = w.shape[1]
    return pl.pallas_call(
        _tc3_body,
        grid=(1,),
        in_specs=[
            pl.BlockSpec((NPAD, h2), lambda i: (0, 0)),
            pl.BlockSpec((NPAD, h2), lambda i: (1, 0)),
            pl.BlockSpec((NPAD, 1), lambda i: (0, 0)),
            pl.BlockSpec((NPAD, h2), lambda i: (0, 0)),
            pl.BlockSpec((h2, dout), lambda i: (0, 0)),
        ],
        out_specs=pl.BlockSpec((NPAD, dout), lambda i: (0, 0)),
        out_shape=jax.ShapeDtypeStruct((NPAD, dout), _f32),
    )(part, part, inv, s2, w)



def _sc_mesh():
    return plsc.VectorSubcoreMesh(core_axis_name="c", subcore_axis_name="s")


def _seg_loop(tab_sh, acc_sh, src_v, dst_v, bufs, sems,
              deg_sh=None, ones_v=None, dsem=None):
    pltpu.async_copy(tab_sh.at[src_v.at[0]], bufs[0], sems[0])
    pltpu.async_copy(tab_sh.at[src_v.at[1]], bufs[1], sems[1])
    for g in range(NG):
        b = g % 3
        pltpu.make_async_copy(tab_sh.at[src_v.at[g]], bufs[b], sems[b]).wait()
        didx = dst_v.at[g]
        pltpu.async_copy(bufs[b], acc_sh.at[didx], sems[b], add=True)
        if deg_sh is not None:
            pltpu.async_copy(ones_v, deg_sh.at[didx], dsem, add=True)
        if g + 2 < NG:
            b2 = (g + 2) % 3
            if g >= 1:
                pltpu.make_async_copy(
                    bufs[b2], acc_sh.at[didx], sems[b2]).wait()
            pltpu.async_copy(tab_sh.at[src_v.at[g + 2]], bufs[b2], sems[b2])
    for t in (NG - 2, NG - 1):
        pltpu.make_async_copy(bufs[t % 3], acc_sh.at[dst_v.at[t]], sems[t % 3]).wait()
    if deg_sh is not None:
        for t in range(NG):
            pltpu.make_async_copy(ones_v, deg_sh.at[dst_v.at[t]], dsem).wait()


def _sc_seg_deg_kernel(p_hbm, src_hbm, dst_hbm, z32_hbm, z1_hbm,
                       out_hbm, deg_hbm,
                       src_v, dst_v, rows_a, rows_b, rows_c, ones_v,
                       acc_sh, deg_sh, tab_sh, gsem, ssem, xsem, dsem):
    c = lax.axis_index("c")
    s = lax.axis_index("s")
    wid = s * 2 + c
    pltpu.sync_copy(z32_hbm, acc_sh.at[pl.ds(s * RPT, RPT)])
    pltpu.sync_copy(z1_hbm, deg_sh.at[pl.ds(s * RPT, RPT)])
    for k in range(GB * CH // 16):
        ones_v[pl.ds(k * 16, 16)] = jnp.ones((16,), _f32)
    pltpu.sync_copy(src_hbm.at[pl.ds(wid * NG, NG)], src_v)
    pltpu.sync_copy(dst_hbm.at[pl.ds(wid * NG, NG)], dst_v)
    pltpu.sync_copy(p_hbm.at[pl.ds(s * RPT, RPT)], tab_sh.at[pl.ds(s * RPT, RPT)])
    plsc.subcore_barrier()

    _seg_loop(tab_sh, acc_sh, src_v, dst_v, (rows_a, rows_b, rows_c),
              (gsem, ssem, xsem), deg_sh=deg_sh, ones_v=ones_v, dsem=dsem)

    plsc.subcore_barrier()
    pltpu.sync_copy(acc_sh.at[pl.ds(s * RPT, RPT)],
                    out_hbm.at[pl.ds(c * NPAD + s * RPT, RPT)])
    pltpu.sync_copy(deg_sh.at[pl.ds(s * RPT, RPT)],
                    deg_hbm.at[pl.ds(c * NPAD + s * RPT, RPT)])


def _sc_seg_kernel(p_hbm, src_hbm, dst_hbm, z32_hbm,
                   out_hbm,
                   src_v, dst_v, rows_a, rows_b, rows_c,
                   acc_sh, tab_sh, gsem, ssem, xsem):
    c = lax.axis_index("c")
    s = lax.axis_index("s")
    wid = s * 2 + c
    pltpu.sync_copy(z32_hbm, acc_sh.at[pl.ds(s * RPT, RPT)])
    pltpu.sync_copy(src_hbm.at[pl.ds(wid * NG, NG)], src_v)
    pltpu.sync_copy(dst_hbm.at[pl.ds(wid * NG, NG)], dst_v)
    pltpu.sync_copy(p_hbm.at[pl.ds(s * RPT, RPT)], tab_sh.at[pl.ds(s * RPT, RPT)])
    plsc.subcore_barrier()

    _seg_loop(tab_sh, acc_sh, src_v, dst_v, (rows_a, rows_b, rows_c),
              (gsem, ssem, xsem))

    plsc.subcore_barrier()
    pltpu.sync_copy(acc_sh.at[pl.ds(s * RPT, RPT)],
                    out_hbm.at[pl.ds(c * NPAD + s * RPT, RPT)])


def _sc_seg_deg(p, src_r, dst_r, z32, z1, h):
    fn = functools.partial(
        pl.kernel,
        out_type=[
            jax.ShapeDtypeStruct((2 * NPAD, h), _f32),
            jax.ShapeDtypeStruct((2 * NPAD,), _f32),
        ],
        mesh=_sc_mesh(),
        compiler_params=pltpu.CompilerParams(use_tc_tiling_on_sc=False),
        scratch_types=[
            pltpu.VMEM((NG, GB * CH), jnp.int32),
            pltpu.VMEM((NG, GB * CH), jnp.int32),
            pltpu.VMEM((GB * CH, h), _f32),
            pltpu.VMEM((GB * CH, h), _f32),
            pltpu.VMEM((GB * CH, h), _f32),
            pltpu.VMEM((GB * CH,), _f32),
            pltpu.VMEM_SHARED((NPAD, h), _f32),
            pltpu.VMEM_SHARED((NPAD,), _f32),
            pltpu.VMEM_SHARED((NPAD, h), _f32),
            pltpu.SemaphoreType.DMA,
            pltpu.SemaphoreType.DMA,
            pltpu.SemaphoreType.DMA,
            pltpu.SemaphoreType.DMA,
        ],
    )(_sc_seg_deg_kernel)
    return fn(p, src_r, dst_r, z32, z1)


def _sc_seg(p, src_r, dst_r, z32, h):
    fn = functools.partial(
        pl.kernel,
        out_type=jax.ShapeDtypeStruct((2 * NPAD, h), _f32),
        mesh=_sc_mesh(),
        compiler_params=pltpu.CompilerParams(use_tc_tiling_on_sc=False),
        scratch_types=[
            pltpu.VMEM((NG, GB * CH), jnp.int32),
            pltpu.VMEM((NG, GB * CH), jnp.int32),
            pltpu.VMEM((GB * CH, h), _f32),
            pltpu.VMEM((GB * CH, h), _f32),
            pltpu.VMEM((GB * CH, h), _f32),
            pltpu.VMEM_SHARED((NPAD, h), _f32),
            pltpu.VMEM_SHARED((NPAD, h), _f32),
            pltpu.SemaphoreType.DMA,
            pltpu.SemaphoreType.DMA,
            pltpu.SemaphoreType.DMA,
        ],
    )(_sc_seg_kernel)
    return fn(p, src_r, dst_r, z32)



def kernel(x, edge_index, W1_l, b1, W1_r, W2_l, b2, W2_r, w):
    h1 = W1_l.shape[1]
    h2 = W2_l.shape[1]
    src = edge_index[0].astype(jnp.int32)
    dst = edge_index[1].astype(jnp.int32)
    epad = EPAD - N_EDGES
    src_r = jnp.concatenate([src, jnp.zeros((epad,), jnp.int32)]).reshape(-1, GB * CH)
    dst_r = jnp.concatenate([dst, jnp.full((epad,), N_NODES, jnp.int32)]).reshape(-1, GB * CH)
    x_pad = jnp.concatenate([x, jnp.zeros((NPAD - N_NODES, D_IN), _f32)])
    z32 = jnp.zeros((RPT, h1), _f32)
    z1 = jnp.zeros((RPT,), _f32)

    p1, s1 = _tc1(x_pad, W1_l, W1_r, b1)
    part1, degp = _sc_seg_deg(p1, src_r, dst_r, z32, z1, h1)
    p2, s2, inv = _tc2(part1, degp.reshape(2 * NPAD, 1), s1, W2_l, W2_r, b2)
    part2 = _sc_seg(p2, src_r, dst_r, z32, h2)
    out_pad = _tc3(part2, inv, s2, w)
    return out_pad[:N_NODES]

# --- scband reference (transcript-rebuilt; emitter-appended) ---
"""Pipeline reference for scband-sage-45423574122804 (READ-ONLY COPY).

The authoritative reference and input builder live on the scoring server;
editing this copy changes nothing except your own understanding.
"""

import jax, jax.numpy as jnp
import numpy as np

N_NODES = 10000
N_EDGES = 320000
D_IN = 128
H1 = 32
H2 = 32
D_OUT = 64


def _glorot(key, shape):
    fan_in, fan_out = shape[0], shape[1]
    limit = jnp.sqrt(6.0 / (fan_in + fan_out))
    return jax.random.uniform(key, shape, jnp.float32, -limit, limit)


def setup_inputs(seed: int = 0) -> dict:
    key = jax.random.key(seed)
    ks = jax.random.split(key, 10)
    x = jax.random.normal(ks[0], (N_NODES, D_IN), dtype=jnp.float32)
    edge_index = jax.random.randint(ks[1], (2, N_EDGES), 0, N_NODES, dtype=jnp.int64)
    W1_l = _glorot(ks[2], (D_IN, H1))
    b1 = jnp.zeros((H1,), dtype=jnp.float32)
    W1_r = _glorot(ks[3], (D_IN, H1))
    W2_l = _glorot(ks[4], (H1, H2))
    b2 = jnp.zeros((H2,), dtype=jnp.float32)
    W2_r = _glorot(ks[5], (H1, H2))
    w = _glorot(ks[6], (H2, D_OUT))
    return {"x": x, "edge_index": edge_index, "W1_l": W1_l, "b1": b1, "W1_r": W1_r,
            "W2_l": W2_l, "b2": b2, "W2_r": W2_r, "w": w}


def _sage_conv(x, edge_index, W_l, b_l, W_r):
    # PyG SAGEConv with mean aggregation: out = mean_{j in N(i)} x_j @ W_l + b_l + x_i @ W_r
    src = edge_index[0]
    dst = edge_index[1]
    n = x.shape[0]
    msgs = jnp.take(x, src, axis=0)              # gather source node features (SparseCore gather)
    agg = jax.ops.segment_sum(msgs, dst, num_segments=n)   # scatter-add at destination
    deg = jax.ops.segment_sum(jnp.ones((src.shape[0],), dtype=x.dtype), dst, num_segments=n)
    agg = agg / jnp.maximum(deg, 1.0)[:, None]
    return agg @ W_l + b_l + x @ W_r


def reference(x, edge_index, W1_l, b1, W1_r, W2_l, b2, W2_r, w):
    h = _sage_conv(x, edge_index, W1_l, b1, W1_r)
    h = jax.nn.relu(h)
    h = _sage_conv(h, edge_index, W2_l, b2, W2_r)
    h = jax.nn.relu(h)
    out = h @ w
    return out

if __name__ == "__main__":
    import jax
    _d = setup_inputs()
    print(jax.jit(kernel)(*tuple(_d.values())))

</pallas_src>

<mosaic_0001>
#map = affine_map<(d0, d1) -> (0, 0)>
module attributes {stable_mosaic.version = 14 : i64} {
  func.func @_sc_seg_kernel(%arg0: i32, %arg1: i32, %arg2: memref<10240x32xf32, #tpu.memory_space<hbm>>, %arg3: memref<640x512xi32, #tpu.memory_space<hbm>>, %arg4: memref<640x512xi32, #tpu.memory_space<hbm>>, %arg5: memref<640x32xf32, #tpu.memory_space<hbm>>, %arg6: memref<20480x32xf32, #tpu.memory_space<hbm>>, %arg7: memref<20x512xi32, #tpu.memory_space<vmem>>, %arg8: memref<20x512xi32, #tpu.memory_space<vmem>>, %arg9: memref<512x32xf32, #tpu.memory_space<vmem>>, %arg10: memref<512x32xf32, #tpu.memory_space<vmem>>, %arg11: memref<512x32xf32, #tpu.memory_space<vmem>>, %arg12: memref<10240x32xf32, #tpu.memory_space<vmem_shared>>, %arg13: memref<10240x32xf32, #tpu.memory_space<vmem_shared>>, %arg14: memref<!tpu.dma_semaphore, #tpu.memory_space<semaphore_mem>>, %arg15: memref<!tpu.dma_semaphore, #tpu.memory_space<semaphore_mem>>, %arg16: memref<!tpu.dma_semaphore, #tpu.memory_space<semaphore_mem>>) attributes {dimension_semantics = [#tpu.dimension_semantics<core_parallel>, #tpu.dimension_semantics<subcore_parallel>], iteration_bounds = array<i64: 2, 16>, scalar_prefetch = 0 : i64, scratch_operands = 10 : i64, tpu.core_type = #tpu.core_type<sc_vector_subcore>, window_params = [{transform_indices = #map}, {transform_indices = #map}, {transform_indices = #map}, {transform_indices = #map}, {transform_indices = #map}]} {
    %mul3A = arith.constant 2 : i32
    %mul3A_0 = arith.muli %arg1, %mul3A : i32
    %add3A = arith.addi %mul3A_0, %arg0 : i32
    %mul3A_1 = arith.constant 640 : i32
    %mul3A_2 = arith.muli %arg1, %mul3A_1 : i32
    "tpu.region"() ({
      %run_scoped3A = tpu.sem_alloc : memref<!tpu.dma_semaphore, #tpu.memory_space<semaphore_mem>>
      %dma_start3A_570 = arith.constant 0 : i32
      %dma_start3A_571 = tpu.memref_slice %arg12[%mul3A_2, %dma_start3A_570] : memref<10240x32xf32, #tpu.memory_space<vmem_shared>> -> memref<640x32xf32, #tpu.memory_space<vmem_shared>>
      tpu.enqueue_dma source(%arg5 : memref<640x32xf32, #tpu.memory_space<hbm>>) target(%dma_start3A_571 : memref<640x32xf32, #tpu.memory_space<vmem_shared>>) target_semaphore(%run_scoped3A : memref<!tpu.dma_semaphore, #tpu.memory_space<semaphore_mem>>)
      %dma_wait3A_572 = arith.constant 0 : i32
      %dma_wait3A_573 = tpu.memref_slice %arg12[%mul3A_2, %dma_wait3A_572] : memref<10240x32xf32, #tpu.memory_space<vmem_shared>> -> memref<640x32xf32, #tpu.memory_space<vmem_shared>>
      tpu.wait_dma2 semaphore(%run_scoped3A : memref<!tpu.dma_semaphore, #tpu.memory_space<semaphore_mem>>) src(%arg5 : memref<640x32xf32, #tpu.memory_space<hbm>>) dst(%dma_wait3A_573 : memref<640x32xf32, #tpu.memory_space<vmem_shared>>)
      tpu.yield
    }) : () -> ()
    %mul3A_3 = arith.constant 20 : i32
    %mul3A_4 = arith.muli %add3A, %mul3A_3 : i32
    "tpu.region"() ({
      %run_scoped3A = tpu.sem_alloc : memref<!tpu.dma_semaphore, #tpu.memory_space<semaphore_mem>>
      %dma_start3A_570 = arith.constant 0 : i32
      %dma_start3A_571 = tpu.memref_slice %arg3[%mul3A_4, %dma_start3A_570] : memref<640x512xi32, #tpu.memory_space<hbm>> -> memref<20x512xi32, #tpu.memory_space<hbm>>
      %dma_start3A_572 = arith.constant 0 : i32
      %dma_start3A_573 = tpu.memref_slice %arg3[%mul3A_4, %dma_start3A_572] : memref<640x512xi32, #tpu.memory_space<hbm>> -> memref<20x512xi32, #tpu.memory_space<hbm>>
      tpu.enqueue_dma source(%dma_start3A_573 : memref<20x512xi32, #tpu.memory_space<hbm>>) target(%arg7 : memref<20x512xi32, #tpu.memory_space<vmem>>) target_semaphore(%run_scoped3A : memref<!tpu.dma_semaphore, #tpu.memory_space<semaphore_mem>>)
      %dma_wait3A_574 = arith.constant 0 : i32
      %dma_wait3A_575 = tpu.memref_slice %arg3[%mul3A_4, %dma_wait3A_574] : memref<640x512xi32, #tpu.memory_space<hbm>> -> memref<20x512xi32, #tpu.memory_space<hbm>>
      %dma_wait3A_576 = arith.constant 0 : i32
      %dma_wait3A_577 = tpu.memref_slice %arg3[%mul3A_4, %dma_wait3A_576] : memref<640x512xi32, #tpu.memory_space<hbm>> -> memref<20x512xi32, #tpu.memory_space<hbm>>
      tpu.wait_dma2 semaphore(%run_scoped3A : memref<!tpu.dma_semaphore, #tpu.memory_space<semaphore_mem>>) src(%dma_wait3A_577 : memref<20x512xi32, #tpu.memory_space<hbm>>) dst(%arg7 : memref<20x512xi32, #tpu.memory_space<vmem>>)
      tpu.yield
    }) : () -> ()
    %mul3A_5 = arith.constant 20 : i32
    %mul3A_6 = arith.muli %add3A, %mul3A_5 : i32
    "tpu.region"() ({
      %run_scoped3A = tpu.sem_alloc : memref<!tpu.dma_semaphore, #tpu.memory_space<semaphore_mem>>
      %dma_start3A_570 = arith.constant 0 : i32
      %dma_start3A_571 = tpu.memref_slice %arg4[%mul3A_6, %dma_start3A_570] : memref<640x512xi32, #tpu.memory_space<hbm>> -> memref<20x512xi32, #tpu.memory_space<hbm>>
      %dma_start3A_572 = arith.constant 0 : i32
      %dma_start3A_573 = tpu.memref_slice %arg4[%mul3A_6, %dma_start3A_572] : memref<640x512xi32, #tpu.memory_space<hbm>> -> memref<20x512xi32, #tpu.memory_space<hbm>>
      tpu.enqueue_dma source(%dma_start3A_573 : memref<20x512xi32, #tpu.memory_space<hbm>>) target(%arg8 : memref<20x512xi32, #tpu.memory_space<vmem>>) target_semaphore(%run_scoped3A : memref<!tpu.dma_semaphore, #tpu.memory_space<semaphore_mem>>)
      %dma_wait3A_574 = arith.constant 0 : i32
      %dma_wait3A_575 = tpu.memref_slice %arg4[%mul3A_6, %dma_wait3A_574] : memref<640x512xi32, #tpu.memory_space<hbm>> -> memref<20x512xi32, #tpu.memory_space<hbm>>
      %dma_wait3A_576 = arith.constant 0 : i32
      %dma_wait3A_577 = tpu.memref_slice %arg4[%mul3A_6, %dma_wait3A_576] : memref<640x512xi32, #tpu.memory_space<hbm>> -> memref<20x512xi32, #tpu.memory_space<hbm>>
      tpu.wait_dma2 semaphore(%run_scoped3A : memref<!tpu.dma_semaphore, #tpu.memory_space<semaphore_mem>>) src(%dma_wait3A_577 : memref<20x512xi32, #tpu.memory_space<hbm>>) dst(%arg8 : memref<20x512xi32, #tpu.memory_space<vmem>>)
      tpu.yield
    }) : () -> ()
    %mul3A_7 = arith.constant 640 : i32
    %mul3A_8 = arith.muli %arg1, %mul3A_7 : i32
    %mul3A_9 = arith.constant 640 : i32
    %mul3A_10 = arith.muli %arg1, %mul3A_9 : i32
    "tpu.region"() ({
      %run_scoped3A = tpu.sem_alloc : memref<!tpu.dma_semaphore, #tpu.memory_space<semaphore_mem>>
      %dma_start3A_570 = arith.constant 0 : i32
      %dma_start3A_571 = tpu.memref_slice %arg13[%mul3A_10, %dma_start3A_570] : memref<10240x32xf32, #tpu.memory_space<vmem_shared>> -> memref<640x32xf32, #tpu.memory_space<vmem_shared>>
      %dma_start3A_572 = arith.constant 0 : i32
      %dma_start3A_573 = tpu.memref_slice %arg2[%mul3A_8, %dma_start3A_572] : memref<10240x32xf32, #tpu.memory_space<hbm>> -> memref<640x32xf32, #tpu.memory_space<hbm>>
      tpu.enqueue_dma source(%dma_start3A_573 : memref<640x32xf32, #tpu.memory_space<hbm>>) target(%dma_start3A_571 : memref<640x32xf32, #tpu.memory_space<vmem_shared>>) target_semaphore(%run_scoped3A : memref<!tpu.dma_semaphore, #tpu.memory_space<semaphore_mem>>)
      %dma_wait3A_574 = arith.constant 0 : i32
      %dma_wait3A_575 = tpu.memref_slice %arg13[%mul3A_10, %dma_wait3A_574] : memref<10240x32xf32, #tpu.memory_space<vmem_shared>> -> memref<640x32xf32, #tpu.memory_space<vmem_shared>>
      %dma_wait3A_576 = arith.constant 0 : i32
      %dma_wait3A_577 = tpu.memref_slice %arg2[%mul3A_8, %dma_wait3A_576] : memref<10240x32xf32, #tpu.memory_space<hbm>> -> memref<640x32xf32, #tpu.memory_space<hbm>>
      tpu.wait_dma2 semaphore(%run_scoped3A : memref<!tpu.dma_semaphore, #tpu.memory_space<semaphore_mem>>) src(%dma_wait3A_577 : memref<640x32xf32, #tpu.memory_space<hbm>>) dst(%dma_wait3A_575 : memref<640x32xf32, #tpu.memory_space<vmem_shared>>)
      tpu.yield
    }) : () -> ()
    %barrier3A = arith.constant 0 : index
    tpu.barrier barrier_id(%barrier3A)
    %dma_start3A = arith.constant 0 : i32
    %dma_start3A_11 = arith.constant 0 : i32
    %dma_start3A_12 = tpu.memref_slice %arg7[%dma_start3A, %dma_start3A_11] : memref<20x512xi32, #tpu.memory_space<vmem>> -> memref<1x512xi32, #tpu.memory_space<vmem>>
    %dma_start3A_13 = tpu.memref_squeeze %dma_start3A_12 : memref<1x512xi32, #tpu.memory_space<vmem>> -> memref<512xi32, #tpu.memory_space<vmem>>
    %dma_start3A_14 = arith.constant 0 : i32
    %dma_start3A_15 = arith.constant 0 : i32
    %dma_start3A_16 = tpu.memref_slice %arg13[%dma_start3A_14, %dma_start3A_15] : memref<10240x32xf32, #tpu.memory_space<vmem_shared>> -> memref<10240x32xf32, #tpu.memory_space<vmem_shared>>
    tpu.enqueue_indirect_dma source(%dma_start3A_16 : memref<10240x32xf32, #tpu.memory_space<vmem_shared>>) target(%arg9 : memref<512x32xf32, #tpu.memory_space<vmem>>) offsets(%dma_start3A_13 : memref<512xi32, #tpu.memory_space<vmem>>) semaphore(%arg14 : memref<!tpu.dma_semaphore, #tpu.memory_space<semaphore_mem>>)
    %dma_start3A_17 = arith.constant 1 : i32
    %dma_start3A_18 = arith.constant 0 : i32
    %dma_start3A_19 = tpu.memref_slice %arg7[%dma_start3A_17, %dma_start3A_18] : memref<20x512xi32, #tpu.memory_space<vmem>> -> memref<1x512xi32, #tpu.memory_space<vmem>>
    %dma_start3A_20 = tpu.memref_squeeze %dma_start3A_19 : memref<1x512xi32, #tpu.memory_space<vmem>> -> memref<512xi32, #tpu.memory_space<vmem>>
    %dma_start3A_21 = arith.constant 0 : i32
    %dma_start3A_22 = arith.constant 0 : i32
    %dma_start3A_23 = tpu.memref_slice %arg13[%dma_start3A_21, %dma_start3A_22] : memref<10240x32xf32, #tpu.memory_space<vmem_shared>> -> memref<10240x32xf32, #tpu.memory_space<vmem_shared>>
    tpu.enqueue_indirect_dma source(%dma_start3A_23 : memref<10240x32xf32, #tpu.memory_space<vmem_shared>>) target(%arg10 : memref<512x32xf32, #tpu.memory_space<vmem>>) offsets(%dma_start3A_20 : memref<512xi32, #tpu.memory_space<vmem>>) semaphore(%arg15 : memref<!tpu.dma_semaphore, #tpu.memory_space<semaphore_mem>>)
    %dma_wait3A = arith.constant 0 : i32
    %dma_wait3A_24 = arith.constant 0 : i32
    %dma_wait3A_25 = tpu.memref_slice %arg7[%dma_wait3A, %dma_wait3A_24] : memref<20x512xi32, #tpu.memory_space<vmem>> -> memref<1x512xi32, #tpu.memory_space<vmem>>
    %dma_wait3A_26 = tpu.memref_squeeze %dma_wait3A_25 : memref<1x512xi32, #tpu.memory_space<vmem>> -> memref<512xi32, #tpu.memory_space<vmem>>
    %dma_wait3A_27 = arith.constant 0 : i32
    %dma_wait3A_28 = arith.constant 0 : i32
    %dma_wait3A_29 = tpu.memref_slice %arg13[%dma_wait3A_27, %dma_wait3A_28] : memref<10240x32xf32, #tpu.memory_space<vmem_shared>> -> memref<10240x32xf32, #tpu.memory_space<vmem_shared>>
    tpu.wait_indirect_dma semaphore(%arg14 : memref<!tpu.dma_semaphore, #tpu.memory_space<semaphore_mem>>) src(%dma_wait3A_29 : memref<10240x32xf32, #tpu.memory_space<vmem_shared>>) dst(%arg9 : memref<512x32xf32, #tpu.memory_space<vmem>>)
    %dma_start3A_30 = arith.constant 0 : i32
    %dma_start3A_31 = arith.constant 0 : i32
    %dma_start3A_32 = tpu.memref_slice %arg8[%dma_start3A_30, %dma_start3A_31] : memref<20x512xi32, #tpu.memory_space<vmem>> -> memref<1x512xi32, #tpu.memory_space<vmem>>
    %dma_start3A_33 = tpu.memref_squeeze %dma_start3A_32 : memref<1x512xi32, #tpu.memory_space<vmem>> -> memref<512xi32, #tpu.memory_space<vmem>>
    %dma_start3A_34 = arith.constant 0 : i32
    %dma_start3A_35 = arith.constant 0 : i32
    %dma_start3A_36 = tpu.memref_slice %arg12[%dma_start3A_34, %dma_start3A_35] : memref<10240x32xf32, #tpu.memory_space<vmem_shared>> -> memref<10240x32xf32, #tpu.memory_space<vmem_shared>>
    tpu.enqueue_indirect_dma source(%arg9 : memref<512x32xf32, #tpu.memory_space<vmem>>) target(%dma_start3A_36 : memref<10240x32xf32, #tpu.memory_space<vmem_shared>>) offsets(%dma_start3A_33 : memref<512xi32, #tpu.memory_space<vmem>>) semaphore(%arg14 : memref<!tpu.dma_semaphore, #tpu.memory_space<semaphore_mem>>) {add = true}
    %dma_start3A_37 = arith.constant 2 : i32
    %dma_start3A_38 = arith.constant 0 : i32
    %dma_start3A_39 = tpu.memref_slice %arg7[%dma_start3A_37, %dma_start3A_38] : memref<20x512xi32, #tpu.memory_space<vmem>> -> memref<1x512xi32, #tpu.memory_space<vmem>>
    %dma_start3A_40 = tpu.memref_squeeze %dma_start3A_39 : memref<1x512xi32, #tpu.memory_space<vmem>> -> memref<512xi32, #tpu.memory_space<vmem>>
    %dma_start3A_41 = arith.constant 0 : i32
    %dma_start3A_42 = arith.constant 0 : i32
    %dma_start3A_43 = tpu.memref_slice %arg13[%dma_start3A_41, %dma_start3A_42] : memref<10240x32xf32, #tpu.memory_space<vmem_shared>> -> memref<10240x32xf32, #tpu.memory_space<vmem_shared>>
    tpu.enqueue_indirect_dma source(%dma_start3A_43 : memref<10240x32xf32, #tpu.memory_space<vmem_shared>>) target(%arg11 : memref<512x32xf32, #tpu.memory_space<vmem>>) offsets(%dma_start3A_40 : memref<512xi32, #tpu.memory_space<vmem>>) semaphore(%arg16 : memref<!tpu.dma_semaphore, #tpu.memory_space<semaphore_mem>>)
    %dma_wait3A_44 = arith.constant 1 : i32
    %dma_wait3A_45 = arith.constant 0 : i32
    %dma_wait3A_46 = tpu.memref_slice %arg7[%dma_wait3A_44, %dma_wait3A_45] : memref<20x512xi32, #tpu.memory_space<vmem>> -> memref<1x512xi32, #tpu.memory_space<vmem>>
    %dma_wait3A_47 = tpu.memref_squeeze %dma_wait3A_46 : memref<1x512xi32, #tpu.memory_space<vmem>> -> memref<512xi32, #tpu.memory_space<vmem>>
    %dma_wait3A_48 = arith.constant 0 : i32
    %dma_wait3A_49 = arith.constant 0 : i32
    %dma_wait3A_50 = tpu.memref_slice %arg13[%dma_wait3A_48, %dma_wait3A_49] : memref<10240x32xf32, #tpu.memory_space<vmem_shared>> -> memref<10240x32xf32, #tpu.memory_space<vmem_shared>>
    tpu.wait_indirect_dma semaphore(%arg15 : memref<!tpu.dma_semaphore, #tpu.memory_space<semaphore_mem>>) src(%dma_wait3A_50 : memref<10240x32xf32, #tpu.memory_space<vmem_shared>>) dst(%arg10 : memref<512x32xf32, #tpu.memory_space<vmem>>)
    %dma_start3A_51 = arith.constant 1 : i32
    %dma_start3A_52 = arith.constant 0 : i32
    %dma_start3A_53 = tpu.memref_slice %arg8[%dma_start3A_51, %dma_start3A_52] : memref<20x512xi32, #tpu.memory_space<vmem>> -> memref<1x512xi32, #tpu.memory_space<vmem>>
    %dma_start3A_54 = tpu.memref_squeeze %dma_start3A_53 : memref<1x512xi32, #tpu.memory_space<vmem>> -> memref<512xi32, #tpu.memory_space<vmem>>
    %dma_start3A_55 = arith.constant 0 : i32
    %dma_start3A_56 = arith.constant 0 : i32
    %dma_start3A_57 = tpu.memref_slice %arg12[%dma_start3A_55, %dma_start3A_56] : memref<10240x32xf32, #tpu.memory_space<vmem_shared>> -> memref<10240x32xf32, #tpu.memory_space<vmem_shared>>
    tpu.enqueue_indirect_dma source(%arg10 : memref<512x32xf32, #tpu.memory_space<vmem>>) target(%dma_start3A_57 : memref<10240x32xf32, #tpu.memory_space<vmem_shared>>) offsets(%dma_start3A_54 : memref<512xi32, #tpu.memory_space<vmem>>) semaphore(%arg15 : memref<!tpu.dma_semaphore, #tpu.memory_space<semaphore_mem>>) {add = true}
    %dma_wait3A_58 = arith.constant 1 : i32
    %dma_wait3A_59 = arith.constant 0 : i32
    %dma_wait3A_60 = tpu.memref_slice %arg8[%dma_wait3A_58, %dma_wait3A_59] : memref<20x512xi32, #tpu.memory_space<vmem>> -> memref<1x512xi32, #tpu.memory_space<vmem>>
    %dma_wait3A_61 = tpu.memref_squeeze %dma_wait3A_60 : memref<1x512xi32, #tpu.memory_space<vmem>> -> memref<512xi32, #tpu.memory_space<vmem>>
    %dma_wait3A_62 = arith.constant 0 : i32
    %dma_wait3A_63 = arith.constant 0 : i32
    %dma_wait3A_64 = tpu.memref_slice %arg12[%dma_wait3A_62, %dma_wait3A_63] : memref<10240x32xf32, #tpu.memory_space<vmem_shared>> -> memref<10240x32xf32, #tpu.memory_space<vmem_shared>>
    tpu.wait_indirect_dma semaphore(%arg14 : memref<!tpu.dma_semaphore, #tpu.memory_space<semaphore_mem>>) src(%arg9 : memref<512x32xf32, #tpu.memory_space<vmem>>) dst(%dma_wait3A_64 : memref<10240x32xf32, #tpu.memory_space<vmem_shared>>)
    %dma_start3A_65 = arith.constant 3 : i32
    %dma_start3A_66 = arith.constant 0 : i32
    %dma_start3A_67 = tpu.memref_slice %arg7[%dma_start3A_65, %dma_start3A_66] : memref<20x512xi32, #tpu.memory_space<vmem>> -> memref<1x512xi32, #tpu.memory_space<vmem>>
    %dma_start3A_68 = tpu.memref_squeeze %dma_start3A_67 : memref<1x512xi32, #tpu.memory_space<vmem>> -> memref<512xi32, #tpu.memory_space<vmem>>
    %dma_start3A_69 = arith.constant 0 : i32
    %dma_start3A_70 = arith.constant 0 : i32
    %dma_start3A_71 = tpu.memref_slice %arg13[%dma_start3A_69, %dma_start3A_70] : memref<10240x32xf32, #tpu.memory_space<vmem_shared>> -> memref<10240x32xf32, #tpu.memory_space<vmem_shared>>
    tpu.enqueue_indirect_dma source(%dma_start3A_71 : memref<10240x32xf32, #tpu.memory_space<vmem_shared>>) target(%arg9 : memref<512x32xf32, #tpu.memory_space<vmem>>) offsets(%dma_start3A_68 : memref<512xi32, #tpu.memory_space<vmem>>) semaphore(%arg14 : memref<!tpu.dma_semaphore, #tpu.memory_space<semaphore_mem>>)
    %dma_wait3A_72 = arith.constant 2 : i32
    %dma_wait3A_73 = arith.constant 0 : i32
    %dma_wait3A_74 = tpu.memref_slice %arg7[%dma_wait3A_72, %dma_wait3A_73] : memref<20x512xi32, #tpu.memory_space<vmem>> -> memref<1x512xi32, #tpu.memory_space<vmem>>
    %dma_wait3A_75 = tpu.memref_squeeze %dma_wait3A_74 : memref<1x512xi32, #tpu.memory_space<vmem>> -> memref<512xi32, #tpu.memory_space<vmem>>
    %dma_wait3A_76 = arith.constant 0 : i32
    %dma_wait3A_77 = arith.constant 0 : i32
    %dma_wait3A_78 = tpu.memref_slice %arg13[%dma_wait3A_76, %dma_wait3A_77] : memref<10240x32xf32, #tpu.memory_space<vmem_shared>> -> memref<10240x32xf32, #tpu.memory_space<vmem_shared>>
    tpu.wait_indirect_dma semaphore(%arg16 : memref<!tpu.dma_semaphore, #tpu.memory_space<semaphore_mem>>) src(%dma_wait3A_78 : memref<10240x32xf32, #tpu.memory_space<vmem_shared>>) dst(%arg11 : memref<512x32xf32, #tpu.memory_space<vmem>>)
    %dma_start3A_79 = arith.constant 2 : i32
    %dma_start3A_80 = arith.constant 0 : i32
    %dma_start3A_81 = tpu.memref_slice %arg8[%dma_start3A_79, %dma_start3A_80] : memref<20x512xi32, #tpu.memory_space<vmem>> -> memref<1x512xi32, #tpu.memory_space<vmem>>
    %dma_start3A_82 = tpu.memref_squeeze %dma_start3A_81 : memref<1x512xi32, #tpu.memory_space<vmem>> -> memref<512xi32, #tpu.memory_space<vmem>>
    %dma_start3A_83 = arith.constant 0 : i32
    %dma_start3A_84 = arith.constant 0 : i32
    %dma_start3A_85 = tpu.memref_slice %arg12[%dma_start3A_83, %dma_start3A_84] : memref<10240x32xf32, #tpu.memory_space<vmem_shared>> -> memref<10240x32xf32, #tpu.memory_space<vmem_shared>>
    tpu.enqueue_indirect_dma source(%arg11 : memref<512x32xf32, #tpu.memory_space<vmem>>) target(%dma_start3A_85 : memref<10240x32xf32, #tpu.memory_space<vmem_shared>>) offsets(%dma_start3A_82 : memref<512xi32, #tpu.memory_space<vmem>>) semaphore(%arg16 : memref<!tpu.dma_semaphore, #tpu.memory_space<semaphore_mem>>) {add = true}
    %dma_wait3A_86 = arith.constant 2 : i32
    %dma_wait3A_87 = arith.constant 0 : i32
    %dma_wait3A_88 = tpu.memref_slice %arg8[%dma_wait3A_86, %dma_wait3A_87] : memref<20x512xi32, #tpu.memory_space<vmem>> -> memref<1x512xi32, #tpu.memory_space<vmem>>
    %dma_wait3A_89 = tpu.memref_squeeze %dma_wait3A_88 : memref<1x512xi32, #tpu.memory_space<vmem>> -> memref<512xi32, #tpu.memory_space<vmem>>
    %dma_wait3A_90 = arith.constant 0 : i32
    %dma_wait3A_91 = arith.constant 0 : i32
    %dma_wait3A_92 = tpu.memref_slice %arg12[%dma_wait3A_90, %dma_wait3A_91] : memref<10240x32xf32, #tpu.memory_space<vmem_shared>> -> memref<10240x32xf32, #tpu.memory_space<vmem_shared>>
    tpu.wait_indirect_dma semaphore(%arg15 : memref<!tpu.dma_semaphore, #tpu.memory_space<semaphore_mem>>) src(%arg10 : memref<512x32xf32, #tpu.memory_space<vmem>>) dst(%dma_wait3A_92 : memref<10240x32xf32, #tpu.memory_space<vmem_shared>>)
    %dma_start3A_93 = arith.constant 4 : i32
    %dma_start3A_94 = arith.constant 0 : i32
    %dma_start3A_95 = tpu.memref_slice %arg7[%dma_start3A_93, %dma_start3A_94] : memref<20x512xi32, #tpu.memory_space<vmem>> -> memref<1x512xi32, #tpu.memory_space<vmem>>
    %dma_start3A_96 = tpu.memref_squeeze %dma_start3A_95 : memref<1x512xi32, #tpu.memory_space<vmem>> -> memref<512xi32, #tpu.memory_space<vmem>>
    %dma_start3A_97 = arith.constant 0 : i32
    %dma_start3A_98 = arith.constant 0 : i32
    %dma_start3A_99 = tpu.memref_slice %arg13[%dma_start3A_97, %dma_start3A_98] : memref<10240x32xf32, #tpu.memory_space<vmem_shared>> -> memref<10240x32xf32, #tpu.memory_space<vmem_shared>>
    tpu.enqueue_indirect_dma source(%dma_start3A_99 : memref<10240x32xf32, #tpu.memory_space<vmem_shared>>) target(%arg10 : memref<512x32xf32, #tpu.memory_space<vmem>>) offsets(%dma_start3A_96 : memref<512xi32, #tpu.memory_space<vmem>>) semaphore(%arg15 : memref<!tpu.dma_semaphore, #tpu.memory_space<semaphore_mem>>)
    %dma_wait3A_100 = arith.constant 3 : i32
    %dma_wait3A_101 = arith.constant 0 : i32
    %dma_wait3A_102 = tpu.memref_slice %arg7[%dma_wait3A_100, %dma_wait3A_101] : memref<20x512xi32, #tpu.memory_space<vmem>> -> memref<1x512xi32, #tpu.memory_space<vmem>>
    %dma_wait3A_103 = tpu.memref_squeeze %dma_wait3A_102 : memref<1x512xi32, #tpu.memory_space<vmem>> -> memref<512xi32, #tpu.memory_space<vmem>>
    %dma_wait3A_104 = arith.constant 0 : i32
    %dma_wait3A_105 = arith.constant 0 : i32
    %dma_wait3A_106 = tpu.memref_slice %arg13[%dma_wait3A_104, %dma_wait3A_105] : memref<10240x32xf32, #tpu.memory_space<vmem_shared>> -> memref<10240x32xf32, #tpu.memory_space<vmem_shared>>
    tpu.wait_indirect_dma semaphore(%arg14 : memref<!tpu.dma_semaphore, #tpu.memory_space<semaphore_mem>>) src(%dma_wait3A_106 : memref<10240x32xf32, #tpu.memory_space<vmem_shared>>) dst(%arg9 : memref<512x32xf32, #tpu.memory_space<vmem>>)
    %dma_start3A_107 = arith.constant 3 : i32
    %dma_start3A_108 = arith.constant 0 : i32
    %dma_start3A_109 = tpu.memref_slice %arg8[%dma_start3A_107, %dma_start3A_108] : memref<20x512xi32, #tpu.memory_space<vmem>> -> memref<1x512xi32, #tpu.memory_space<vmem>>
    %dma_start3A_110 = tpu.memref_squeeze %dma_start3A_109 : memref<1x512xi32, #tpu.memory_space<vmem>> -> memref<512xi32, #tpu.memory_space<vmem>>
    %dma_start3A_111 = arith.constant 0 : i32
    %dma_start3A_112 = arith.constant 0 : i32
    %dma_start3A_113 = tpu.memref_slice %arg12[%dma_start3A_111, %dma_start3A_112] : memref<10240x32xf32, #tpu.memory_space<vmem_shared>> -> memref<10240x32xf32, #tpu.memory_space<vmem_shared>>
    tpu.enqueue_indirect_dma source(%arg9 : memref<512x32xf32, #tpu.memory_space<vmem>>) target(%dma_start3A_113 : memref<10240x32xf32, #tpu.memory_space<vmem_shared>>) offsets(%dma_start3A_110 : memref<512xi32, #tpu.memory_space<vmem>>) semaphore(%arg14 : memref<!tpu.dma_semaphore, #tpu.memory_space<semaphore_mem>>) {add = true}
    %dma_wait3A_114 = arith.constant 3 : i32
    %dma_wait3A_115 = arith.constant 0 : i32
    %dma_wait3A_116 = tpu.memref_slice %arg8[%dma_wait3A_114, %dma_wait3A_115] : memref<20x512xi32, #tpu.memory_space<vmem>> -> memref<1x512xi32, #tpu.memory_space<vmem>>
    %dma_wait3A_117 = tpu.memref_squeeze %dma_wait3A_116 : memref<1x512xi32, #tpu.memory_space<vmem>> -> memref<512xi32, #tpu.memory_space<vmem>>
    %dma_wait3A_118 = arith.constant 0 : i32
    %dma_wait3A_119 = arith.constant 0 : i32
    %dma_wait3A_120 = tpu.memref_slice %arg12[%dma_wait3A_118, %dma_wait3A_119] : memref<10240x32xf32, #tpu.memory_space<vmem_shared>> -> memref<10240x32xf32, #tpu.memory_space<vmem_shared>>
    tpu.wait_indirect_dma semaphore(%arg16 : memref<!tpu.dma_semaphore, #tpu.memory_space<semaphore_mem>>) src(%arg11 : memref<512x32xf32, #tpu.memory_space<vmem>>) dst(%dma_wait3A_120 : memref<10240x32xf32, #tpu.memory_space<vmem_shared>>)
    %dma_start3A_121 = arith.constant 5 : i32
    %dma_start3A_122 = arith.constant 0 : i32
    %dma_start3A_123 = tpu.memref_slice %arg7[%dma_start3A_121, %dma_start3A_122] : memref<20x512xi32, #tpu.memory_space<vmem>> -> memref<1x512xi32, #tpu.memory_space<vmem>>
    %dma_start3A_124 = tpu.memref_squeeze %dma_start3A_123 : memref<1x512xi32, #tpu.memory_space<vmem>> -> memref<512xi32, #tpu.memory_space<vmem>>
    %dma_start3A_125 = arith.constant 0 : i32
    %dma_start3A_126 = arith.constant 0 : i32
    %dma_start3A_127 = tpu.memref_slice %arg13[%dma_start3A_125, %dma_start3A_126] : memref<10240x32xf32, #tpu.memory_space<vmem_shared>> -> memref<10240x32xf32, #tpu.memory_space<vmem_shared>>
    tpu.enqueue_indirect_dma source(%dma_start3A_127 : memref<10240x32xf32, #tpu.memory_space<vmem_shared>>) target(%arg11 : memref<512x32xf32, #tpu.memory_space<vmem>>) offsets(%dma_start3A_124 : memref<512xi32, #tpu.memory_space<vmem>>) semaphore(%arg16 : memref<!tpu.dma_semaphore, #tpu.memory_space<semaphore_mem>>)
    %dma_wait3A_128 = arith.constant 4 : i32
    %dma_wait3A_129 = arith.constant 0 : i32
    %dma_wait3A_130 = tpu.memref_slice %arg7[%dma_wait3A_128, %dma_wait3A_129] : memref<20x512xi32, #tpu.memory_space<vmem>> -> memref<1x512xi32, #tpu.memory_space<vmem>>
    %dma_wait3A_131 = tpu.memref_squeeze %dma_wait3A_130 : memref<1x512xi32, #tpu.memory_space<vmem>> -> memref<512xi32, #tpu.memory_space<vmem>>
    %dma_wait3A_132 = arith.constant 0 : i32
    %dma_wait3A_133 = arith.constant 0 : i32
    %dma_wait3A_134 = tpu.memref_slice %arg13[%dma_wait3A_132, %dma_wait3A_133] : memref<10240x32xf32, #tpu.memory_space<vmem_shared>> -> memref<10240x32xf32, #tpu.memory_space<vmem_shared>>
    tpu.wait_indirect_dma semaphore(%arg15 : memref<!tpu.dma_semaphore, #tpu.memory_space<semaphore_mem>>) src(%dma_wait3A_134 : memref<10240x32xf32, #tpu.memory_space<vmem_shared>>) dst(%arg10 : memref<512x32xf32, #tpu.memory_space<vmem>>)
    %dma_start3A_135 = arith.constant 4 : i32
    %dma_start3A_136 = arith.constant 0 : i32
    %dma_start3A_137 = tpu.memref_slice %arg8[%dma_start3A_135, %dma_start3A_136] : memref<20x512xi32, #tpu.memory_space<vmem>> -> memref<1x512xi32, #tpu.memory_space<vmem>>
    %dma_start3A_138 = tpu.memref_squeeze %dma_start3A_137 : memref<1x512xi32, #tpu.memory_space<vmem>> -> memref<512xi32, #tpu.memory_space<vmem>>
    %dma_start3A_139 = arith.constant 0 : i32
    %dma_start3A_140 = arith.constant 0 : i32
    %dma_start3A_141 = tpu.memref_slice %arg12[%dma_start3A_139, %dma_start3A_140] : memref<10240x32xf32, #tpu.memory_space<vmem_shared>> -> memref<10240x32xf32, #tpu.memory_space<vmem_shared>>
    tpu.enqueue_indirect_dma source(%arg10 : memref<512x32xf32, #tpu.memory_space<vmem>>) target(%dma_start3A_141 : memref<10240x32xf32, #tpu.memory_space<vmem_shared>>) offsets(%dma_start3A_138 : memref<512xi32, #tpu.memory_space<vmem>>) semaphore(%arg15 : memref<!tpu.dma_semaphore, #tpu.memory_space<semaphore_mem>>) {add = true}
    %dma_wait3A_142 = arith.constant 4 : i32
    %dma_wait3A_143 = arith.constant 0 : i32
    %dma_wait3A_144 = tpu.memref_slice %arg8[%dma_wait3A_142, %dma_wait3A_143] : memref<20x512xi32, #tpu.memory_space<vmem>> -> memref<1x512xi32, #tpu.memory_space<vmem>>
    %dma_wait3A_145 = tpu.memref_squeeze %dma_wait3A_144 : memref<1x512xi32, #tpu.memory_space<vmem>> -> memref<512xi32, #tpu.memory_space<vmem>>
    %dma_wait3A_146 = arith.constant 0 : i32
    %dma_wait3A_147 = arith.constant 0 : i32
    %dma_wait3A_148 = tpu.memref_slice %arg12[%dma_wait3A_146, %dma_wait3A_147] : memref<10240x32xf32, #tpu.memory_space<vmem_shared>> -> memref<10240x32xf32, #tpu.memory_space<vmem_shared>>
    tpu.wait_indirect_dma semaphore(%arg14 : memref<!tpu.dma_semaphore, #tpu.memory_space<semaphore_mem>>) src(%arg9 : memref<512x32xf32, #tpu.memory_space<vmem>>) dst(%dma_wait3A_148 : memref<10240x32xf32, #tpu.memory_space<vmem_shared>>)
    %dma_start3A_149 = arith.constant 6 : i32
    %dma_start3A_150 = arith.constant 0 : i32
    %dma_start3A_151 = tpu.memref_slice %arg7[%dma_start3A_149, %dma_start3A_150] : memref<20x512xi32, #tpu.memory_space<vmem>> -> memref<1x512xi32, #tpu.memory_space<vmem>>
    %dma_start3A_152 = tpu.memref_squeeze %dma_start3A_151 : memref<1x512xi32, #tpu.memory_space<vmem>> -> memref<512xi32, #tpu.memory_space<vmem>>
    %dma_start3A_153 = arith.constant 0 : i32
    %dma_start3A_154 = arith.constant 0 : i32
    %dma_start3A_155 = tpu.memref_slice %arg13[%dma_start3A_153, %dma_start3A_154] : memref<10240x32xf32, #tpu.memory_space<vmem_shared>> -> memref<10240x32xf32, #tpu.memory_space<vmem_shared>>
    tpu.enqueue_indirect_dma source(%dma_start3A_155 : memref<10240x32xf32, #tpu.memory_space<vmem_shared>>) target(%arg9 : memref<512x32xf32, #tpu.memory_space<vmem>>) offsets(%dma_start3A_152 : memref<512xi32, #tpu.memory_space<vmem>>) semaphore(%arg14 : memref<!tpu.dma_semaphore, #tpu.memory_space<semaphore_mem>>)
    %dma_wait3A_156 = arith.constant 5 : i32
    %dma_wait3A_157 = arith.constant 0 : i32
    %dma_wait3A_158 = tpu.memref_slice %arg7[%dma_wait3A_156, %dma_wait3A_157] : memref<20x512xi32, #tpu.memory_space<vmem>> -> memref<1x512xi32, #tpu.memory_space<vmem>>
    %dma_wait3A_159 = tpu.memref_squeeze %dma_wait3A_158 : memref<1x512xi32, #tpu.memory_space<vmem>> -> memref<512xi32, #tpu.memory_space<vmem>>
    %dma_wait3A_160 = arith.constant 0 : i32
    %dma_wait3A_161 = arith.constant 0 : i32
    %dma_wait3A_162 = tpu.memref_slice %arg13[%dma_wait3A_160, %dma_wait3A_161] : memref<10240x32xf32, #tpu.memory_space<vmem_shared>> -> memref<10240x32xf32, #tpu.memory_space<vmem_shared>>
    tpu.wait_indirect_dma semaphore(%arg16 : memref<!tpu.dma_semaphore, #tpu.memory_space<semaphore_mem>>) src(%dma_wait3A_162 : memref<10240x32xf32, #tpu.memory_space<vmem_shared>>) dst(%arg11 : memref<512x32xf32, #tpu.memory_space<vmem>>)
    %dma_start3A_163 = arith.constant 5 : i32
    %dma_start3A_164 = arith.constant 0 : i32
    %dma_start3A_165 = tpu.memref_slice %arg8[%dma_start3A_163, %dma_start3A_164] : memref<20x512xi32, #tpu.memory_space<vmem>> -> memref<1x512xi32, #tpu.memory_space<vmem>>
    %dma_start3A_166 = tpu.memref_squeeze %dma_start3A_165 : memref<1x512xi32, #tpu.memory_space<vmem>> -> memref<512xi32, #tpu.memory_space<vmem>>
    %dma_start3A_167 = arith.constant 0 : i32
    %dma_start3A_168 = arith.constant 0 : i32
    %dma_start3A_169 = tpu.memref_slice %arg12[%dma_start3A_167, %dma_start3A_168] : memref<10240x32xf32, #tpu.memory_space<vmem_shared>> -> memref<10240x32xf32, #tpu.memory_space<vmem_shared>>
    tpu.enqueue_indirect_dma source(%arg11 : memref<512x32xf32, #tpu.memory_space<vmem>>) target(%dma_start3A_169 : memref<10240x32xf32, #tpu.memory_space<vmem_shared>>) offsets(%dma_start3A_166 : memref<512xi32, #tpu.memory_space<vmem>>) semaphore(%arg16 : memref<!tpu.dma_semaphore, #tpu.memory_space<semaphore_mem>>) {add = true}
    %dma_wait3A_170 = arith.constant 5 : i32
    %dma_wait3A_171 = arith.constant 0 : i32
    %dma_wait3A_172 = tpu.memref_slice %arg8[%dma_wait3A_170, %dma_wait3A_171] : memref<20x512xi32, #tpu.memory_space<vmem>> -> memref<1x512xi32, #tpu.memory_space<vmem>>
    %dma_wait3A_173 = tpu.memref_squeeze %dma_wait3A_172 : memref<1x512xi32, #tpu.memory_space<vmem>> -> memref<512xi32, #tpu.memory_space<vmem>>
    %dma_wait3A_174 = arith.constant 0 : i32
    %dma_wait3A_175 = arith.constant 0 : i32
    %dma_wait3A_176 = tpu.memref_slice %arg12[%dma_wait3A_174, %dma_wait3A_175] : memref<10240x32xf32, #tpu.memory_space<vmem_shared>> -> memref<10240x32xf32, #tpu.memory_space<vmem_shared>>
    tpu.wait_indirect_dma semaphore(%arg15 : memref<!tpu.dma_semaphore, #tpu.memory_space<semaphore_mem>>) src(%arg10 : memref<512x32xf32, #tpu.memory_space<vmem>>) dst(%dma_wait3A_176 : memref<10240x32xf32, #tpu.memory_space<vmem_shared>>)
    %dma_start3A_177 = arith.constant 7 : i32
    %dma_start3A_178 = arith.constant 0 : i32
    %dma_start3A_179 = tpu.memref_slice %arg7[%dma_start3A_177, %dma_start3A_178] : memref<20x512xi32, #tpu.memory_space<vmem>> -> memref<1x512xi32, #tpu.memory_space<vmem>>
    %dma_start3A_180 = tpu.memref_squeeze %dma_start3A_179 : memref<1x512xi32, #tpu.memory_space<vmem>> -> memref<512xi32, #tpu.memory_space<vmem>>
    %dma_start3A_181 = arith.constant 0 : i32
    %dma_start3A_182 = arith.constant 0 : i32
    %dma_start3A_183 = tpu.memref_slice %arg13[%dma_start3A_181, %dma_start3A_182] : memref<10240x32xf32, #tpu.memory_space<vmem_shared>> -> memref<10240x32xf32, #tpu.memory_space<vmem_shared>>
    tpu.enqueue_indirect_dma source(%dma_start3A_183 : memref<10240x32xf32, #tpu.memory_space<vmem_shared>>) target(%arg10 : memref<512x32xf32, #tpu.memory_space<vmem>>) offsets(%dma_start3A_180 : memref<512xi32, #tpu.memory_space<vmem>>) semaphore(%arg15 : memref<!tpu.dma_semaphore, #tpu.memory_space<semaphore_mem>>)
    %dma_wait3A_184 = arith.constant 6 : i32
    %dma_wait3A_185 = arith.constant 0 : i32
    %dma_wait3A_186 = tpu.memref_slice %arg7[%dma_wait3A_184, %dma_wait3A_185] : memref<20x512xi32, #tpu.memory_space<vmem>> -> memref<1x512xi32, #tpu.memory_space<vmem>>
    %dma_wait3A_187 = tpu.memref_squeeze %dma_wait3A_186 : memref<1x512xi32, #tpu.memory_space<vmem>> -> memref<512xi32, #tpu.memory_space<vmem>>
    %dma_wait3A_188 = arith.constant 0 : i32
    %dma_wait3A_189 = arith.constant 0 : i32
    %dma_wait3A_190 = tpu.memref_slice %arg13[%dma_wait3A_188, %dma_wait3A_189] : memref<10240x32xf32, #tpu.memory_space<vmem_shared>> -> memref<10240x32xf32, #tpu.memory_space<vmem_shared>>
    tpu.wait_indirect_dma semaphore(%arg14 : memref<!tpu.dma_semaphore, #tpu.memory_space<semaphore_mem>>) src(%dma_wait3A_190 : memref<10240x32xf32, #tpu.memory_space<vmem_shared>>) dst(%arg9 : memref<512x32xf32, #tpu.memory_space<vmem>>)
    %dma_start3A_191 = arith.constant 6 : i32
    %dma_start3A_192 = arith.constant 0 : i32
    %dma_start3A_193 = tpu.memref_slice %arg8[%dma_start3A_191, %dma_start3A_192] : memref<20x512xi32, #tpu.memory_space<vmem>> -> memref<1x512xi32, #tpu.memory_space<vmem>>
    %dma_start3A_194 = tpu.memref_squeeze %dma_start3A_193 : memref<1x512xi32, #tpu.memory_space<vmem>> -> memref<512xi32, #tpu.memory_space<vmem>>
    %dma_start3A_195 = arith.constant 0 : i32
    %dma_start3A_196 = arith.constant 0 : i32
    %dma_start3A_197 = tpu.memref_slice %arg12[%dma_start3A_195, %dma_start3A_196] : memref<10240x32xf32, #tpu.memory_space<vmem_shared>> -> memref<10240x32xf32, #tpu.memory_space<vmem_shared>>
    tpu.enqueue_indirect_dma source(%arg9 : memref<512x32xf32, #tpu.memory_space<vmem>>) target(%dma_start3A_197 : memref<10240x32xf32, #tpu.memory_space<vmem_shared>>) offsets(%dma_start3A_194 : memref<512xi32, #tpu.memory_space<vmem>>) semaphore(%arg14 : memref<!tpu.dma_semaphore, #tpu.memory_space<semaphore_mem>>) {add = true}
    %dma_wait3A_198 = arith.constant 6 : i32
    %dma_wait3A_199 = arith.constant 0 : i32
    %dma_wait3A_200 = tpu.memref_slice %arg8[%dma_wait3A_198, %dma_wait3A_199] : memref<20x512xi32, #tpu.memory_space<vmem>> -> memref<1x512xi32, #tpu.memory_space<vmem>>
    %dma_wait3A_201 = tpu.memref_squeeze %dma_wait3A_200 : memref<1x512xi32, #tpu.memory_space<vmem>> -> memref<512xi32, #tpu.memory_space<vmem>>
    %dma_wait3A_202 = arith.constant 0 : i32
    %dma_wait3A_203 = arith.constant 0 : i32
    %dma_wait3A_204 = tpu.memref_slice %arg12[%dma_wait3A_202, %dma_wait3A_203] : memref<10240x32xf32, #tpu.memory_space<vmem_shared>> -> memref<10240x32xf32, #tpu.memory_space<vmem_shared>>
    tpu.wait_indirect_dma semaphore(%arg16 : memref<!tpu.dma_semaphore, #tpu.memory_space<semaphore_mem>>) src(%arg11 : memref<512x32xf32, #tpu.memory_space<vmem>>) dst(%dma_wait3A_204 : memref<10240x32xf32, #tpu.memory_space<vmem_shared>>)
    %dma_start3A_205 = arith.constant 8 : i32
    %dma_start3A_206 = arith.constant 0 : i32
    %dma_start3A_207 = tpu.memref_slice %arg7[%dma_start3A_205, %dma_start3A_206] : memref<20x512xi32, #tpu.memory_space<vmem>> -> memref<1x512xi32, #tpu.memory_space<vmem>>
    %dma_start3A_208 = tpu.memref_squeeze %dma_start3A_207 : memref<1x512xi32, #tpu.memory_space<vmem>> -> memref<512xi32, #tpu.memory_space<vmem>>
    %dma_start3A_209 = arith.constant 0 : i32
    %dma_start3A_210 = arith.constant 0 : i32
    %dma_start3A_211 = tpu.memref_slice %arg13[%dma_start3A_209, %dma_start3A_210] : memref<10240x32xf32, #tpu.memory_space<vmem_shared>> -> memref<10240x32xf32, #tpu.memory_space<vmem_shared>>
    tpu.enqueue_indirect_dma source(%dma_start3A_211 : memref<10240x32xf32, #tpu.memory_space<vmem_shared>>) target(%arg11 : memref<512x32xf32, #tpu.memory_space<vmem>>) offsets(%dma_start3A_208 : memref<512xi32, #tpu.memory_space<vmem>>) semaphore(%arg16 : memref<!tpu.dma_semaphore, #tpu.memory_space<semaphore_mem>>)
    %dma_wait3A_212 = arith.constant 7 : i32
    %dma_wait3A_213 = arith.constant 0 : i32
    %dma_wait3A_214 = tpu.memref_slice %arg7[%dma_wait3A_212, %dma_wait3A_213] : memref<20x512xi32, #tpu.memory_space<vmem>> -> memref<1x512xi32, #tpu.memory_space<vmem>>
    %dma_wait3A_215 = tpu.memref_squeeze %dma_wait3A_214 : memref<1x512xi32, #tpu.memory_space<vmem>> -> memref<512xi32, #tpu.memory_space<vmem>>
    %dma_wait3A_216 = arith.constant 0 : i32
    %dma_wait3A_217 = arith.constant 0 : i32
    %dma_wait3A_218 = tpu.memref_slice %arg13[%dma_wait3A_216, %dma_wait3A_217] : memref<10240x32xf32, #tpu.memory_space<vmem_shared>> -> memref<10240x32xf32, #tpu.memory_space<vmem_shared>>
    tpu.wait_indirect_dma semaphore(%arg15 : memref<!tpu.dma_semaphore, #tpu.memory_space<semaphore_mem>>) src(%dma_wait3A_218 : memref<10240x32xf32, #tpu.memory_space<vmem_shared>>) dst(%arg10 : memref<512x32xf32, #tpu.memory_space<vmem>>)
    %dma_start3A_219 = arith.constant 7 : i32
    %dma_start3A_220 = arith.constant 0 : i32
    %dma_start3A_221 = tpu.memref_slice %arg8[%dma_start3A_219, %dma_start3A_220] : memref<20x512xi32, #tpu.memory_space<vmem>> -> memref<1x512xi32, #tpu.memory_space<vmem>>
    %dma_start3A_222 = tpu.memref_squeeze %dma_start3A_221 : memref<1x512xi32, #tpu.memory_space<vmem>> -> memref<512xi32, #tpu.memory_space<vmem>>
    %dma_start3A_223 = arith.constant 0 : i32
    %dma_start3A_224 = arith.constant 0 : i32
    %dma_start3A_225 = tpu.memref_slice %arg12[%dma_start3A_223, %dma_start3A_224] : memref<10240x32xf32, #tpu.memory_space<vmem_shared>> -> memref<10240x32xf32, #tpu.memory_space<vmem_shared>>
    tpu.enqueue_indirect_dma source(%arg10 : memref<512x32xf32, #tpu.memory_space<vmem>>) target(%dma_start3A_225 : memref<10240x32xf32, #tpu.memory_space<vmem_shared>>) offsets(%dma_start3A_222 : memref<512xi32, #tpu.memory_space<vmem>>) semaphore(%arg15 : memref<!tpu.dma_semaphore, #tpu.memory_space<semaphore_mem>>) {add = true}
    %dma_wait3A_226 = arith.constant 7 : i32
    %dma_wait3A_227 = arith.constant 0 : i32
    %dma_wait3A_228 = tpu.memref_slice %arg8[%dma_wait3A_226, %dma_wait3A_227] : memref<20x512xi32, #tpu.memory_space<vmem>> -> memref<1x512xi32, #tpu.memory_space<vmem>>
    %dma_wait3A_229 = tpu.memref_squeeze %dma_wait3A_228 : memref<1x512xi32, #tpu.memory_space<vmem>> -> memref<512xi32, #tpu.memory_space<vmem>>
    %dma_wait3A_230 = arith.constant 0 : i32
    %dma_wait3A_231 = arith.constant 0 : i32
    %dma_wait3A_232 = tpu.memref_slice %arg12[%dma_wait3A_230, %dma_wait3A_231] : memref<10240x32xf32, #tpu.memory_space<vmem_shared>> -> memref<10240x32xf32, #tpu.memory_space<vmem_shared>>
    tpu.wait_indirect_dma semaphore(%arg14 : memref<!tpu.dma_semaphore, #tpu.memory_space<semaphore_mem>>) src(%arg9 : memref<512x32xf32, #tpu.memory_space<vmem>>) dst(%dma_wait3A_232 : memref<10240x32xf32, #tpu.memory_space<vmem_shared>>)
    %dma_start3A_233 = arith.constant 9 : i32
    %dma_start3A_234 = arith.constant 0 : i32
    %dma_start3A_235 = tpu.memref_slice %arg7[%dma_start3A_233, %dma_start3A_234] : memref<20x512xi32, #tpu.memory_space<vmem>> -> memref<1x512xi32, #tpu.memory_space<vmem>>
    %dma_start3A_236 = tpu.memref_squeeze %dma_start3A_235 : memref<1x512xi32, #tpu.memory_space<vmem>> -> memref<512xi32, #tpu.memory_space<vmem>>
    %dma_start3A_237 = arith.constant 0 : i32
    %dma_start3A_238 = arith.constant 0 : i32
    %dma_start3A_239 = tpu.memref_slice %arg13[%dma_start3A_237, %dma_start3A_238] : memref<10240x32xf32, #tpu.memory_space<vmem_shared>> -> memref<10240x32xf32, #tpu.memory_space<vmem_shared>>
    tpu.enqueue_indirect_dma source(%dma_start3A_239 : memref<10240x32xf32, #tpu.memory_space<vmem_shared>>) target(%arg9 : memref<512x32xf32, #tpu.memory_space<vmem>>) offsets(%dma_start3A_236 : memref<512xi32, #tpu.memory_space<vmem>>) semaphore(%arg14 : memref<!tpu.dma_semaphore, #tpu.memory_space<semaphore_mem>>)
    %dma_wait3A_240 = arith.constant 8 : i32
    %dma_wait3A_241 = arith.constant 0 : i32
    %dma_wait3A_242 = tpu.memref_slice %arg7[%dma_wait3A_240, %dma_wait3A_241] : memref<20x512xi32, #tpu.memory_space<vmem>> -> memref<1x512xi32, #tpu.memory_space<vmem>>
    %dma_wait3A_243 = tpu.memref_squeeze %dma_wait3A_242 : memref<1x512xi32, #tpu.memory_space<vmem>> -> memref<512xi32, #tpu.memory_space<vmem>>
    %dma_wait3A_244 = arith.constant 0 : i32
    %dma_wait3A_245 = arith.constant 0 : i32
    %dma_wait3A_246 = tpu.memref_slice %arg13[%dma_wait3A_244, %dma_wait3A_245] : memref<10240x32xf32, #tpu.memory_space<vmem_shared>> -> memref<10240x32xf32, #tpu.memory_space<vmem_shared>>
    tpu.wait_indirect_dma semaphore(%arg16 : memref<!tpu.dma_semaphore, #tpu.memory_space<semaphore_mem>>) src(%dma_wait3A_246 : memref<10240x32xf32, #tpu.memory_space<vmem_shared>>) dst(%arg11 : memref<512x32xf32, #tpu.memory_space<vmem>>)
    %dma_start3A_247 = arith.constant 8 : i32
    %dma_start3A_248 = arith.constant 0 : i32
    %dma_start3A_249 = tpu.memref_slice %arg8[%dma_start3A_247, %dma_start3A_248] : memref<20x512xi32, #tpu.memory_space<vmem>> -> memref<1x512xi32, #tpu.memory_space<vmem>>
    %dma_start3A_250 = tpu.memref_squeeze %dma_start3A_249 : memref<1x512xi32, #tpu.memory_space<vmem>> -> memref<512xi32, #tpu.memory_space<vmem>>
    %dma_start3A_251 = arith.constant 0 : i32
    %dma_start3A_252 = arith.constant 0 : i32
    %dma_start3A_253 = tpu.memref_slice %arg12[%dma_start3A_251, %dma_start3A_252] : memref<10240x32xf32, #tpu.memory_space<vmem_shared>> -> memref<10240x32xf32, #tpu.memory_space<vmem_shared>>
    tpu.enqueue_indirect_dma source(%arg11 : memref<512x32xf32, #tpu.memory_space<vmem>>) target(%dma_start3A_253 : memref<10240x32xf32, #tpu.memory_space<vmem_shared>>) offsets(%dma_start3A_250 : memref<512xi32, #tpu.memory_space<vmem>>) semaphore(%arg16 : memref<!tpu.dma_semaphore, #tpu.memory_space<semaphore_mem>>) {add = true}
    %dma_wait3A_254 = arith.constant 8 : i32
    %dma_wait3A_255 = arith.constant 0 : i32
    %dma_wait3A_256 = tpu.memref_slice %arg8[%dma_wait3A_254, %dma_wait3A_255] : memref<20x512xi32, #tpu.memory_space<vmem>> -> memref<1x512xi32, #tpu.memory_space<vmem>>
    %dma_wait3A_257 = tpu.memref_squeeze %dma_wait3A_256 : memref<1x512xi32, #tpu.memory_space<vmem>> -> memref<512xi32, #tpu.memory_space<vmem>>
    %dma_wait3A_258 = arith.constant 0 : i32
    %dma_wait3A_259 = arith.constant 0 : i32
    %dma_wait3A_260 = tpu.memref_slice %arg12[%dma_wait3A_258, %dma_wait3A_259] : memref<10240x32xf32, #tpu.memory_space<vmem_shared>> -> memref<10240x32xf32, #tpu.memory_space<vmem_shared>>
    tpu.wait_indirect_dma semaphore(%arg15 : memref<!tpu.dma_semaphore, #tpu.memory_space<semaphore_mem>>) src(%arg10 : memref<512x32xf32, #tpu.memory_space<vmem>>) dst(%dma_wait3A_260 : memref<10240x32xf32, #tpu.memory_space<vmem_shared>>)
    %dma_start3A_261 = arith.constant 10 : i32
    %dma_start3A_262 = arith.constant 0 : i32
    %dma_start3A_263 = tpu.memref_slice %arg7[%dma_start3A_261, %dma_start3A_262] : memref<20x512xi32, #tpu.memory_space<vmem>> -> memref<1x512xi32, #tpu.memory_space<vmem>>
    %dma_start3A_264 = tpu.memref_squeeze %dma_start3A_263 : memref<1x512xi32, #tpu.memory_space<vmem>> -> memref<512xi32, #tpu.memory_space<vmem>>
    %dma_start3A_265 = arith.constant 0 : i32
    %dma_start3A_266 = arith.constant 0 : i32
    %dma_start3A_267 = tpu.memref_slice %arg13[%dma_start3A_265, %dma_start3A_266] : memref<10240x32xf32, #tpu.memory_space<vmem_shared>> -> memref<10240x32xf32, #tpu.memory_space<vmem_shared>>
    tpu.enqueue_indirect_dma source(%dma_start3A_267 : memref<10240x32xf32, #tpu.memory_space<vmem_shared>>) target(%arg10 : memref<512x32xf32, #tpu.memory_space<vmem>>) offsets(%dma_start3A_264 : memref<512xi32, #tpu.memory_space<vmem>>) semaphore(%arg15 : memref<!tpu.dma_semaphore, #tpu.memory_space<semaphore_mem>>)
    %dma_wait3A_268 = arith.constant 9 : i32
    %dma_wait3A_269 = arith.constant 0 : i32
    %dma_wait3A_270 = tpu.memref_slice %arg7[%dma_wait3A_268, %dma_wait3A_269] : memref<20x512xi32, #tpu.memory_space<vmem>> -> memref<1x512xi32, #tpu.memory_space<vmem>>
    %dma_wait3A_271 = tpu.memref_squeeze %dma_wait3A_270 : memref<1x512xi32, #tpu.memory_space<vmem>> -> memref<512xi32, #tpu.memory_space<vmem>>
    %dma_wait3A_272 = arith.constant 0 : i32
    %dma_wait3A_273 = arith.constant 0 : i32
    %dma_wait3A_274 = tpu.memref_slice %arg13[%dma_wait3A_272, %dma_wait3A_273] : memref<10240x32xf32, #tpu.memory_space<vmem_shared>> -> memref<10240x32xf32, #tpu.memory_space<vmem_shared>>
    tpu.wait_indirect_dma semaphore(%arg14 : memref<!tpu.dma_semaphore, #tpu.memory_space<semaphore_mem>>) src(%dma_wait3A_274 : memref<10240x32xf32, #tpu.memory_space<vmem_shared>>) dst(%arg9 : memref<512x32xf32, #tpu.memory_space<vmem>>)
    %dma_start3A_275 = arith.constant 9 : i32
    %dma_start3A_276 = arith.constant 0 : i32
    %dma_start3A_277 = tpu.memref_slice %arg8[%dma_start3A_275, %dma_start3A_276] : memref<20x512xi32, #tpu.memory_space<vmem>> -> memref<1x512xi32, #tpu.memory_space<vmem>>
    %dma_start3A_278 = tpu.memref_squeeze %dma_start3A_277 : memref<1x512xi32, #tpu.memory_space<vmem>> -> memref<512xi32, #tpu.memory_space<vmem>>
    %dma_start3A_279 = arith.constant 0 : i32
    %dma_start3A_280 = arith.constant 0 : i32
    %dma_start3A_281 = tpu.memref_slice %arg12[%dma_start3A_279, %dma_start3A_280] : memref<10240x32xf32, #tpu.memory_space<vmem_shared>> -> memref<10240x32xf32, #tpu.memory_space<vmem_shared>>
    tpu.enqueue_indirect_dma source(%arg9 : memref<512x32xf32, #tpu.memory_space<vmem>>) target(%dma_start3A_281 : memref<10240x32xf32, #tpu.memory_space<vmem_shared>>) offsets(%dma_start3A_278 : memref<512xi32, #tpu.memory_space<vmem>>) semaphore(%arg14 : memref<!tpu.dma_semaphore, #tpu.memory_space<semaphore_mem>>) {add = true}
    %dma_wait3A_282 = arith.constant 9 : i32
    %dma_wait3A_283 = arith.constant 0 : i32
    %dma_wait3A_284 = tpu.memref_slice %arg8[%dma_wait3A_282, %dma_wait3A_283] : memref<20x512xi32, #tpu.memory_space<vmem>> -> memref<1x512xi32, #tpu.memory_space<vmem>>
    %dma_wait3A_285 = tpu.memref_squeeze %dma_wait3A_284 : memref<1x512xi32, #tpu.memory_space<vmem>> -> memref<512xi32, #tpu.memory_space<vmem>>
    %dma_wait3A_286 = arith.constant 0 : i32
    %dma_wait3A_287 = arith.constant 0 : i32
    %dma_wait3A_288 = tpu.memref_slice %arg12[%dma_wait3A_286, %dma_wait3A_287] : memref<10240x32xf32, #tpu.memory_space<vmem_shared>> -> memref<10240x32xf32, #tpu.memory_space<vmem_shared>>
    tpu.wait_indirect_dma semaphore(%arg16 : memref<!tpu.dma_semaphore, #tpu.memory_space<semaphore_mem>>) src(%arg11 : memref<512x32xf32, #tpu.memory_space<vmem>>) dst(%dma_wait3A_288 : memref<10240x32xf32, #tpu.memory_space<vmem_shared>>)
    %dma_start3A_289 = arith.constant 11 : i32
    %dma_start3A_290 = arith.constant 0 : i32
    %dma_start3A_291 = tpu.memref_slice %arg7[%dma_start3A_289, %dma_start3A_290] : memref<20x512xi32, #tpu.memory_space<vmem>> -> memref<1x512xi32, #tpu.memory_space<vmem>>
    %dma_start3A_292 = tpu.memref_squeeze %dma_start3A_291 : memref<1x512xi32, #tpu.memory_space<vmem>> -> memref<512xi32, #tpu.memory_space<vmem>>
    %dma_start3A_293 = arith.constant 0 : i32
    %dma_start3A_294 = arith.constant 0 : i32
    %dma_start3A_295 = tpu.memref_slice %arg13[%dma_start3A_293, %dma_start3A_294] : memref<10240x32xf32, #tpu.memory_space<vmem_shared>> -> memref<10240x32xf32, #tpu.memory_space<vmem_shared>>
    tpu.enqueue_indirect_dma source(%dma_start3A_295 : memref<10240x32xf32, #tpu.memory_space<vmem_shared>>) target(%arg11 : memref<512x32xf32, #tpu.memory_space<vmem>>) offsets(%dma_start3A_292 : memref<512xi32, #tpu.memory_space<vmem>>) semaphore(%arg16 : memref<!tpu.dma_semaphore, #tpu.memory_space<semaphore_mem>>)
    %dma_wait3A_296 = arith.constant 10 : i32
    %dma_wait3A_297 = arith.constant 0 : i32
    %dma_wait3A_298 = tpu.memref_slice %arg7[%dma_wait3A_296, %dma_wait3A_297] : memref<20x512xi32, #tpu.memory_space<vmem>> -> memref<1x512xi32, #tpu.memory_space<vmem>>
    %dma_wait3A_299 = tpu.memref_squeeze %dma_wait3A_298 : memref<1x512xi32, #tpu.memory_space<vmem>> -> memref<512xi32, #tpu.memory_space<vmem>>
    %dma_wait3A_300 = arith.constant 0 : i32
    %dma_wait3A_301 = arith.constant 0 : i32
    %dma_wait3A_302 = tpu.memref_slice %arg13[%dma_wait3A_300, %dma_wait3A_301] : memref<10240x32xf32, #tpu.memory_space<vmem_shared>> -> memref<10240x32xf32, #tpu.memory_space<vmem_shared>>
    tpu.wait_indirect_dma semaphore(%arg15 : memref<!tpu.dma_semaphore, #tpu.memory_space<semaphore_mem>>) src(%dma_wait3A_302 : memref<10240x32xf32, #tpu.memory_space<vmem_shared>>) dst(%arg10 : memref<512x32xf32, #tpu.memory_space<vmem>>)
    %dma_start3A_303 = arith.constant 10 : i32
    %dma_start3A_304 = arith.constant 0 : i32
    %dma_start3A_305 = tpu.memref_slice %arg8[%dma_start3A_303, %dma_start3A_304] : memref<20x512xi32, #tpu.memory_space<vmem>> -> memref<1x512xi32, #tpu.memory_space<vmem>>
    %dma_start3A_306 = tpu.memref_squeeze %dma_start3A_305 : memref<1x512xi32, #tpu.memory_space<vmem>> -> memref<512xi32, #tpu.memory_space<vmem>>
    %dma_start3A_307 = arith.constant 0 : i32
    %dma_start3A_308 = arith.constant 0 : i32
    %dma_start3A_309 = tpu.memref_slice %arg12[%dma_start3A_307, %dma_start3A_308] : memref<10240x32xf32, #tpu.memory_space<vmem_shared>> -> memref<10240x32xf32, #tpu.memory_space<vmem_shared>>
    tpu.enqueue_indirect_dma source(%arg10 : memref<512x32xf32, #tpu.memory_space<vmem>>) target(%dma_start3A_309 : memref<10240x32xf32, #tpu.memory_space<vmem_shared>>) offsets(%dma_start3A_306 : memref<512xi32, #tpu.memory_space<vmem>>) semaphore(%arg15 : memref<!tpu.dma_semaphore, #tpu.memory_space<semaphore_mem>>) {add = true}
    %dma_wait3A_310 = arith.constant 10 : i32
    %dma_wait3A_311 = arith.constant 0 : i32
    %dma_wait3A_312 = tpu.memref_slice %arg8[%dma_wait3A_310, %dma_wait3A_311] : memref<20x512xi32, #tpu.memory_space<vmem>> -> memref<1x512xi32, #tpu.memory_space<vmem>>
    %dma_wait3A_313 = tpu.memref_squeeze %dma_wait3A_312 : memref<1x512xi32, #tpu.memory_space<vmem>> -> memref<512xi32, #tpu.memory_space<vmem>>
    %dma_wait3A_314 = arith.constant 0 : i32
    %dma_wait3A_315 = arith.constant 0 : i32
    %dma_wait3A_316 = tpu.memref_slice %arg12[%dma_wait3A_314, %dma_wait3A_315] : memref<10240x32xf32, #tpu.memory_space<vmem_shared>> -> memref<10240x32xf32, #tpu.memory_space<vmem_shared>>
    tpu.wait_indirect_dma semaphore(%arg14 : memref<!tpu.dma_semaphore, #tpu.memory_space<semaphore_mem>>) src(%arg9 : memref<512x32xf32, #tpu.memory_space<vmem>>) dst(%dma_wait3A_316 : memref<10240x32xf32, #tpu.memory_space<vmem_shared>>)
    %dma_start3A_317 = arith.constant 12 : i32
    %dma_start3A_318 = arith.constant 0 : i32
    %dma_start3A_319 = tpu.memref_slice %arg7[%dma_start3A_317, %dma_start3A_318] : memref<20x512xi32, #tpu.memory_space<vmem>> -> memref<1x512xi32, #tpu.memory_space<vmem>>
    %dma_start3A_320 = tpu.memref_squeeze %dma_start3A_319 : memref<1x512xi32, #tpu.memory_space<vmem>> -> memref<512xi32, #tpu.memory_space<vmem>>
    %dma_start3A_321 = arith.constant 0 : i32
    %dma_start3A_322 = arith.constant 0 : i32
    %dma_start3A_323 = tpu.memref_slice %arg13[%dma_start3A_321, %dma_start3A_322] : memref<10240x32xf32, #tpu.memory_space<vmem_shared>> -> memref<10240x32xf32, #tpu.memory_space<vmem_shared>>
    tpu.enqueue_indirect_dma source(%dma_start3A_323 : memref<10240x32xf32, #tpu.memory_space<vmem_shared>>) target(%arg9 : memref<512x32xf32, #tpu.memory_space<vmem>>) offsets(%dma_start3A_320 : memref<512xi32, #tpu.memory_space<vmem>>) semaphore(%arg14 : memref<!tpu.dma_semaphore, #tpu.memory_space<semaphore_mem>>)
    %dma_wait3A_324 = arith.constant 11 : i32
    %dma_wait3A_325 = arith.constant 0 : i32
    %dma_wait3A_326 = tpu.memref_slice %arg7[%dma_wait3A_324, %dma_wait3A_325] : memref<20x512xi32, #tpu.memory_space<vmem>> -> memref<1x512xi32, #tpu.memory_space<vmem>>
    %dma_wait3A_327 = tpu.memref_squeeze %dma_wait3A_326 : memref<1x512xi32, #tpu.memory_space<vmem>> -> memref<512xi32, #tpu.memory_space<vmem>>
    %dma_wait3A_328 = arith.constant 0 : i32
    %dma_wait3A_329 = arith.constant 0 : i32
    %dma_wait3A_330 = tpu.memref_slice %arg13[%dma_wait3A_328, %dma_wait3A_329] : memref<10240x32xf32, #tpu.memory_space<vmem_shared>> -> memref<10240x32xf32, #tpu.memory_space<vmem_shared>>
    tpu.wait_indirect_dma semaphore(%arg16 : memref<!tpu.dma_semaphore, #tpu.memory_space<semaphore_mem>>) src(%dma_wait3A_330 : memref<10240x32xf32, #tpu.memory_space<vmem_shared>>) dst(%arg11 : memref<512x32xf32, #tpu.memory_space<vmem>>)
    %dma_start3A_331 = arith.constant 11 : i32
    %dma_start3A_332 = arith.constant 0 : i32
    %dma_start3A_333 = tpu.memref_slice %arg8[%dma_start3A_331, %dma_start3A_332] : memref<20x512xi32, #tpu.memory_space<vmem>> -> memref<1x512xi32, #tpu.memory_space<vmem>>
    %dma_start3A_334 = tpu.memref_squeeze %dma_start3A_333 : memref<1x512xi32, #tpu.memory_space<vmem>> -> memref<512xi32, #tpu.memory_space<vmem>>
    %dma_start3A_335 = arith.constant 0 : i32
    %dma_start3A_336 = arith.constant 0 : i32
    %dma_start3A_337 = tpu.memref_slice %arg12[%dma_start3A_335, %dma_start3A_336] : memref<10240x32xf32, #tpu.memory_space<vmem_shared>> -> memref<10240x32xf32, #tpu.memory_space<vmem_shared>>
    tpu.enqueue_indirect_dma source(%arg11 : memref<512x32xf32, #tpu.memory_space<vmem>>) target(%dma_start3A_337 : memref<10240x32xf32, #tpu.memory_space<vmem_shared>>) offsets(%dma_start3A_334 : memref<512xi32, #tpu.memory_space<vmem>>) semaphore(%arg16 : memref<!tpu.dma_semaphore, #tpu.memory_space<semaphore_mem>>) {add = true}
    %dma_wait3A_338 = arith.constant 11 : i32
    %dma_wait3A_339 = arith.constant 0 : i32
    %dma_wait3A_340 = tpu.memref_slice %arg8[%dma_wait3A_338, %dma_wait3A_339] : memref<20x512xi32, #tpu.memory_space<vmem>> -> memref<1x512xi32, #tpu.memory_space<vmem>>
    %dma_wait3A_341 = tpu.memref_squeeze %dma_wait3A_340 : memref<1x512xi32, #tpu.memory_space<vmem>> -> memref<512xi32, #tpu.memory_space<vmem>>
    %dma_wait3A_342 = arith.constant 0 : i32
    %dma_wait3A_343 = arith.constant 0 : i32
    %dma_wait3A_344 = tpu.memref_slice %arg12[%dma_wait3A_342, %dma_wait3A_343] : memref<10240x32xf32, #tpu.memory_space<vmem_shared>> -> memref<10240x32xf32, #tpu.memory_space<vmem_shared>>
    tpu.wait_indirect_dma semaphore(%arg15 : memref<!tpu.dma_semaphore, #tpu.memory_space<semaphore_mem>>) src(%arg10 : memref<512x32xf32, #tpu.memory_space<vmem>>) dst(%dma_wait3A_344 : memref<10240x32xf32, #tpu.memory_space<vmem_shared>>)
    %dma_start3A_345 = arith.constant 13 : i32
    %dma_start3A_346 = arith.constant 0 : i32
    %dma_start3A_347 = tpu.memref_slice %arg7[%dma_start3A_345, %dma_start3A_346] : memref<20x512xi32, #tpu.memory_space<vmem>> -> memref<1x512xi32, #tpu.memory_space<vmem>>
    %dma_start3A_348 = tpu.memref_squeeze %dma_start3A_347 : memref<1x512xi32, #tpu.memory_space<vmem>> -> memref<512xi32, #tpu.memory_space<vmem>>
    %dma_start3A_349 = arith.constant 0 : i32
    %dma_start3A_350 = arith.constant 0 : i32
    %dma_start3A_351 = tpu.memref_slice %arg13[%dma_start3A_349, %dma_start3A_350] : memref<10240x32xf32, #tpu.memory_space<vmem_shared>> -> memref<10240x32xf32, #tpu.memory_space<vmem_shared>>
    tpu.enqueue_indirect_dma source(%dma_start3A_351 : memref<10240x32xf32, #tpu.memory_space<vmem_shared>>) target(%arg10 : memref<512x32xf32, #tpu.memory_space<vmem>>) offsets(%dma_start3A_348 : memref<512xi32, #tpu.memory_space<vmem>>) semaphore(%arg15 : memref<!tpu.dma_semaphore, #tpu.memory_space<semaphore_mem>>)
    %dma_wait3A_352 = arith.constant 12 : i32
    %dma_wait3A_353 = arith.constant 0 : i32
    %dma_wait3A_354 = tpu.memref_slice %arg7[%dma_wait3A_352, %dma_wait3A_353] : memref<20x512xi32, #tpu.memory_space<vmem>> -> memref<1x512xi32, #tpu.memory_space<vmem>>
    %dma_wait3A_355 = tpu.memref_squeeze %dma_wait3A_354 : memref<1x512xi32, #tpu.memory_space<vmem>> -> memref<512xi32, #tpu.memory_space<vmem>>
    %dma_wait3A_356 = arith.constant 0 : i32
    %dma_wait3A_357 = arith.constant 0 : i32
    %dma_wait3A_358 = tpu.memref_slice %arg13[%dma_wait3A_356, %dma_wait3A_357] : memref<10240x32xf32, #tpu.memory_space<vmem_shared>> -> memref<10240x32xf32, #tpu.memory_space<vmem_shared>>
    tpu.wait_indirect_dma semaphore(%arg14 : memref<!tpu.dma_semaphore, #tpu.memory_space<semaphore_mem>>) src(%dma_wait3A_358 : memref<10240x32xf32, #tpu.memory_space<vmem_shared>>) dst(%arg9 : memref<512x32xf32, #tpu.memory_space<vmem>>)
    %dma_start3A_359 = arith.constant 12 : i32
    %dma_start3A_360 = arith.constant 0 : i32
    %dma_start3A_361 = tpu.memref_slice %arg8[%dma_start3A_359, %dma_start3A_360] : memref<20x512xi32, #tpu.memory_space<vmem>> -> memref<1x512xi32, #tpu.memory_space<vmem>>
    %dma_start3A_362 = tpu.memref_squeeze %dma_start3A_361 : memref<1x512xi32, #tpu.memory_space<vmem>> -> memref<512xi32, #tpu.memory_space<vmem>>
    %dma_start3A_363 = arith.constant 0 : i32
    %dma_start3A_364 = arith.constant 0 : i32
    %dma_start3A_365 = tpu.memref_slice %arg12[%dma_start3A_363, %dma_start3A_364] : memref<10240x32xf32, #tpu.memory_space<vmem_shared>> -> memref<10240x32xf32, #tpu.memory_space<vmem_shared>>
    tpu.enqueue_indirect_dma source(%arg9 : memref<512x32xf32, #tpu.memory_space<vmem>>) target(%dma_start3A_365 : memref<10240x32xf32, #tpu.memory_space<vmem_shared>>) offsets(%dma_start3A_362 : memref<512xi32, #tpu.memory_space<vmem>>) semaphore(%arg14 : memref<!tpu.dma_semaphore, #tpu.memory_space<semaphore_mem>>) {add = true}
    %dma_wait3A_366 = arith.constant 12 : i32
    %dma_wait3A_367 = arith.constant 0 : i32
    %dma_wait3A_368 = tpu.memref_slice %arg8[%dma_wait3A_366, %dma_wait3A_367] : memref<20x512xi32, #tpu.memory_space<vmem>> -> memref<1x512xi32, #tpu.memory_space<vmem>>
    %dma_wait3A_369 = tpu.memref_squeeze %dma_wait3A_368 : memref<1x512xi32, #tpu.memory_space<vmem>> -> memref<512xi32, #tpu.memory_space<vmem>>
    %dma_wait3A_370 = arith.constant 0 : i32
    %dma_wait3A_371 = arith.constant 0 : i32
    %dma_wait3A_372 = tpu.memref_slice %arg12[%dma_wait3A_370, %dma_wait3A_371] : memref<10240x32xf32, #tpu.memory_space<vmem_shared>> -> memref<10240x32xf32, #tpu.memory_space<vmem_shared>>
    tpu.wait_indirect_dma semaphore(%arg16 : memref<!tpu.dma_semaphore, #tpu.memory_space<semaphore_mem>>) src(%arg11 : memref<512x32xf32, #tpu.memory_space<vmem>>) dst(%dma_wait3A_372 : memref<10240x32xf32, #tpu.memory_space<vmem_shared>>)
    %dma_start3A_373 = arith.constant 14 : i32
    %dma_start3A_374 = arith.constant 0 : i32
    %dma_start3A_375 = tpu.memref_slice %arg7[%dma_start3A_373, %dma_start3A_374] : memref<20x512xi32, #tpu.memory_space<vmem>> -> memref<1x512xi32, #tpu.memory_space<vmem>>
    %dma_start3A_376 = tpu.memref_squeeze %dma_start3A_375 : memref<1x512xi32, #tpu.memory_space<vmem>> -> memref<512xi32, #tpu.memory_space<vmem>>
    %dma_start3A_377 = arith.constant 0 : i32
    %dma_start3A_378 = arith.constant 0 : i32
    %dma_start3A_379 = tpu.memref_slice %arg13[%dma_start3A_377, %dma_start3A_378] : memref<10240x32xf32, #tpu.memory_space<vmem_shared>> -> memref<10240x32xf32, #tpu.memory_space<vmem_shared>>
    tpu.enqueue_indirect_dma source(%dma_start3A_379 : memref<10240x32xf32, #tpu.memory_space<vmem_shared>>) target(%arg11 : memref<512x32xf32, #tpu.memory_space<vmem>>) offsets(%dma_start3A_376 : memref<512xi32, #tpu.memory_space<vmem>>) semaphore(%arg16 : memref<!tpu.dma_semaphore, #tpu.memory_space<semaphore_mem>>)
    %dma_wait3A_380 = arith.constant 13 : i32
    %dma_wait3A_381 = arith.constant 0 : i32
    %dma_wait3A_382 = tpu.memref_slice %arg7[%dma_wait3A_380, %dma_wait3A_381] : memref<20x512xi32, #tpu.memory_space<vmem>> -> memref<1x512xi32, #tpu.memory_space<vmem>>
    %dma_wait3A_383 = tpu.memref_squeeze %dma_wait3A_382 : memref<1x512xi32, #tpu.memory_space<vmem>> -> memref<512xi32, #tpu.memory_space<vmem>>
    %dma_wait3A_384 = arith.constant 0 : i32
    %dma_wait3A_385 = arith.constant 0 : i32
    %dma_wait3A_386 = tpu.memref_slice %arg13[%dma_wait3A_384, %dma_wait3A_385] : memref<10240x32xf32, #tpu.memory_space<vmem_shared>> -> memref<10240x32xf32, #tpu.memory_space<vmem_shared>>
    tpu.wait_indirect_dma semaphore(%arg15 : memref<!tpu.dma_semaphore, #tpu.memory_space<semaphore_mem>>) src(%dma_wait3A_386 : memref<10240x32xf32, #tpu.memory_space<vmem_shared>>) dst(%arg10 : memref<512x32xf32, #tpu.memory_space<vmem>>)
    %dma_start3A_387 = arith.constant 13 : i32
    %dma_start3A_388 = arith.constant 0 : i32
    %dma_start3A_389 = tpu.memref_slice %arg8[%dma_start3A_387, %dma_start3A_388] : memref<20x512xi32, #tpu.memory_space<vmem>> -> memref<1x512xi32, #tpu.memory_space<vmem>>
    %dma_start3A_390 = tpu.memref_squeeze %dma_start3A_389 : memref<1x512xi32, #tpu.memory_space<vmem>> -> memref<512xi32, #tpu.memory_space<vmem>>
    %dma_start3A_391 = arith.constant 0 : i32
    %dma_start3A_392 = arith.constant 0 : i32
    %dma_start3A_393 = tpu.memref_slice %arg12[%dma_start3A_391, %dma_start3A_392] : memref<10240x32xf32, #tpu.memory_space<vmem_shared>> -> memref<10240x32xf32, #tpu.memory_space<vmem_shared>>
    tpu.enqueue_indirect_dma source(%arg10 : memref<512x32xf32, #tpu.memory_space<vmem>>) target(%dma_start3A_393 : memref<10240x32xf32, #tpu.memory_space<vmem_shared>>) offsets(%dma_start3A_390 : memref<512xi32, #tpu.memory_space<vmem>>) semaphore(%arg15 : memref<!tpu.dma_semaphore, #tpu.memory_space<semaphore_mem>>) {add = true}
    %dma_wait3A_394 = arith.constant 13 : i32
    %dma_wait3A_395 = arith.constant 0 : i32
    %dma_wait3A_396 = tpu.memref_slice %arg8[%dma_wait3A_394, %dma_wait3A_395] : memref<20x512xi32, #tpu.memory_space<vmem>> -> memref<1x512xi32, #tpu.memory_space<vmem>>
    %dma_wait3A_397 = tpu.memref_squeeze %dma_wait3A_396 : memref<1x512xi32, #tpu.memory_space<vmem>> -> memref<512xi32, #tpu.memory_space<vmem>>
    %dma_wait3A_398 = arith.constant 0 : i32
    %dma_wait3A_399 = arith.constant 0 : i32
    %dma_wait3A_400 = tpu.memref_slice %arg12[%dma_wait3A_398, %dma_wait3A_399] : memref<10240x32xf32, #tpu.memory_space<vmem_shared>> -> memref<10240x32xf32, #tpu.memory_space<vmem_shared>>
    tpu.wait_indirect_dma semaphore(%arg14 : memref<!tpu.dma_semaphore, #tpu.memory_space<semaphore_mem>>) src(%arg9 : memref<512x32xf32, #tpu.memory_space<vmem>>) dst(%dma_wait3A_400 : memref<10240x32xf32, #tpu.memory_space<vmem_shared>>)
    %dma_start3A_401 = arith.constant 15 : i32
    %dma_start3A_402 = arith.constant 0 : i32
    %dma_start3A_403 = tpu.memref_slice %arg7[%dma_start3A_401, %dma_start3A_402] : memref<20x512xi32, #tpu.memory_space<vmem>> -> memref<1x512xi32, #tpu.memory_space<vmem>>
    %dma_start3A_404 = tpu.memref_squeeze %dma_start3A_403 : memref<1x512xi32, #tpu.memory_space<vmem>> -> memref<512xi32, #tpu.memory_space<vmem>>
    %dma_start3A_405 = arith.constant 0 : i32
    %dma_start3A_406 = arith.constant 0 : i32
    %dma_start3A_407 = tpu.memref_slice %arg13[%dma_start3A_405, %dma_start3A_406] : memref<10240x32xf32, #tpu.memory_space<vmem_shared>> -> memref<10240x32xf32, #tpu.memory_space<vmem_shared>>
    tpu.enqueue_indirect_dma source(%dma_start3A_407 : memref<10240x32xf32, #tpu.memory_space<vmem_shared>>) target(%arg9 : memref<512x32xf32, #tpu.memory_space<vmem>>) offsets(%dma_start3A_404 : memref<512xi32, #tpu.memory_space<vmem>>) semaphore(%arg14 : memref<!tpu.dma_semaphore, #tpu.memory_space<semaphore_mem>>)
    %dma_wait3A_408 = arith.constant 14 : i32
    %dma_wait3A_409 = arith.constant 0 : i32
    %dma_wait3A_410 = tpu.memref_slice %arg7[%dma_wait3A_408, %dma_wait3A_409] : memref<20x512xi32, #tpu.memory_space<vmem>> -> memref<1x512xi32, #tpu.memory_space<vmem>>
    %dma_wait3A_411 = tpu.memref_squeeze %dma_wait3A_410 : memref<1x512xi32, #tpu.memory_space<vmem>> -> memref<512xi32, #tpu.memory_space<vmem>>
    %dma_wait3A_412 = arith.constant 0 : i32
    %dma_wait3A_413 = arith.constant 0 : i32
    %dma_wait3A_414 = tpu.memref_slice %arg13[%dma_wait3A_412, %dma_wait3A_413] : memref<10240x32xf32, #tpu.memory_space<vmem_shared>> -> memref<10240x32xf32, #tpu.memory_space<vmem_shared>>
    tpu.wait_indirect_dma semaphore(%arg16 : memref<!tpu.dma_semaphore, #tpu.memory_space<semaphore_mem>>) src(%dma_wait3A_414 : memref<10240x32xf32, #tpu.memory_space<vmem_shared>>) dst(%arg11 : memref<512x32xf32, #tpu.memory_space<vmem>>)
    %dma_start3A_415 = arith.constant 14 : i32
    %dma_start3A_416 = arith.constant 0 : i32
    %dma_start3A_417 = tpu.memref_slice %arg8[%dma_start3A_415, %dma_start3A_416] : memref<20x512xi32, #tpu.memory_space<vmem>> -> memref<1x512xi32, #tpu.memory_space<vmem>>
    %dma_start3A_418 = tpu.memref_squeeze %dma_start3A_417 : memref<1x512xi32, #tpu.memory_space<vmem>> -> memref<512xi32, #tpu.memory_space<vmem>>
    %dma_start3A_419 = arith.constant 0 : i32
    %dma_start3A_420 = arith.constant 0 : i32
    %dma_start3A_421 = tpu.memref_slice %arg12[%dma_start3A_419, %dma_start3A_420] : memref<10240x32xf32, #tpu.memory_space<vmem_shared>> -> memref<10240x32xf32, #tpu.memory_space<vmem_shared>>
    tpu.enqueue_indirect_dma source(%arg11 : memref<512x32xf32, #tpu.memory_space<vmem>>) target(%dma_start3A_421 : memref<10240x32xf32, #tpu.memory_space<vmem_shared>>) offsets(%dma_start3A_418 : memref<512xi32, #tpu.memory_space<vmem>>) semaphore(%arg16 : memref<!tpu.dma_semaphore, #tpu.memory_space<semaphore_mem>>) {add = true}
    %dma_wait3A_422 = arith.constant 14 : i32
    %dma_wait3A_423 = arith.constant 0 : i32
    %dma_wait3A_424 = tpu.memref_slice %arg8[%dma_wait3A_422, %dma_wait3A_423] : memref<20x512xi32, #tpu.memory_space<vmem>> -> memref<1x512xi32, #tpu.memory_space<vmem>>
    %dma_wait3A_425 = tpu.memref_squeeze %dma_wait3A_424 : memref<1x512xi32, #tpu.memory_space<vmem>> -> memref<512xi32, #tpu.memory_space<vmem>>
    %dma_wait3A_426 = arith.constant 0 : i32
    %dma_wait3A_427 = arith.constant 0 : i32
    %dma_wait3A_428 = tpu.memref_slice %arg12[%dma_wait3A_426, %dma_wait3A_427] : memref<10240x32xf32, #tpu.memory_space<vmem_shared>> -> memref<10240x32xf32, #tpu.memory_space<vmem_shared>>
    tpu.wait_indirect_dma semaphore(%arg15 : memref<!tpu.dma_semaphore, #tpu.memory_space<semaphore_mem>>) src(%arg10 : memref<512x32xf32, #tpu.memory_space<vmem>>) dst(%dma_wait3A_428 : memref<10240x32xf32, #tpu.memory_space<vmem_shared>>)
    %dma_start3A_429 = arith.constant 16 : i32
    %dma_start3A_430 = arith.constant 0 : i32
    %dma_start3A_431 = tpu.memref_slice %arg7[%dma_start3A_429, %dma_start3A_430] : memref<20x512xi32, #tpu.memory_space<vmem>> -> memref<1x512xi32, #tpu.memory_space<vmem>>
    %dma_start3A_432 = tpu.memref_squeeze %dma_start3A_431 : memref<1x512xi32, #tpu.memory_space<vmem>> -> memref<512xi32, #tpu.memory_space<vmem>>
    %dma_start3A_433 = arith.constant 0 : i32
    %dma_start3A_434 = arith.constant 0 : i32
    %dma_start3A_435 = tpu.memref_slice %arg13[%dma_start3A_433, %dma_start3A_434] : memref<10240x32xf32, #tpu.memory_space<vmem_shared>> -> memref<10240x32xf32, #tpu.memory_space<vmem_shared>>
    tpu.enqueue_indirect_dma source(%dma_start3A_435 : memref<10240x32xf32, #tpu.memory_space<vmem_shared>>) target(%arg10 : memref<512x32xf32, #tpu.memory_space<vmem>>) offsets(%dma_start3A_432 : memref<512xi32, #tpu.memory_space<vmem>>) semaphore(%arg15 : memref<!tpu.dma_semaphore, #tpu.memory_space<semaphore_mem>>)
    %dma_wait3A_436 = arith.constant 15 : i32
    %dma_wait3A_437 = arith.constant 0 : i32
    %dma_wait3A_438 = tpu.memref_slice %arg7[%dma_wait3A_436, %dma_wait3A_437] : memref<20x512xi32, #tpu.memory_space<vmem>> -> memref<1x512xi32, #tpu.memory_space<vmem>>
    %dma_wait3A_439 = tpu.memref_squeeze %dma_wait3A_438 : memref<1x512xi32, #tpu.memory_space<vmem>> -> memref<512xi32, #tpu.memory_space<vmem>>
    %dma_wait3A_440 = arith.constant 0 : i32
    %dma_wait3A_441 = arith.constant 0 : i32
    %dma_wait3A_442 = tpu.memref_slice %arg13[%dma_wait3A_440, %dma_wait3A_441] : memref<10240x32xf32, #tpu.memory_space<vmem_shared>> -> memref<10240x32xf32, #tpu.memory_space<vmem_shared>>
    tpu.wait_indirect_dma semaphore(%arg14 : memref<!tpu.dma_semaphore, #tpu.memory_space<semaphore_mem>>) src(%dma_wait3A_442 : memref<10240x32xf32, #tpu.memory_space<vmem_shared>>) dst(%arg9 : memref<512x32xf32, #tpu.memory_space<vmem>>)
    %dma_start3A_443 = arith.constant 15 : i32
    %dma_start3A_444 = arith.constant 0 : i32
    %dma_start3A_445 = tpu.memref_slice %arg8[%dma_start3A_443, %dma_start3A_444] : memref<20x512xi32, #tpu.memory_space<vmem>> -> memref<1x512xi32, #tpu.memory_space<vmem>>
    %dma_start3A_446 = tpu.memref_squeeze %dma_start3A_445 : memref<1x512xi32, #tpu.memory_space<vmem>> -> memref<512xi32, #tpu.memory_space<vmem>>
    %dma_start3A_447 = arith.constant 0 : i32
    %dma_start3A_448 = arith.constant 0 : i32
    %dma_start3A_449 = tpu.memref_slice %arg12[%dma_start3A_447, %dma_start3A_448] : memref<10240x32xf32, #tpu.memory_space<vmem_shared>> -> memref<10240x32xf32, #tpu.memory_space<vmem_shared>>
    tpu.enqueue_indirect_dma source(%arg9 : memref<512x32xf32, #tpu.memory_space<vmem>>) target(%dma_start3A_449 : memref<10240x32xf32, #tpu.memory_space<vmem_shared>>) offsets(%dma_start3A_446 : memref<512xi32, #tpu.memory_space<vmem>>) semaphore(%arg14 : memref<!tpu.dma_semaphore, #tpu.memory_space<semaphore_mem>>) {add = true}
    %dma_wait3A_450 = arith.constant 15 : i32
    %dma_wait3A_451 = arith.constant 0 : i32
    %dma_wait3A_452 = tpu.memref_slice %arg8[%dma_wait3A_450, %dma_wait3A_451] : memref<20x512xi32, #tpu.memory_space<vmem>> -> memref<1x512xi32, #tpu.memory_space<vmem>>
    %dma_wait3A_453 = tpu.memref_squeeze %dma_wait3A_452 : memref<1x512xi32, #tpu.memory_space<vmem>> -> memref<512xi32, #tpu.memory_space<vmem>>
    %dma_wait3A_454 = arith.constant 0 : i32
    %dma_wait3A_455 = arith.constant 0 : i32
    %dma_wait3A_456 = tpu.memref_slice %arg12[%dma_wait3A_454, %dma_wait3A_455] : memref<10240x32xf32, #tpu.memory_space<vmem_shared>> -> memref<10240x32xf32, #tpu.memory_space<vmem_shared>>
    tpu.wait_indirect_dma semaphore(%arg16 : memref<!tpu.dma_semaphore, #tpu.memory_space<semaphore_mem>>) src(%arg11 : memref<512x32xf32, #tpu.memory_space<vmem>>) dst(%dma_wait3A_456 : memref<10240x32xf32, #tpu.memory_space<vmem_shared>>)
    %dma_start3A_457 = arith.constant 17 : i32
    %dma_start3A_458 = arith.constant 0 : i32
    %dma_start3A_459 = tpu.memref_slice %arg7[%dma_start3A_457, %dma_start3A_458] : memref<20x512xi32, #tpu.memory_space<vmem>> -> memref<1x512xi32, #tpu.memory_space<vmem>>
    %dma_start3A_460 = tpu.memref_squeeze %dma_start3A_459 : memref<1x512xi32, #tpu.memory_space<vmem>> -> memref<512xi32, #tpu.memory_space<vmem>>
    %dma_start3A_461 = arith.constant 0 : i32
    %dma_start3A_462 = arith.constant 0 : i32
    %dma_start3A_463 = tpu.memref_slice %arg13[%dma_start3A_461, %dma_start3A_462] : memref<10240x32xf32, #tpu.memory_space<vmem_shared>> -> memref<10240x32xf32, #tpu.memory_space<vmem_shared>>
    tpu.enqueue_indirect_dma source(%dma_start3A_463 : memref<10240x32xf32, #tpu.memory_space<vmem_shared>>) target(%arg11 : memref<512x32xf32, #tpu.memory_space<vmem>>) offsets(%dma_start3A_460 : memref<512xi32, #tpu.memory_space<vmem>>) semaphore(%arg16 : memref<!tpu.dma_semaphore, #tpu.memory_space<semaphore_mem>>)
    %dma_wait3A_464 = arith.constant 16 : i32
    %dma_wait3A_465 = arith.constant 0 : i32
    %dma_wait3A_466 = tpu.memref_slice %arg7[%dma_wait3A_464, %dma_wait3A_465] : memref<20x512xi32, #tpu.memory_space<vmem>> -> memref<1x512xi32, #tpu.memory_space<vmem>>
    %dma_wait3A_467 = tpu.memref_squeeze %dma_wait3A_466 : memref<1x512xi32, #tpu.memory_space<vmem>> -> memref<512xi32, #tpu.memory_space<vmem>>
    %dma_wait3A_468 = arith.constant 0 : i32
    %dma_wait3A_469 = arith.constant 0 : i32
    %dma_wait3A_470 = tpu.memref_slice %arg13[%dma_wait3A_468, %dma_wait3A_469] : memref<10240x32xf32, #tpu.memory_space<vmem_shared>> -> memref<10240x32xf32, #tpu.memory_space<vmem_shared>>
    tpu.wait_indirect_dma semaphore(%arg15 : memref<!tpu.dma_semaphore, #tpu.memory_space<semaphore_mem>>) src(%dma_wait3A_470 : memref<10240x32xf32, #tpu.memory_space<vmem_shared>>) dst(%arg10 : memref<512x32xf32, #tpu.memory_space<vmem>>)
    %dma_start3A_471 = arith.constant 16 : i32
    %dma_start3A_472 = arith.constant 0 : i32
    %dma_start3A_473 = tpu.memref_slice %arg8[%dma_start3A_471, %dma_start3A_472] : memref<20x512xi32, #tpu.memory_space<vmem>> -> memref<1x512xi32, #tpu.memory_space<vmem>>
    %dma_start3A_474 = tpu.memref_squeeze %dma_start3A_473 : memref<1x512xi32, #tpu.memory_space<vmem>> -> memref<512xi32, #tpu.memory_space<vmem>>
    %dma_start3A_475 = arith.constant 0 : i32
    %dma_start3A_476 = arith.constant 0 : i32
    %dma_start3A_477 = tpu.memref_slice %arg12[%dma_start3A_475, %dma_start3A_476] : memref<10240x32xf32, #tpu.memory_space<vmem_shared>> -> memref<10240x32xf32, #tpu.memory_space<vmem_shared>>
    tpu.enqueue_indirect_dma source(%arg10 : memref<512x32xf32, #tpu.memory_space<vmem>>) target(%dma_start3A_477 : memref<10240x32xf32, #tpu.memory_space<vmem_shared>>) offsets(%dma_start3A_474 : memref<512xi32, #tpu.memory_space<vmem>>) semaphore(%arg15 : memref<!tpu.dma_semaphore, #tpu.memory_space<semaphore_mem>>) {add = true}
    %dma_wait3A_478 = arith.constant 16 : i32
    %dma_wait3A_479 = arith.constant 0 : i32
    %dma_wait3A_480 = tpu.memref_slice %arg8[%dma_wait3A_478, %dma_wait3A_479] : memref<20x512xi32, #tpu.memory_space<vmem>> -> memref<1x512xi32, #tpu.memory_space<vmem>>
    %dma_wait3A_481 = tpu.memref_squeeze %dma_wait3A_480 : memref<1x512xi32, #tpu.memory_space<vmem>> -> memref<512xi32, #tpu.memory_space<vmem>>
    %dma_wait3A_482 = arith.constant 0 : i32
    %dma_wait3A_483 = arith.constant 0 : i32
    %dma_wait3A_484 = tpu.memref_slice %arg12[%dma_wait3A_482, %dma_wait3A_483] : memref<10240x32xf32, #tpu.memory_space<vmem_shared>> -> memref<10240x32xf32, #tpu.memory_space<vmem_shared>>
    tpu.wait_indirect_dma semaphore(%arg14 : memref<!tpu.dma_semaphore, #tpu.memory_space<semaphore_mem>>) src(%arg9 : memref<512x32xf32, #tpu.memory_space<vmem>>) dst(%dma_wait3A_484 : memref<10240x32xf32, #tpu.memory_space<vmem_shared>>)
    %dma_start3A_485 = arith.constant 18 : i32
    %dma_start3A_486 = arith.constant 0 : i32
    %dma_start3A_487 = tpu.memref_slice %arg7[%dma_start3A_485, %dma_start3A_486] : memref<20x512xi32, #tpu.memory_space<vmem>> -> memref<1x512xi32, #tpu.memory_space<vmem>>
    %dma_start3A_488 = tpu.memref_squeeze %dma_start3A_487 : memref<1x512xi32, #tpu.memory_space<vmem>> -> memref<512xi32, #tpu.memory_space<vmem>>
    %dma_start3A_489 = arith.constant 0 : i32
    %dma_start3A_490 = arith.constant 0 : i32
    %dma_start3A_491 = tpu.memref_slice %arg13[%dma_start3A_489, %dma_start3A_490] : memref<10240x32xf32, #tpu.memory_space<vmem_shared>> -> memref<10240x32xf32, #tpu.memory_space<vmem_shared>>
    tpu.enqueue_indirect_dma source(%dma_start3A_491 : memref<10240x32xf32, #tpu.memory_space<vmem_shared>>) target(%arg9 : memref<512x32xf32, #tpu.memory_space<vmem>>) offsets(%dma_start3A_488 : memref<512xi32, #tpu.memory_space<vmem>>) semaphore(%arg14 : memref<!tpu.dma_semaphore, #tpu.memory_space<semaphore_mem>>)
    %dma_wait3A_492 = arith.constant 17 : i32
    %dma_wait3A_493 = arith.constant 0 : i32
    %dma_wait3A_494 = tpu.memref_slice %arg7[%dma_wait3A_492, %dma_wait3A_493] : memref<20x512xi32, #tpu.memory_space<vmem>> -> memref<1x512xi32, #tpu.memory_space<vmem>>
    %dma_wait3A_495 = tpu.memref_squeeze %dma_wait3A_494 : memref<1x512xi32, #tpu.memory_space<vmem>> -> memref<512xi32, #tpu.memory_space<vmem>>
    %dma_wait3A_496 = arith.constant 0 : i32
    %dma_wait3A_497 = arith.constant 0 : i32
    %dma_wait3A_498 = tpu.memref_slice %arg13[%dma_wait3A_496, %dma_wait3A_497] : memref<10240x32xf32, #tpu.memory_space<vmem_shared>> -> memref<10240x32xf32, #tpu.memory_space<vmem_shared>>
    tpu.wait_indirect_dma semaphore(%arg16 : memref<!tpu.dma_semaphore, #tpu.memory_space<semaphore_mem>>) src(%dma_wait3A_498 : memref<10240x32xf32, #tpu.memory_space<vmem_shared>>) dst(%arg11 : memref<512x32xf32, #tpu.memory_space<vmem>>)
    %dma_start3A_499 = arith.constant 17 : i32
    %dma_start3A_500 = arith.constant 0 : i32
    %dma_start3A_501 = tpu.memref_slice %arg8[%dma_start3A_499, %dma_start3A_500] : memref<20x512xi32, #tpu.memory_space<vmem>> -> memref<1x512xi32, #tpu.memory_space<vmem>>
    %dma_start3A_502 = tpu.memref_squeeze %dma_start3A_501 : memref<1x512xi32, #tpu.memory_space<vmem>> -> memref<512xi32, #tpu.memory_space<vmem>>
    %dma_start3A_503 = arith.constant 0 : i32
    %dma_start3A_504 = arith.constant 0 : i32
    %dma_start3A_505 = tpu.memref_slice %arg12[%dma_start3A_503, %dma_start3A_504] : memref<10240x32xf32, #tpu.memory_space<vmem_shared>> -> memref<10240x32xf32, #tpu.memory_space<vmem_shared>>
    tpu.enqueue_indirect_dma source(%arg11 : memref<512x32xf32, #tpu.memory_space<vmem>>) target(%dma_start3A_505 : memref<10240x32xf32, #tpu.memory_space<vmem_shared>>) offsets(%dma_start3A_502 : memref<512xi32, #tpu.memory_space<vmem>>) semaphore(%arg16 : memref<!tpu.dma_semaphore, #tpu.memory_space<semaphore_mem>>) {add = true}
    %dma_wait3A_506 = arith.constant 17 : i32
    %dma_wait3A_507 = arith.constant 0 : i32
    %dma_wait3A_508 = tpu.memref_slice %arg8[%dma_wait3A_506, %dma_wait3A_507] : memref<20x512xi32, #tpu.memory_space<vmem>> -> memref<1x512xi32, #tpu.memory_space<vmem>>
    %dma_wait3A_509 = tpu.memref_squeeze %dma_wait3A_508 : memref<1x512xi32, #tpu.memory_space<vmem>> -> memref<512xi32, #tpu.memory_space<vmem>>
    %dma_wait3A_510 = arith.constant 0 : i32
    %dma_wait3A_511 = arith.constant 0 : i32
    %dma_wait3A_512 = tpu.memref_slice %arg12[%dma_wait3A_510, %dma_wait3A_511] : memref<10240x32xf32, #tpu.memory_space<vmem_shared>> -> memref<10240x32xf32, #tpu.memory_space<vmem_shared>>
    tpu.wait_indirect_dma semaphore(%arg15 : memref<!tpu.dma_semaphore, #tpu.memory_space<semaphore_mem>>) src(%arg10 : memref<512x32xf32, #tpu.memory_space<vmem>>) dst(%dma_wait3A_512 : memref<10240x32xf32, #tpu.memory_space<vmem_shared>>)
    %dma_start3A_513 = arith.constant 19 : i32
    %dma_start3A_514 = arith.constant 0 : i32
    %dma_start3A_515 = tpu.memref_slice %arg7[%dma_start3A_513, %dma_start3A_514] : memref<20x512xi32, #tpu.memory_space<vmem>> -> memref<1x512xi32, #tpu.memory_space<vmem>>
    %dma_start3A_516 = tpu.memref_squeeze %dma_start3A_515 : memref<1x512xi32, #tpu.memory_space<vmem>> -> memref<512xi32, #tpu.memory_space<vmem>>
    %dma_start3A_517 = arith.constant 0 : i32
    %dma_start3A_518 = arith.constant 0 : i32
    %dma_start3A_519 = tpu.memref_slice %arg13[%dma_start3A_517, %dma_start3A_518] : memref<10240x32xf32, #tpu.memory_space<vmem_shared>> -> memref<10240x32xf32, #tpu.memory_space<vmem_shared>>
    tpu.enqueue_indirect_dma source(%dma_start3A_519 : memref<10240x32xf32, #tpu.memory_space<vmem_shared>>) target(%arg10 : memref<512x32xf32, #tpu.memory_space<vmem>>) offsets(%dma_start3A_516 : memref<512xi32, #tpu.memory_space<vmem>>) semaphore(%arg15 : memref<!tpu.dma_semaphore, #tpu.memory_space<semaphore_mem>>)
    %dma_wait3A_520 = arith.constant 18 : i32
    %dma_wait3A_521 = arith.constant 0 : i32
    %dma_wait3A_522 = tpu.memref_slice %arg7[%dma_wait3A_520, %dma_wait3A_521] : memref<20x512xi32, #tpu.memory_space<vmem>> -> memref<1x512xi32, #tpu.memory_space<vmem>>
    %dma_wait3A_523 = tpu.memref_squeeze %dma_wait3A_522 : memref<1x512xi32, #tpu.memory_space<vmem>> -> memref<512xi32, #tpu.memory_space<vmem>>
    %dma_wait3A_524 = arith.constant 0 : i32
    %dma_wait3A_525 = arith.constant 0 : i32
    %dma_wait3A_526 = tpu.memref_slice %arg13[%dma_wait3A_524, %dma_wait3A_525] : memref<10240x32xf32, #tpu.memory_space<vmem_shared>> -> memref<10240x32xf32, #tpu.memory_space<vmem_shared>>
    tpu.wait_indirect_dma semaphore(%arg14 : memref<!tpu.dma_semaphore, #tpu.memory_space<semaphore_mem>>) src(%dma_wait3A_526 : memref<10240x32xf32, #tpu.memory_space<vmem_shared>>) dst(%arg9 : memref<512x32xf32, #tpu.memory_space<vmem>>)
    %dma_start3A_527 = arith.constant 18 : i32
    %dma_start3A_528 = arith.constant 0 : i32
    %dma_start3A_529 = tpu.memref_slice %arg8[%dma_start3A_527, %dma_start3A_528] : memref<20x512xi32, #tpu.memory_space<vmem>> -> memref<1x512xi32, #tpu.memory_space<vmem>>
    %dma_start3A_530 = tpu.memref_squeeze %dma_start3A_529 : memref<1x512xi32, #tpu.memory_space<vmem>> -> memref<512xi32, #tpu.memory_space<vmem>>
    %dma_start3A_531 = arith.constant 0 : i32
    %dma_start3A_532 = arith.constant 0 : i32
    %dma_start3A_533 = tpu.memref_slice %arg12[%dma_start3A_531, %dma_start3A_532] : memref<10240x32xf32, #tpu.memory_space<vmem_shared>> -> memref<10240x32xf32, #tpu.memory_space<vmem_shared>>
    tpu.enqueue_indirect_dma source(%arg9 : memref<512x32xf32, #tpu.memory_space<vmem>>) target(%dma_start3A_533 : memref<10240x32xf32, #tpu.memory_space<vmem_shared>>) offsets(%dma_start3A_530 : memref<512xi32, #tpu.memory_space<vmem>>) semaphore(%arg14 : memref<!tpu.dma_semaphore, #tpu.memory_space<semaphore_mem>>) {add = true}
    %dma_wait3A_534 = arith.constant 19 : i32
    %dma_wait3A_535 = arith.constant 0 : i32
    %dma_wait3A_536 = tpu.memref_slice %arg7[%dma_wait3A_534, %dma_wait3A_535] : memref<20x512xi32, #tpu.memory_space<vmem>> -> memref<1x512xi32, #tpu.memory_space<vmem>>
    %dma_wait3A_537 = tpu.memref_squeeze %dma_wait3A_536 : memref<1x512xi32, #tpu.memory_space<vmem>> -> memref<512xi32, #tpu.memory_space<vmem>>
    %dma_wait3A_538 = arith.constant 0 : i32
    %dma_wait3A_539 = arith.constant 0 : i32
    %dma_wait3A_540 = tpu.memref_slice %arg13[%dma_wait3A_538, %dma_wait3A_539] : memref<10240x32xf32, #tpu.memory_space<vmem_shared>> -> memref<10240x32xf32, #tpu.memory_space<vmem_shared>>
    tpu.wait_indirect_dma semaphore(%arg15 : memref<!tpu.dma_semaphore, #tpu.memory_space<semaphore_mem>>) src(%dma_wait3A_540 : memref<10240x32xf32, #tpu.memory_space<vmem_shared>>) dst(%arg10 : memref<512x32xf32, #tpu.memory_space<vmem>>)
    %dma_start3A_541 = arith.constant 19 : i32
    %dma_start3A_542 = arith.constant 0 : i32
    %dma_start3A_543 = tpu.memref_slice %arg8[%dma_start3A_541, %dma_start3A_542] : memref<20x512xi32, #tpu.memory_space<vmem>> -> memref<1x512xi32, #tpu.memory_space<vmem>>
    %dma_start3A_544 = tpu.memref_squeeze %dma_start3A_543 : memref<1x512xi32, #tpu.memory_space<vmem>> -> memref<512xi32, #tpu.memory_space<vmem>>
    %dma_start3A_545 = arith.constant 0 : i32
    %dma_start3A_546 = arith.constant 0 : i32
    %dma_start3A_547 = tpu.memref_slice %arg12[%dma_start3A_545, %dma_start3A_546] : memref<10240x32xf32, #tpu.memory_space<vmem_shared>> -> memref<10240x32xf32, #tpu.memory_space<vmem_shared>>
    tpu.enqueue_indirect_dma source(%arg10 : memref<512x32xf32, #tpu.memory_space<vmem>>) target(%dma_start3A_547 : memref<10240x32xf32, #tpu.memory_space<vmem_shared>>) offsets(%dma_start3A_544 : memref<512xi32, #tpu.memory_space<vmem>>) semaphore(%arg15 : memref<!tpu.dma_semaphore, #tpu.memory_space<semaphore_mem>>) {add = true}
    %dma_wait3A_548 = arith.constant 18 : i32
    %dma_wait3A_549 = arith.constant 0 : i32
    %dma_wait3A_550 = tpu.memref_slice %arg8[%dma_wait3A_548, %dma_wait3A_549] : memref<20x512xi32, #tpu.memory_space<vmem>> -> memref<1x512xi32, #tpu.memory_space<vmem>>
    %dma_wait3A_551 = tpu.memref_squeeze %dma_wait3A_550 : memref<1x512xi32, #tpu.memory_space<vmem>> -> memref<512xi32, #tpu.memory_space<vmem>>
    %dma_wait3A_552 = arith.constant 0 : i32
    %dma_wait3A_553 = arith.constant 0 : i32
    %dma_wait3A_554 = tpu.memref_slice %arg12[%dma_wait3A_552, %dma_wait3A_553] : memref<10240x32xf32, #tpu.memory_space<vmem_shared>> -> memref<10240x32xf32, #tpu.memory_space<vmem_shared>>
    tpu.wait_indirect_dma semaphore(%arg14 : memref<!tpu.dma_semaphore, #tpu.memory_space<semaphore_mem>>) src(%arg9 : memref<512x32xf32, #tpu.memory_space<vmem>>) dst(%dma_wait3A_554 : memref<10240x32xf32, #tpu.memory_space<vmem_shared>>)
    %dma_wait3A_555 = arith.constant 19 : i32
    %dma_wait3A_556 = arith.constant 0 : i32
    %dma_wait3A_557 = tpu.memref_slice %arg8[%dma_wait3A_555, %dma_wait3A_556] : memref<20x512xi32, #tpu.memory_space<vmem>> -> memref<1x512xi32, #tpu.memory_space<vmem>>
    %dma_wait3A_558 = tpu.memref_squeeze %dma_wait3A_557 : memref<1x512xi32, #tpu.memory_space<vmem>> -> memref<512xi32, #tpu.memory_space<vmem>>
    %dma_wait3A_559 = arith.constant 0 : i32
    %dma_wait3A_560 = arith.constant 0 : i32
    %dma_wait3A_561 = tpu.memref_slice %arg12[%dma_wait3A_559, %dma_wait3A_560] : memref<10240x32xf32, #tpu.memory_space<vmem_shared>> -> memref<10240x32xf32, #tpu.memory_space<vmem_shared>>
    tpu.wait_indirect_dma semaphore(%arg15 : memref<!tpu.dma_semaphore, #tpu.memory_space<semaphore_mem>>) src(%arg10 : memref<512x32xf32, #tpu.memory_space<vmem>>) dst(%dma_wait3A_561 : memref<10240x32xf32, #tpu.memory_space<vmem_shared>>)
    %barrier3A_562 = arith.constant 0 : index
    tpu.barrier barrier_id(%barrier3A_562)
    %mul3A_563 = arith.constant 640 : i32
    %mul3A_564 = arith.muli %arg1, %mul3A_563 : i32
    %mul3A_565 = arith.constant 10240 : i32
    %mul3A_566 = arith.muli %arg0, %mul3A_565 : i32
    %mul3A_567 = arith.constant 640 : i32
    %mul3A_568 = arith.muli %arg1, %mul3A_567 : i32
    %add3A_569 = arith.addi %mul3A_566, %mul3A_568 : i32
    "tpu.region"() ({
      %run_scoped3A = tpu.sem_alloc : memref<!tpu.dma_semaphore, #tpu.memory_space<semaphore_mem>>
      %dma_start3A_570 = arith.constant 0 : i32
      %dma_start3A_571 = tpu.memref_slice %arg6[%add3A_569, %dma_start3A_570] : memref<20480x32xf32, #tpu.memory_space<hbm>> -> memref<640x32xf32, #tpu.memory_space<hbm>>
      %dma_start3A_572 = arith.constant 0 : i32
      %dma_start3A_573 = tpu.memref_slice %arg12[%mul3A_564, %dma_start3A_572] : memref<10240x32xf32, #tpu.memory_space<vmem_shared>> -> memref<640x32xf32, #tpu.memory_space<vmem_shared>>
      tpu.enqueue_dma source(%dma_start3A_573 : memref<640x32xf32, #tpu.memory_space<vmem_shared>>) target(%dma_start3A_571 : memref<640x32xf32, #tpu.memory_space<hbm>>) target_semaphore(%run_scoped3A : memref<!tpu.dma_semaphore, #tpu.memory_space<semaphore_mem>>)
      %dma_wait3A_574 = arith.constant 0 : i32
      %dma_wait3A_575 = tpu.memref_slice %arg6[%add3A_569, %dma_wait3A_574] : memref<20480x32xf32, #tpu.memory_space<hbm>> -> memref<640x32xf32, #tpu.memory_space<hbm>>
      %dma_wait3A_576 = arith.constant 0 : i32
      %dma_wait3A_577 = tpu.memref_slice %arg12[%mul3A_564, %dma_wait3A_576] : memref<10240x32xf32, #tpu.memory_space<vmem_shared>> -> memref<640x32xf32, #tpu.memory_space<vmem_shared>>
      tpu.wait_dma2 semaphore(%run_scoped3A : memref<!tpu.dma_semaphore, #tpu.memory_space<semaphore_mem>>) src(%dma_wait3A_577 : memref<640x32xf32, #tpu.memory_space<vmem_shared>>) dst(%dma_wait3A_575 : memref<640x32xf32, #tpu.memory_space<hbm>>)
      tpu.yield
    }) : () -> ()
    return
  }
}

#map = affine_map<(d0, d1) -> (0, 0)>
#map1 = affine_map<(d0, d1) -> (0)>
module attributes {stable_mosaic.version = 14 : i64} {
  func.func @_sc_seg_deg_kernel(%arg0: i32, %arg1: i32, %arg2: memref<10240x32xf32, #tpu.memory_space<hbm>>, %arg3: memref<640x512xi32, #tpu.memory_space<hbm>>, %arg4: memref<640x512xi32, #tpu.memory_space<hbm>>, %arg5: memref<640x32xf32, #tpu.memory_space<hbm>>, %arg6: memref<640xf32, #tpu.memory_space<hbm>>, %arg7: memref<20480x32xf32, #tpu.memory_space<hbm>>, %arg8: memref<20480xf32, #tpu.memory_space<hbm>>, %arg9: memref<20x512xi32, #tpu.memory_space<vmem>>, %arg10: memref<20x512xi32, #tpu.memory_space<vmem>>, %arg11: memref<512x32xf32, #tpu.memory_space<vmem>>, %arg12: memref<512x32xf32, #tpu.memory_space<vmem>>, %arg13: memref<512x32xf32, #tpu.memory_space<vmem>>, %arg14: memref<512xf32, #tpu.memory_space<vmem>>, %arg15: memref<10240x32xf32, #tpu.memory_space<vmem_shared>>, %arg16: memref<10240xf32, #tpu.memory_space<vmem_shared>>, %arg17: memref<10240x32xf32, #tpu.memory_space<vmem_shared>>, %arg18: memref<!tpu.dma_semaphore, #tpu.memory_space<semaphore_mem>>, %arg19: memref<!tpu.dma_semaphore, #tpu.memory_space<semaphore_mem>>, %arg20: memref<!tpu.dma_semaphore, #tpu.memory_space<semaphore_mem>>, %arg21: memref<!tpu.dma_semaphore, #tpu.memory_space<semaphore_mem>>) attributes {dimension_semantics = [#tpu.dimension_semantics<core_parallel>, #tpu.dimension_semantics<subcore_parallel>], iteration_bounds = array<i64: 2, 16>, scalar_prefetch = 0 : i64, scratch_operands = 13 : i64, tpu.core_type = #tpu.core_type<sc_vector_subcore>, window_params = [{transform_indices = #map}, {transform_indices = #map}, {transform_indices = #map}, {transform_indices = #map}, {transform_indices = #map1}, {transform_indices = #map}, {transform_indices = #map1}]} {
    %mul3A = arith.constant 2 : i32
    %mul3A_0 = arith.muli %arg1, %mul3A : i32
    %add3A = arith.addi %mul3A_0, %arg0 : i32
    %mul3A_1 = arith.constant 640 : i32
    %mul3A_2 = arith.muli %arg1, %mul3A_1 : i32
    "tpu.region"() ({
      %run_scoped3A = tpu.sem_alloc : memref<!tpu.dma_semaphore, #tpu.memory_space<semaphore_mem>>
      %dma_start3A_1009 = arith.constant 0 : i32
      %dma_start3A_1010 = tpu.memref_slice %arg15[%mul3A_2, %dma_start3A_1009] : memref<10240x32xf32, #tpu.memory_space<vmem_shared>> -> memref<640x32xf32, #tpu.memory_space<vmem_shared>>
      tpu.enqueue_dma source(%arg5 : memref<640x32xf32, #tpu.memory_space<hbm>>) target(%dma_start3A_1010 : memref<640x32xf32, #tpu.memory_space<vmem_shared>>) target_semaphore(%run_scoped3A : memref<!tpu.dma_semaphore, #tpu.memory_space<semaphore_mem>>)
      %dma_wait3A_1011 = arith.constant 0 : i32
      %dma_wait3A_1012 = tpu.memref_slice %arg15[%mul3A_2, %dma_wait3A_1011] : memref<10240x32xf32, #tpu.memory_space<vmem_shared>> -> memref<640x32xf32, #tpu.memory_space<vmem_shared>>
      tpu.wait_dma2 semaphore(%run_scoped3A : memref<!tpu.dma_semaphore, #tpu.memory_space<semaphore_mem>>) src(%arg5 : memref<640x32xf32, #tpu.memory_space<hbm>>) dst(%dma_wait3A_1012 : memref<640x32xf32, #tpu.memory_space<vmem_shared>>)
      tpu.yield
    }) : () -> ()
    %mul3A_3 = arith.constant 640 : i32
    %mul3A_4 = arith.muli %arg1, %mul3A_3 : i32
    "tpu.region"() ({
      %run_scoped3A = tpu.sem_alloc : memref<!tpu.dma_semaphore, #tpu.memory_space<semaphore_mem>>
      %dma_start3A_1009 = tpu.memref_slice %arg16[%mul3A_4] : memref<10240xf32, #tpu.memory_space<vmem_shared>> -> memref<640xf32, #tpu.memory_space<vmem_shared>>
      tpu.enqueue_dma source(%arg6 : memref<640xf32, #tpu.memory_space<hbm>>) target(%dma_start3A_1009 : memref<640xf32, #tpu.memory_space<vmem_shared>>) target_semaphore(%run_scoped3A : memref<!tpu.dma_semaphore, #tpu.memory_space<semaphore_mem>>)
      %dma_wait3A_1010 = tpu.memref_slice %arg16[%mul3A_4] : memref<10240xf32, #tpu.memory_space<vmem_shared>> -> memref<640xf32, #tpu.memory_space<vmem_shared>>
      tpu.wait_dma2 semaphore(%run_scoped3A : memref<!tpu.dma_semaphore, #tpu.memory_space<semaphore_mem>>) src(%arg6 : memref<640xf32, #tpu.memory_space<hbm>>) dst(%dma_wait3A_1010 : memref<640xf32, #tpu.memory_space<vmem_shared>>)
      tpu.yield
    }) : () -> ()
    %broadcast_in_dim3A = arith.constant 1.000000e+00 : f32
    %broadcast_in_dim3A_5 = vector.broadcast %broadcast_in_dim3A : f32 to vector<16xf32>
    %swap3A = arith.constant 0 : index
    %swap3A_6 = tpu.vector_load %arg14[%swap3A] {strides = array<i32>} : memref<512xf32, #tpu.memory_space<vmem>>, vector<16xf32>,
    %swap3A_7 = vector.shape_cast %swap3A_6 : vector<16xf32> to vector<16xf32>
    %swap3A_8 = vector.shape_cast %broadcast_in_dim3A_5 : vector<16xf32> to vector<16xf32>
    tpu.vector_store %arg14[%swap3A], %swap3A_8 {strides = array<i32>} : memref<512xf32, #tpu.memory_space<vmem>>, vector<16xf32>,
    %broadcast_in_dim3A_9 = arith.constant 1.000000e+00 : f32
    %broadcast_in_dim3A_10 = vector.broadcast %broadcast_in_dim3A_9 : f32 to vector<16xf32>
    %swap3A_11 = arith.constant 16 : index
    %swap3A_12 = tpu.vector_load %arg14[%swap3A_11] {strides = array<i32>} : memref<512xf32, #tpu.memory_space<vmem>>, vector<16xf32>,
    %swap3A_13 = vector.shape_cast %swap3A_12 : vector<16xf32> to vector<16xf32>
    %swap3A_14 = vector.shape_cast %broadcast_in_dim3A_10 : vector<16xf32> to vector<16xf32>
    tpu.vector_store %arg14[%swap3A_11], %swap3A_14 {strides = array<i32>} : memref<512xf32, #tpu.memory_space<vmem>>, vector<16xf32>,
    %broadcast_in_dim3A_15 = arith.constant 1.000000e+00 : f32
    %broadcast_in_dim3A_16 = vector.broadcast %broadcast_in_dim3A_15 : f32 to vector<16xf32>
    %swap3A_17 = arith.constant 32 : index
    %swap3A_18 = tpu.vector_load %arg14[%swap3A_17] {strides = array<i32>} : memref<512xf32, #tpu.memory_space<vmem>>, vector<16xf32>,
    %swap3A_19 = vector.shape_cast %swap3A_18 : vector<16xf32> to vector<16xf32>
    %swap3A_20 = vector.shape_cast %broadcast_in_dim3A_16 : vector<16xf32> to vector<16xf32>
    tpu.vector_store %arg14[%swap3A_17], %swap3A_20 {strides = array<i32>} : memref<512xf32, #tpu.memory_space<vmem>>, vector<16xf32>,
    %broadcast_in_dim3A_21 = arith.constant 1.000000e+00 : f32
    %broadcast_in_dim3A_22 = vector.broadcast %broadcast_in_dim3A_21 : f32 to vector<16xf32>
    %swap3A_23 = arith.constant 48 : index
    %swap3A_24 = tpu.vector_load %arg14[%swap3A_23] {strides = array<i32>} : memref<512xf32, #tpu.memory_space<vmem>>, vector<16xf32>,
    %swap3A_25 = vector.shape_cast %swap3A_24 : vector<16xf32> to vector<16xf32>
    %swap3A_26 = vector.shape_cast %broadcast_in_dim3A_22 : vector<16xf32> to vector<16xf32>
    tpu.vector_store %arg14[%swap3A_23], %swap3A_26 {strides = array<i32>} : memref<512xf32, #tpu.memory_space<vmem>>, vector<16xf32>,
    %broadcast_in_dim3A_27 = arith.constant 1.000000e+00 : f32
    %broadcast_in_dim3A_28 = vector.broadcast %broadcast_in_dim3A_27 : f32 to vector<16xf32>
    %swap3A_29 = arith.constant 64 : index
    %swap3A_30 = tpu.vector_load %arg14[%swap3A_29] {strides = array<i32>} : memref<512xf32, #tpu.memory_space<vmem>>, vector<16xf32>,
    %swap3A_31 = vector.shape_cast %swap3A_30 : vector<16xf32> to vector<16xf32>
    %swap3A_32 = vector.shape_cast %broadcast_in_dim3A_28 : vector<16xf32> to vector<16xf32>
    tpu.vector_store %arg14[%swap3A_29], %swap3A_32 {strides = array<i32>} : memref<512xf32, #tpu.memory_space<vmem>>, vector<16xf32>,
    %broadcast_in_dim3A_33 = arith.constant 1.000000e+00 : f32
    %broadcast_in_dim3A_34 = vector.broadcast %broadcast_in_dim3A_33 : f32 to vector<16xf32>
    %swap3A_35 = arith.constant 80 : index
    %swap3A_36 = tpu.vector_load %arg14[%swap3A_35] {strides = array<i32>} : memref<512xf32, #tpu.memory_space<vmem>>, vector<16xf32>,
    %swap3A_37 = vector.shape_cast %swap3A_36 : vector<16xf32> to vector<16xf32>
    %swap3A_38 = vector.shape_cast %broadcast_in_dim3A_34 : vector<16xf32> to vector<16xf32>
    tpu.vector_store %arg14[%swap3A_35], %swap3A_38 {strides = array<i32>} : memref<512xf32, #tpu.memory_space<vmem>>, vector<16xf32>,
    %broadcast_in_dim3A_39 = arith.constant 1.000000e+00 : f32
    %broadcast_in_dim3A_40 = vector.broadcast %broadcast_in_dim3A_39 : f32 to vector<16xf32>
    %swap3A_41 = arith.constant 96 : index
    %swap3A_42 = tpu.vector_load %arg14[%swap3A_41] {strides = array<i32>} : memref<512xf32, #tpu.memory_space<vmem>>, vector<16xf32>,
    %swap3A_43 = vector.shape_cast %swap3A_42 : vector<16xf32> to vector<16xf32>
    %swap3A_44 = vector.shape_cast %broadcast_in_dim3A_40 : vector<16xf32> to vector<16xf32>
    tpu.vector_store %arg14[%swap3A_41], %swap3A_44 {strides = array<i32>} : memref<512xf32, #tpu.memory_space<vmem>>, vector<16xf32>,
    %broadcast_in_dim3A_45 = arith.constant 1.000000e+00 : f32
    %broadcast_in_dim3A_46 = vector.broadcast %broadcast_in_dim3A_45 : f32 to vector<16xf32>
    %swap3A_47 = arith.constant 112 : index
    %swap3A_48 = tpu.vector_load %arg14[%swap3A_47] {strides = array<i32>} : memref<512xf32, #tpu.memory_space<vmem>>, vector<16xf32>,
    %swap3A_49 = vector.shape_cast %swap3A_48 : vector<16xf32> to vector<16xf32>
    %swap3A_50 = vector.shape_cast %broadcast_in_dim3A_46 : vector<16xf32> to vector<16xf32>
    tpu.vector_store %arg14[%swap3A_47], %swap3A_50 {strides = array<i32>} : memref<512xf32, #tpu.memory_space<vmem>>, vector<16xf32>,
    %broadcast_in_dim3A_51 = arith.constant 1.000000e+00 : f32
    %broadcast_in_dim3A_52 = vector.broadcast %broadcast_in_dim3A_51 : f32 to vector<16xf32>
    %swap3A_53 = arith.constant 128 : index
    %swap3A_54 = tpu.vector_load %arg14[%swap3A_53] {strides = array<i32>} : memref<512xf32, #tpu.memory_space<vmem>>, vector<16xf32>,
    %swap3A_55 = vector.shape_cast %swap3A_54 : vector<16xf32> to vector<16xf32>
    %swap3A_56 = vector.shape_cast %broadcast_in_dim3A_52 : vector<16xf32> to vector<16xf32>
    tpu.vector_store %arg14[%swap3A_53], %swap3A_56 {strides = array<i32>} : memref<512xf32, #tpu.memory_space<vmem>>, vector<16xf32>,
    %broadcast_in_dim3A_57 = arith.constant 1.000000e+00 : f32
    %broadcast_in_dim3A_58 = vector.broadcast %broadcast_in_dim3A_57 : f32 to vector<16xf32>
    %swap3A_59 = arith.constant 144 : index
    %swap3A_60 = tpu.vector_load %arg14[%swap3A_59] {strides = array<i32>} : memref<512xf32, #tpu.memory_space<vmem>>, vector<16xf32>,
    %swap3A_61 = vector.shape_cast %swap3A_60 : vector<16xf32> to vector<16xf32>
    %swap3A_62 = vector.shape_cast %broadcast_in_dim3A_58 : vector<16xf32> to vector<16xf32>
    tpu.vector_store %arg14[%swap3A_59], %swap3A_62 {strides = array<i32>} : memref<512xf32, #tpu.memory_space<vmem>>, vector<16xf32>,
    %broadcast_in_dim3A_63 = arith.constant 1.000000e+00 : f32
    %broadcast_in_dim3A_64 = vector.broadcast %broadcast_in_dim3A_63 : f32 to vector<16xf32>
    %swap3A_65 = arith.constant 160 : index
    %swap3A_66 = tpu.vector_load %arg14[%swap3A_65] {strides = array<i32>} : memref<512xf32, #tpu.memory_space<vmem>>, vector<16xf32>,
    %swap3A_67 = vector.shape_cast %swap3A_66 : vector<16xf32> to vector<16xf32>
    %swap3A_68 = vector.shape_cast %broadcast_in_dim3A_64 : vector<16xf32> to vector<16xf32>
    tpu.vector_store %arg14[%swap3A_65], %swap3A_68 {strides = array<i32>} : memref<512xf32, #tpu.memory_space<vmem>>, vector<16xf32>,
    %broadcast_in_dim3A_69 = arith.constant 1.000000e+00 : f32
    %broadcast_in_dim3A_70 = vector.broadcast %broadcast_in_dim3A_69 : f32 to vector<16xf32>
    %swap3A_71 = arith.constant 176 : index
    %swap3A_72 = tpu.vector_load %arg14[%swap3A_71] {strides = array<i32>} : memref<512xf32, #tpu.memory_space<vmem>>, vector<16xf32>,
    %swap3A_73 = vector.shape_cast %swap3A_72 : vector<16xf32> to vector<16xf32>
    %swap3A_74 = vector.shape_cast %broadcast_in_dim3A_70 : vector<16xf32> to vector<16xf32>
    tpu.vector_store %arg14[%swap3A_71], %swap3A_74 {strides = array<i32>} : memref<512xf32, #tpu.memory_space<vmem>>, vector<16xf32>,
    %broadcast_in_dim3A_75 = arith.constant 1.000000e+00 : f32
    %broadcast_in_dim3A_76 = vector.broadcast %broadcast_in_dim3A_75 : f32 to vector<16xf32>
    %swap3A_77 = arith.constant 192 : index
    %swap3A_78 = tpu.vector_load %arg14[%swap3A_77] {strides = array<i32>} : memref<512xf32, #tpu.memory_space<vmem>>, vector<16xf32>,
    %swap3A_79 = vector.shape_cast %swap3A_78 : vector<16xf32> to vector<16xf32>
    %swap3A_80 = vector.shape_cast %broadcast_in_dim3A_76 : vector<16xf32> to vector<16xf32>
    tpu.vector_store %arg14[%swap3A_77], %swap3A_80 {strides = array<i32>} : memref<512xf32, #tpu.memory_space<vmem>>, vector<16xf32>,
    %broadcast_in_dim3A_81 = arith.constant 1.000000e+00 : f32
    %broadcast_in_dim3A_82 = vector.broadcast %broadcast_in_dim3A_81 : f32 to vector<16xf32>
    %swap3A_83 = arith.constant 208 : index
    %swap3A_84 = tpu.vector_load %arg14[%swap3A_83] {strides = array<i32>} : memref<512xf32, #tpu.memory_space<vmem>>, vector<16xf32>,
    %swap3A_85 = vector.shape_cast %swap3A_84 : vector<16xf32> to vector<16xf32>
    %swap3A_86 = vector.shape_cast %broadcast_in_dim3A_82 : vector<16xf32> to vector<16xf32>
    tpu.vector_store %arg14[%swap3A_83], %swap3A_86 {strides = array<i32>} : memref<512xf32, #tpu.memory_space<vmem>>, vector<16xf32>,
    %broadcast_in_dim3A_87 = arith.constant 1.000000e+00 : f32
    %broadcast_in_dim3A_88 = vector.broadcast %broadcast_in_dim3A_87 : f32 to vector<16xf32>
    %swap3A_89 = arith.constant 224 : index
    %swap3A_90 = tpu.vector_load %arg14[%swap3A_89] {strides = array<i32>} : memref<512xf32, #tpu.memory_space<vmem>>, vector<16xf32>,
    %swap3A_91 = vector.shape_cast %swap3A_90 : vector<16xf32> to vector<16xf32>
    %swap3A_92 = vector.shape_cast %broadcast_in_dim3A_88 : vector<16xf32> to vector<16xf32>
    tpu.vector_store %arg14[%swap3A_89], %swap3A_92 {strides = array<i32>} : memref<512xf32, #tpu.memory_space<vmem>>, vector<16xf32>,
    %broadcast_in_dim3A_93 = arith.constant 1.000000e+00 : f32
    %broadcast_in_dim3A_94 = vector.broadcast %broadcast_in_dim3A_93 : f32 to vector<16xf32>
    %swap3A_95 = arith.constant 240 : index
    %swap3A_96 = tpu.vector_load %arg14[%swap3A_95] {strides = array<i32>} : memref<512xf32, #tpu.memory_space<vmem>>, vector<16xf32>,
    %swap3A_97 = vector.shape_cast %swap3A_96 : vector<16xf32> to vector<16xf32>
    %swap3A_98 = vector.shape_cast %broadcast_in_dim3A_94 : vector<16xf32> to vector<16xf32>
    tpu.vector_store %arg14[%swap3A_95], %swap3A_98 {strides = array<i32>} : memref<512xf32, #tpu.memory_space<vmem>>, vector<16xf32>,
    %broadcast_in_dim3A_99 = arith.constant 1.000000e+00 : f32
    %broadcast_in_dim3A_100 = vector.broadcast %broadcast_in_dim3A_99 : f32 to vector<16xf32>
    %swap3A_101 = arith.constant 256 : index
    %swap3A_102 = tpu.vector_load %arg14[%swap3A_101] {strides = array<i32>} : memref<512xf32, #tpu.memory_space<vmem>>, vector<16xf32>,
    %swap3A_103 = vector.shape_cast %swap3A_102 : vector<16xf32> to vector<16xf32>
    %swap3A_104 = vector.shape_cast %broadcast_in_dim3A_100 : vector<16xf32> to vector<16xf32>
    tpu.vector_store %arg14[%swap3A_101], %swap3A_104 {strides = array<i32>} : memref<512xf32, #tpu.memory_space<vmem>>, vector<16xf32>,
    %broadcast_in_dim3A_105 = arith.constant 1.000000e+00 : f32
    %broadcast_in_dim3A_106 = vector.broadcast %broadcast_in_dim3A_105 : f32 to vector<16xf32>
    %swap3A_107 = arith.constant 272 : index
    %swap3A_108 = tpu.vector_load %arg14[%swap3A_107] {strides = array<i32>} : memref<512xf32, #tpu.memory_space<vmem>>, vector<16xf32>,
    %swap3A_109 = vector.shape_cast %swap3A_108 : vector<16xf32> to vector<16xf32>
    %swap3A_110 = vector.shape_cast %broadcast_in_dim3A_106 : vector<16xf32> to vector<16xf32>
    tpu.vector_store %arg14[%swap3A_107], %swap3A_110 {strides = array<i32>} : memref<512xf32, #tpu.memory_space<vmem>>, vector<16xf32>,
    %broadcast_in_dim3A_111 = arith.constant 1.000000e+00 : f32
    %broadcast_in_dim3A_112 = vector.broadcast %broadcast_in_dim3A_111 : f32 to vector<16xf32>
    %swap3A_113 = arith.constant 288 : index
    %swap3A_114 = tpu.vector_load %arg14[%swap3A_113] {strides = array<i32>} : memref<512xf32, #tpu.memory_space<vmem>>, vector<16xf32>,
    %swap3A_115 = vector.shape_cast %swap3A_114 : vector<16xf32> to vector<16xf32>
    %swap3A_116 = vector.shape_cast %broadcast_in_dim3A_112 : vector<16xf32> to vector<16xf32>
    tpu.vector_store %arg14[%swap3A_113], %swap3A_116 {strides = array<i32>} : memref<512xf32, #tpu.memory_space<vmem>>, vector<16xf32>,
    %broadcast_in_dim3A_117 = arith.constant 1.000000e+00 : f32
    %broadcast_in_dim3A_118 = vector.broadcast %broadcast_in_dim3A_117 : f32 to vector<16xf32>
    %swap3A_119 = arith.constant 304 : index
    %swap3A_120 = tpu.vector_load %arg14[%swap3A_119] {strides = array<i32>} : memref<512xf32, #tpu.memory_space<vmem>>, vector<16xf32>,
    %swap3A_121 = vector.shape_cast %swap3A_120 : vector<16xf32> to vector<16xf32>
    %swap3A_122 = vector.shape_cast %broadcast_in_dim3A_118 : vector<16xf32> to vector<16xf32>
    tpu.vector_store %arg14[%swap3A_119], %swap3A_122 {strides = array<i32>} : memref<512xf32, #tpu.memory_space<vmem>>, vector<16xf32>,
    %broadcast_in_dim3A_123 = arith.constant 1.000000e+00 : f32
    %broadcast_in_dim3A_124 = vector.broadcast %broadcast_in_dim3A_123 : f32 to vector<16xf32>
    %swap3A_125 = arith.constant 320 : index
    %swap3A_126 = tpu.vector_load %arg14[%swap3A_125] {strides = array<i32>} : memref<512xf32, #tpu.memory_space<vmem>>, vector<16xf32>,
    %swap3A_127 = vector.shape_cast %swap3A_126 : vector<16xf32> to vector<16xf32>
    %swap3A_128 = vector.shape_cast %broadcast_in_dim3A_124 : vector<16xf32> to vector<16xf32>
    tpu.vector_store %arg14[%swap3A_125], %swap3A_128 {strides = array<i32>} : memref<512xf32, #tpu.memory_space<vmem>>, vector<16xf32>,
    %broadcast_in_dim3A_129 = arith.constant 1.000000e+00 : f32
    %broadcast_in_dim3A_130 = vector.broadcast %broadcast_in_dim3A_129 : f32 to vector<16xf32>
    %swap3A_131 = arith.constant 336 : index
    %swap3A_132 = tpu.vector_load %arg14[%swap3A_131] {strides = array<i32>} : memref<512xf32, #tpu.memory_space<vmem>>, vector<16xf32>,
    %swap3A_133 = vector.shape_cast %swap3A_132 : vector<16xf32> to vector<16xf32>
    %swap3A_134 = vector.shape_cast %broadcast_in_dim3A_130 : vector<16xf32> to vector<16xf32>
    tpu.vector_store %arg14[%swap3A_131], %swap3A_134 {strides = array<i32>} : memref<512xf32, #tpu.memory_space<vmem>>, vector<16xf32>,
    %broadcast_in_dim3A_135 = arith.constant 1.000000e+00 : f32
    %broadcast_in_dim3A_136 = vector.broadcast %broadcast_in_dim3A_135 : f32 to vector<16xf32>
    %swap3A_137 = arith.constant 352 : index
    %swap3A_138 = tpu.vector_load %arg14[%swap3A_137] {strides = array<i32>} : memref<512xf32, #tpu.memory_space<vmem>>, vector<16xf32>,
    %swap3A_139 = vector.shape_cast %swap3A_138 : vector<16xf32> to vector<16xf32>
    %swap3A_140 = vector.shape_cast %broadcast_in_dim3A_136 : vector<16xf32> to vector<16xf32>
    tpu.vector_store %arg14[%swap3A_137], %swap3A_140 {strides = array<i32>} : memref<512xf32, #tpu.memory_space<vmem>>, vector<16xf32>,
    %broadcast_in_dim3A_141 = arith.constant 1.000000e+00 : f32
    %broadcast_in_dim3A_142 = vector.broadcast %broadcast_in_dim3A_141 : f32 to vector<16xf32>
    %swap3A_143 = arith.constant 368 : index
    %swap3A_144 = tpu.vector_load %arg14[%swap3A_143] {strides = array<i32>} : memref<512xf32, #tpu.memory_space<vmem>>, vector<16xf32>,
    %swap3A_145 = vector.shape_cast %swap3A_144 : vector<16xf32> to vector<16xf32>
    %swap3A_146 = vector.shape_cast %broadcast_in_dim3A_142 : vector<16xf32> to vector<16xf32>
    tpu.vector_store %arg14[%swap3A_143], %swap3A_146 {strides = array<i32>} : memref<512xf32, #tpu.memory_space<vmem>>, vector<16xf32>,
    %broadcast_in_dim3A_147 = arith.constant 1.000000e+00 : f32
    %broadcast_in_dim3A_148 = vector.broadcast %broadcast_in_dim3A_147 : f32 to vector<16xf32>
    %swap3A_149 = arith.constant 384 : index
    %swap3A_150 = tpu.vector_load %arg14[%swap3A_149] {strides = array<i32>} : memref<512xf32, #tpu.memory_space<vmem>>, vector<16xf32>,
    %swap3A_151 = vector.shape_cast %swap3A_150 : vector<16xf32> to vector<16xf32>
    %swap3A_152 = vector.shape_cast %broadcast_in_dim3A_148 : vector<16xf32> to vector<16xf32>
    tpu.vector_store %arg14[%swap3A_149], %swap3A_152 {strides = array<i32>} : memref<512xf32, #tpu.memory_space<vmem>>, vector<16xf32>,
    %broadcast_in_dim3A_153 = arith.constant 1.000000e+00 : f32
    %broadcast_in_dim3A_154 = vector.broadcast %broadcast_in_dim3A_153 : f32 to vector<16xf32>
    %swap3A_155 = arith.constant 400 : index
    %swap3A_156 = tpu.vector_load %arg14[%swap3A_155] {strides = array<i32>} : memref<512xf32, #tpu.memory_space<vmem>>, vector<16xf32>,
    %swap3A_157 = vector.shape_cast %swap3A_156 : vector<16xf32> to vector<16xf32>
    %swap3A_158 = vector.shape_cast %broadcast_in_dim3A_154 : vector<16xf32> to vector<16xf32>
    tpu.vector_store %arg14[%swap3A_155], %swap3A_158 {strides = array<i32>} : memref<512xf32, #tpu.memory_space<vmem>>, vector<16xf32>,
    %broadcast_in_dim3A_159 = arith.constant 1.000000e+00 : f32
    %broadcast_in_dim3A_160 = vector.broadcast %broadcast_in_dim3A_159 : f32 to vector<16xf32>
    %swap3A_161 = arith.constant 416 : index
    %swap3A_162 = tpu.vector_load %arg14[%swap3A_161] {strides = array<i32>} : memref<512xf32, #tpu.memory_space<vmem>>, vector<16xf32>,
    %swap3A_163 = vector.shape_cast %swap3A_162 : vector<16xf32> to vector<16xf32>
    %swap3A_164 = vector.shape_cast %broadcast_in_dim3A_160 : vector<16xf32> to vector<16xf32>
    tpu.vector_store %arg14[%swap3A_161], %swap3A_164 {strides = array<i32>} : memref<512xf32, #tpu.memory_space<vmem>>, vector<16xf32>,
    %broadcast_in_dim3A_165 = arith.constant 1.000000e+00 : f32
    %broadcast_in_dim3A_166 = vector.broadcast %broadcast_in_dim3A_165 : f32 to vector<16xf32>
    %swap3A_167 = arith.constant 432 : index
    %swap3A_168 = tpu.vector_load %arg14[%swap3A_167] {strides = array<i32>} : memref<512xf32, #tpu.memory_space<vmem>>, vector<16xf32>,
    %swap3A_169 = vector.shape_cast %swap3A_168 : vector<16xf32> to vector<16xf32>
    %swap3A_170 = vector.shape_cast %broadcast_in_dim3A_166 : vector<16xf32> to vector<16xf32>
    tpu.vector_store %arg14[%swap3A_167], %swap3A_170 {strides = array<i32>} : memref<512xf32, #tpu.memory_space<vmem>>, vector<16xf32>,
    %broadcast_in_dim3A_171 = arith.constant 1.000000e+00 : f32
    %broadcast_in_dim3A_172 = vector.broadcast %broadcast_in_dim3A_171 : f32 to vector<16xf32>
    %swap3A_173 = arith.constant 448 : index
    %swap3A_174 = tpu.vector_load %arg14[%swap3A_173] {strides = array<i32>} : memref<512xf32, #tpu.memory_space<vmem>>, vector<16xf32>,
    %swap3A_175 = vector.shape_cast %swap3A_174 : vector<16xf32> to vector<16xf32>
    %swap3A_176 = vector.shape_cast %broadcast_in_dim3A_172 : vector<16xf32> to vector<16xf32>
    tpu.vector_store %arg14[%swap3A_173], %swap3A_176 {strides = array<i32>} : memref<512xf32, #tpu.memory_space<vmem>>, vector<16xf32>,
    %broadcast_in_dim3A_177 = arith.constant 1.000000e+00 : f32
    %broadcast_in_dim3A_178 = vector.broadcast %broadcast_in_dim3A_177 : f32 to vector<16xf32>
    %swap3A_179 = arith.constant 464 : index
    %swap3A_180 = tpu.vector_load %arg14[%swap3A_179] {strides = array<i32>} : memref<512xf32, #tpu.memory_space<vmem>>, vector<16xf32>,
    %swap3A_181 = vector.shape_cast %swap3A_180 : vector<16xf32> to vector<16xf32>
    %swap3A_182 = vector.shape_cast %broadcast_in_dim3A_178 : vector<16xf32> to vector<16xf32>
    tpu.vector_store %arg14[%swap3A_179], %swap3A_182 {strides = array<i32>} : memref<512xf32, #tpu.memory_space<vmem>>, vector<16xf32>,
    %broadcast_in_dim3A_183 = arith.constant 1.000000e+00 : f32
    %broadcast_in_dim3A_184 = vector.broadcast %broadcast_in_dim3A_183 : f32 to vector<16xf32>
    %swap3A_185 = arith.constant 480 : index
    %swap3A_186 = tpu.vector_load %arg14[%swap3A_185] {strides = array<i32>} : memref<512xf32, #tpu.memory_space<vmem>>, vector<16xf32>,
    %swap3A_187 = vector.shape_cast %swap3A_186 : vector<16xf32> to vector<16xf32>
    %swap3A_188 = vector.shape_cast %broadcast_in_dim3A_184 : vector<16xf32> to vector<16xf32>
    tpu.vector_store %arg14[%swap3A_185], %swap3A_188 {strides = array<i32>} : memref<512xf32, #tpu.memory_space<vmem>>, vector<16xf32>,
    %broadcast_in_dim3A_189 = arith.constant 1.000000e+00 : f32
    %broadcast_in_dim3A_190 = vector.broadcast %broadcast_in_dim3A_189 : f32 to vector<16xf32>
    %swap3A_191 = arith.constant 496 : index
    %swap3A_192 = tpu.vector_load %arg14[%swap3A_191] {strides = array<i32>} : memref<512xf32, #tpu.memory_space<vmem>>, vector<16xf32>,
    %swap3A_193 = vector.shape_cast %swap3A_192 : vector<16xf32> to vector<16xf32>
    %swap3A_194 = vector.shape_cast %broadcast_in_dim3A_190 : vector<16xf32> to vector<16xf32>
    tpu.vector_store %arg14[%swap3A_191], %swap3A_194 {strides = array<i32>} : memref<512xf32, #tpu.memory_space<vmem>>, vector<16xf32>,
    %mul3A_195 = arith.constant 20 : i32
    %mul3A_196 = arith.muli %add3A, %mul3A_195 : i32
    "tpu.region"() ({
      %run_scoped3A = tpu.sem_alloc : memref<!tpu.dma_semaphore, #tpu.memory_space<semaphore_mem>>
      %dma_start3A_1009 = arith.constant 0 : i32
      %dma_start3A_1010 = tpu.memref_slice %arg3[%mul3A_196, %dma_start3A_1009] : memref<640x512xi32, #tpu.memory_space<hbm>> -> memref<20x512xi32, #tpu.memory_space<hbm>>
      %dma_start3A_1011 = arith.constant 0 : i32
      %dma_start3A_1012 = tpu.memref_slice %arg3[%mul3A_196, %dma_start3A_1011] : memref<640x512xi32, #tpu.memory_space<hbm>> -> memref<20x512xi32, #tpu.memory_space<hbm>>
      tpu.enqueue_dma source(%dma_start3A_1012 : memref<20x512xi32, #tpu.memory_space<hbm>>) target(%arg9 : memref<20x512xi32, #tpu.memory_space<vmem>>) target_semaphore(%run_scoped3A : memref<!tpu.dma_semaphore, #tpu.memory_space<semaphore_mem>>)
      %dma_wait3A_1013 = arith.constant 0 : i32
      %dma_wait3A_1014 = tpu.memref_slice %arg3[%mul3A_196, %dma_wait3A_1013] : memref<640x512xi32, #tpu.memory_space<hbm>> -> memref<20x512xi32, #tpu.memory_space<hbm>>
      %dma_wait3A_1015 = arith.constant 0 : i32
      %dma_wait3A_1016 = tpu.memref_slice %arg3[%mul3A_196, %dma_wait3A_1015] : memref<640x512xi32, #tpu.memory_space<hbm>> -> memref<20x512xi32, #tpu.memory_space<hbm>>
      tpu.wait_dma2 semaphore(%run_scoped3A : memref<!tpu.dma_semaphore, #tpu.memory_space<semaphore_mem>>) src(%dma_wait3A_1016 : memref<20x512xi32, #tpu.memory_space<hbm>>) dst(%arg9 : memref<20x512xi32, #tpu.memory_space<vmem>>)
      tpu.yield
    }) : () -> ()
    %mul3A_197 = arith.constant 20 : i32
    %mul3A_198 = arith.muli %add3A, %mul3A_197 : i32
    "tpu.region"() ({
      %run_scoped3A = tpu.sem_alloc : memref<!tpu.dma_semaphore, #tpu.memory_space<semaphore_mem>>
      %dma_start3A_1009 = arith.constant 0 : i32
      %dma_start3A_1010 = tpu.memref_slice %arg4[%mul3A_198, %dma_start3A_1009] : memref<640x512xi32, #tpu.memory_space<hbm>> -> memref<20x512xi32, #tpu.memory_space<hbm>>
      %dma_start3A_1011 = arith.constant 0 : i32
      %dma_start3A_1012 = tpu.memref_slice %arg4[%mul3A_198, %dma_start3A_1011] : memref<640x512xi32, #tpu.memory_space<hbm>> -> memref<20x512xi32, #tpu.memory_space<hbm>>
      tpu.enqueue_dma source(%dma_start3A_1012 : memref<20x512xi32, #tpu.memory_space<hbm>>) target(%arg10 : memref<20x512xi32, #tpu.memory_space<vmem>>) target_semaphore(%run_scoped3A : memref<!tpu.dma_semaphore, #tpu.memory_space<semaphore_mem>>)
      %dma_wait3A_1013 = arith.constant 0 : i32
      %dma_wait3A_1014 = tpu.memref_slice %arg4[%mul3A_198, %dma_wait3A_1013] : memref<640x512xi32, #tpu.memory_space<hbm>> -> memref<20x512xi32, #tpu.memory_space<hbm>>
      %dma_wait3A_1015 = arith.constant 0 : i32
      %dma_wait3A_1016 = tpu.memref_slice %arg4[%mul3A_198, %dma_wait3A_1015] : memref<640x512xi32, #tpu.memory_space<hbm>> -> memref<20x512xi32, #tpu.memory_space<hbm>>
      tpu.wait_dma2 semaphore(%run_scoped3A : memref<!tpu.dma_semaphore, #tpu.memory_space<semaphore_mem>>) src(%dma_wait3A_1016 : memref<20x512xi32, #tpu.memory_space<hbm>>) dst(%arg10 : memref<20x512xi32, #tpu.memory_space<vmem>>)
      tpu.yield
    }) : () -> ()
    %mul3A_199 = arith.constant 640 : i32
    %mul3A_200 = arith.muli %arg1, %mul3A_199 : i32
    %mul3A_201 = arith.constant 640 : i32
    %mul3A_202 = arith.muli %arg1, %mul3A_201 : i32
    "tpu.region"() ({
      %run_scoped3A = tpu.sem_alloc : memref<!tpu.dma_semaphore, #tpu.memory_space<semaphore_mem>>
      %dma_start3A_1009 = arith.constant 0 : i32
      %dma_start3A_1010 = tpu.memref_slice %arg17[%mul3A_202, %dma_start3A_1009] : memref<10240x32xf32, #tpu.memory_space<vmem_shared>> -> memref<640x32xf32, #tpu.memory_space<vmem_shared>>
      %dma_start3A_1011 = arith.constant 0 : i32
      %dma_start3A_1012 = tpu.memref_slice %arg2[%mul3A_200, %dma_start3A_1011] : memref<10240x32xf32, #tpu.memory_space<hbm>> -> memref<640x32xf32, #tpu.memory_space<hbm>>
      tpu.enqueue_dma source(%dma_start3A_1012 : memref<640x32xf32, #tpu.memory_space<hbm>>) target(%dma_start3A_1010 : memref<640x32xf32, #tpu.memory_space<vmem_shared>>) target_semaphore(%run_scoped3A : memref<!tpu.dma_semaphore, #tpu.memory_space<semaphore_mem>>)
      %dma_wait3A_1013 = arith.constant 0 : i32
      %dma_wait3A_1014 = tpu.memref_slice %arg17[%mul3A_202, %dma_wait3A_1013] : memref<10240x32xf32, #tpu.memory_space<vmem_shared>> -> memref<640x32xf32, #tpu.memory_space<vmem_shared>>
      %dma_wait3A_1015 = arith.constant 0 : i32
      %dma_wait3A_1016 = tpu.memref_slice %arg2[%mul3A_200, %dma_wait3A_1015] : memref<10240x32xf32, #tpu.memory_space<hbm>> -> memref<640x32xf32, #tpu.memory_space<hbm>>
      tpu.wait_dma2 semaphore(%run_scoped3A : memref<!tpu.dma_semaphore, #tpu.memory_space<semaphore_mem>>) src(%dma_wait3A_1016 : memref<640x32xf32, #tpu.memory_space<hbm>>) dst(%dma_wait3A_1014 : memref<640x32xf32, #tpu.memory_space<vmem_shared>>)
      tpu.yield
    }) : () -> ()
    %barrier3A = arith.constant 0 : index
    tpu.barrier barrier_id(%barrier3A)
    %dma_start3A = arith.constant 0 : i32
    %dma_start3A_203 = arith.constant 0 : i32
    %dma_start3A_204 = tpu.memref_slice %arg9[%dma_start3A, %dma_start3A_203] : memref<20x512xi32, #tpu.memory_space<vmem>> -> memref<1x512xi32, #tpu.memory_space<vmem>>
    %dma_start3A_205 = tpu.memref_squeeze %dma_start3A_204 : memref<1x512xi32, #tpu.memory_space<vmem>> -> memref<512xi32, #tpu.memory_space<vmem>>
    %dma_start3A_206 = arith.constant 0 : i32
    %dma_start3A_207 = arith.constant 0 : i32
    %dma_start3A_208 = tpu.memref_slice %arg17[%dma_start3A_206, %dma_start3A_207] : memref<10240x32xf32, #tpu.memory_space<vmem_shared>> -> memref<10240x32xf32, #tpu.memory_space<vmem_shared>>
    tpu.enqueue_indirect_dma source(%dma_start3A_208 : memref<10240x32xf32, #tpu.memory_space<vmem_shared>>) target(%arg11 : memref<512x32xf32, #tpu.memory_space<vmem>>) offsets(%dma_start3A_205 : memref<512xi32, #tpu.memory_space<vmem>>) semaphore(%arg18 : memref<!tpu.dma_semaphore, #tpu.memory_space<semaphore_mem>>)
    %dma_start3A_209 = arith.constant 1 : i32
    %dma_start3A_210 = arith.constant 0 : i32
    %dma_start3A_211 = tpu.memref_slice %arg9[%dma_start3A_209, %dma_start3A_210] : memref<20x512xi32, #tpu.memory_space<vmem>> -> memref<1x512xi32, #tpu.memory_space<vmem>>
    %dma_start3A_212 = tpu.memref_squeeze %dma_start3A_211 : memref<1x512xi32, #tpu.memory_space<vmem>> -> memref<512xi32, #tpu.memory_space<vmem>>
    %dma_start3A_213 = arith.constant 0 : i32
    %dma_start3A_214 = arith.constant 0 : i32
    %dma_start3A_215 = tpu.memref_slice %arg17[%dma_start3A_213, %dma_start3A_214] : memref<10240x32xf32, #tpu.memory_space<vmem_shared>> -> memref<10240x32xf32, #tpu.memory_space<vmem_shared>>
    tpu.enqueue_indirect_dma source(%dma_start3A_215 : memref<10240x32xf32, #tpu.memory_space<vmem_shared>>) target(%arg12 : memref<512x32xf32, #tpu.memory_space<vmem>>) offsets(%dma_start3A_212 : memref<512xi32, #tpu.memory_space<vmem>>) semaphore(%arg19 : memref<!tpu.dma_semaphore, #tpu.memory_space<semaphore_mem>>)
    %dma_wait3A = arith.constant 0 : i32
    %dma_wait3A_216 = arith.constant 0 : i32
    %dma_wait3A_217 = tpu.memref_slice %arg9[%dma_wait3A, %dma_wait3A_216] : memref<20x512xi32, #tpu.memory_space<vmem>> -> memref<1x512xi32, #tpu.memory_space<vmem>>
    %dma_wait3A_218 = tpu.memref_squeeze %dma_wait3A_217 : memref<1x512xi32, #tpu.memory_space<vmem>> -> memref<512xi32, #tpu.memory_space<vmem>>
    %dma_wait3A_219 = arith.constant 0 : i32
    %dma_wait3A_220 = arith.constant 0 : i32
    %dma_wait3A_221 = tpu.memref_slice %arg17[%dma_wait3A_219, %dma_wait3A_220] : memref<10240x32xf32, #tpu.memory_space<vmem_shared>> -> memref<10240x32xf32, #tpu.memory_space<vmem_shared>>
    tpu.wait_indirect_dma semaphore(%arg18 : memref<!tpu.dma_semaphore, #tpu.memory_space<semaphore_mem>>) src(%dma_wait3A_221 : memref<10240x32xf32, #tpu.memory_space<vmem_shared>>) dst(%arg11 : memref<512x32xf32, #tpu.memory_space<vmem>>)
    %dma_start3A_222 = arith.constant 0 : i32
    %dma_start3A_223 = arith.constant 0 : i32
    %dma_start3A_224 = tpu.memref_slice %arg10[%dma_start3A_222, %dma_start3A_223] : memref<20x512xi32, #tpu.memory_space<vmem>> -> memref<1x512xi32, #tpu.memory_space<vmem>>
    %dma_start3A_225 = tpu.memref_squeeze %dma_start3A_224 : memref<1x512xi32, #tpu.memory_space<vmem>> -> memref<512xi32, #tpu.memory_space<vmem>>
    %dma_start3A_226 = arith.constant 0 : i32
    %dma_start3A_227 = arith.constant 0 : i32
    %dma_start3A_228 = tpu.memref_slice %arg15[%dma_start3A_226, %dma_start3A_227] : memref<10240x32xf32, #tpu.memory_space<vmem_shared>> -> memref<10240x32xf32, #tpu.memory_space<vmem_shared>>
    tpu.enqueue_indirect_dma source(%arg11 : memref<512x32xf32, #tpu.memory_space<vmem>>) target(%dma_start3A_228 : memref<10240x32xf32, #tpu.memory_space<vmem_shared>>) offsets(%dma_start3A_225 : memref<512xi32, #tpu.memory_space<vmem>>) semaphore(%arg18 : memref<!tpu.dma_semaphore, #tpu.memory_space<semaphore_mem>>) {add = true}
    %dma_start3A_229 = arith.constant 0 : i32
    %dma_start3A_230 = arith.constant 0 : i32
    %dma_start3A_231 = tpu.memref_slice %arg10[%dma_start3A_229, %dma_start3A_230] : memref<20x512xi32, #tpu.memory_space<vmem>> -> memref<1x512xi32, #tpu.memory_space<vmem>>
    %dma_start3A_232 = tpu.memref_squeeze %dma_start3A_231 : memref<1x512xi32, #tpu.memory_space<vmem>> -> memref<512xi32, #tpu.memory_space<vmem>>
    %dma_start3A_233 = arith.constant 0 : i32
    %dma_start3A_234 = tpu.memref_slice %arg16[%dma_start3A_233] : memref<10240xf32, #tpu.memory_space<vmem_shared>> -> memref<10240xf32, #tpu.memory_space<vmem_shared>>
    tpu.enqueue_indirect_dma source(%arg14 : memref<512xf32, #tpu.memory_space<vmem>>) target(%dma_start3A_234 : memref<10240xf32, #tpu.memory_space<vmem_shared>>) offsets(%dma_start3A_232 : memref<512xi32, #tpu.memory_space<vmem>>) semaphore(%arg21 : memref<!tpu.dma_semaphore, #tpu.memory_space<semaphore_mem>>) {add = true}
    %dma_start3A_235 = arith.constant 2 : i32
    %dma_start3A_236 = arith.constant 0 : i32
    %dma_start3A_237 = tpu.memref_slice %arg9[%dma_start3A_235, %dma_start3A_236] : memref<20x512xi32, #tpu.memory_space<vmem>> -> memref<1x512xi32, #tpu.memory_space<vmem>>
    %dma_start3A_238 = tpu.memref_squeeze %dma_start3A_237 : memref<1x512xi32, #tpu.memory_space<vmem>> -> memref<512xi32, #tpu.memory_space<vmem>>
    %dma_start3A_239 = arith.constant 0 : i32
    %dma_start3A_240 = arith.constant 0 : i32
    %dma_start3A_241 = tpu.memref_slice %arg17[%dma_start3A_239, %dma_start3A_240] : memref<10240x32xf32, #tpu.memory_space<vmem_shared>> -> memref<10240x32xf32, #tpu.memory_space<vmem_shared>>
    tpu.enqueue_indirect_dma source(%dma_start3A_241 : memref<10240x32xf32, #tpu.memory_space<vmem_shared>>) target(%arg13 : memref<512x32xf32, #tpu.memory_space<vmem>>) offsets(%dma_start3A_238 : memref<512xi32, #tpu.memory_space<vmem>>) semaphore(%arg20 : memref<!tpu.dma_semaphore, #tpu.memory_space<semaphore_mem>>)
    %dma_wait3A_242 = arith.constant 1 : i32
    %dma_wait3A_243 = arith.constant 0 : i32
    %dma_wait3A_244 = tpu.memref_slice %arg9[%dma_wait3A_242, %dma_wait3A_243] : memref<20x512xi32, #tpu.memory_space<vmem>> -> memref<1x512xi32, #tpu.memory_space<vmem>>
    %dma_wait3A_245 = tpu.memref_squeeze %dma_wait3A_244 : memref<1x512xi32, #tpu.memory_space<vmem>> -> memref<512xi32, #tpu.memory_space<vmem>>
    %dma_wait3A_246 = arith.constant 0 : i32
    %dma_wait3A_247 = arith.constant 0 : i32
    %dma_wait3A_248 = tpu.memref_slice %arg17[%dma_wait3A_246, %dma_wait3A_247] : memref<10240x32xf32, #tpu.memory_space<vmem_shared>> -> memref<10240x32xf32, #tpu.memory_space<vmem_shared>>
    tpu.wait_indirect_dma semaphore(%arg19 : memref<!tpu.dma_semaphore, #tpu.memory_space<semaphore_mem>>) src(%dma_wait3A_248 : memref<10240x32xf32, #tpu.memory_space<vmem_shared>>) dst(%arg12 : memref<512x32xf32, #tpu.memory_space<vmem>>)
    %dma_start3A_249 = arith.constant 1 : i32
    %dma_start3A_250 = arith.constant 0 : i32
    %dma_start3A_251 = tpu.memref_slice %arg10[%dma_start3A_249, %dma_start3A_250] : memref<20x512xi32, #tpu.memory_space<vmem>> -> memref<1x512xi32, #tpu.memory_space<vmem>>
    %dma_start3A_252 = tpu.memref_squeeze %dma_start3A_251 : memref<1x512xi32, #tpu.memory_space<vmem>> -> memref<512xi32, #tpu.memory_space<vmem>>
    %dma_start3A_253 = arith.constant 0 : i32
    %dma_start3A_254 = arith.constant 0 : i32
    %dma_start3A_255 = tpu.memref_slice %arg15[%dma_start3A_253, %dma_start3A_254] : memref<10240x32xf32, #tpu.memory_space<vmem_shared>> -> memref<10240x32xf32, #tpu.memory_space<vmem_shared>>
    tpu.enqueue_indirect_dma source(%arg12 : memref<512x32xf32, #tpu.memory_space<vmem>>) target(%dma_start3A_255 : memref<10240x32xf32, #tpu.memory_space<vmem_shared>>) offsets(%dma_start3A_252 : memref<512xi32, #tpu.memory_space<vmem>>) semaphore(%arg19 : memref<!tpu.dma_semaphore, #tpu.memory_space<semaphore_mem>>) {add = true}
    %dma_start3A_256 = arith.constant 1 : i32
    %dma_start3A_257 = arith.constant 0 : i32
    %dma_start3A_258 = tpu.memref_slice %arg10[%dma_start3A_256, %dma_start3A_257] : memref<20x512xi32, #tpu.memory_space<vmem>> -> memref<1x512xi32, #tpu.memory_space<vmem>>
    %dma_start3A_259 = tpu.memref_squeeze %dma_start3A_258 : memref<1x512xi32, #tpu.memory_space<vmem>> -> memref<512xi32, #tpu.memory_space<vmem>>
    %dma_start3A_260 = arith.constant 0 : i32
    %dma_start3A_261 = tpu.memref_slice %arg16[%dma_start3A_260] : memref<10240xf32, #tpu.memory_space<vmem_shared>> -> memref<10240xf32, #tpu.memory_space<vmem_shared>>
    tpu.enqueue_indirect_dma source(%arg14 : memref<512xf32, #tpu.memory_space<vmem>>) target(%dma_start3A_261 : memref<10240xf32, #tpu.memory_space<vmem_shared>>) offsets(%dma_start3A_259 : memref<512xi32, #tpu.memory_space<vmem>>) semaphore(%arg21 : memref<!tpu.dma_semaphore, #tpu.memory_space<semaphore_mem>>) {add = true}
    %dma_wait3A_262 = arith.constant 1 : i32
    %dma_wait3A_263 = arith.constant 0 : i32
    %dma_wait3A_264 = tpu.memref_slice %arg10[%dma_wait3A_262, %dma_wait3A_263] : memref<20x512xi32, #tpu.memory_space<vmem>> -> memref<1x512xi32, #tpu.memory_space<vmem>>
    %dma_wait3A_265 = tpu.memref_squeeze %dma_wait3A_264 : memref<1x512xi32, #tpu.memory_space<vmem>> -> memref<512xi32, #tpu.memory_space<vmem>>
    %dma_wait3A_266 = arith.constant 0 : i32
    %dma_wait3A_267 = arith.constant 0 : i32
    %dma_wait3A_268 = tpu.memref_slice %arg15[%dma_wait3A_266, %dma_wait3A_267] : memref<10240x32xf32, #tpu.memory_space<vmem_shared>> -> memref<10240x32xf32, #tpu.memory_space<vmem_shared>>
    tpu.wait_indirect_dma semaphore(%arg18 : memref<!tpu.dma_semaphore, #tpu.memory_space<semaphore_mem>>) src(%arg11 : memref<512x32xf32, #tpu.memory_space<vmem>>) dst(%dma_wait3A_268 : memref<10240x32xf32, #tpu.memory_space<vmem_shared>>)
    %dma_start3A_269 = arith.constant 3 : i32
    %dma_start3A_270 = arith.constant 0 : i32
    %dma_start3A_271 = tpu.memref_slice %arg9[%dma_start3A_269, %dma_start3A_270] : memref<20x512xi32, #tpu.memory_space<vmem>> -> memref<1x512xi32, #tpu.memory_space<vmem>>
    %dma_start3A_272 = tpu.memref_squeeze %dma_start3A_271 : memref<1x512xi32, #tpu.memory_space<vmem>> -> memref<512xi32, #tpu.memory_space<vmem>>
    %dma_start3A_273 = arith.constant 0 : i32
    %dma_start3A_274 = arith.constant 0 : i32
    %dma_start3A_275 = tpu.memref_slice %arg17[%dma_start3A_273, %dma_start3A_274] : memref<10240x32xf32, #tpu.memory_space<vmem_shared>> -> memref<10240x32xf32, #tpu.memory_space<vmem_shared>>
    tpu.enqueue_indirect_dma source(%dma_start3A_275 : memref<10240x32xf32, #tpu.memory_space<vmem_shared>>) target(%arg11 : memref<512x32xf32, #tpu.memory_space<vmem>>) offsets(%dma_start3A_272 : memref<512xi32, #tpu.memory_space<vmem>>) semaphore(%arg18 : memref<!tpu.dma_semaphore, #tpu.memory_space<semaphore_mem>>)
    %dma_wait3A_276 = arith.constant 2 : i32
    %dma_wait3A_277 = arith.constant 0 : i32
    %dma_wait3A_278 = tpu.memref_slice %arg9[%dma_wait3A_276, %dma_wait3A_277] : memref<20x512xi32, #tpu.memory_space<vmem>> -> memref<1x512xi32, #tpu.memory_space<vmem>>
    %dma_wait3A_279 = tpu.memref_squeeze %dma_wait3A_278 : memref<1x512xi32, #tpu.memory_space<vmem>> -> memref<512xi32, #tpu.memory_space<vmem>>
    %dma_wait3A_280 = arith.constant 0 : i32
    %dma_wait3A_281 = arith.constant 0 : i32
    %dma_wait3A_282 = tpu.memref_slice %arg17[%dma_wait3A_280, %dma_wait3A_281] : memref<10240x32xf32, #tpu.memory_space<vmem_shared>> -> memref<10240x32xf32, #tpu.memory_space<vmem_shared>>
    tpu.wait_indirect_dma semaphore(%arg20 : memref<!tpu.dma_semaphore, #tpu.memory_space<semaphore_mem>>) src(%dma_wait3A_282 : memref<10240x32xf32, #tpu.memory_space<vmem_shared>>) dst(%arg13 : memref<512x32xf32, #tpu.memory_space<vmem>>)
    %dma_start3A_283 = arith.constant 2 : i32
    %dma_start3A_284 = arith.constant 0 : i32
    %dma_start3A_285 = tpu.memref_slice %arg10[%dma_start3A_283, %dma_start3A_284] : memref<20x512xi32, #tpu.memory_space<vmem>> -> memref<1x512xi32, #tpu.memory_space<vmem>>
    %dma_start3A_286 = tpu.memref_squeeze %dma_start3A_285 : memref<1x512xi32, #tpu.memory_space<vmem>> -> memref<512xi32, #tpu.memory_space<vmem>>
    %dma_start3A_287 = arith.constant 0 : i32
    %dma_start3A_288 = arith.constant 0 : i32
    %dma_start3A_289 = tpu.memref_slice %arg15[%dma_start3A_287, %dma_start3A_288] : memref<10240x32xf32, #tpu.memory_space<vmem_shared>> -> memref<10240x32xf32, #tpu.memory_space<vmem_shared>>
    tpu.enqueue_indirect_dma source(%arg13 : memref<512x32xf32, #tpu.memory_space<vmem>>) target(%dma_start3A_289 : memref<10240x32xf32, #tpu.memory_space<vmem_shared>>) offsets(%dma_start3A_286 : memref<512xi32, #tpu.memory_space<vmem>>) semaphore(%arg20 : memref<!tpu.dma_semaphore, #tpu.memory_space<semaphore_mem>>) {add = true}
    %dma_start3A_290 = arith.constant 2 : i32
    %dma_start3A_291 = arith.constant 0 : i32
    %dma_start3A_292 = tpu.memref_slice %arg10[%dma_start3A_290, %dma_start3A_291] : memref<20x512xi32, #tpu.memory_space<vmem>> -> memref<1x512xi32, #tpu.memory_space<vmem>>
    %dma_start3A_293 = tpu.memref_squeeze %dma_start3A_292 : memref<1x512xi32, #tpu.memory_space<vmem>> -> memref<512xi32, #tpu.memory_space<vmem>>
    %dma_start3A_294 = arith.constant 0 : i32
    %dma_start3A_295 = tpu.memref_slice %arg16[%dma_start3A_294] : memref<10240xf32, #tpu.memory_space<vmem_shared>> -> memref<10240xf32, #tpu.memory_space<vmem_shared>>
    tpu.enqueue_indirect_dma source(%arg14 : memref<512xf32, #tpu.memory_space<vmem>>) target(%dma_start3A_295 : memref<10240xf32, #tpu.memory_space<vmem_shared>>) offsets(%dma_start3A_293 : memref<512xi32, #tpu.memory_space<vmem>>) semaphore(%arg21 : memref<!tpu.dma_semaphore, #tpu.memory_space<semaphore_mem>>) {add = true}
    %dma_wait3A_296 = arith.constant 2 : i32
    %dma_wait3A_297 = arith.constant 0 : i32
    %dma_wait3A_298 = tpu.memref_slice %arg10[%dma_wait3A_296, %dma_wait3A_297] : memref<20x512xi32, #tpu.memory_space<vmem>> -> memref<1x512xi32, #tpu.memory_space<vmem>>
    %dma_wait3A_299 = tpu.memref_squeeze %dma_wait3A_298 : memref<1x512xi32, #tpu.memory_space<vmem>> -> memref<512xi32, #tpu.memory_space<vmem>>
    %dma_wait3A_300 = arith.constant 0 : i32
    %dma_wait3A_301 = arith.constant 0 : i32
    %dma_wait3A_302 = tpu.memref_slice %arg15[%dma_wait3A_300, %dma_wait3A_301] : memref<10240x32xf32, #tpu.memory_space<vmem_shared>> -> memref<10240x32xf32, #tpu.memory_space<vmem_shared>>
    tpu.wait_indirect_dma semaphore(%arg19 : memref<!tpu.dma_semaphore, #tpu.memory_space<semaphore_mem>>) src(%arg12 : memref<512x32xf32, #tpu.memory_space<vmem>>) dst(%dma_wait3A_302 : memref<10240x32xf32, #tpu.memory_space<vmem_shared>>)
    %dma_start3A_303 = arith.constant 4 : i32
    %dma_start3A_304 = arith.constant 0 : i32
    %dma_start3A_305 = tpu.memref_slice %arg9[%dma_start3A_303, %dma_start3A_304] : memref<20x512xi32, #tpu.memory_space<vmem>> -> memref<1x512xi32, #tpu.memory_space<vmem>>
    %dma_start3A_306 = tpu.memref_squeeze %dma_start3A_305 : memref<1x512xi32, #tpu.memory_space<vmem>> -> memref<512xi32, #tpu.memory_space<vmem>>
    %dma_start3A_307 = arith.constant 0 : i32
    %dma_start3A_308 = arith.constant 0 : i32
    %dma_start3A_309 = tpu.memref_slice %arg17[%dma_start3A_307, %dma_start3A_308] : memref<10240x32xf32, #tpu.memory_space<vmem_shared>> -> memref<10240x32xf32, #tpu.memory_space<vmem_shared>>
    tpu.enqueue_indirect_dma source(%dma_start3A_309 : memref<10240x32xf32, #tpu.memory_space<vmem_shared>>) target(%arg12 : memref<512x32xf32, #tpu.memory_space<vmem>>) offsets(%dma_start3A_306 : memref<512xi32, #tpu.memory_space<vmem>>) semaphore(%arg19 : memref<!tpu.dma_semaphore, #tpu.memory_space<semaphore_mem>>)
    %dma_wait3A_310 = arith.constant 3 : i32
    %dma_wait3A_311 = arith.constant 0 : i32
    %dma_wait3A_312 = tpu.memref_slice %arg9[%dma_wait3A_310, %dma_wait3A_311] : memref<20x512xi32, #tpu.memory_space<vmem>> -> memref<1x512xi32, #tpu.memory_space<vmem>>
    %dma_wait3A_313 = tpu.memref_squeeze %dma_wait3A_312 : memref<1x512xi32, #tpu.memory_space<vmem>> -> memref<512xi32, #tpu.memory_space<vmem>>
    %dma_wait3A_314 = arith.constant 0 : i32
    %dma_wait3A_315 = arith.constant 0 : i32
    %dma_wait3A_316 = tpu.memref_slice %arg17[%dma_wait3A_314, %dma_wait3A_315] : memref<10240x32xf32, #tpu.memory_space<vmem_shared>> -> memref<10240x32xf32, #tpu.memory_space<vmem_shared>>
    tpu.wait_indirect_dma semaphore(%arg18 : memref<!tpu.dma_semaphore, #tpu.memory_space<semaphore_mem>>) src(%dma_wait3A_316 : memref<10240x32xf32, #tpu.memory_space<vmem_shared>>) dst(%arg11 : memref<512x32xf32, #tpu.memory_space<vmem>>)
    %dma_start3A_317 = arith.constant 3 : i32
    %dma_start3A_318 = arith.constant 0 : i32
    %dma_start3A_319 = tpu.memref_slice %arg10[%dma_start3A_317, %dma_start3A_318] : memref<20x512xi32, #tpu.memory_space<vmem>> -> memref<1x512xi32, #tpu.memory_space<vmem>>
    %dma_start3A_320 = tpu.memref_squeeze %dma_start3A_319 : memref<1x512xi32, #tpu.memory_space<vmem>> -> memref<512xi32, #tpu.memory_space<vmem>>
    %dma_start3A_321 = arith.constant 0 : i32
    %dma_start3A_322 = arith.constant 0 : i32
    %dma_start3A_323 = tpu.memref_slice %arg15[%dma_start3A_321, %dma_start3A_322] : memref<10240x32xf32, #tpu.memory_space<vmem_shared>> -> memref<10240x32xf32, #tpu.memory_space<vmem_shared>>
    tpu.enqueue_indirect_dma source(%arg11 : memref<512x32xf32, #tpu.memory_space<vmem>>) target(%dma_start3A_323 : memref<10240x32xf32, #tpu.memory_space<vmem_shared>>) offsets(%dma_start3A_320 : memref<512xi32, #tpu.memory_space<vmem>>) semaphore(%arg18 : memref<!tpu.dma_semaphore, #tpu.memory_space<semaphore_mem>>) {add = true}
    %dma_start3A_324 = arith.constant 3 : i32
    %dma_start3A_325 = arith.constant 0 : i32
    %dma_start3A_326 = tpu.memref_slice %arg10[%dma_start3A_324, %dma_start3A_325] : memref<20x512xi32, #tpu.memory_space<vmem>> -> memref<1x512xi32, #tpu.memory_space<vmem>>
    %dma_start3A_327 = tpu.memref_squeeze %dma_start3A_326 : memref<1x512xi32, #tpu.memory_space<vmem>> -> memref<512xi32, #tpu.memory_space<vmem>>
    %dma_start3A_328 = arith.constant 0 : i32
    %dma_start3A_329 = tpu.memref_slice %arg16[%dma_start3A_328] : memref<10240xf32, #tpu.memory_space<vmem_shared>> -> memref<10240xf32, #tpu.memory_space<vmem_shared>>
    tpu.enqueue_indirect_dma source(%arg14 : memref<512xf32, #tpu.memory_space<vmem>>) target(%dma_start3A_329 : memref<10240xf32, #tpu.memory_space<vmem_shared>>) offsets(%dma_start3A_327 : memref<512xi32, #tpu.memory_space<vmem>>) semaphore(%arg21 : memref<!tpu.dma_semaphore, #tpu.memory_space<semaphore_mem>>) {add = true}
    %dma_wait3A_330 = arith.constant 3 : i32
    %dma_wait3A_331 = arith.constant 0 : i32
    %dma_wait3A_332 = tpu.memref_slice %arg10[%dma_wait3A_330, %dma_wait3A_331] : memref<20x512xi32, #tpu.memory_space<vmem>> -> memref<1x512xi32, #tpu.memory_space<vmem>>
    %dma_wait3A_333 = tpu.memref_squeeze %dma_wait3A_332 : memref<1x512xi32, #tpu.memory_space<vmem>> -> memref<512xi32, #tpu.memory_space<vmem>>
    %dma_wait3A_334 = arith.constant 0 : i32
    %dma_wait3A_335 = arith.constant 0 : i32
    %dma_wait3A_336 = tpu.memref_slice %arg15[%dma_wait3A_334, %dma_wait3A_335] : memref<10240x32xf32, #tpu.memory_space<vmem_shared>> -> memref<10240x32xf32, #tpu.memory_space<vmem_shared>>
    tpu.wait_indirect_dma semaphore(%arg20 : memref<!tpu.dma_semaphore, #tpu.memory_space<semaphore_mem>>) src(%arg13 : memref<512x32xf32, #tpu.memory_space<vmem>>) dst(%dma_wait3A_336 : memref<10240x32xf32, #tpu.memory_space<vmem_shared>>)
    %dma_start3A_337 = arith.constant 5 : i32
    %dma_start3A_338 = arith.constant 0 : i32
    %dma_start3A_339 = tpu.memref_slice %arg9[%dma_start3A_337, %dma_start3A_338] : memref<20x512xi32, #tpu.memory_space<vmem>> -> memref<1x512xi32, #tpu.memory_space<vmem>>
    %dma_start3A_340 = tpu.memref_squeeze %dma_start3A_339 : memref<1x512xi32, #tpu.memory_space<vmem>> -> memref<512xi32, #tpu.memory_space<vmem>>
    %dma_start3A_341 = arith.constant 0 : i32
    %dma_start3A_342 = arith.constant 0 : i32
    %dma_start3A_343 = tpu.memref_slice %arg17[%dma_start3A_341, %dma_start3A_342] : memref<10240x32xf32, #tpu.memory_space<vmem_shared>> -> memref<10240x32xf32, #tpu.memory_space<vmem_shared>>
    tpu.enqueue_indirect_dma source(%dma_start3A_343 : memref<10240x32xf32, #tpu.memory_space<vmem_shared>>) target(%arg13 : memref<512x32xf32, #tpu.memory_space<vmem>>) offsets(%dma_start3A_340 : memref<512xi32, #tpu.memory_space<vmem>>) semaphore(%arg20 : memref<!tpu.dma_semaphore, #tpu.memory_space<semaphore_mem>>)
    %dma_wait3A_344 = arith.constant 4 : i32
    %dma_wait3A_345 = arith.constant 0 : i32
    %dma_wait3A_346 = tpu.memref_slice %arg9[%dma_wait3A_344, %dma_wait3A_345] : memref<20x512xi32, #tpu.memory_space<vmem>> -> memref<1x512xi32, #tpu.memory_space<vmem>>
    %dma_wait3A_347 = tpu.memref_squeeze %dma_wait3A_346 : memref<1x512xi32, #tpu.memory_space<vmem>> -> memref<512xi32, #tpu.memory_space<vmem>>
    %dma_wait3A_348 = arith.constant 0 : i32
    %dma_wait3A_349 = arith.constant 0 : i32
    %dma_wait3A_350 = tpu.memref_slice %arg17[%dma_wait3A_348, %dma_wait3A_349] : memref<10240x32xf32, #tpu.memory_space<vmem_shared>> -> memref<10240x32xf32, #tpu.memory_space<vmem_shared>>
    tpu.wait_indirect_dma semaphore(%arg19 : memref<!tpu.dma_semaphore, #tpu.memory_space<semaphore_mem>>) src(%dma_wait3A_350 : memref<10240x32xf32, #tpu.memory_space<vmem_shared>>) dst(%arg12 : memref<512x32xf32, #tpu.memory_space<vmem>>)
    %dma_start3A_351 = arith.constant 4 : i32
    %dma_start3A_352 = arith.constant 0 : i32
    %dma_start3A_353 = tpu.memref_slice %arg10[%dma_start3A_351, %dma_start3A_352] : memref<20x512xi32, #tpu.memory_space<vmem>> -> memref<1x512xi32, #tpu.memory_space<vmem>>
    %dma_start3A_354 = tpu.memref_squeeze %dma_start3A_353 : memref<1x512xi32, #tpu.memory_space<vmem>> -> memref<512xi32, #tpu.memory_space<vmem>>
    %dma_start3A_355 = arith.constant 0 : i32
    %dma_start3A_356 = arith.constant 0 : i32
    %dma_start3A_357 = tpu.memref_slice %arg15[%dma_start3A_355, %dma_start3A_356] : memref<10240x32xf32, #tpu.memory_space<vmem_shared>> -> memref<10240x32xf32, #tpu.memory_space<vmem_shared>>
    tpu.enqueue_indirect_dma source(%arg12 : memref<512x32xf32, #tpu.memory_space<vmem>>) target(%dma_start3A_357 : memref<10240x32xf32, #tpu.memory_space<vmem_shared>>) offsets(%dma_start3A_354 : memref<512xi32, #tpu.memory_space<vmem>>) semaphore(%arg19 : memref<!tpu.dma_semaphore, #tpu.memory_space<semaphore_mem>>) {add = true}
    %dma_start3A_358 = arith.constant 4 : i32
    %dma_start3A_359 = arith.constant 0 : i32
    %dma_start3A_360 = tpu.memref_slice %arg10[%dma_start3A_358, %dma_start3A_359] : memref<20x512xi32, #tpu.memory_space<vmem>> -> memref<1x512xi32, #tpu.memory_space<vmem>>
    %dma_start3A_361 = tpu.memref_squeeze %dma_start3A_360 : memref<1x512xi32, #tpu.memory_space<vmem>> -> memref<512xi32, #tpu.memory_space<vmem>>
    %dma_start3A_362 = arith.constant 0 : i32
    %dma_start3A_363 = tpu.memref_slice %arg16[%dma_start3A_362] : memref<10240xf32, #tpu.memory_space<vmem_shared>> -> memref<10240xf32, #tpu.memory_space<vmem_shared>>
    tpu.enqueue_indirect_dma source(%arg14 : memref<512xf32, #tpu.memory_space<vmem>>) target(%dma_start3A_363 : memref<10240xf32, #tpu.memory_space<vmem_shared>>) offsets(%dma_start3A_361 : memref<512xi32, #tpu.memory_space<vmem>>) semaphore(%arg21 : memref<!tpu.dma_semaphore, #tpu.memory_space<semaphore_mem>>) {add = true}
    %dma_wait3A_364 = arith.constant 4 : i32
    %dma_wait3A_365 = arith.constant 0 : i32
    %dma_wait3A_366 = tpu.memref_slice %arg10[%dma_wait3A_364, %dma_wait3A_365] : memref<20x512xi32, #tpu.memory_space<vmem>> -> memref<1x512xi32, #tpu.memory_space<vmem>>
    %dma_wait3A_367 = tpu.memref_squeeze %dma_wait3A_366 : memref<1x512xi32, #tpu.memory_space<vmem>> -> memref<512xi32, #tpu.memory_space<vmem>>
    %dma_wait3A_368 = arith.constant 0 : i32
    %dma_wait3A_369 = arith.constant 0 : i32
    %dma_wait3A_370 = tpu.memref_slice %arg15[%dma_wait3A_368, %dma_wait3A_369] : memref<10240x32xf32, #tpu.memory_space<vmem_shared>> -> memref<10240x32xf32, #tpu.memory_space<vmem_shared>>
    tpu.wait_indirect_dma semaphore(%arg18 : memref<!tpu.dma_semaphore, #tpu.memory_space<semaphore_mem>>) src(%arg11 : memref<512x32xf32, #tpu.memory_space<vmem>>) dst(%dma_wait3A_370 : memref<10240x32xf32, #tpu.memory_space<vmem_shared>>)
    %dma_start3A_371 = arith.constant 6 : i32
    %dma_start3A_372 = arith.constant 0 : i32
    %dma_start3A_373 = tpu.memref_slice %arg9[%dma_start3A_371, %dma_start3A_372] : memref<20x512xi32, #tpu.memory_space<vmem>> -> memref<1x512xi32, #tpu.memory_space<vmem>>
    %dma_start3A_374 = tpu.memref_squeeze %dma_start3A_373 : memref<1x512xi32, #tpu.memory_space<vmem>> -> memref<512xi32, #tpu.memory_space<vmem>>
    %dma_start3A_375 = arith.constant 0 : i32
    %dma_start3A_376 = arith.constant 0 : i32
    %dma_start3A_377 = tpu.memref_slice %arg17[%dma_start3A_375, %dma_start3A_376] : memref<10240x32xf32, #tpu.memory_space<vmem_shared>> -> memref<10240x32xf32, #tpu.memory_space<vmem_shared>>
    tpu.enqueue_indirect_dma source(%dma_start3A_377 : memref<10240x32xf32, #tpu.memory_space<vmem_shared>>) target(%arg11 : memref<512x32xf32, #tpu.memory_space<vmem>>) offsets(%dma_start3A_374 : memref<512xi32, #tpu.memory_space<vmem>>) semaphore(%arg18 : memref<!tpu.dma_semaphore, #tpu.memory_space<semaphore_mem>>)
    %dma_wait3A_378 = arith.constant 5 : i32
    %dma_wait3A_379 = arith.constant 0 : i32
    %dma_wait3A_380 = tpu.memref_slice %arg9[%dma_wait3A_378, %dma_wait3A_379] : memref<20x512xi32, #tpu.memory_space<vmem>> -> memref<1x512xi32, #tpu.memory_space<vmem>>
    %dma_wait3A_381 = tpu.memref_squeeze %dma_wait3A_380 : memref<1x512xi32, #tpu.memory_space<vmem>> -> memref<512xi32, #tpu.memory_space<vmem>>
    %dma_wait3A_382 = arith.constant 0 : i32
    %dma_wait3A_383 = arith.constant 0 : i32
    %dma_wait3A_384 = tpu.memref_slice %arg17[%dma_wait3A_382, %dma_wait3A_383] : memref<10240x32xf32, #tpu.memory_space<vmem_shared>> -> memref<10240x32xf32, #tpu.memory_space<vmem_shared>>
    tpu.wait_indirect_dma semaphore(%arg20 : memref<!tpu.dma_semaphore, #tpu.memory_space<semaphore_mem>>) src(%dma_wait3A_384 : memref<10240x32xf32, #tpu.memory_space<vmem_shared>>) dst(%arg13 : memref<512x32xf32, #tpu.memory_space<vmem>>)
    %dma_start3A_385 = arith.constant 5 : i32
    %dma_start3A_386 = arith.constant 0 : i32
    %dma_start3A_387 = tpu.memref_slice %arg10[%dma_start3A_385, %dma_start3A_386] : memref<20x512xi32, #tpu.memory_space<vmem>> -> memref<1x512xi32, #tpu.memory_space<vmem>>
    %dma_start3A_388 = tpu.memref_squeeze %dma_start3A_387 : memref<1x512xi32, #tpu.memory_space<vmem>> -> memref<512xi32, #tpu.memory_space<vmem>>
    %dma_start3A_389 = arith.constant 0 : i32
    %dma_start3A_390 = arith.constant 0 : i32
    %dma_start3A_391 = tpu.memref_slice %arg15[%dma_start3A_389, %dma_start3A_390] : memref<10240x32xf32, #tpu.memory_space<vmem_shared>> -> memref<10240x32xf32, #tpu.memory_space<vmem_shared>>
    tpu.enqueue_indirect_dma source(%arg13 : memref<512x32xf32, #tpu.memory_space<vmem>>) target(%dma_start3A_391 : memref<10240x32xf32, #tpu.memory_space<vmem_shared>>) offsets(%dma_start3A_388 : memref<512xi32, #tpu.memory_space<vmem>>) semaphore(%arg20 : memref<!tpu.dma_semaphore, #tpu.memory_space<semaphore_mem>>) {add = true}
    %dma_start3A_392 = arith.constant 5 : i32
    %dma_start3A_393 = arith.constant 0 : i32
    %dma_start3A_394 = tpu.memref_slice %arg10[%dma_start3A_392, %dma_start3A_393] : memref<20x512xi32, #tpu.memory_space<vmem>> -> memref<1x512xi32, #tpu.memory_space<vmem>>
    %dma_start3A_395 = tpu.memref_squeeze %dma_start3A_394 : memref<1x512xi32, #tpu.memory_space<vmem>> -> memref<512xi32, #tpu.memory_space<vmem>>
    %dma_start3A_396 = arith.constant 0 : i32
    %dma_start3A_397 = tpu.memref_slice %arg16[%dma_start3A_396] : memref<10240xf32, #tpu.memory_space<vmem_shared>> -> memref<10240xf32, #tpu.memory_space<vmem_shared>>
    tpu.enqueue_indirect_dma source(%arg14 : memref<512xf32, #tpu.memory_space<vmem>>) target(%dma_start3A_397 : memref<10240xf32, #tpu.memory_space<vmem_shared>>) offsets(%dma_start3A_395 : memref<512xi32, #tpu.memory_space<vmem>>) semaphore(%arg21 : memref<!tpu.dma_semaphore, #tpu.memory_space<semaphore_mem>>) {add = true}
    %dma_wait3A_398 = arith.constant 5 : i32
    %dma_wait3A_399 = arith.constant 0 : i32
    %dma_wait3A_400 = tpu.memref_slice %arg10[%dma_wait3A_398, %dma_wait3A_399] : memref<20x512xi32, #tpu.memory_space<vmem>> -> memref<1x512xi32, #tpu.memory_space<vmem>>
    %dma_wait3A_401 = tpu.memref_squeeze %dma_wait3A_400 : memref<1x512xi32, #tpu.memory_space<vmem>> -> memref<512xi32, #tpu.memory_space<vmem>>
    %dma_wait3A_402 = arith.constant 0 : i32
    %dma_wait3A_403 = arith.constant 0 : i32
    %dma_wait3A_404 = tpu.memref_slice %arg15[%dma_wait3A_402, %dma_wait3A_403] : memref<10240x32xf32, #tpu.memory_space<vmem_shared>> -> memref<10240x32xf32, #tpu.memory_space<vmem_shared>>
    tpu.wait_indirect_dma semaphore(%arg19 : memref<!tpu.dma_semaphore, #tpu.memory_space<semaphore_mem>>) src(%arg12 : memref<512x32xf32, #tpu.memory_space<vmem>>) dst(%dma_wait3A_404 : memref<10240x32xf32, #tpu.memory_space<vmem_shared>>)
    %dma_start3A_405 = arith.constant 7 : i32
    %dma_start3A_406 = arith.constant 0 : i32
    %dma_start3A_407 = tpu.memref_slice %arg9[%dma_start3A_405, %dma_start3A_406] : memref<20x512xi32, #tpu.memory_space<vmem>> -> memref<1x512xi32, #tpu.memory_space<vmem>>
    %dma_start3A_408 = tpu.memref_squeeze %dma_start3A_407 : memref<1x512xi32, #tpu.memory_space<vmem>> -> memref<512xi32, #tpu.memory_space<vmem>>
    %dma_start3A_409 = arith.constant 0 : i32
    %dma_start3A_410 = arith.constant 0 : i32
    %dma_start3A_411 = tpu.memref_slice %arg17[%dma_start3A_409, %dma_start3A_410] : memref<10240x32xf32, #tpu.memory_space<vmem_shared>> -> memref<10240x32xf32, #tpu.memory_space<vmem_shared>>
    tpu.enqueue_indirect_dma source(%dma_start3A_411 : memref<10240x32xf32, #tpu.memory_space<vmem_shared>>) target(%arg12 : memref<512x32xf32, #tpu.memory_space<vmem>>) offsets(%dma_start3A_408 : memref<512xi32, #tpu.memory_space<vmem>>) semaphore(%arg19 : memref<!tpu.dma_semaphore, #tpu.memory_space<semaphore_mem>>)
    %dma_wait3A_412 = arith.constant 6 : i32
    %dma_wait3A_413 = arith.constant 0 : i32
    %dma_wait3A_414 = tpu.memref_slice %arg9[%dma_wait3A_412, %dma_wait3A_413] : memref<20x512xi32, #tpu.memory_space<vmem>> -> memref<1x512xi32, #tpu.memory_space<vmem>>
    %dma_wait3A_415 = tpu.memref_squeeze %dma_wait3A_414 : memref<1x512xi32, #tpu.memory_space<vmem>> -> memref<512xi32, #tpu.memory_space<vmem>>
    %dma_wait3A_416 = arith.constant 0 : i32
    %dma_wait3A_417 = arith.constant 0 : i32
    %dma_wait3A_418 = tpu.memref_slice %arg17[%dma_wait3A_416, %dma_wait3A_417] : memref<10240x32xf32, #tpu.memory_space<vmem_shared>> -> memref<10240x32xf32, #tpu.memory_space<vmem_shared>>
    tpu.wait_indirect_dma semaphore(%arg18 : memref<!tpu.dma_semaphore, #tpu.memory_space<semaphore_mem>>) src(%dma_wait3A_418 : memref<10240x32xf32, #tpu.memory_space<vmem_shared>>) dst(%arg11 : memref<512x32xf32, #tpu.memory_space<vmem>>)
    %dma_start3A_419 = arith.constant 6 : i32
    %dma_start3A_420 = arith.constant 0 : i32
    %dma_start3A_421 = tpu.memref_slice %arg10[%dma_start3A_419, %dma_start3A_420] : memref<20x512xi32, #tpu.memory_space<vmem>> -> memref<1x512xi32, #tpu.memory_space<vmem>>
    %dma_start3A_422 = tpu.memref_squeeze %dma_start3A_421 : memref<1x512xi32, #tpu.memory_space<vmem>> -> memref<512xi32, #tpu.memory_space<vmem>>
    %dma_start3A_423 = arith.constant 0 : i32
    %dma_start3A_424 = arith.constant 0 : i32
    %dma_start3A_425 = tpu.memref_slice %arg15[%dma_start3A_423, %dma_start3A_424] : memref<10240x32xf32, #tpu.memory_space<vmem_shared>> -> memref<10240x32xf32, #tpu.memory_space<vmem_shared>>
    tpu.enqueue_indirect_dma source(%arg11 : memref<512x32xf32, #tpu.memory_space<vmem>>) target(%dma_start3A_425 : memref<10240x32xf32, #tpu.memory_space<vmem_shared>>) offsets(%dma_start3A_422 : memref<512xi32, #tpu.memory_space<vmem>>) semaphore(%arg18 : memref<!tpu.dma_semaphore, #tpu.memory_space<semaphore_mem>>) {add = true}
    %dma_start3A_426 = arith.constant 6 : i32
    %dma_start3A_427 = arith.constant 0 : i32
    %dma_start3A_428 = tpu.memref_slice %arg10[%dma_start3A_426, %dma_start3A_427] : memref<20x512xi32, #tpu.memory_space<vmem>> -> memref<1x512xi32, #tpu.memory_space<vmem>>
    %dma_start3A_429 = tpu.memref_squeeze %dma_start3A_428 : memref<1x512xi32, #tpu.memory_space<vmem>> -> memref<512xi32, #tpu.memory_space<vmem>>
    %dma_start3A_430 = arith.constant 0 : i32
    %dma_start3A_431 = tpu.memref_slice %arg16[%dma_start3A_430] : memref<10240xf32, #tpu.memory_space<vmem_shared>> -> memref<10240xf32, #tpu.memory_space<vmem_shared>>
    tpu.enqueue_indirect_dma source(%arg14 : memref<512xf32, #tpu.memory_space<vmem>>) target(%dma_start3A_431 : memref<10240xf32, #tpu.memory_space<vmem_shared>>) offsets(%dma_start3A_429 : memref<512xi32, #tpu.memory_space<vmem>>) semaphore(%arg21 : memref<!tpu.dma_semaphore, #tpu.memory_space<semaphore_mem>>) {add = true}
    %dma_wait3A_432 = arith.constant 6 : i32
    %dma_wait3A_433 = arith.constant 0 : i32
    %dma_wait3A_434 = tpu.memref_slice %arg10[%dma_wait3A_432, %dma_wait3A_433] : memref<20x512xi32, #tpu.memory_space<vmem>> -> memref<1x512xi32, #tpu.memory_space<vmem>>
    %dma_wait3A_435 = tpu.memref_squeeze %dma_wait3A_434 : memref<1x512xi32, #tpu.memory_space<vmem>> -> memref<512xi32, #tpu.memory_space<vmem>>
    %dma_wait3A_436 = arith.constant 0 : i32
    %dma_wait3A_437 = arith.constant 0 : i32
    %dma_wait3A_438 = tpu.memref_slice %arg15[%dma_wait3A_436, %dma_wait3A_437] : memref<10240x32xf32, #tpu.memory_space<vmem_shared>> -> memref<10240x32xf32, #tpu.memory_space<vmem_shared>>
    tpu.wait_indirect_dma semaphore(%arg20 : memref<!tpu.dma_semaphore, #tpu.memory_space<semaphore_mem>>) src(%arg13 : memref<512x32xf32, #tpu.memory_space<vmem>>) dst(%dma_wait3A_438 : memref<10240x32xf32, #tpu.memory_space<vmem_shared>>)
    %dma_start3A_439 = arith.constant 8 : i32
    %dma_start3A_440 = arith.constant 0 : i32
    %dma_start3A_441 = tpu.memref_slice %arg9[%dma_start3A_439, %dma_start3A_440] : memref<20x512xi32, #tpu.memory_space<vmem>> -> memref<1x512xi32, #tpu.memory_space<vmem>>
    %dma_start3A_442 = tpu.memref_squeeze %dma_start3A_441 : memref<1x512xi32, #tpu.memory_space<vmem>> -> memref<512xi32, #tpu.memory_space<vmem>>
    %dma_start3A_443 = arith.constant 0 : i32
    %dma_start3A_444 = arith.constant 0 : i32
    %dma_start3A_445 = tpu.memref_slice %arg17[%dma_start3A_443, %dma_start3A_444] : memref<10240x32xf32, #tpu.memory_space<vmem_shared>> -> memref<10240x32xf32, #tpu.memory_space<vmem_shared>>
    tpu.enqueue_indirect_dma source(%dma_start3A_445 : memref<10240x32xf32, #tpu.memory_space<vmem_shared>>) target(%arg13 : memref<512x32xf32, #tpu.memory_space<vmem>>) offsets(%dma_start3A_442 : memref<512xi32, #tpu.memory_space<vmem>>) semaphore(%arg20 : memref<!tpu.dma_semaphore, #tpu.memory_space<semaphore_mem>>)
    %dma_wait3A_446 = arith.constant 7 : i32
    %dma_wait3A_447 = arith.constant 0 : i32
    %dma_wait3A_448 = tpu.memref_slice %arg9[%dma_wait3A_446, %dma_wait3A_447] : memref<20x512xi32, #tpu.memory_space<vmem>> -> memref<1x512xi32, #tpu.memory_space<vmem>>
    %dma_wait3A_449 = tpu.memref_squeeze %dma_wait3A_448 : memref<1x512xi32, #tpu.memory_space<vmem>> -> memref<512xi32, #tpu.memory_space<vmem>>
    %dma_wait3A_450 = arith.constant 0 : i32
    %dma_wait3A_451 = arith.constant 0 : i32
    %dma_wait3A_452 = tpu.memref_slice %arg17[%dma_wait3A_450, %dma_wait3A_451] : memref<10240x32xf32, #tpu.memory_space<vmem_shared>> -> memref<10240x32xf32, #tpu.memory_space<vmem_shared>>
    tpu.wait_indirect_dma semaphore(%arg19 : memref<!tpu.dma_semaphore, #tpu.memory_space<semaphore_mem>>) src(%dma_wait3A_452 : memref<10240x32xf32, #tpu.memory_space<vmem_shared>>) dst(%arg12 : memref<512x32xf32, #tpu.memory_space<vmem>>)
    %dma_start3A_453 = arith.constant 7 : i32
    %dma_start3A_454 = arith.constant 0 : i32
    %dma_start3A_455 = tpu.memref_slice %arg10[%dma_start3A_453, %dma_start3A_454] : memref<20x512xi32, #tpu.memory_space<vmem>> -> memref<1x512xi32, #tpu.memory_space<vmem>>
    %dma_start3A_456 = tpu.memref_squeeze %dma_start3A_455 : memref<1x512xi32, #tpu.memory_space<vmem>> -> memref<512xi32, #tpu.memory_space<vmem>>
    %dma_start3A_457 = arith.constant 0 : i32
    %dma_start3A_458 = arith.constant 0 : i32
    %dma_start3A_459 = tpu.memref_slice %arg15[%dma_start3A_457, %dma_start3A_458] : memref<10240x32xf32, #tpu.memory_space<vmem_shared>> -> memref<10240x32xf32, #tpu.memory_space<vmem_shared>>
    tpu.enqueue_indirect_dma source(%arg12 : memref<512x32xf32, #tpu.memory_space<vmem>>) target(%dma_start3A_459 : memref<10240x32xf32, #tpu.memory_space<vmem_shared>>) offsets(%dma_start3A_456 : memref<512xi32, #tpu.memory_space<vmem>>) semaphore(%arg19 : memref<!tpu.dma_semaphore, #tpu.memory_space<semaphore_mem>>) {add = true}
    %dma_start3A_460 = arith.constant 7 : i32
    %dma_start3A_461 = arith.constant 0 : i32
    %dma_start3A_462 = tpu.memref_slice %arg10[%dma_start3A_460, %dma_start3A_461] : memref<20x512xi32, #tpu.memory_space<vmem>> -> memref<1x512xi32, #tpu.memory_space<vmem>>
    %dma_start3A_463 = tpu.memref_squeeze %dma_start3A_462 : memref<1x512xi32, #tpu.memory_space<vmem>> -> memref<512xi32, #tpu.memory_space<vmem>>
    %dma_start3A_464 = arith.constant 0 : i32
    %dma_start3A_465 = tpu.memref_slice %arg16[%dma_start3A_464] : memref<10240xf32, #tpu.memory_space<vmem_shared>> -> memref<10240xf32, #tpu.memory_space<vmem_shared>>
    tpu.enqueue_indirect_dma source(%arg14 : memref<512xf32, #tpu.memory_space<vmem>>) target(%dma_start3A_465 : memref<10240xf32, #tpu.memory_space<vmem_shared>>) offsets(%dma_start3A_463 : memref<512xi32, #tpu.memory_space<vmem>>) semaphore(%arg21 : memref<!tpu.dma_semaphore, #tpu.memory_space<semaphore_mem>>) {add = true}
    %dma_wait3A_466 = arith.constant 7 : i32
    %dma_wait3A_467 = arith.constant 0 : i32
    %dma_wait3A_468 = tpu.memref_slice %arg10[%dma_wait3A_466, %dma_wait3A_467] : memref<20x512xi32, #tpu.memory_space<vmem>> -> memref<1x512xi32, #tpu.memory_space<vmem>>
    %dma_wait3A_469 = tpu.memref_squeeze %dma_wait3A_468 : memref<1x512xi32, #tpu.memory_space<vmem>> -> memref<512xi32, #tpu.memory_space<vmem>>
    %dma_wait3A_470 = arith.constant 0 : i32
    %dma_wait3A_471 = arith.constant 0 : i32
    %dma_wait3A_472 = tpu.memref_slice %arg15[%dma_wait3A_470, %dma_wait3A_471] : memref<10240x32xf32, #tpu.memory_space<vmem_shared>> -> memref<10240x32xf32, #tpu.memory_space<vmem_shared>>
    tpu.wait_indirect_dma semaphore(%arg18 : memref<!tpu.dma_semaphore, #tpu.memory_space<semaphore_mem>>) src(%arg11 : memref<512x32xf32, #tpu.memory_space<vmem>>) dst(%dma_wait3A_472 : memref<10240x32xf32, #tpu.memory_space<vmem_shared>>)
    %dma_start3A_473 = arith.constant 9 : i32
    %dma_start3A_474 = arith.constant 0 : i32
    %dma_start3A_475 = tpu.memref_slice %arg9[%dma_start3A_473, %dma_start3A_474] : memref<20x512xi32, #tpu.memory_space<vmem>> -> memref<1x512xi32, #tpu.memory_space<vmem>>
    %dma_start3A_476 = tpu.memref_squeeze %dma_start3A_475 : memref<1x512xi32, #tpu.memory_space<vmem>> -> memref<512xi32, #tpu.memory_space<vmem>>
    %dma_start3A_477 = arith.constant 0 : i32
    %dma_start3A_478 = arith.constant 0 : i32
    %dma_start3A_479 = tpu.memref_slice %arg17[%dma_start3A_477, %dma_start3A_478] : memref<10240x32xf32, #tpu.memory_space<vmem_shared>> -> memref<10240x32xf32, #tpu.memory_space<vmem_shared>>
    tpu.enqueue_indirect_dma source(%dma_start3A_479 : memref<10240x32xf32, #tpu.memory_space<vmem_shared>>) target(%arg11 : memref<512x32xf32, #tpu.memory_space<vmem>>) offsets(%dma_start3A_476 : memref<512xi32, #tpu.memory_space<vmem>>) semaphore(%arg18 : memref<!tpu.dma_semaphore, #tpu.memory_space<semaphore_mem>>)
    %dma_wait3A_480 = arith.constant 8 : i32
    %dma_wait3A_481 = arith.constant 0 : i32
    %dma_wait3A_482 = tpu.memref_slice %arg9[%dma_wait3A_480, %dma_wait3A_481] : memref<20x512xi32, #tpu.memory_space<vmem>> -> memref<1x512xi32, #tpu.memory_space<vmem>>
    %dma_wait3A_483 = tpu.memref_squeeze %dma_wait3A_482 : memref<1x512xi32, #tpu.memory_space<vmem>> -> memref<512xi32, #tpu.memory_space<vmem>>
    %dma_wait3A_484 = arith.constant 0 : i32
    %dma_wait3A_485 = arith.constant 0 : i32
    %dma_wait3A_486 = tpu.memref_slice %arg17[%dma_wait3A_484, %dma_wait3A_485] : memref<10240x32xf32, #tpu.memory_space<vmem_shared>> -> memref<10240x32xf32, #tpu.memory_space<vmem_shared>>
    tpu.wait_indirect_dma semaphore(%arg20 : memref<!tpu.dma_semaphore, #tpu.memory_space<semaphore_mem>>) src(%dma_wait3A_486 : memref<10240x32xf32, #tpu.memory_space<vmem_shared>>) dst(%arg13 : memref<512x32xf32, #tpu.memory_space<vmem>>)
    %dma_start3A_487 = arith.constant 8 : i32
    %dma_start3A_488 = arith.constant 0 : i32
    %dma_start3A_489 = tpu.memref_slice %arg10[%dma_start3A_487, %dma_start3A_488] : memref<20x512xi32, #tpu.memory_space<vmem>> -> memref<1x512xi32, #tpu.memory_space<vmem>>
    %dma_start3A_490 = tpu.memref_squeeze %dma_start3A_489 : memref<1x512xi32, #tpu.memory_space<vmem>> -> memref<512xi32, #tpu.memory_space<vmem>>
    %dma_start3A_491 = arith.constant 0 : i32
    %dma_start3A_492 = arith.constant 0 : i32
    %dma_start3A_493 = tpu.memref_slice %arg15[%dma_start3A_491, %dma_start3A_492] : memref<10240x32xf32, #tpu.memory_space<vmem_shared>> -> memref<10240x32xf32, #tpu.memory_space<vmem_shared>>
    tpu.enqueue_indirect_dma source(%arg13 : memref<512x32xf32, #tpu.memory_space<vmem>>) target(%dma_start3A_493 : memref<10240x32xf32, #tpu.memory_space<vmem_shared>>) offsets(%dma_start3A_490 : memref<512xi32, #tpu.memory_space<vmem>>) semaphore(%arg20 : memref<!tpu.dma_semaphore, #tpu.memory_space<semaphore_mem>>) {add = true}
    %dma_start3A_494 = arith.constant 8 : i32
    %dma_start3A_495 = arith.constant 0 : i32
    %dma_start3A_496 = tpu.memref_slice %arg10[%dma_start3A_494, %dma_start3A_495] : memref<20x512xi32, #tpu.memory_space<vmem>> -> memref<1x512xi32, #tpu.memory_space<vmem>>
    %dma_start3A_497 = tpu.memref_squeeze %dma_start3A_496 : memref<1x512xi32, #tpu.memory_space<vmem>> -> memref<512xi32, #tpu.memory_space<vmem>>
    %dma_start3A_498 = arith.constant 0 : i32
    %dma_start3A_499 = tpu.memref_slice %arg16[%dma_start3A_498] : memref<10240xf32, #tpu.memory_space<vmem_shared>> -> memref<10240xf32, #tpu.memory_space<vmem_shared>>
    tpu.enqueue_indirect_dma source(%arg14 : memref<512xf32, #tpu.memory_space<vmem>>) target(%dma_start3A_499 : memref<10240xf32, #tpu.memory_space<vmem_shared>>) offsets(%dma_start3A_497 : memref<512xi32, #tpu.memory_space<vmem>>) semaphore(%arg21 : memref<!tpu.dma_semaphore, #tpu.memory_space<semaphore_mem>>) {add = true}
    %dma_wait3A_500 = arith.constant 8 : i32
    %dma_wait3A_501 = arith.constant 0 : i32
    %dma_wait3A_502 = tpu.memref_slice %arg10[%dma_wait3A_500, %dma_wait3A_501] : memref<20x512xi32, #tpu.memory_space<vmem>> -> memref<1x512xi32, #tpu.memory_space<vmem>>
    %dma_wait3A_503 = tpu.memref_squeeze %dma_wait3A_502 : memref<1x512xi32, #tpu.memory_space<vmem>> -> memref<512xi32, #tpu.memory_space<vmem>>
    %dma_wait3A_504 = arith.constant 0 : i32
    %dma_wait3A_505 = arith.constant 0 : i32
    %dma_wait3A_506 = tpu.memref_slice %arg15[%dma_wait3A_504, %dma_wait3A_505] : memref<10240x32xf32, #tpu.memory_space<vmem_shared>> -> memref<10240x32xf32, #tpu.memory_space<vmem_shared>>
    tpu.wait_indirect_dma semaphore(%arg19 : memref<!tpu.dma_semaphore, #tpu.memory_space<semaphore_mem>>) src(%arg12 : memref<512x32xf32, #tpu.memory_space<vmem>>) dst(%dma_wait3A_506 : memref<10240x32xf32, #tpu.memory_space<vmem_shared>>)
    %dma_start3A_507 = arith.constant 10 : i32
    %dma_start3A_508 = arith.constant 0 : i32
    %dma_start3A_509 = tpu.memref_slice %arg9[%dma_start3A_507, %dma_start3A_508] : memref<20x512xi32, #tpu.memory_space<vmem>> -> memref<1x512xi32, #tpu.memory_space<vmem>>
    %dma_start3A_510 = tpu.memref_squeeze %dma_start3A_509 : memref<1x512xi32, #tpu.memory_space<vmem>> -> memref<512xi32, #tpu.memory_space<vmem>>
    %dma_start3A_511 = arith.constant 0 : i32
    %dma_start3A_512 = arith.constant 0 : i32
    %dma_start3A_513 = tpu.memref_slice %arg17[%dma_start3A_511, %dma_start3A_512] : memref<10240x32xf32, #tpu.memory_space<vmem_shared>> -> memref<10240x32xf32, #tpu.memory_space<vmem_shared>>
    tpu.enqueue_indirect_dma source(%dma_start3A_513 : memref<10240x32xf32, #tpu.memory_space<vmem_shared>>) target(%arg12 : memref<512x32xf32, #tpu.memory_space<vmem>>) offsets(%dma_start3A_510 : memref<512xi32, #tpu.memory_space<vmem>>) semaphore(%arg19 : memref<!tpu.dma_semaphore, #tpu.memory_space<semaphore_mem>>)
    %dma_wait3A_514 = arith.constant 9 : i32
    %dma_wait3A_515 = arith.constant 0 : i32
    %dma_wait3A_516 = tpu.memref_slice %arg9[%dma_wait3A_514, %dma_wait3A_515] : memref<20x512xi32, #tpu.memory_space<vmem>> -> memref<1x512xi32, #tpu.memory_space<vmem>>
    %dma_wait3A_517 = tpu.memref_squeeze %dma_wait3A_516 : memref<1x512xi32, #tpu.memory_space<vmem>> -> memref<512xi32, #tpu.memory_space<vmem>>
    %dma_wait3A_518 = arith.constant 0 : i32
    %dma_wait3A_519 = arith.constant 0 : i32
    %dma_wait3A_520 = tpu.memref_slice %arg17[%dma_wait3A_518, %dma_wait3A_519] : memref<10240x32xf32, #tpu.memory_space<vmem_shared>> -> memref<10240x32xf32, #tpu.memory_space<vmem_shared>>
    tpu.wait_indirect_dma semaphore(%arg18 : memref<!tpu.dma_semaphore, #tpu.memory_space<semaphore_mem>>) src(%dma_wait3A_520 : memref<10240x32xf32, #tpu.memory_space<vmem_shared>>) dst(%arg11 : memref<512x32xf32, #tpu.memory_space<vmem>>)
    %dma_start3A_521 = arith.constant 9 : i32
    %dma_start3A_522 = arith.constant 0 : i32
    %dma_start3A_523 = tpu.memref_slice %arg10[%dma_start3A_521, %dma_start3A_522] : memref<20x512xi32, #tpu.memory_space<vmem>> -> memref<1x512xi32, #tpu.memory_space<vmem>>
    %dma_start3A_524 = tpu.memref_squeeze %dma_start3A_523 : memref<1x512xi32, #tpu.memory_space<vmem>> -> memref<512xi32, #tpu.memory_space<vmem>>
    %dma_start3A_525 = arith.constant 0 : i32
    %dma_start3A_526 = arith.constant 0 : i32
    %dma_start3A_527 = tpu.memref_slice %arg15[%dma_start3A_525, %dma_start3A_526] : memref<10240x32xf32, #tpu.memory_space<vmem_shared>> -> memref<10240x32xf32, #tpu.memory_space<vmem_shared>>
    tpu.enqueue_indirect_dma source(%arg11 : memref<512x32xf32, #tpu.memory_space<vmem>>) target(%dma_start3A_527 : memref<10240x32xf32, #tpu.memory_space<vmem_shared>>) offsets(%dma_start3A_524 : memref<512xi32, #tpu.memory_space<vmem>>) semaphore(%arg18 : memref<!tpu.dma_semaphore, #tpu.memory_space<semaphore_mem>>) {add = true}
    %dma_start3A_528 = arith.constant 9 : i32
    %dma_start3A_529 = arith.constant 0 : i32
    %dma_start3A_530 = tpu.memref_slice %arg10[%dma_start3A_528, %dma_start3A_529] : memref<20x512xi32, #tpu.memory_space<vmem>> -> memref<1x512xi32, #tpu.memory_space<vmem>>
    %dma_start3A_531 = tpu.memref_squeeze %dma_start3A_530 : memref<1x512xi32, #tpu.memory_space<vmem>> -> memref<512xi32, #tpu.memory_space<vmem>>
    %dma_start3A_532 = arith.constant 0 : i32
    %dma_start3A_533 = tpu.memref_slice %arg16[%dma_start3A_532] : memref<10240xf32, #tpu.memory_space<vmem_shared>> -> memref<10240xf32, #tpu.memory_space<vmem_shared>>
    tpu.enqueue_indirect_dma source(%arg14 : memref<512xf32, #tpu.memory_space<vmem>>) target(%dma_start3A_533 : memref<10240xf32, #tpu.memory_space<vmem_shared>>) offsets(%dma_start3A_531 : memref<512xi32, #tpu.memory_space<vmem>>) semaphore(%arg21 : memref<!tpu.dma_semaphore, #tpu.memory_space<semaphore_mem>>) {add = true}
    %dma_wait3A_534 = arith.constant 9 : i32
    %dma_wait3A_535 = arith.constant 0 : i32
    %dma_wait3A_536 = tpu.memref_slice %arg10[%dma_wait3A_534, %dma_wait3A_535] : memref<20x512xi32, #tpu.memory_space<vmem>> -> memref<1x512xi32, #tpu.memory_space<vmem>>
    %dma_wait3A_537 = tpu.memref_squeeze %dma_wait3A_536 : memref<1x512xi32, #tpu.memory_space<vmem>> -> memref<512xi32, #tpu.memory_space<vmem>>
    %dma_wait3A_538 = arith.constant 0 : i32
    %dma_wait3A_539 = arith.constant 0 : i32
    %dma_wait3A_540 = tpu.memref_slice %arg15[%dma_wait3A_538, %dma_wait3A_539] : memref<10240x32xf32, #tpu.memory_space<vmem_shared>> -> memref<10240x32xf32, #tpu.memory_space<vmem_shared>>
    tpu.wait_indirect_dma semaphore(%arg20 : memref<!tpu.dma_semaphore, #tpu.memory_space<semaphore_mem>>) src(%arg13 : memref<512x32xf32, #tpu.memory_space<vmem>>) dst(%dma_wait3A_540 : memref<10240x32xf32, #tpu.memory_space<vmem_shared>>)
    %dma_start3A_541 = arith.constant 11 : i32
    %dma_start3A_542 = arith.constant 0 : i32
    %dma_start3A_543 = tpu.memref_slice %arg9[%dma_start3A_541, %dma_start3A_542] : memref<20x512xi32, #tpu.memory_space<vmem>> -> memref<1x512xi32, #tpu.memory_space<vmem>>
    %dma_start3A_544 = tpu.memref_squeeze %dma_start3A_543 : memref<1x512xi32, #tpu.memory_space<vmem>> -> memref<512xi32, #tpu.memory_space<vmem>>
    %dma_start3A_545 = arith.constant 0 : i32
    %dma_start3A_546 = arith.constant 0 : i32
    %dma_start3A_547 = tpu.memref_slice %arg17[%dma_start3A_545, %dma_start3A_546] : memref<10240x32xf32, #tpu.memory_space<vmem_shared>> -> memref<10240x32xf32, #tpu.memory_space<vmem_shared>>
    tpu.enqueue_indirect_dma source(%dma_start3A_547 : memref<10240x32xf32, #tpu.memory_space<vmem_shared>>) target(%arg13 : memref<512x32xf32, #tpu.memory_space<vmem>>) offsets(%dma_start3A_544 : memref<512xi32, #tpu.memory_space<vmem>>) semaphore(%arg20 : memref<!tpu.dma_semaphore, #tpu.memory_space<semaphore_mem>>)
    %dma_wait3A_548 = arith.constant 10 : i32
    %dma_wait3A_549 = arith.constant 0 : i32
    %dma_wait3A_550 = tpu.memref_slice %arg9[%dma_wait3A_548, %dma_wait3A_549] : memref<20x512xi32, #tpu.memory_space<vmem>> -> memref<1x512xi32, #tpu.memory_space<vmem>>
    %dma_wait3A_551 = tpu.memref_squeeze %dma_wait3A_550 : memref<1x512xi32, #tpu.memory_space<vmem>> -> memref<512xi32, #tpu.memory_space<vmem>>
    %dma_wait3A_552 = arith.constant 0 : i32
    %dma_wait3A_553 = arith.constant 0 : i32
    %dma_wait3A_554 = tpu.memref_slice %arg17[%dma_wait3A_552, %dma_wait3A_553] : memref<10240x32xf32, #tpu.memory_space<vmem_shared>> -> memref<10240x32xf32, #tpu.memory_space<vmem_shared>>
    tpu.wait_indirect_dma semaphore(%arg19 : memref<!tpu.dma_semaphore, #tpu.memory_space<semaphore_mem>>) src(%dma_wait3A_554 : memref<10240x32xf32, #tpu.memory_space<vmem_shared>>) dst(%arg12 : memref<512x32xf32, #tpu.memory_space<vmem>>)
    %dma_start3A_555 = arith.constant 10 : i32
    %dma_start3A_556 = arith.constant 0 : i32
    %dma_start3A_557 = tpu.memref_slice %arg10[%dma_start3A_555, %dma_start3A_556] : memref<20x512xi32, #tpu.memory_space<vmem>> -> memref<1x512xi32, #tpu.memory_space<vmem>>
    %dma_start3A_558 = tpu.memref_squeeze %dma_start3A_557 : memref<1x512xi32, #tpu.memory_space<vmem>> -> memref<512xi32, #tpu.memory_space<vmem>>
    %dma_start3A_559 = arith.constant 0 : i32
    %dma_start3A_560 = arith.constant 0 : i32
    %dma_start3A_561 = tpu.memref_slice %arg15[%dma_start3A_559, %dma_start3A_560] : memref<10240x32xf32, #tpu.memory_space<vmem_shared>> -> memref<10240x32xf32, #tpu.memory_space<vmem_shared>>
    tpu.enqueue_indirect_dma source(%arg12 : memref<512x32xf32, #tpu.memory_space<vmem>>) target(%dma_start3A_561 : memref<10240x32xf32, #tpu.memory_space<vmem_shared>>) offsets(%dma_start3A_558 : memref<512xi32, #tpu.memory_space<vmem>>) semaphore(%arg19 : memref<!tpu.dma_semaphore, #tpu.memory_space<semaphore_mem>>) {add = true}
    %dma_start3A_562 = arith.constant 10 : i32
    %dma_start3A_563 = arith.constant 0 : i32
    %dma_start3A_564 = tpu.memref_slice %arg10[%dma_start3A_562, %dma_start3A_563] : memref<20x512xi32, #tpu.memory_space<vmem>> -> memref<1x512xi32, #tpu.memory_space<vmem>>
    %dma_start3A_565 = tpu.memref_squeeze %dma_start3A_564 : memref<1x512xi32, #tpu.memory_space<vmem>> -> memref<512xi32, #tpu.memory_space<vmem>>
    %dma_start3A_566 = arith.constant 0 : i32
    %dma_start3A_567 = tpu.memref_slice %arg16[%dma_start3A_566] : memref<10240xf32, #tpu.memory_space<vmem_shared>> -> memref<10240xf32, #tpu.memory_space<vmem_shared>>
    tpu.enqueue_indirect_dma source(%arg14 : memref<512xf32, #tpu.memory_space<vmem>>) target(%dma_start3A_567 : memref<10240xf32, #tpu.memory_space<vmem_shared>>) offsets(%dma_start3A_565 : memref<512xi32, #tpu.memory_space<vmem>>) semaphore(%arg21 : memref<!tpu.dma_semaphore, #tpu.memory_space<semaphore_mem>>) {add = true}
    %dma_wait3A_568 = arith.constant 10 : i32
    %dma_wait3A_569 = arith.constant 0 : i32
    %dma_wait3A_570 = tpu.memref_slice %arg10[%dma_wait3A_568, %dma_wait3A_569] : memref<20x512xi32, #tpu.memory_space<vmem>> -> memref<1x512xi32, #tpu.memory_space<vmem>>
    %dma_wait3A_571 = tpu.memref_squeeze %dma_wait3A_570 : memref<1x512xi32, #tpu.memory_space<vmem>> -> memref<512xi32, #tpu.memory_space<vmem>>
    %dma_wait3A_572 = arith.constant 0 : i32
    %dma_wait3A_573 = arith.constant 0 : i32
    %dma_wait3A_574 = tpu.memref_slice %arg15[%dma_wait3A_572, %dma_wait3A_573] : memref<10240x32xf32, #tpu.memory_space<vmem_shared>> -> memref<10240x32xf32, #tpu.memory_space<vmem_shared>>
    tpu.wait_indirect_dma semaphore(%arg18 : memref<!tpu.dma_semaphore, #tpu.memory_space<semaphore_mem>>) src(%arg11 : memref<512x32xf32, #tpu.memory_space<vmem>>) dst(%dma_wait3A_574 : memref<10240x32xf32, #tpu.memory_space<vmem_shared>>)
    %dma_start3A_575 = arith.constant 12 : i32
    %dma_start3A_576 = arith.constant 0 : i32
    %dma_start3A_577 = tpu.memref_slice %arg9[%dma_start3A_575, %dma_start3A_576] : memref<20x512xi32, #tpu.memory_space<vmem>> -> memref<1x512xi32, #tpu.memory_space<vmem>>
    %dma_start3A_578 = tpu.memref_squeeze %dma_start3A_577 : memref<1x512xi32, #tpu.memory_space<vmem>> -> memref<512xi32, #tpu.memory_space<vmem>>
    %dma_start3A_579 = arith.constant 0 : i32
    %dma_start3A_580 = arith.constant 0 : i32
    %dma_start3A_581 = tpu.memref_slice %arg17[%dma_start3A_579, %dma_start3A_580] : memref<10240x32xf32, #tpu.memory_space<vmem_shared>> -> memref<10240x32xf32, #tpu.memory_space<vmem_shared>>
    tpu.enqueue_indirect_dma source(%dma_start3A_581 : memref<10240x32xf32, #tpu.memory_space<vmem_shared>>) target(%arg11 : memref<512x32xf32, #tpu.memory_space<vmem>>) offsets(%dma_start3A_578 : memref<512xi32, #tpu.memory_space<vmem>>) semaphore(%arg18 : memref<!tpu.dma_semaphore, #tpu.memory_space<semaphore_mem>>)
    %dma_wait3A_582 = arith.constant 11 : i32
    %dma_wait3A_583 = arith.constant 0 : i32
    %dma_wait3A_584 = tpu.memref_slice %arg9[%dma_wait3A_582, %dma_wait3A_583] : memref<20x512xi32, #tpu.memory_space<vmem>> -> memref<1x512xi32, #tpu.memory_space<vmem>>
    %dma_wait3A_585 = tpu.memref_squeeze %dma_wait3A_584 : memref<1x512xi32, #tpu.memory_space<vmem>> -> memref<512xi32, #tpu.memory_space<vmem>>
    %dma_wait3A_586 = arith.constant 0 : i32
    %dma_wait3A_587 = arith.constant 0 : i32
    %dma_wait3A_588 = tpu.memref_slice %arg17[%dma_wait3A_586, %dma_wait3A_587] : memref<10240x32xf32, #tpu.memory_space<vmem_shared>> -> memref<10240x32xf32, #tpu.memory_space<vmem_shared>>
    tpu.wait_indirect_dma semaphore(%arg20 : memref<!tpu.dma_semaphore, #tpu.memory_space<semaphore_mem>>) src(%dma_wait3A_588 : memref<10240x32xf32, #tpu.memory_space<vmem_shared>>) dst(%arg13 : memref<512x32xf32, #tpu.memory_space<vmem>>)
    %dma_start3A_589 = arith.constant 11 : i32
    %dma_start3A_590 = arith.constant 0 : i32
    %dma_start3A_591 = tpu.memref_slice %arg10[%dma_start3A_589, %dma_start3A_590] : memref<20x512xi32, #tpu.memory_space<vmem>> -> memref<1x512xi32, #tpu.memory_space<vmem>>
    %dma_start3A_592 = tpu.memref_squeeze %dma_start3A_591 : memref<1x512xi32, #tpu.memory_space<vmem>> -> memref<512xi32, #tpu.memory_space<vmem>>
    %dma_start3A_593 = arith.constant 0 : i32
    %dma_start3A_594 = arith.constant 0 : i32
    %dma_start3A_595 = tpu.memref_slice %arg15[%dma_start3A_593, %dma_start3A_594] : memref<10240x32xf32, #tpu.memory_space<vmem_shared>> -> memref<10240x32xf32, #tpu.memory_space<vmem_shared>>
    tpu.enqueue_indirect_dma source(%arg13 : memref<512x32xf32, #tpu.memory_space<vmem>>) target(%dma_start3A_595 : memref<10240x32xf32, #tpu.memory_space<vmem_shared>>) offsets(%dma_start3A_592 : memref<512xi32, #tpu.memory_space<vmem>>) semaphore(%arg20 : memref<!tpu.dma_semaphore, #tpu.memory_space<semaphore_mem>>) {add = true}
    %dma_start3A_596 = arith.constant 11 : i32
    %dma_start3A_597 = arith.constant 0 : i32
    %dma_start3A_598 = tpu.memref_slice %arg10[%dma_start3A_596, %dma_start3A_597] : memref<20x512xi32, #tpu.memory_space<vmem>> -> memref<1x512xi32, #tpu.memory_space<vmem>>
    %dma_start3A_599 = tpu.memref_squeeze %dma_start3A_598 : memref<1x512xi32, #tpu.memory_space<vmem>> -> memref<512xi32, #tpu.memory_space<vmem>>
    %dma_start3A_600 = arith.constant 0 : i32
    %dma_start3A_601 = tpu.memref_slice %arg16[%dma_start3A_600] : memref<10240xf32, #tpu.memory_space<vmem_shared>> -> memref<10240xf32, #tpu.memory_space<vmem_shared>>
    tpu.enqueue_indirect_dma source(%arg14 : memref<512xf32, #tpu.memory_space<vmem>>) target(%dma_start3A_601 : memref<10240xf32, #tpu.memory_space<vmem_shared>>) offsets(%dma_start3A_599 : memref<512xi32, #tpu.memory_space<vmem>>) semaphore(%arg21 : memref<!tpu.dma_semaphore, #tpu.memory_space<semaphore_mem>>) {add = true}
    %dma_wait3A_602 = arith.constant 11 : i32
    %dma_wait3A_603 = arith.constant 0 : i32
    %dma_wait3A_604 = tpu.memref_slice %arg10[%dma_wait3A_602, %dma_wait3A_603] : memref<20x512xi32, #tpu.memory_space<vmem>> -> memref<1x512xi32, #tpu.memory_space<vmem>>
    %dma_wait3A_605 = tpu.memref_squeeze %dma_wait3A_604 : memref<1x512xi32, #tpu.memory_space<vmem>> -> memref<512xi32, #tpu.memory_space<vmem>>
    %dma_wait3A_606 = arith.constant 0 : i32
    %dma_wait3A_607 = arith.constant 0 : i32
    %dma_wait3A_608 = tpu.memref_slice %arg15[%dma_wait3A_606, %dma_wait3A_607] : memref<10240x32xf32, #tpu.memory_space<vmem_shared>> -> memref<10240x32xf32, #tpu.memory_space<vmem_shared>>
    tpu.wait_indirect_dma semaphore(%arg19 : memref<!tpu.dma_semaphore, #tpu.memory_space<semaphore_mem>>) src(%arg12 : memref<512x32xf32, #tpu.memory_space<vmem>>) dst(%dma_wait3A_608 : memref<10240x32xf32, #tpu.memory_space<vmem_shared>>)
    %dma_start3A_609 = arith.constant 13 : i32
    %dma_start3A_610 = arith.constant 0 : i32
    %dma_start3A_611 = tpu.memref_slice %arg9[%dma_start3A_609, %dma_start3A_610] : memref<20x512xi32, #tpu.memory_space<vmem>> -> memref<1x512xi32, #tpu.memory_space<vmem>>
    %dma_start3A_612 = tpu.memref_squeeze %dma_start3A_611 : memref<1x512xi32, #tpu.memory_space<vmem>> -> memref<512xi32, #tpu.memory_space<vmem>>
    %dma_start3A_613 = arith.constant 0 : i32
    %dma_start3A_614 = arith.constant 0 : i32
    %dma_start3A_615 = tpu.memref_slice %arg17[%dma_start3A_613, %dma_start3A_614] : memref<10240x32xf32, #tpu.memory_space<vmem_shared>> -> memref<10240x32xf32, #tpu.memory_space<vmem_shared>>
    tpu.enqueue_indirect_dma source(%dma_start3A_615 : memref<10240x32xf32, #tpu.memory_space<vmem_shared>>) target(%arg12 : memref<512x32xf32, #tpu.memory_space<vmem>>) offsets(%dma_start3A_612 : memref<512xi32, #tpu.memory_space<vmem>>) semaphore(%arg19 : memref<!tpu.dma_semaphore, #tpu.memory_space<semaphore_mem>>)
    %dma_wait3A_616 = arith.constant 12 : i32
    %dma_wait3A_617 = arith.constant 0 : i32
    %dma_wait3A_618 = tpu.memref_slice %arg9[%dma_wait3A_616, %dma_wait3A_617] : memref<20x512xi32, #tpu.memory_space<vmem>> -> memref<1x512xi32, #tpu.memory_space<vmem>>
    %dma_wait3A_619 = tpu.memref_squeeze %dma_wait3A_618 : memref<1x512xi32, #tpu.memory_space<vmem>> -> memref<512xi32, #tpu.memory_space<vmem>>
    %dma_wait3A_620 = arith.constant 0 : i32
    %dma_wait3A_621 = arith.constant 0 : i32
    %dma_wait3A_622 = tpu.memref_slice %arg17[%dma_wait3A_620, %dma_wait3A_621] : memref<10240x32xf32, #tpu.memory_space<vmem_shared>> -> memref<10240x32xf32, #tpu.memory_space<vmem_shared>>
    tpu.wait_indirect_dma semaphore(%arg18 : memref<!tpu.dma_semaphore, #tpu.memory_space<semaphore_mem>>) src(%dma_wait3A_622 : memref<10240x32xf32, #tpu.memory_space<vmem_shared>>) dst(%arg11 : memref<512x32xf32, #tpu.memory_space<vmem>>)
    %dma_start3A_623 = arith.constant 12 : i32
    %dma_start3A_624 = arith.constant 0 : i32
    %dma_start3A_625 = tpu.memref_slice %arg10[%dma_start3A_623, %dma_start3A_624] : memref<20x512xi32, #tpu.memory_space<vmem>> -> memref<1x512xi32, #tpu.memory_space<vmem>>
    %dma_start3A_626 = tpu.memref_squeeze %dma_start3A_625 : memref<1x512xi32, #tpu.memory_space<vmem>> -> memref<512xi32, #tpu.memory_space<vmem>>
    %dma_start3A_627 = arith.constant 0 : i32
    %dma_start3A_628 = arith.constant 0 : i32
    %dma_start3A_629 = tpu.memref_slice %arg15[%dma_start3A_627, %dma_start3A_628] : memref<10240x32xf32, #tpu.memory_space<vmem_shared>> -> memref<10240x32xf32, #tpu.memory_space<vmem_shared>>
    tpu.enqueue_indirect_dma source(%arg11 : memref<512x32xf32, #tpu.memory_space<vmem>>) target(%dma_start3A_629 : memref<10240x32xf32, #tpu.memory_space<vmem_shared>>) offsets(%dma_start3A_626 : memref<512xi32, #tpu.memory_space<vmem>>) semaphore(%arg18 : memref<!tpu.dma_semaphore, #tpu.memory_space<semaphore_mem>>) {add = true}
    %dma_start3A_630 = arith.constant 12 : i32
    %dma_start3A_631 = arith.constant 0 : i32
    %dma_start3A_632 = tpu.memref_slice %arg10[%dma_start3A_630, %dma_start3A_631] : memref<20x512xi32, #tpu.memory_space<vmem>> -> memref<1x512xi32, #tpu.memory_space<vmem>>
    %dma_start3A_633 = tpu.memref_squeeze %dma_start3A_632 : memref<1x512xi32, #tpu.memory_space<vmem>> -> memref<512xi32, #tpu.memory_space<vmem>>
    %dma_start3A_634 = arith.constant 0 : i32
    %dma_start3A_635 = tpu.memref_slice %arg16[%dma_start3A_634] : memref<10240xf32, #tpu.memory_space<vmem_shared>> -> memref<10240xf32, #tpu.memory_space<vmem_shared>>
    tpu.enqueue_indirect_dma source(%arg14 : memref<512xf32, #tpu.memory_space<vmem>>) target(%dma_start3A_635 : memref<10240xf32, #tpu.memory_space<vmem_shared>>) offsets(%dma_start3A_633 : memref<512xi32, #tpu.memory_space<vmem>>) semaphore(%arg21 : memref<!tpu.dma_semaphore, #tpu.memory_space<semaphore_mem>>) {add = true}
    %dma_wait3A_636 = arith.constant 12 : i32
    %dma_wait3A_637 = arith.constant 0 : i32
    %dma_wait3A_638 = tpu.memref_slice %arg10[%dma_wait3A_636, %dma_wait3A_637] : memref<20x512xi32, #tpu.memory_space<vmem>> -> memref<1x512xi32, #tpu.memory_space<vmem>>
    %dma_wait3A_639 = tpu.memref_squeeze %dma_wait3A_638 : memref<1x512xi32, #tpu.memory_space<vmem>> -> memref<512xi32, #tpu.memory_space<vmem>>
    %dma_wait3A_640 = arith.constant 0 : i32
    %dma_wait3A_641 = arith.constant 0 : i32
    %dma_wait3A_642 = tpu.memref_slice %arg15[%dma_wait3A_640, %dma_wait3A_641] : memref<10240x32xf32, #tpu.memory_space<vmem_shared>> -> memref<10240x32xf32, #tpu.memory_space<vmem_shared>>
    tpu.wait_indirect_dma semaphore(%arg20 : memref<!tpu.dma_semaphore, #tpu.memory_space<semaphore_mem>>) src(%arg13 : memref<512x32xf32, #tpu.memory_space<vmem>>) dst(%dma_wait3A_642 : memref<10240x32xf32, #tpu.memory_space<vmem_shared>>)
    %dma_start3A_643 = arith.constant 14 : i32
    %dma_start3A_644 = arith.constant 0 : i32
    %dma_start3A_645 = tpu.memref_slice %arg9[%dma_start3A_643, %dma_start3A_644] : memref<20x512xi32, #tpu.memory_space<vmem>> -> memref<1x512xi32, #tpu.memory_space<vmem>>
    %dma_start3A_646 = tpu.memref_squeeze %dma_start3A_645 : memref<1x512xi32, #tpu.memory_space<vmem>> -> memref<512xi32, #tpu.memory_space<vmem>>
    %dma_start3A_647 = arith.constant 0 : i32
    %dma_start3A_648 = arith.constant 0 : i32
    %dma_start3A_649 = tpu.memref_slice %arg17[%dma_start3A_647, %dma_start3A_648] : memref<10240x32xf32, #tpu.memory_space<vmem_shared>> -> memref<10240x32xf32, #tpu.memory_space<vmem_shared>>
    tpu.enqueue_indirect_dma source(%dma_start3A_649 : memref<10240x32xf32, #tpu.memory_space<vmem_shared>>) target(%arg13 : memref<512x32xf32, #tpu.memory_space<vmem>>) offsets(%dma_start3A_646 : memref<512xi32, #tpu.memory_space<vmem>>) semaphore(%arg20 : memref<!tpu.dma_semaphore, #tpu.memory_space<semaphore_mem>>)
    %dma_wait3A_650 = arith.constant 13 : i32
    %dma_wait3A_651 = arith.constant 0 : i32
    %dma_wait3A_652 = tpu.memref_slice %arg9[%dma_wait3A_650, %dma_wait3A_651] : memref<20x512xi32, #tpu.memory_space<vmem>> -> memref<1x512xi32, #tpu.memory_space<vmem>>
    %dma_wait3A_653 = tpu.memref_squeeze %dma_wait3A_652 : memref<1x512xi32, #tpu.memory_space<vmem>> -> memref<512xi32, #tpu.memory_space<vmem>>
    %dma_wait3A_654 = arith.constant 0 : i32
    %dma_wait3A_655 = arith.constant 0 : i32
    %dma_wait3A_656 = tpu.memref_slice %arg17[%dma_wait3A_654, %dma_wait3A_655] : memref<10240x32xf32, #tpu.memory_space<vmem_shared>> -> memref<10240x32xf32, #tpu.memory_space<vmem_shared>>
    tpu.wait_indirect_dma semaphore(%arg19 : memref<!tpu.dma_semaphore, #tpu.memory_space<semaphore_mem>>) src(%dma_wait3A_656 : memref<10240x32xf32, #tpu.memory_space<vmem_shared>>) dst(%arg12 : memref<512x32xf32, #tpu.memory_space<vmem>>)
    %dma_start3A_657 = arith.constant 13 : i32
    %dma_start3A_658 = arith.constant 0 : i32
    %dma_start3A_659 = tpu.memref_slice %arg10[%dma_start3A_657, %dma_start3A_658] : memref<20x512xi32, #tpu.memory_space<vmem>> -> memref<1x512xi32, #tpu.memory_space<vmem>>
    %dma_start3A_660 = tpu.memref_squeeze %dma_start3A_659 : memref<1x512xi32, #tpu.memory_space<vmem>> -> memref<512xi32, #tpu.memory_space<vmem>>
    %dma_start3A_661 = arith.constant 0 : i32
    %dma_start3A_662 = arith.constant 0 : i32
    %dma_start3A_663 = tpu.memref_slice %arg15[%dma_start3A_661, %dma_start3A_662] : memref<10240x32xf32, #tpu.memory_space<vmem_shared>> -> memref<10240x32xf32, #tpu.memory_space<vmem_shared>>
    tpu.enqueue_indirect_dma source(%arg12 : memref<512x32xf32, #tpu.memory_space<vmem>>) target(%dma_start3A_663 : memref<10240x32xf32, #tpu.memory_space<vmem_shared>>) offsets(%dma_start3A_660 : memref<512xi32, #tpu.memory_space<vmem>>) semaphore(%arg19 : memref<!tpu.dma_semaphore, #tpu.memory_space<semaphore_mem>>) {add = true}
    %dma_start3A_664 = arith.constant 13 : i32
    %dma_start3A_665 = arith.constant 0 : i32
    %dma_start3A_666 = tpu.memref_slice %arg10[%dma_start3A_664, %dma_start3A_665] : memref<20x512xi32, #tpu.memory_space<vmem>> -> memref<1x512xi32, #tpu.memory_space<vmem>>
    %dma_start3A_667 = tpu.memref_squeeze %dma_start3A_666 : memref<1x512xi32, #tpu.memory_space<vmem>> -> memref<512xi32, #tpu.memory_space<vmem>>
    %dma_start3A_668 = arith.constant 0 : i32
    %dma_start3A_669 = tpu.memref_slice %arg16[%dma_start3A_668] : memref<10240xf32, #tpu.memory_space<vmem_shared>> -> memref<10240xf32, #tpu.memory_space<vmem_shared>>
    tpu.enqueue_indirect_dma source(%arg14 : memref<512xf32, #tpu.memory_space<vmem>>) target(%dma_start3A_669 : memref<10240xf32, #tpu.memory_space<vmem_shared>>) offsets(%dma_start3A_667 : memref<512xi32, #tpu.memory_space<vmem>>) semaphore(%arg21 : memref<!tpu.dma_semaphore, #tpu.memory_space<semaphore_mem>>) {add = true}
    %dma_wait3A_670 = arith.constant 13 : i32
    %dma_wait3A_671 = arith.constant 0 : i32
    %dma_wait3A_672 = tpu.memref_slice %arg10[%dma_wait3A_670, %dma_wait3A_671] : memref<20x512xi32, #tpu.memory_space<vmem>> -> memref<1x512xi32, #tpu.memory_space<vmem>>
    %dma_wait3A_673 = tpu.memref_squeeze %dma_wait3A_672 : memref<1x512xi32, #tpu.memory_space<vmem>> -> memref<512xi32, #tpu.memory_space<vmem>>
    %dma_wait3A_674 = arith.constant 0 : i32
    %dma_wait3A_675 = arith.constant 0 : i32
    %dma_wait3A_676 = tpu.memref_slice %arg15[%dma_wait3A_674, %dma_wait3A_675] : memref<10240x32xf32, #tpu.memory_space<vmem_shared>> -> memref<10240x32xf32, #tpu.memory_space<vmem_shared>>
    tpu.wait_indirect_dma semaphore(%arg18 : memref<!tpu.dma_semaphore, #tpu.memory_space<semaphore_mem>>) src(%arg11 : memref<512x32xf32, #tpu.memory_space<vmem>>) dst(%dma_wait3A_676 : memref<10240x32xf32, #tpu.memory_space<vmem_shared>>)
    %dma_start3A_677 = arith.constant 15 : i32
    %dma_start3A_678 = arith.constant 0 : i32
    %dma_start3A_679 = tpu.memref_slice %arg9[%dma_start3A_677, %dma_start3A_678] : memref<20x512xi32, #tpu.memory_space<vmem>> -> memref<1x512xi32, #tpu.memory_space<vmem>>
    %dma_start3A_680 = tpu.memref_squeeze %dma_start3A_679 : memref<1x512xi32, #tpu.memory_space<vmem>> -> memref<512xi32, #tpu.memory_space<vmem>>
    %dma_start3A_681 = arith.constant 0 : i32
    %dma_start3A_682 = arith.constant 0 : i32
    %dma_start3A_683 = tpu.memref_slice %arg17[%dma_start3A_681, %dma_start3A_682] : memref<10240x32xf32, #tpu.memory_space<vmem_shared>> -> memref<10240x32xf32, #tpu.memory_space<vmem_shared>>
    tpu.enqueue_indirect_dma source(%dma_start3A_683 : memref<10240x32xf32, #tpu.memory_space<vmem_shared>>) target(%arg11 : memref<512x32xf32, #tpu.memory_space<vmem>>) offsets(%dma_start3A_680 : memref<512xi32, #tpu.memory_space<vmem>>) semaphore(%arg18 : memref<!tpu.dma_semaphore, #tpu.memory_space<semaphore_mem>>)
    %dma_wait3A_684 = arith.constant 14 : i32
    %dma_wait3A_685 = arith.constant 0 : i32
    %dma_wait3A_686 = tpu.memref_slice %arg9[%dma_wait3A_684, %dma_wait3A_685] : memref<20x512xi32, #tpu.memory_space<vmem>> -> memref<1x512xi32, #tpu.memory_space<vmem>>
    %dma_wait3A_687 = tpu.memref_squeeze %dma_wait3A_686 : memref<1x512xi32, #tpu.memory_space<vmem>> -> memref<512xi32, #tpu.memory_space<vmem>>
    %dma_wait3A_688 = arith.constant 0 : i32
    %dma_wait3A_689 = arith.constant 0 : i32
    %dma_wait3A_690 = tpu.memref_slice %arg17[%dma_wait3A_688, %dma_wait3A_689] : memref<10240x32xf32, #tpu.memory_space<vmem_shared>> -> memref<10240x32xf32, #tpu.memory_space<vmem_shared>>
    tpu.wait_indirect_dma semaphore(%arg20 : memref<!tpu.dma_semaphore, #tpu.memory_space<semaphore_mem>>) src(%dma_wait3A_690 : memref<10240x32xf32, #tpu.memory_space<vmem_shared>>) dst(%arg13 : memref<512x32xf32, #tpu.memory_space<vmem>>)
    %dma_start3A_691 = arith.constant 14 : i32
    %dma_start3A_692 = arith.constant 0 : i32
    %dma_start3A_693 = tpu.memref_slice %arg10[%dma_start3A_691, %dma_start3A_692] : memref<20x512xi32, #tpu.memory_space<vmem>> -> memref<1x512xi32, #tpu.memory_space<vmem>>
    %dma_start3A_694 = tpu.memref_squeeze %dma_start3A_693 : memref<1x512xi32, #tpu.memory_space<vmem>> -> memref<512xi32, #tpu.memory_space<vmem>>
    %dma_start3A_695 = arith.constant 0 : i32
    %dma_start3A_696 = arith.constant 0 : i32
    %dma_start3A_697 = tpu.memref_slice %arg15[%dma_start3A_695, %dma_start3A_696] : memref<10240x32xf32, #tpu.memory_space<vmem_shared>> -> memref<10240x32xf32, #tpu.memory_space<vmem_shared>>
    tpu.enqueue_indirect_dma source(%arg13 : memref<512x32xf32, #tpu.memory_space<vmem>>) target(%dma_start3A_697 : memref<10240x32xf32, #tpu.memory_space<vmem_shared>>) offsets(%dma_start3A_694 : memref<512xi32, #tpu.memory_space<vmem>>) semaphore(%arg20 : memref<!tpu.dma_semaphore, #tpu.memory_space<semaphore_mem>>) {add = true}
    %dma_start3A_698 = arith.constant 14 : i32
    %dma_start3A_699 = arith.constant 0 : i32
    %dma_start3A_700 = tpu.memref_slice %arg10[%dma_start3A_698, %dma_start3A_699] : memref<20x512xi32, #tpu.memory_space<vmem>> -> memref<1x512xi32, #tpu.memory_space<vmem>>
    %dma_start3A_701 = tpu.memref_squeeze %dma_start3A_700 : memref<1x512xi32, #tpu.memory_space<vmem>> -> memref<512xi32, #tpu.memory_space<vmem>>
    %dma_start3A_702 = arith.constant 0 : i32
    %dma_start3A_703 = tpu.memref_slice %arg16[%dma_start3A_702] : memref<10240xf32, #tpu.memory_space<vmem_shared>> -> memref<10240xf32, #tpu.memory_space<vmem_shared>>
    tpu.enqueue_indirect_dma source(%arg14 : memref<512xf32, #tpu.memory_space<vmem>>) target(%dma_start3A_703 : memref<10240xf32, #tpu.memory_space<vmem_shared>>) offsets(%dma_start3A_701 : memref<512xi32, #tpu.memory_space<vmem>>) semaphore(%arg21 : memref<!tpu.dma_semaphore, #tpu.memory_space<semaphore_mem>>) {add = true}
    %dma_wait3A_704 = arith.constant 14 : i32
    %dma_wait3A_705 = arith.constant 0 : i32
    %dma_wait3A_706 = tpu.memref_slice %arg10[%dma_wait3A_704, %dma_wait3A_705] : memref<20x512xi32, #tpu.memory_space<vmem>> -> memref<1x512xi32, #tpu.memory_space<vmem>>
    %dma_wait3A_707 = tpu.memref_squeeze %dma_wait3A_706 : memref<1x512xi32, #tpu.memory_space<vmem>> -> memref<512xi32, #tpu.memory_space<vmem>>
    %dma_wait3A_708 = arith.constant 0 : i32
    %dma_wait3A_709 = arith.constant 0 : i32
    %dma_wait3A_710 = tpu.memref_slice %arg15[%dma_wait3A_708, %dma_wait3A_709] : memref<10240x32xf32, #tpu.memory_space<vmem_shared>> -> memref<10240x32xf32, #tpu.memory_space<vmem_shared>>
    tpu.wait_indirect_dma semaphore(%arg19 : memref<!tpu.dma_semaphore, #tpu.memory_space<semaphore_mem>>) src(%arg12 : memref<512x32xf32, #tpu.memory_space<vmem>>) dst(%dma_wait3A_710 : memref<10240x32xf32, #tpu.memory_space<vmem_shared>>)
    %dma_start3A_711 = arith.constant 16 : i32
    %dma_start3A_712 = arith.constant 0 : i32
    %dma_start3A_713 = tpu.memref_slice %arg9[%dma_start3A_711, %dma_start3A_712] : memref<20x512xi32, #tpu.memory_space<vmem>> -> memref<1x512xi32, #tpu.memory_space<vmem>>
    %dma_start3A_714 = tpu.memref_squeeze %dma_start3A_713 : memref<1x512xi32, #tpu.memory_space<vmem>> -> memref<512xi32, #tpu.memory_space<vmem>>
    %dma_start3A_715 = arith.constant 0 : i32
    %dma_start3A_716 = arith.constant 0 : i32
    %dma_start3A_717 = tpu.memref_slice %arg17[%dma_start3A_715, %dma_start3A_716] : memref<10240x32xf32, #tpu.memory_space<vmem_shared>> -> memref<10240x32xf32, #tpu.memory_space<vmem_shared>>
    tpu.enqueue_indirect_dma source(%dma_start3A_717 : memref<10240x32xf32, #tpu.memory_space<vmem_shared>>) target(%arg12 : memref<512x32xf32, #tpu.memory_space<vmem>>) offsets(%dma_start3A_714 : memref<512xi32, #tpu.memory_space<vmem>>) semaphore(%arg19 : memref<!tpu.dma_semaphore, #tpu.memory_space<semaphore_mem>>)
    %dma_wait3A_718 = arith.constant 15 : i32
    %dma_wait3A_719 = arith.constant 0 : i32
    %dma_wait3A_720 = tpu.memref_slice %arg9[%dma_wait3A_718, %dma_wait3A_719] : memref<20x512xi32, #tpu.memory_space<vmem>> -> memref<1x512xi32, #tpu.memory_space<vmem>>
    %dma_wait3A_721 = tpu.memref_squeeze %dma_wait3A_720 : memref<1x512xi32, #tpu.memory_space<vmem>> -> memref<512xi32, #tpu.memory_space<vmem>>
    %dma_wait3A_722 = arith.constant 0 : i32
    %dma_wait3A_723 = arith.constant 0 : i32
    %dma_wait3A_724 = tpu.memref_slice %arg17[%dma_wait3A_722, %dma_wait3A_723] : memref<10240x32xf32, #tpu.memory_space<vmem_shared>> -> memref<10240x32xf32, #tpu.memory_space<vmem_shared>>
    tpu.wait_indirect_dma semaphore(%arg18 : memref<!tpu.dma_semaphore, #tpu.memory_space<semaphore_mem>>) src(%dma_wait3A_724 : memref<10240x32xf32, #tpu.memory_space<vmem_shared>>) dst(%arg11 : memref<512x32xf32, #tpu.memory_space<vmem>>)
    %dma_start3A_725 = arith.constant 15 : i32
    %dma_start3A_726 = arith.constant 0 : i32
    %dma_start3A_727 = tpu.memref_slice %arg10[%dma_start3A_725, %dma_start3A_726] : memref<20x512xi32, #tpu.memory_space<vmem>> -> memref<1x512xi32, #tpu.memory_space<vmem>>
    %dma_start3A_728 = tpu.memref_squeeze %dma_start3A_727 : memref<1x512xi32, #tpu.memory_space<vmem>> -> memref<512xi32, #tpu.memory_space<vmem>>
    %dma_start3A_729 = arith.constant 0 : i32
    %dma_start3A_730 = arith.constant 0 : i32
    %dma_start3A_731 = tpu.memref_slice %arg15[%dma_start3A_729, %dma_start3A_730] : memref<10240x32xf32, #tpu.memory_space<vmem_shared>> -> memref<10240x32xf32, #tpu.memory_space<vmem_shared>>
    tpu.enqueue_indirect_dma source(%arg11 : memref<512x32xf32, #tpu.memory_space<vmem>>) target(%dma_start3A_731 : memref<10240x32xf32, #tpu.memory_space<vmem_shared>>) offsets(%dma_start3A_728 : memref<512xi32, #tpu.memory_space<vmem>>) semaphore(%arg18 : memref<!tpu.dma_semaphore, #tpu.memory_space<semaphore_mem>>) {add = true}
    %dma_start3A_732 = arith.constant 15 : i32
    %dma_start3A_733 = arith.constant 0 : i32
    %dma_start3A_734 = tpu.memref_slice %arg10[%dma_start3A_732, %dma_start3A_733] : memref<20x512xi32, #tpu.memory_space<vmem>> -> memref<1x512xi32, #tpu.memory_space<vmem>>
    %dma_start3A_735 = tpu.memref_squeeze %dma_start3A_734 : memref<1x512xi32, #tpu.memory_space<vmem>> -> memref<512xi32, #tpu.memory_space<vmem>>
    %dma_start3A_736 = arith.constant 0 : i32
    %dma_start3A_737 = tpu.memref_slice %arg16[%dma_start3A_736] : memref<10240xf32, #tpu.memory_space<vmem_shared>> -> memref<10240xf32, #tpu.memory_space<vmem_shared>>
    tpu.enqueue_indirect_dma source(%arg14 : memref<512xf32, #tpu.memory_space<vmem>>) target(%dma_start3A_737 : memref<10240xf32, #tpu.memory_space<vmem_shared>>) offsets(%dma_start3A_735 : memref<512xi32, #tpu.memory_space<vmem>>) semaphore(%arg21 : memref<!tpu.dma_semaphore, #tpu.memory_space<semaphore_mem>>) {add = true}
    %dma_wait3A_738 = arith.constant 15 : i32
    %dma_wait3A_739 = arith.constant 0 : i32
    %dma_wait3A_740 = tpu.memref_slice %arg10[%dma_wait3A_738, %dma_wait3A_739] : memref<20x512xi32, #tpu.memory_space<vmem>> -> memref<1x512xi32, #tpu.memory_space<vmem>>
    %dma_wait3A_741 = tpu.memref_squeeze %dma_wait3A_740 : memref<1x512xi32, #tpu.memory_space<vmem>> -> memref<512xi32, #tpu.memory_space<vmem>>
    %dma_wait3A_742 = arith.constant 0 : i32
    %dma_wait3A_743 = arith.constant 0 : i32
    %dma_wait3A_744 = tpu.memref_slice %arg15[%dma_wait3A_742, %dma_wait3A_743] : memref<10240x32xf32, #tpu.memory_space<vmem_shared>> -> memref<10240x32xf32, #tpu.memory_space<vmem_shared>>
    tpu.wait_indirect_dma semaphore(%arg20 : memref<!tpu.dma_semaphore, #tpu.memory_space<semaphore_mem>>) src(%arg13 : memref<512x32xf32, #tpu.memory_space<vmem>>) dst(%dma_wait3A_744 : memref<10240x32xf32, #tpu.memory_space<vmem_shared>>)
    %dma_start3A_745 = arith.constant 17 : i32
    %dma_start3A_746 = arith.constant 0 : i32
    %dma_start3A_747 = tpu.memref_slice %arg9[%dma_start3A_745, %dma_start3A_746] : memref<20x512xi32, #tpu.memory_space<vmem>> -> memref<1x512xi32, #tpu.memory_space<vmem>>
    %dma_start3A_748 = tpu.memref_squeeze %dma_start3A_747 : memref<1x512xi32, #tpu.memory_space<vmem>> -> memref<512xi32, #tpu.memory_space<vmem>>
    %dma_start3A_749 = arith.constant 0 : i32
    %dma_start3A_750 = arith.constant 0 : i32
    %dma_start3A_751 = tpu.memref_slice %arg17[%dma_start3A_749, %dma_start3A_750] : memref<10240x32xf32, #tpu.memory_space<vmem_shared>> -> memref<10240x32xf32, #tpu.memory_space<vmem_shared>>
    tpu.enqueue_indirect_dma source(%dma_start3A_751 : memref<10240x32xf32, #tpu.memory_space<vmem_shared>>) target(%arg13 : memref<512x32xf32, #tpu.memory_space<vmem>>) offsets(%dma_start3A_748 : memref<512xi32, #tpu.memory_space<vmem>>) semaphore(%arg20 : memref<!tpu.dma_semaphore, #tpu.memory_space<semaphore_mem>>)
    %dma_wait3A_752 = arith.constant 16 : i32
    %dma_wait3A_753 = arith.constant 0 : i32
    %dma_wait3A_754 = tpu.memref_slice %arg9[%dma_wait3A_752, %dma_wait3A_753] : memref<20x512xi32, #tpu.memory_space<vmem>> -> memref<1x512xi32, #tpu.memory_space<vmem>>
    %dma_wait3A_755 = tpu.memref_squeeze %dma_wait3A_754 : memref<1x512xi32, #tpu.memory_space<vmem>> -> memref<512xi32, #tpu.memory_space<vmem>>
    %dma_wait3A_756 = arith.constant 0 : i32
    %dma_wait3A_757 = arith.constant 0 : i32
    %dma_wait3A_758 = tpu.memref_slice %arg17[%dma_wait3A_756, %dma_wait3A_757] : memref<10240x32xf32, #tpu.memory_space<vmem_shared>> -> memref<10240x32xf32, #tpu.memory_space<vmem_shared>>
    tpu.wait_indirect_dma semaphore(%arg19 : memref<!tpu.dma_semaphore, #tpu.memory_space<semaphore_mem>>) src(%dma_wait3A_758 : memref<10240x32xf32, #tpu.memory_space<vmem_shared>>) dst(%arg12 : memref<512x32xf32, #tpu.memory_space<vmem>>)
    %dma_start3A_759 = arith.constant 16 : i32
    %dma_start3A_760 = arith.constant 0 : i32
    %dma_start3A_761 = tpu.memref_slice %arg10[%dma_start3A_759, %dma_start3A_760] : memref<20x512xi32, #tpu.memory_space<vmem>> -> memref<1x512xi32, #tpu.memory_space<vmem>>
    %dma_start3A_762 = tpu.memref_squeeze %dma_start3A_761 : memref<1x512xi32, #tpu.memory_space<vmem>> -> memref<512xi32, #tpu.memory_space<vmem>>
    %dma_start3A_763 = arith.constant 0 : i32
    %dma_start3A_764 = arith.constant 0 : i32
    %dma_start3A_765 = tpu.memref_slice %arg15[%dma_start3A_763, %dma_start3A_764] : memref<10240x32xf32, #tpu.memory_space<vmem_shared>> -> memref<10240x32xf32, #tpu.memory_space<vmem_shared>>
    tpu.enqueue_indirect_dma source(%arg12 : memref<512x32xf32, #tpu.memory_space<vmem>>) target(%dma_start3A_765 : memref<10240x32xf32, #tpu.memory_space<vmem_shared>>) offsets(%dma_start3A_762 : memref<512xi32, #tpu.memory_space<vmem>>) semaphore(%arg19 : memref<!tpu.dma_semaphore, #tpu.memory_space<semaphore_mem>>) {add = true}
    %dma_start3A_766 = arith.constant 16 : i32
    %dma_start3A_767 = arith.constant 0 : i32
    %dma_start3A_768 = tpu.memref_slice %arg10[%dma_start3A_766, %dma_start3A_767] : memref<20x512xi32, #tpu.memory_space<vmem>> -> memref<1x512xi32, #tpu.memory_space<vmem>>
    %dma_start3A_769 = tpu.memref_squeeze %dma_start3A_768 : memref<1x512xi32, #tpu.memory_space<vmem>> -> memref<512xi32, #tpu.memory_space<vmem>>
    %dma_start3A_770 = arith.constant 0 : i32
    %dma_start3A_771 = tpu.memref_slice %arg16[%dma_start3A_770] : memref<10240xf32, #tpu.memory_space<vmem_shared>> -> memref<10240xf32, #tpu.memory_space<vmem_shared>>
    tpu.enqueue_indirect_dma source(%arg14 : memref<512xf32, #tpu.memory_space<vmem>>) target(%dma_start3A_771 : memref<10240xf32, #tpu.memory_space<vmem_shared>>) offsets(%dma_start3A_769 : memref<512xi32, #tpu.memory_space<vmem>>) semaphore(%arg21 : memref<!tpu.dma_semaphore, #tpu.memory_space<semaphore_mem>>) {add = true}
    %dma_wait3A_772 = arith.constant 16 : i32
    %dma_wait3A_773 = arith.constant 0 : i32
    %dma_wait3A_774 = tpu.memref_slice %arg10[%dma_wait3A_772, %dma_wait3A_773] : memref<20x512xi32, #tpu.memory_space<vmem>> -> memref<1x512xi32, #tpu.memory_space<vmem>>
    %dma_wait3A_775 = tpu.memref_squeeze %dma_wait3A_774 : memref<1x512xi32, #tpu.memory_space<vmem>> -> memref<512xi32, #tpu.memory_space<vmem>>
    %dma_wait3A_776 = arith.constant 0 : i32
    %dma_wait3A_777 = arith.constant 0 : i32
    %dma_wait3A_778 = tpu.memref_slice %arg15[%dma_wait3A_776, %dma_wait3A_777] : memref<10240x32xf32, #tpu.memory_space<vmem_shared>> -> memref<10240x32xf32, #tpu.memory_space<vmem_shared>>
    tpu.wait_indirect_dma semaphore(%arg18 : memref<!tpu.dma_semaphore, #tpu.memory_space<semaphore_mem>>) src(%arg11 : memref<512x32xf32, #tpu.memory_space<vmem>>) dst(%dma_wait3A_778 : memref<10240x32xf32, #tpu.memory_space<vmem_shared>>)
    %dma_start3A_779 = arith.constant 18 : i32
    %dma_start3A_780 = arith.constant 0 : i32
    %dma_start3A_781 = tpu.memref_slice %arg9[%dma_start3A_779, %dma_start3A_780] : memref<20x512xi32, #tpu.memory_space<vmem>> -> memref<1x512xi32, #tpu.memory_space<vmem>>
    %dma_start3A_782 = tpu.memref_squeeze %dma_start3A_781 : memref<1x512xi32, #tpu.memory_space<vmem>> -> memref<512xi32, #tpu.memory_space<vmem>>
    %dma_start3A_783 = arith.constant 0 : i32
    %dma_start3A_784 = arith.constant 0 : i32
    %dma_start3A_785 = tpu.memref_slice %arg17[%dma_start3A_783, %dma_start3A_784] : memref<10240x32xf32, #tpu.memory_space<vmem_shared>> -> memref<10240x32xf32, #tpu.memory_space<vmem_shared>>
    tpu.enqueue_indirect_dma source(%dma_start3A_785 : memref<10240x32xf32, #tpu.memory_space<vmem_shared>>) target(%arg11 : memref<512x32xf32, #tpu.memory_space<vmem>>) offsets(%dma_start3A_782 : memref<512xi32, #tpu.memory_space<vmem>>) semaphore(%arg18 : memref<!tpu.dma_semaphore, #tpu.memory_space<semaphore_mem>>)
    %dma_wait3A_786 = arith.constant 17 : i32
    %dma_wait3A_787 = arith.constant 0 : i32
    %dma_wait3A_788 = tpu.memref_slice %arg9[%dma_wait3A_786, %dma_wait3A_787] : memref<20x512xi32, #tpu.memory_space<vmem>> -> memref<1x512xi32, #tpu.memory_space<vmem>>
    %dma_wait3A_789 = tpu.memref_squeeze %dma_wait3A_788 : memref<1x512xi32, #tpu.memory_space<vmem>> -> memref<512xi32, #tpu.memory_space<vmem>>
    %dma_wait3A_790 = arith.constant 0 : i32
    %dma_wait3A_791 = arith.constant 0 : i32
    %dma_wait3A_792 = tpu.memref_slice %arg17[%dma_wait3A_790, %dma_wait3A_791] : memref<10240x32xf32, #tpu.memory_space<vmem_shared>> -> memref<10240x32xf32, #tpu.memory_space<vmem_shared>>
    tpu.wait_indirect_dma semaphore(%arg20 : memref<!tpu.dma_semaphore, #tpu.memory_space<semaphore_mem>>) src(%dma_wait3A_792 : memref<10240x32xf32, #tpu.memory_space<vmem_shared>>) dst(%arg13 : memref<512x32xf32, #tpu.memory_space<vmem>>)
    %dma_start3A_793 = arith.constant 17 : i32
    %dma_start3A_794 = arith.constant 0 : i32
    %dma_start3A_795 = tpu.memref_slice %arg10[%dma_start3A_793, %dma_start3A_794] : memref<20x512xi32, #tpu.memory_space<vmem>> -> memref<1x512xi32, #tpu.memory_space<vmem>>
    %dma_start3A_796 = tpu.memref_squeeze %dma_start3A_795 : memref<1x512xi32, #tpu.memory_space<vmem>> -> memref<512xi32, #tpu.memory_space<vmem>>
    %dma_start3A_797 = arith.constant 0 : i32
    %dma_start3A_798 = arith.constant 0 : i32
    %dma_start3A_799 = tpu.memref_slice %arg15[%dma_start3A_797, %dma_start3A_798] : memref<10240x32xf32, #tpu.memory_space<vmem_shared>> -> memref<10240x32xf32, #tpu.memory_space<vmem_shared>>
    tpu.enqueue_indirect_dma source(%arg13 : memref<512x32xf32, #tpu.memory_space<vmem>>) target(%dma_start3A_799 : memref<10240x32xf32, #tpu.memory_space<vmem_shared>>) offsets(%dma_start3A_796 : memref<512xi32, #tpu.memory_space<vmem>>) semaphore(%arg20 : memref<!tpu.dma_semaphore, #tpu.memory_space<semaphore_mem>>) {add = true}
    %dma_start3A_800 = arith.constant 17 : i32
    %dma_start3A_801 = arith.constant 0 : i32
    %dma_start3A_802 = tpu.memref_slice %arg10[%dma_start3A_800, %dma_start3A_801] : memref<20x512xi32, #tpu.memory_space<vmem>> -> memref<1x512xi32, #tpu.memory_space<vmem>>
    %dma_start3A_803 = tpu.memref_squeeze %dma_start3A_802 : memref<1x512xi32, #tpu.memory_space<vmem>> -> memref<512xi32, #tpu.memory_space<vmem>>
    %dma_start3A_804 = arith.constant 0 : i32
    %dma_start3A_805 = tpu.memref_slice %arg16[%dma_start3A_804] : memref<10240xf32, #tpu.memory_space<vmem_shared>> -> memref<10240xf32, #tpu.memory_space<vmem_shared>>
    tpu.enqueue_indirect_dma source(%arg14 : memref<512xf32, #tpu.memory_space<vmem>>) target(%dma_start3A_805 : memref<10240xf32, #tpu.memory_space<vmem_shared>>) offsets(%dma_start3A_803 : memref<512xi32, #tpu.memory_space<vmem>>) semaphore(%arg21 : memref<!tpu.dma_semaphore, #tpu.memory_space<semaphore_mem>>) {add = true}
    %dma_wait3A_806 = arith.constant 17 : i32
    %dma_wait3A_807 = arith.constant 0 : i32
    %dma_wait3A_808 = tpu.memref_slice %arg10[%dma_wait3A_806, %dma_wait3A_807] : memref<20x512xi32, #tpu.memory_space<vmem>> -> memref<1x512xi32, #tpu.memory_space<vmem>>
    %dma_wait3A_809 = tpu.memref_squeeze %dma_wait3A_808 : memref<1x512xi32, #tpu.memory_space<vmem>> -> memref<512xi32, #tpu.memory_space<vmem>>
    %dma_wait3A_810 = arith.constant 0 : i32
    %dma_wait3A_811 = arith.constant 0 : i32
    %dma_wait3A_812 = tpu.memref_slice %arg15[%dma_wait3A_810, %dma_wait3A_811] : memref<10240x32xf32, #tpu.memory_space<vmem_shared>> -> memref<10240x32xf32, #tpu.memory_space<vmem_shared>>
    tpu.wait_indirect_dma semaphore(%arg19 : memref<!tpu.dma_semaphore, #tpu.memory_space<semaphore_mem>>) src(%arg12 : memref<512x32xf32, #tpu.memory_space<vmem>>) dst(%dma_wait3A_812 : memref<10240x32xf32, #tpu.memory_space<vmem_shared>>)
    %dma_start3A_813 = arith.constant 19 : i32
    %dma_start3A_814 = arith.constant 0 : i32
    %dma_start3A_815 = tpu.memref_slice %arg9[%dma_start3A_813, %dma_start3A_814] : memref<20x512xi32, #tpu.memory_space<vmem>> -> memref<1x512xi32, #tpu.memory_space<vmem>>
    %dma_start3A_816 = tpu.memref_squeeze %dma_start3A_815 : memref<1x512xi32, #tpu.memory_space<vmem>> -> memref<512xi32, #tpu.memory_space<vmem>>
    %dma_start3A_817 = arith.constant 0 : i32
    %dma_start3A_818 = arith.constant 0 : i32
    %dma_start3A_819 = tpu.memref_slice %arg17[%dma_start3A_817, %dma_start3A_818] : memref<10240x32xf32, #tpu.memory_space<vmem_shared>> -> memref<10240x32xf32, #tpu.memory_space<vmem_shared>>
    tpu.enqueue_indirect_dma source(%dma_start3A_819 : memref<10240x32xf32, #tpu.memory_space<vmem_shared>>) target(%arg12 : memref<512x32xf32, #tpu.memory_space<vmem>>) offsets(%dma_start3A_816 : memref<512xi32, #tpu.memory_space<vmem>>) semaphore(%arg19 : memref<!tpu.dma_semaphore, #tpu.memory_space<semaphore_mem>>)
    %dma_wait3A_820 = arith.constant 18 : i32
    %dma_wait3A_821 = arith.constant 0 : i32
    %dma_wait3A_822 = tpu.memref_slice %arg9[%dma_wait3A_820, %dma_wait3A_821] : memref<20x512xi32, #tpu.memory_space<vmem>> -> memref<1x512xi32, #tpu.memory_space<vmem>>
    %dma_wait3A_823 = tpu.memref_squeeze %dma_wait3A_822 : memref<1x512xi32, #tpu.memory_space<vmem>> -> memref<512xi32, #tpu.memory_space<vmem>>
    %dma_wait3A_824 = arith.constant 0 : i32
    %dma_wait3A_825 = arith.constant 0 : i32
    %dma_wait3A_826 = tpu.memref_slice %arg17[%dma_wait3A_824, %dma_wait3A_825] : memref<10240x32xf32, #tpu.memory_space<vmem_shared>> -> memref<10240x32xf32, #tpu.memory_space<vmem_shared>>
    tpu.wait_indirect_dma semaphore(%arg18 : memref<!tpu.dma_semaphore, #tpu.memory_space<semaphore_mem>>) src(%dma_wait3A_826 : memref<10240x32xf32, #tpu.memory_space<vmem_shared>>) dst(%arg11 : memref<512x32xf32, #tpu.memory_space<vmem>>)
    %dma_start3A_827 = arith.constant 18 : i32
    %dma_start3A_828 = arith.constant 0 : i32
    %dma_start3A_829 = tpu.memref_slice %arg10[%dma_start3A_827, %dma_start3A_828] : memref<20x512xi32, #tpu.memory_space<vmem>> -> memref<1x512xi32, #tpu.memory_space<vmem>>
    %dma_start3A_830 = tpu.memref_squeeze %dma_start3A_829 : memref<1x512xi32, #tpu.memory_space<vmem>> -> memref<512xi32, #tpu.memory_space<vmem>>
    %dma_start3A_831 = arith.constant 0 : i32
    %dma_start3A_832 = arith.constant 0 : i32
    %dma_start3A_833 = tpu.memref_slice %arg15[%dma_start3A_831, %dma_start3A_832] : memref<10240x32xf32, #tpu.memory_space<vmem_shared>> -> memref<10240x32xf32, #tpu.memory_space<vmem_shared>>
    tpu.enqueue_indirect_dma source(%arg11 : memref<512x32xf32, #tpu.memory_space<vmem>>) target(%dma_start3A_833 : memref<10240x32xf32, #tpu.memory_space<vmem_shared>>) offsets(%dma_start3A_830 : memref<512xi32, #tpu.memory_space<vmem>>) semaphore(%arg18 : memref<!tpu.dma_semaphore, #tpu.memory_space<semaphore_mem>>) {add = true}
    %dma_start3A_834 = arith.constant 18 : i32
    %dma_start3A_835 = arith.constant 0 : i32
    %dma_start3A_836 = tpu.memref_slice %arg10[%dma_start3A_834, %dma_start3A_835] : memref<20x512xi32, #tpu.memory_space<vmem>> -> memref<1x512xi32, #tpu.memory_space<vmem>>
    %dma_start3A_837 = tpu.memref_squeeze %dma_start3A_836 : memref<1x512xi32, #tpu.memory_space<vmem>> -> memref<512xi32, #tpu.memory_space<vmem>>
    %dma_start3A_838 = arith.constant 0 : i32
    %dma_start3A_839 = tpu.memref_slice %arg16[%dma_start3A_838] : memref<10240xf32, #tpu.memory_space<vmem_shared>> -> memref<10240xf32, #tpu.memory_space<vmem_shared>>
    tpu.enqueue_indirect_dma source(%arg14 : memref<512xf32, #tpu.memory_space<vmem>>) target(%dma_start3A_839 : memref<10240xf32, #tpu.memory_space<vmem_shared>>) offsets(%dma_start3A_837 : memref<512xi32, #tpu.memory_space<vmem>>) semaphore(%arg21 : memref<!tpu.dma_semaphore, #tpu.memory_space<semaphore_mem>>) {add = true}
    %dma_wait3A_840 = arith.constant 19 : i32
    %dma_wait3A_841 = arith.constant 0 : i32
    %dma_wait3A_842 = tpu.memref_slice %arg9[%dma_wait3A_840, %dma_wait3A_841] : memref<20x512xi32, #tpu.memory_space<vmem>> -> memref<1x512xi32, #tpu.memory_space<vmem>>
    %dma_wait3A_843 = tpu.memref_squeeze %dma_wait3A_842 : memref<1x512xi32, #tpu.memory_space<vmem>> -> memref<512xi32, #tpu.memory_space<vmem>>
    %dma_wait3A_844 = arith.constant 0 : i32
    %dma_wait3A_845 = arith.constant 0 : i32
    %dma_wait3A_846 = tpu.memref_slice %arg17[%dma_wait3A_844, %dma_wait3A_845] : memref<10240x32xf32, #tpu.memory_space<vmem_shared>> -> memref<10240x32xf32, #tpu.memory_space<vmem_shared>>
    tpu.wait_indirect_dma semaphore(%arg19 : memref<!tpu.dma_semaphore, #tpu.memory_space<semaphore_mem>>) src(%dma_wait3A_846 : memref<10240x32xf32, #tpu.memory_space<vmem_shared>>) dst(%arg12 : memref<512x32xf32, #tpu.memory_space<vmem>>)
    %dma_start3A_847 = arith.constant 19 : i32
    %dma_start3A_848 = arith.constant 0 : i32
    %dma_start3A_849 = tpu.memref_slice %arg10[%dma_start3A_847, %dma_start3A_848] : memref<20x512xi32, #tpu.memory_space<vmem>> -> memref<1x512xi32, #tpu.memory_space<vmem>>
    %dma_start3A_850 = tpu.memref_squeeze %dma_start3A_849 : memref<1x512xi32, #tpu.memory_space<vmem>> -> memref<512xi32, #tpu.memory_space<vmem>>
    %dma_start3A_851 = arith.constant 0 : i32
    %dma_start3A_852 = arith.constant 0 : i32
    %dma_start3A_853 = tpu.memref_slice %arg15[%dma_start3A_851, %dma_start3A_852] : memref<10240x32xf32, #tpu.memory_space<vmem_shared>> -> memref<10240x32xf32, #tpu.memory_space<vmem_shared>>
    tpu.enqueue_indirect_dma source(%arg12 : memref<512x32xf32, #tpu.memory_space<vmem>>) target(%dma_start3A_853 : memref<10240x32xf32, #tpu.memory_space<vmem_shared>>) offsets(%dma_start3A_850 : memref<512xi32, #tpu.memory_space<vmem>>) semaphore(%arg19 : memref<!tpu.dma_semaphore, #tpu.memory_space<semaphore_mem>>) {add = true}
    %dma_start3A_854 = arith.constant 19 : i32
    %dma_start3A_855 = arith.constant 0 : i32
    %dma_start3A_856 = tpu.memref_slice %arg10[%dma_start3A_854, %dma_start3A_855] : memref<20x512xi32, #tpu.memory_space<vmem>> -> memref<1x512xi32, #tpu.memory_space<vmem>>
    %dma_start3A_857 = tpu.memref_squeeze %dma_start3A_856 : memref<1x512xi32, #tpu.memory_space<vmem>> -> memref<512xi32, #tpu.memory_space<vmem>>
    %dma_start3A_858 = arith.constant 0 : i32
    %dma_start3A_859 = tpu.memref_slice %arg16[%dma_start3A_858] : memref<10240xf32, #tpu.memory_space<vmem_shared>> -> memref<10240xf32, #tpu.memory_space<vmem_shared>>
    tpu.enqueue_indirect_dma source(%arg14 : memref<512xf32, #tpu.memory_space<vmem>>) target(%dma_start3A_859 : memref<10240xf32, #tpu.memory_space<vmem_shared>>) offsets(%dma_start3A_857 : memref<512xi32, #tpu.memory_space<vmem>>) semaphore(%arg21 : memref<!tpu.dma_semaphore, #tpu.memory_space<semaphore_mem>>) {add = true}
    %dma_wait3A_860 = arith.constant 18 : i32
    %dma_wait3A_861 = arith.constant 0 : i32
    %dma_wait3A_862 = tpu.memref_slice %arg10[%dma_wait3A_860, %dma_wait3A_861] : memref<20x512xi32, #tpu.memory_space<vmem>> -> memref<1x512xi32, #tpu.memory_space<vmem>>
    %dma_wait3A_863 = tpu.memref_squeeze %dma_wait3A_862 : memref<1x512xi32, #tpu.memory_space<vmem>> -> memref<512xi32, #tpu.memory_space<vmem>>
    %dma_wait3A_864 = arith.constant 0 : i32
    %dma_wait3A_865 = arith.constant 0 : i32
    %dma_wait3A_866 = tpu.memref_slice %arg15[%dma_wait3A_864, %dma_wait3A_865] : memref<10240x32xf32, #tpu.memory_space<vmem_shared>> -> memref<10240x32xf32, #tpu.memory_space<vmem_shared>>
    tpu.wait_indirect_dma semaphore(%arg18 : memref<!tpu.dma_semaphore, #tpu.memory_space<semaphore_mem>>) src(%arg11 : memref<512x32xf32, #tpu.memory_space<vmem>>) dst(%dma_wait3A_866 : memref<10240x32xf32, #tpu.memory_space<vmem_shared>>)
    %dma_wait3A_867 = arith.constant 19 : i32
    %dma_wait3A_868 = arith.constant 0 : i32
    %dma_wait3A_869 = tpu.memref_slice %arg10[%dma_wait3A_867, %dma_wait3A_868] : memref<20x512xi32, #tpu.memory_space<vmem>> -> memref<1x512xi32, #tpu.memory_space<vmem>>
    %dma_wait3A_870 = tpu.memref_squeeze %dma_wait3A_869 : memref<1x512xi32, #tpu.memory_space<vmem>> -> memref<512xi32, #tpu.memory_space<vmem>>
    %dma_wait3A_871 = arith.constant 0 : i32
    %dma_wait3A_872 = arith.constant 0 : i32
    %dma_wait3A_873 = tpu.memref_slice %arg15[%dma_wait3A_871, %dma_wait3A_872] : memref<10240x32xf32, #tpu.memory_space<vmem_shared>> -> memref<10240x32xf32, #tpu.memory_space<vmem_shared>>
    tpu.wait_indirect_dma semaphore(%arg19 : memref<!tpu.dma_semaphore, #tpu.memory_space<semaphore_mem>>) src(%arg12 : memref<512x32xf32, #tpu.memory_space<vmem>>) dst(%dma_wait3A_873 : memref<10240x32xf32, #tpu.memory_space<vmem_shared>>)
    %dma_wait3A_874 = arith.constant 0 : i32
    %dma_wait3A_875 = arith.constant 0 : i32
    %dma_wait3A_876 = tpu.memref_slice %arg10[%dma_wait3A_874, %dma_wait3A_875] : memref<20x512xi32, #tpu.memory_space<vmem>> -> memref<1x512xi32, #tpu.memory_space<vmem>>
    %dma_wait3A_877 = tpu.memref_squeeze %dma_wait3A_876 : memref<1x512xi32, #tpu.memory_space<vmem>> -> memref<512xi32, #tpu.memory_space<vmem>>
    %dma_wait3A_878 = arith.constant 0 : i32
    %dma_wait3A_879 = tpu.memref_slice %arg16[%dma_wait3A_878] : memref<10240xf32, #tpu.memory_space<vmem_shared>> -> memref<10240xf32, #tpu.memory_space<vmem_shared>>
    tpu.wait_indirect_dma semaphore(%arg21 : memref<!tpu.dma_semaphore, #tpu.memory_space<semaphore_mem>>) src(%arg14 : memref<512xf32, #tpu.memory_space<vmem>>) dst(%dma_wait3A_879 : memref<10240xf32, #tpu.memory_space<vmem_shared>>)
    %dma_wait3A_880 = arith.constant 1 : i32
    %dma_wait3A_881 = arith.constant 0 : i32
    %dma_wait3A_882 = tpu.memref_slice %arg10[%dma_wait3A_880, %dma_wait3A_881] : memref<20x512xi32, #tpu.memory_space<vmem>> -> memref<1x512xi32, #tpu.memory_space<vmem>>
    %dma_wait3A_883 = tpu.memref_squeeze %dma_wait3A_882 : memref<1x512xi32, #tpu.memory_space<vmem>> -> memref<512xi32, #tpu.memory_space<vmem>>
    %dma_wait3A_884 = arith.constant 0 : i32
    %dma_wait3A_885 = tpu.memref_slice %arg16[%dma_wait3A_884] : memref<10240xf32, #tpu.memory_space<vmem_shared>> -> memref<10240xf32, #tpu.memory_space<vmem_shared>>
    tpu.wait_indirect_dma semaphore(%arg21 : memref<!tpu.dma_semaphore, #tpu.memory_space<semaphore_mem>>) src(%arg14 : memref<512xf32, #tpu.memory_space<vmem>>) dst(%dma_wait3A_885 : memref<10240xf32, #tpu.memory_space<vmem_shared>>)
    %dma_wait3A_886 = arith.constant 2 : i32
    %dma_wait3A_887 = arith.constant 0 : i32
    %dma_wait3A_888 = tpu.memref_slice %arg10[%dma_wait3A_886, %dma_wait3A_887] : memref<20x512xi32, #tpu.memory_space<vmem>> -> memref<1x512xi32, #tpu.memory_space<vmem>>
    %dma_wait3A_889 = tpu.memref_squeeze %dma_wait3A_888 : memref<1x512xi32, #tpu.memory_space<vmem>> -> memref<512xi32, #tpu.memory_space<vmem>>
    %dma_wait3A_890 = arith.constant 0 : i32
    %dma_wait3A_891 = tpu.memref_slice %arg16[%dma_wait3A_890] : memref<10240xf32, #tpu.memory_space<vmem_shared>> -> memref<10240xf32, #tpu.memory_space<vmem_shared>>
    tpu.wait_indirect_dma semaphore(%arg21 : memref<!tpu.dma_semaphore, #tpu.memory_space<semaphore_mem>>) src(%arg14 : memref<512xf32, #tpu.memory_space<vmem>>) dst(%dma_wait3A_891 : memref<10240xf32, #tpu.memory_space<vmem_shared>>)
    %dma_wait3A_892 = arith.constant 3 : i32
    %dma_wait3A_893 = arith.constant 0 : i32
    %dma_wait3A_894 = tpu.memref_slice %arg10[%dma_wait3A_892, %dma_wait3A_893] : memref<20x512xi32, #tpu.memory_space<vmem>> -> memref<1x512xi32, #tpu.memory_space<vmem>>
    %dma_wait3A_895 = tpu.memref_squeeze %dma_wait3A_894 : memref<1x512xi32, #tpu.memory_space<vmem>> -> memref<512xi32, #tpu.memory_space<vmem>>
    %dma_wait3A_896 = arith.constant 0 : i32
    %dma_wait3A_897 = tpu.memref_slice %arg16[%dma_wait3A_896] : memref<10240xf32, #tpu.memory_space<vmem_shared>> -> memref<10240xf32, #tpu.memory_space<vmem_shared>>
    tpu.wait_indirect_dma semaphore(%arg21 : memref<!tpu.dma_semaphore, #tpu.memory_space<semaphore_mem>>) src(%arg14 : memref<512xf32, #tpu.memory_space<vmem>>) dst(%dma_wait3A_897 : memref<10240xf32, #tpu.memory_space<vmem_shared>>)
    %dma_wait3A_898 = arith.constant 4 : i32
    %dma_wait3A_899 = arith.constant 0 : i32
    %dma_wait3A_900 = tpu.memref_slice %arg10[%dma_wait3A_898, %dma_wait3A_899] : memref<20x512xi32, #tpu.memory_space<vmem>> -> memref<1x512xi32, #tpu.memory_space<vmem>>
    %dma_wait3A_901 = tpu.memref_squeeze %dma_wait3A_900 : memref<1x512xi32, #tpu.memory_space<vmem>> -> memref<512xi32, #tpu.memory_space<vmem>>
    %dma_wait3A_902 = arith.constant 0 : i32
    %dma_wait3A_903 = tpu.memref_slice %arg16[%dma_wait3A_902] : memref<10240xf32, #tpu.memory_space<vmem_shared>> -> memref<10240xf32, #tpu.memory_space<vmem_shared>>
    tpu.wait_indirect_dma semaphore(%arg21 : memref<!tpu.dma_semaphore, #tpu.memory_space<semaphore_mem>>) src(%arg14 : memref<512xf32, #tpu.memory_space<vmem>>) dst(%dma_wait3A_903 : memref<10240xf32, #tpu.memory_space<vmem_shared>>)
    %dma_wait3A_904 = arith.constant 5 : i32
    %dma_wait3A_905 = arith.constant 0 : i32
    %dma_wait3A_906 = tpu.memref_slice %arg10[%dma_wait3A_904, %dma_wait3A_905] : memref<20x512xi32, #tpu.memory_space<vmem>> -> memref<1x512xi32, #tpu.memory_space<vmem>>
    %dma_wait3A_907 = tpu.memref_squeeze %dma_wait3A_906 : memref<1x512xi32, #tpu.memory_space<vmem>> -> memref<512xi32, #tpu.memory_space<vmem>>
    %dma_wait3A_908 = arith.constant 0 : i32
    %dma_wait3A_909 = tpu.memref_slice %arg16[%dma_wait3A_908] : memref<10240xf32, #tpu.memory_space<vmem_shared>> -> memref<10240xf32, #tpu.memory_space<vmem_shared>>
    tpu.wait_indirect_dma semaphore(%arg21 : memref<!tpu.dma_semaphore, #tpu.memory_space<semaphore_mem>>) src(%arg14 : memref<512xf32, #tpu.memory_space<vmem>>) dst(%dma_wait3A_909 : memref<10240xf32, #tpu.memory_space<vmem_shared>>)
    %dma_wait3A_910 = arith.constant 6 : i32
    %dma_wait3A_911 = arith.constant 0 : i32
    %dma_wait3A_912 = tpu.memref_slice %arg10[%dma_wait3A_910, %dma_wait3A_911] : memref<20x512xi32, #tpu.memory_space<vmem>> -> memref<1x512xi32, #tpu.memory_space<vmem>>
    %dma_wait3A_913 = tpu.memref_squeeze %dma_wait3A_912 : memref<1x512xi32, #tpu.memory_space<vmem>> -> memref<512xi32, #tpu.memory_space<vmem>>
    %dma_wait3A_914 = arith.constant 0 : i32
    %dma_wait3A_915 = tpu.memref_slice %arg16[%dma_wait3A_914] : memref<10240xf32, #tpu.memory_space<vmem_shared>> -> memref<10240xf32, #tpu.memory_space<vmem_shared>>
    tpu.wait_indirect_dma semaphore(%arg21 : memref<!tpu.dma_semaphore, #tpu.memory_space<semaphore_mem>>) src(%arg14 : memref<512xf32, #tpu.memory_space<vmem>>) dst(%dma_wait3A_915 : memref<10240xf32, #tpu.memory_space<vmem_shared>>)
    %dma_wait3A_916 = arith.constant 7 : i32
    %dma_wait3A_917 = arith.constant 0 : i32
    %dma_wait3A_918 = tpu.memref_slice %arg10[%dma_wait3A_916, %dma_wait3A_917] : memref<20x512xi32, #tpu.memory_space<vmem>> -> memref<1x512xi32, #tpu.memory_space<vmem>>
    %dma_wait3A_919 = tpu.memref_squeeze %dma_wait3A_918 : memref<1x512xi32, #tpu.memory_space<vmem>> -> memref<512xi32, #tpu.memory_space<vmem>>
    %dma_wait3A_920 = arith.constant 0 : i32
    %dma_wait3A_921 = tpu.memref_slice %arg16[%dma_wait3A_920] : memref<10240xf32, #tpu.memory_space<vmem_shared>> -> memref<10240xf32, #tpu.memory_space<vmem_shared>>
    tpu.wait_indirect_dma semaphore(%arg21 : memref<!tpu.dma_semaphore, #tpu.memory_space<semaphore_mem>>) src(%arg14 : memref<512xf32, #tpu.memory_space<vmem>>) dst(%dma_wait3A_921 : memref<10240xf32, #tpu.memory_space<vmem_shared>>)
    %dma_wait3A_922 = arith.constant 8 : i32
    %dma_wait3A_923 = arith.constant 0 : i32
    %dma_wait3A_924 = tpu.memref_slice %arg10[%dma_wait3A_922, %dma_wait3A_923] : memref<20x512xi32, #tpu.memory_space<vmem>> -> memref<1x512xi32, #tpu.memory_space<vmem>>
    %dma_wait3A_925 = tpu.memref_squeeze %dma_wait3A_924 : memref<1x512xi32, #tpu.memory_space<vmem>> -> memref<512xi32, #tpu.memory_space<vmem>>
    %dma_wait3A_926 = arith.constant 0 : i32
    %dma_wait3A_927 = tpu.memref_slice %arg16[%dma_wait3A_926] : memref<10240xf32, #tpu.memory_space<vmem_shared>> -> memref<10240xf32, #tpu.memory_space<vmem_shared>>
    tpu.wait_indirect_dma semaphore(%arg21 : memref<!tpu.dma_semaphore, #tpu.memory_space<semaphore_mem>>) src(%arg14 : memref<512xf32, #tpu.memory_space<vmem>>) dst(%dma_wait3A_927 : memref<10240xf32, #tpu.memory_space<vmem_shared>>)
    %dma_wait3A_928 = arith.constant 9 : i32
    %dma_wait3A_929 = arith.constant 0 : i32
    %dma_wait3A_930 = tpu.memref_slice %arg10[%dma_wait3A_928, %dma_wait3A_929] : memref<20x512xi32, #tpu.memory_space<vmem>> -> memref<1x512xi32, #tpu.memory_space<vmem>>
    %dma_wait3A_931 = tpu.memref_squeeze %dma_wait3A_930 : memref<1x512xi32, #tpu.memory_space<vmem>> -> memref<512xi32, #tpu.memory_space<vmem>>
    %dma_wait3A_932 = arith.constant 0 : i32
    %dma_wait3A_933 = tpu.memref_slice %arg16[%dma_wait3A_932] : memref<10240xf32, #tpu.memory_space<vmem_shared>> -> memref<10240xf32, #tpu.memory_space<vmem_shared>>
    tpu.wait_indirect_dma semaphore(%arg21 : memref<!tpu.dma_semaphore, #tpu.memory_space<semaphore_mem>>) src(%arg14 : memref<512xf32, #tpu.memory_space<vmem>>) dst(%dma_wait3A_933 : memref<10240xf32, #tpu.memory_space<vmem_shared>>)
    %dma_wait3A_934 = arith.constant 10 : i32
    %dma_wait3A_935 = arith.constant 0 : i32
    %dma_wait3A_936 = tpu.memref_slice %arg10[%dma_wait3A_934, %dma_wait3A_935] : memref<20x512xi32, #tpu.memory_space<vmem>> -> memref<1x512xi32, #tpu.memory_space<vmem>>
    %dma_wait3A_937 = tpu.memref_squeeze %dma_wait3A_936 : memref<1x512xi32, #tpu.memory_space<vmem>> -> memref<512xi32, #tpu.memory_space<vmem>>
    %dma_wait3A_938 = arith.constant 0 : i32
    %dma_wait3A_939 = tpu.memref_slice %arg16[%dma_wait3A_938] : memref<10240xf32, #tpu.memory_space<vmem_shared>> -> memref<10240xf32, #tpu.memory_space<vmem_shared>>
    tpu.wait_indirect_dma semaphore(%arg21 : memref<!tpu.dma_semaphore, #tpu.memory_space<semaphore_mem>>) src(%arg14 : memref<512xf32, #tpu.memory_space<vmem>>) dst(%dma_wait3A_939 : memref<10240xf32, #tpu.memory_space<vmem_shared>>)
    %dma_wait3A_940 = arith.constant 11 : i32
    %dma_wait3A_941 = arith.constant 0 : i32
    %dma_wait3A_942 = tpu.memref_slice %arg10[%dma_wait3A_940, %dma_wait3A_941] : memref<20x512xi32, #tpu.memory_space<vmem>> -> memref<1x512xi32, #tpu.memory_space<vmem>>
    %dma_wait3A_943 = tpu.memref_squeeze %dma_wait3A_942 : memref<1x512xi32, #tpu.memory_space<vmem>> -> memref<512xi32, #tpu.memory_space<vmem>>
    %dma_wait3A_944 = arith.constant 0 : i32
    %dma_wait3A_945 = tpu.memref_slice %arg16[%dma_wait3A_944] : memref<10240xf32, #tpu.memory_space<vmem_shared>> -> memref<10240xf32, #tpu.memory_space<vmem_shared>>
    tpu.wait_indirect_dma semaphore(%arg21 : memref<!tpu.dma_semaphore, #tpu.memory_space<semaphore_mem>>) src(%arg14 : memref<512xf32, #tpu.memory_space<vmem>>) dst(%dma_wait3A_945 : memref<10240xf32, #tpu.memory_space<vmem_shared>>)
    %dma_wait3A_946 = arith.constant 12 : i32
    %dma_wait3A_947 = arith.constant 0 : i32
    %dma_wait3A_948 = tpu.memref_slice %arg10[%dma_wait3A_946, %dma_wait3A_947] : memref<20x512xi32, #tpu.memory_space<vmem>> -> memref<1x512xi32, #tpu.memory_space<vmem>>
    %dma_wait3A_949 = tpu.memref_squeeze %dma_wait3A_948 : memref<1x512xi32, #tpu.memory_space<vmem>> -> memref<512xi32, #tpu.memory_space<vmem>>
    %dma_wait3A_950 = arith.constant 0 : i32
    %dma_wait3A_951 = tpu.memref_slice %arg16[%dma_wait3A_950] : memref<10240xf32, #tpu.memory_space<vmem_shared>> -> memref<10240xf32, #tpu.memory_space<vmem_shared>>
    tpu.wait_indirect_dma semaphore(%arg21 : memref<!tpu.dma_semaphore, #tpu.memory_space<semaphore_mem>>) src(%arg14 : memref<512xf32, #tpu.memory_space<vmem>>) dst(%dma_wait3A_951 : memref<10240xf32, #tpu.memory_space<vmem_shared>>)
    %dma_wait3A_952 = arith.constant 13 : i32
    %dma_wait3A_953 = arith.constant 0 : i32
    %dma_wait3A_954 = tpu.memref_slice %arg10[%dma_wait3A_952, %dma_wait3A_953] : memref<20x512xi32, #tpu.memory_space<vmem>> -> memref<1x512xi32, #tpu.memory_space<vmem>>
    %dma_wait3A_955 = tpu.memref_squeeze %dma_wait3A_954 : memref<1x512xi32, #tpu.memory_space<vmem>> -> memref<512xi32, #tpu.memory_space<vmem>>
    %dma_wait3A_956 = arith.constant 0 : i32
    %dma_wait3A_957 = tpu.memref_slice %arg16[%dma_wait3A_956] : memref<10240xf32, #tpu.memory_space<vmem_shared>> -> memref<10240xf32, #tpu.memory_space<vmem_shared>>
    tpu.wait_indirect_dma semaphore(%arg21 : memref<!tpu.dma_semaphore, #tpu.memory_space<semaphore_mem>>) src(%arg14 : memref<512xf32, #tpu.memory_space<vmem>>) dst(%dma_wait3A_957 : memref<10240xf32, #tpu.memory_space<vmem_shared>>)
    %dma_wait3A_958 = arith.constant 14 : i32
    %dma_wait3A_959 = arith.constant 0 : i32
    %dma_wait3A_960 = tpu.memref_slice %arg10[%dma_wait3A_958, %dma_wait3A_959] : memref<20x512xi32, #tpu.memory_space<vmem>> -> memref<1x512xi32, #tpu.memory_space<vmem>>
    %dma_wait3A_961 = tpu.memref_squeeze %dma_wait3A_960 : memref<1x512xi32, #tpu.memory_space<vmem>> -> memref<512xi32, #tpu.memory_space<vmem>>
    %dma_wait3A_962 = arith.constant 0 : i32
    %dma_wait3A_963 = tpu.memref_slice %arg16[%dma_wait3A_962] : memref<10240xf32, #tpu.memory_space<vmem_shared>> -> memref<10240xf32, #tpu.memory_space<vmem_shared>>
    tpu.wait_indirect_dma semaphore(%arg21 : memref<!tpu.dma_semaphore, #tpu.memory_space<semaphore_mem>>) src(%arg14 : memref<512xf32, #tpu.memory_space<vmem>>) dst(%dma_wait3A_963 : memref<10240xf32, #tpu.memory_space<vmem_shared>>)
    %dma_wait3A_964 = arith.constant 15 : i32
    %dma_wait3A_965 = arith.constant 0 : i32
    %dma_wait3A_966 = tpu.memref_slice %arg10[%dma_wait3A_964, %dma_wait3A_965] : memref<20x512xi32, #tpu.memory_space<vmem>> -> memref<1x512xi32, #tpu.memory_space<vmem>>
    %dma_wait3A_967 = tpu.memref_squeeze %dma_wait3A_966 : memref<1x512xi32, #tpu.memory_space<vmem>> -> memref<512xi32, #tpu.memory_space<vmem>>
    %dma_wait3A_968 = arith.constant 0 : i32
    %dma_wait3A_969 = tpu.memref_slice %arg16[%dma_wait3A_968] : memref<10240xf32, #tpu.memory_space<vmem_shared>> -> memref<10240xf32, #tpu.memory_space<vmem_shared>>
    tpu.wait_indirect_dma semaphore(%arg21 : memref<!tpu.dma_semaphore, #tpu.memory_space<semaphore_mem>>) src(%arg14 : memref<512xf32, #tpu.memory_space<vmem>>) dst(%dma_wait3A_969 : memref<10240xf32, #tpu.memory_space<vmem_shared>>)
    %dma_wait3A_970 = arith.constant 16 : i32
    %dma_wait3A_971 = arith.constant 0 : i32
    %dma_wait3A_972 = tpu.memref_slice %arg10[%dma_wait3A_970, %dma_wait3A_971] : memref<20x512xi32, #tpu.memory_space<vmem>> -> memref<1x512xi32, #tpu.memory_space<vmem>>
    %dma_wait3A_973 = tpu.memref_squeeze %dma_wait3A_972 : memref<1x512xi32, #tpu.memory_space<vmem>> -> memref<512xi32, #tpu.memory_space<vmem>>
    %dma_wait3A_974 = arith.constant 0 : i32
    %dma_wait3A_975 = tpu.memref_slice %arg16[%dma_wait3A_974] : memref<10240xf32, #tpu.memory_space<vmem_shared>> -> memref<10240xf32, #tpu.memory_space<vmem_shared>>
    tpu.wait_indirect_dma semaphore(%arg21 : memref<!tpu.dma_semaphore, #tpu.memory_space<semaphore_mem>>) src(%arg14 : memref<512xf32, #tpu.memory_space<vmem>>) dst(%dma_wait3A_975 : memref<10240xf32, #tpu.memory_space<vmem_shared>>)
    %dma_wait3A_976 = arith.constant 17 : i32
    %dma_wait3A_977 = arith.constant 0 : i32
    %dma_wait3A_978 = tpu.memref_slice %arg10[%dma_wait3A_976, %dma_wait3A_977] : memref<20x512xi32, #tpu.memory_space<vmem>> -> memref<1x512xi32, #tpu.memory_space<vmem>>
    %dma_wait3A_979 = tpu.memref_squeeze %dma_wait3A_978 : memref<1x512xi32, #tpu.memory_space<vmem>> -> memref<512xi32, #tpu.memory_space<vmem>>
    %dma_wait3A_980 = arith.constant 0 : i32
    %dma_wait3A_981 = tpu.memref_slice %arg16[%dma_wait3A_980] : memref<10240xf32, #tpu.memory_space<vmem_shared>> -> memref<10240xf32, #tpu.memory_space<vmem_shared>>
    tpu.wait_indirect_dma semaphore(%arg21 : memref<!tpu.dma_semaphore, #tpu.memory_space<semaphore_mem>>) src(%arg14 : memref<512xf32, #tpu.memory_space<vmem>>) dst(%dma_wait3A_981 : memref<10240xf32, #tpu.memory_space<vmem_shared>>)
    %dma_wait3A_982 = arith.constant 18 : i32
    %dma_wait3A_983 = arith.constant 0 : i32
    %dma_wait3A_984 = tpu.memref_slice %arg10[%dma_wait3A_982, %dma_wait3A_983] : memref<20x512xi32, #tpu.memory_space<vmem>> -> memref<1x512xi32, #tpu.memory_space<vmem>>
    %dma_wait3A_985 = tpu.memref_squeeze %dma_wait3A_984 : memref<1x512xi32, #tpu.memory_space<vmem>> -> memref<512xi32, #tpu.memory_space<vmem>>
    %dma_wait3A_986 = arith.constant 0 : i32
    %dma_wait3A_987 = tpu.memref_slice %arg16[%dma_wait3A_986] : memref<10240xf32, #tpu.memory_space<vmem_shared>> -> memref<10240xf32, #tpu.memory_space<vmem_shared>>
    tpu.wait_indirect_dma semaphore(%arg21 : memref<!tpu.dma_semaphore, #tpu.memory_space<semaphore_mem>>) src(%arg14 : memref<512xf32, #tpu.memory_space<vmem>>) dst(%dma_wait3A_987 : memref<10240xf32, #tpu.memory_space<vmem_shared>>)
    %dma_wait3A_988 = arith.constant 19 : i32
    %dma_wait3A_989 = arith.constant 0 : i32
    %dma_wait3A_990 = tpu.memref_slice %arg10[%dma_wait3A_988, %dma_wait3A_989] : memref<20x512xi32, #tpu.memory_space<vmem>> -> memref<1x512xi32, #tpu.memory_space<vmem>>
    %dma_wait3A_991 = tpu.memref_squeeze %dma_wait3A_990 : memref<1x512xi32, #tpu.memory_space<vmem>> -> memref<512xi32, #tpu.memory_space<vmem>>
    %dma_wait3A_992 = arith.constant 0 : i32
    %dma_wait3A_993 = tpu.memref_slice %arg16[%dma_wait3A_992] : memref<10240xf32, #tpu.memory_space<vmem_shared>> -> memref<10240xf32, #tpu.memory_space<vmem_shared>>
    tpu.wait_indirect_dma semaphore(%arg21 : memref<!tpu.dma_semaphore, #tpu.memory_space<semaphore_mem>>) src(%arg14 : memref<512xf32, #tpu.memory_space<vmem>>) dst(%dma_wait3A_993 : memref<10240xf32, #tpu.memory_space<vmem_shared>>)
    %barrier3A_994 = arith.constant 0 : index
    tpu.barrier barrier_id(%barrier3A_994)
    %mul3A_995 = arith.constant 640 : i32
    %mul3A_996 = arith.muli %arg1, %mul3A_995 : i32
    %mul3A_997 = arith.constant 10240 : i32
    %mul3A_998 = arith.muli %arg0, %mul3A_997 : i32
    %mul3A_999 = arith.constant 640 : i32
    %mul3A_1000 = arith.muli %arg1, %mul3A_999 : i32
    %add3A_1001 = arith.addi %mul3A_998, %mul3A_1000 : i32
    "tpu.region"() ({
      %run_scoped3A = tpu.sem_alloc : memref<!tpu.dma_semaphore, #tpu.memory_space<semaphore_mem>>
      %dma_start3A_1009 = arith.constant 0 : i32
      %dma_start3A_1010 = tpu.memref_slice %arg7[%add3A_1001, %dma_start3A_1009] : memref<20480x32xf32, #tpu.memory_space<hbm>> -> memref<640x32xf32, #tpu.memory_space<hbm>>
      %dma_start3A_1011 = arith.constant 0 : i32
      %dma_start3A_1012 = tpu.memref_slice %arg15[%mul3A_996, %dma_start3A_1011] : memref<10240x32xf32, #tpu.memory_space<vmem_shared>> -> memref<640x32xf32, #tpu.memory_space<vmem_shared>>
      tpu.enqueue_dma source(%dma_start3A_1012 : memref<640x32xf32, #tpu.memory_space<vmem_shared>>) target(%dma_start3A_1010 : memref<640x32xf32, #tpu.memory_space<hbm>>) target_semaphore(%run_scoped3A : memref<!tpu.dma_semaphore, #tpu.memory_space<semaphore_mem>>)
      %dma_wait3A_1013 = arith.constant 0 : i32
      %dma_wait3A_1014 = tpu.memref_slice %arg7[%add3A_1001, %dma_wait3A_1013] : memref<20480x32xf32, #tpu.memory_space<hbm>> -> memref<640x32xf32, #tpu.memory_space<hbm>>
      %dma_wait3A_1015 = arith.constant 0 : i32
      %dma_wait3A_1016 = tpu.memref_slice %arg15[%mul3A_996, %dma_wait3A_1015] : memref<10240x32xf32, #tpu.memory_space<vmem_shared>> -> memref<640x32xf32, #tpu.memory_space<vmem_shared>>
      tpu.wait_dma2 semaphore(%run_scoped3A : memref<!tpu.dma_semaphore, #tpu.memory_space<semaphore_mem>>) src(%dma_wait3A_1016 : memref<640x32xf32, #tpu.memory_space<vmem_shared>>) dst(%dma_wait3A_1014 : memref<640x32xf32, #tpu.memory_space<hbm>>)
      tpu.yield
    }) : () -> ()
    %mul3A_1002 = arith.constant 640 : i32
    %mul3A_1003 = arith.muli %arg1, %mul3A_1002 : i32
    %mul3A_1004 = arith.constant 10240 : i32
    %mul3A_1005 = arith.muli %arg0, %mul3A_1004 : i32
    %mul3A_1006 = arith.constant 640 : i32
    %mul3A_1007 = arith.muli %arg1, %mul3A_1006 : i32
    %add3A_1008 = arith.addi %mul3A_1005, %mul3A_1007 : i32
    "tpu.region"() ({
      %run_scoped3A = tpu.sem_alloc : memref<!tpu.dma_semaphore, #tpu.memory_space<semaphore_mem>>
      %dma_start3A_1009 = tpu.memref_slice %arg8[%add3A_1008] : memref<20480xf32, #tpu.memory_space<hbm>> -> memref<640xf32, #tpu.memory_space<hbm>>
      %dma_start3A_1010 = tpu.memref_slice %arg16[%mul3A_1003] : memref<10240xf32, #tpu.memory_space<vmem_shared>> -> memref<640xf32, #tpu.memory_space<vmem_shared>>
      tpu.enqueue_dma source(%dma_start3A_1010 : memref<640xf32, #tpu.memory_space<vmem_shared>>) target(%dma_start3A_1009 : memref<640xf32, #tpu.memory_space<hbm>>) target_semaphore(%run_scoped3A : memref<!tpu.dma_semaphore, #tpu.memory_space<semaphore_mem>>)
      %dma_wait3A_1011 = tpu.memref_slice %arg8[%add3A_1008] : memref<20480xf32, #tpu.memory_space<hbm>> -> memref<640xf32, #tpu.memory_space<hbm>>
      %dma_wait3A_1012 = tpu.memref_slice %arg16[%mul3A_1003] : memref<10240xf32, #tpu.memory_space<vmem_shared>> -> memref<640xf32, #tpu.memory_space<vmem_shared>>
      tpu.wait_dma2 semaphore(%run_scoped3A : memref<!tpu.dma_semaphore, #tpu.memory_space<semaphore_mem>>) src(%dma_wait3A_1012 : memref<640xf32, #tpu.memory_space<vmem_shared>>) dst(%dma_wait3A_1011 : memref<640xf32, #tpu.memory_space<hbm>>)
      tpu.yield
    }) : () -> ()
    return
  }
}

module attributes {stable_mosaic.version = 14 : i64} {
  func.func @_tc1_body(%arg0: memref<10240x128xf32, #tpu.memory_space<vmem>>, %arg1: memref<128x32xf32, #tpu.memory_space<vmem>>, %arg2: memref<128x32xf32, #tpu.memory_space<vmem>>, %arg3: memref<1x32xf32, #tpu.memory_space<vmem>>, %arg4: memref<10240x32xf32, #tpu.memory_space<vmem>>, %arg5: memref<10240x32xf32, #tpu.memory_space<vmem>>) attributes {dimension_semantics = [], scalar_prefetch = 0 : i64, scratch_operands = 0 : i64, tpu.core_type = #tpu.core_type<tc>} {
    %get3A = arith.constant 0 : index
    %get3A_0 = arith.constant 0 : index
    %get3A_1 = vector.load %arg0[%get3A, %get3A_0] : memref<10240x128xf32, #tpu.memory_space<vmem>>, vector<10240x128xf32>
    %get3A_2 = arith.constant 0 : index
    %get3A_3 = arith.constant 0 : index
    %get3A_4 = vector.load %arg1[%get3A_2, %get3A_3] : memref<128x32xf32, #tpu.memory_space<vmem>>, vector<128x32xf32>
    %dot_general3A = arith.constant dense<0.000000e+00> : vector<10240x32xf32>
    %dot_general3A_5 = tpu.matmul %get3A_1, %get3A_4, %dot_general3A {dimension_numbers = #tpu.dot_dimension_numbers<[1], [0], [0], [1], [0, 0, 1, 1], [], []>, transpose_lhs_hint = false} : vector<10240x128xf32>, vector<128x32xf32>, vector<10240x32xf32> -> vector<10240x32xf32>
    %swap3A = arith.constant 0 : index
    %swap3A_6 = arith.constant 0 : index
    %swap3A_7 = vector.load %arg4[%swap3A, %swap3A_6] : memref<10240x32xf32, #tpu.memory_space<vmem>>, vector<10240x32xf32>
    tpu.vector_store %arg4[%swap3A, %swap3A_6], %dot_general3A_5 {strides = array<i32>} : memref<10240x32xf32, #tpu.memory_space<vmem>>, vector<10240x32xf32>,
    %get3A_8 = arith.constant 0 : index
    %get3A_9 = arith.constant 0 : index
    %get3A_10 = vector.load %arg2[%get3A_8, %get3A_9] : memref<128x32xf32, #tpu.memory_space<vmem>>, vector<128x32xf32>
    %dot_general3A_11 = arith.constant dense<0.000000e+00> : vector<10240x32xf32>
    %dot_general3A_12 = tpu.matmul %get3A_1, %get3A_10, %dot_general3A_11 {dimension_numbers = #tpu.dot_dimension_numbers<[1], [0], [0], [1], [0, 0, 1, 1], [], []>, transpose_lhs_hint = false} : vector<10240x128xf32>, vector<128x32xf32>, vector<10240x32xf32> -> vector<10240x32xf32>
    %get3A_13 = arith.constant 0 : index
    %get3A_14 = arith.constant 0 : index
    %get3A_15 = vector.load %arg3[%get3A_13, %get3A_14] : memref<1x32xf32, #tpu.memory_space<vmem>>, vector<1x32xf32>
    %add3A = vector.broadcast %get3A_15 : vector<1x32xf32> to vector<10240x32xf32>
    %add3A_16 = arith.addf %dot_general3A_12, %add3A : vector<10240x32xf32>
    %swap3A_17 = arith.constant 0 : index
    %swap3A_18 = arith.constant 0 : index
    %swap3A_19 = vector.load %arg5[%swap3A_17, %swap3A_18] : memref<10240x32xf32, #tpu.memory_space<vmem>>, vector<10240x32xf32>
    tpu.vector_store %arg5[%swap3A_17, %swap3A_18], %add3A_16 {strides = array<i32>} : memref<10240x32xf32, #tpu.memory_space<vmem>>, vector<10240x32xf32>,
    return
  }
}

module attributes {stable_mosaic.version = 14 : i64} {
  func.func @_tc2_body(%arg0: i32, %arg1: memref<10240x32xf32, #tpu.memory_space<vmem>>, %arg2: memref<10240x32xf32, #tpu.memory_space<vmem>>, %arg3: memref<10240x1xf32, #tpu.memory_space<vmem>>, %arg4: memref<10240x1xf32, #tpu.memory_space<vmem>>, %arg5: memref<10240x32xf32, #tpu.memory_space<vmem>>, %arg6: memref<32x32xf32, #tpu.memory_space<vmem>>, %arg7: memref<32x32xf32, #tpu.memory_space<vmem>>, %arg8: memref<1x32xf32, #tpu.memory_space<vmem>>, %arg9: memref<10240x32xf32, #tpu.memory_space<vmem>>, %arg10: memref<10240x32xf32, #tpu.memory_space<vmem>>, %arg11: memref<10240x1xf32, #tpu.memory_space<vmem>>) attributes {dimension_semantics = [#tpu.dimension_semantics<arbitrary>], iteration_bounds = array<i64: 1>, scalar_prefetch = 0 : i64, scratch_operands = 0 : i64, tpu.core_type = #tpu.core_type<tc>, window_params = [{transform_indices = @transform_0, window_bounds = array<i64: 10240, 32>}, {transform_indices = @transform_1, window_bounds = array<i64: 10240, 32>}, {transform_indices = @transform_2, window_bounds = array<i64: 10240, 1>}, {transform_indices = @transform_3, window_bounds = array<i64: 10240, 1>}, {pipeline_mode = #tpu.pipeline_mode<synchronous>, transform_indices = @transform_4, window_bounds = array<i64: 10240, 32>}, {pipeline_mode = #tpu.pipeline_mode<synchronous>, transform_indices = @transform_5, window_bounds = array<i64: 32, 32>}, {pipeline_mode = #tpu.pipeline_mode<synchronous>, transform_indices = @transform_6, window_bounds = array<i64: 32, 32>}, {pipeline_mode = #tpu.pipeline_mode<synchronous>, transform_indices = @transform_7, window_bounds = array<i64: 1, 32>}, {pipeline_mode = #tpu.pipeline_mode<synchronous>, transform_indices = @transform_8, window_bounds = array<i64: 10240, 32>}, {pipeline_mode = #tpu.pipeline_mode<synchronous>, transform_indices = @transform_9, window_bounds = array<i64: 10240, 32>}, {pipeline_mode = #tpu.pipeline_mode<synchronous>, transform_indices = @transform_10, window_bounds = array<i64: 10240, 1>}]} {
    %get3A = arith.constant 0 : index
    %get3A_0 = arith.constant 0 : index
    %get3A_1 = vector.load %arg3[%get3A, %get3A_0] : memref<10240x1xf32, #tpu.memory_space<vmem>>, vector<10240x1xf32>
    %get3A_2 = arith.constant 0 : index
    %get3A_3 = arith.constant 0 : index
    %get3A_4 = vector.load %arg4[%get3A_2, %get3A_3] : memref<10240x1xf32, #tpu.memory_space<vmem>>, vector<10240x1xf32>
    %add3A = arith.addf %get3A_1, %get3A_4 : vector<10240x1xf32>
    %max3A = arith.constant 1.000000e+00 : f32
    %max3A_5 = vector.broadcast %max3A : f32 to vector<10240x1xf32>
    %max3A_6 = arith.maximumf %add3A, %max3A_5 : vector<10240x1xf32>
    %div3A = arith.constant 1.000000e+00 : f32
    %div3A_7 = vector.broadcast %div3A : f32 to vector<10240x1xf32>
    %div3A_8 = arith.divf %div3A_7, %max3A_6 : vector<10240x1xf32>
    %get3A_9 = arith.constant 0 : index
    %get3A_10 = arith.constant 0 : index
    %get3A_11 = vector.load %arg1[%get3A_9, %get3A_10] : memref<10240x32xf32, #tpu.memory_space<vmem>>, vector<10240x32xf32>
    %get3A_12 = arith.constant 0 : index
    %get3A_13 = arith.constant 0 : index
    %get3A_14 = vector.load %arg2[%get3A_12, %get3A_13] : memref<10240x32xf32, #tpu.memory_space<vmem>>, vector<10240x32xf32>
    %add3A_15 = arith.addf %get3A_11, %get3A_14 : vector<10240x32xf32>
    %mul3A = vector.broadcast %div3A_8 : vector<10240x1xf32> to vector<10240x32xf32>
    %mul3A_16 = arith.mulf %add3A_15, %mul3A : vector<10240x32xf32>
    %get3A_17 = arith.constant 0 : index
    %get3A_18 = arith.constant 0 : index
    %get3A_19 = vector.load %arg5[%get3A_17, %get3A_18] : memref<10240x32xf32, #tpu.memory_space<vmem>>, vector<10240x32xf32>
    %add3A_20 = arith.addf %mul3A_16, %get3A_19 : vector<10240x32xf32>
    %max3A_21 = arith.constant 0.000000e+00 : f32
    %max3A_22 = vector.broadcast %max3A_21 : f32 to vector<10240x32xf32>
    %max3A_23 = arith.maximumf %add3A_20, %max3A_22 : vector<10240x32xf32>
    %get3A_24 = arith.constant 0 : index
    %get3A_25 = arith.constant 0 : index
    %get3A_26 = vector.load %arg6[%get3A_24, %get3A_25] : memref<32x32xf32, #tpu.memory_space<vmem>>, vector<32x32xf32>
    %dot_general3A = arith.constant dense<0.000000e+00> : vector<10240x32xf32>
    %dot_general3A_27 = tpu.matmul %max3A_23, %get3A_26, %dot_general3A {dimension_numbers = #tpu.dot_dimension_numbers<[1], [0], [0], [1], [0, 0, 1, 1], [], []>, transpose_lhs_hint = false} : vector<10240x32xf32>, vector<32x32xf32>, vector<10240x32xf32> -> vector<10240x32xf32>
    %swap3A = arith.constant 0 : index
    %swap3A_28 = arith.constant 0 : index
    %swap3A_29 = vector.load %arg9[%swap3A, %swap3A_28] : memref<10240x32xf32, #tpu.memory_space<vmem>>, vector<10240x32xf32>
    tpu.vector_store %arg9[%swap3A, %swap3A_28], %dot_general3A_27 {strides = array<i32>} : memref<10240x32xf32, #tpu.memory_space<vmem>>, vector<10240x32xf32>,
    %get3A_30 = arith.constant 0 : index
    %get3A_31 = arith.constant 0 : index
    %get3A_32 = vector.load %arg7[%get3A_30, %get3A_31] : memref<32x32xf32, #tpu.memory_space<vmem>>, vector<32x32xf32>
    %dot_general3A_33 = arith.constant dense<0.000000e+00> : vector<10240x32xf32>
    %dot_general3A_34 = tpu.matmul %max3A_23, %get3A_32, %dot_general3A_33 {dimension_numbers = #tpu.dot_dimension_numbers<[1], [0], [0], [1], [0, 0, 1, 1], [], []>, transpose_lhs_hint = false} : vector<10240x32xf32>, vector<32x32xf32>, vector<10240x32xf32> -> vector<10240x32xf32>
    %get3A_35 = arith.constant 0 : index
    %get3A_36 = arith.constant 0 : index
    %get3A_37 = vector.load %arg8[%get3A_35, %get3A_36] : memref<1x32xf32, #tpu.memory_space<vmem>>, vector<1x32xf32>
    %add3A_38 = vector.broadcast %get3A_37 : vector<1x32xf32> to vector<10240x32xf32>
    %add3A_39 = arith.addf %dot_general3A_34, %add3A_38 : vector<10240x32xf32>
    %swap3A_40 = arith.constant 0 : index
    %swap3A_41 = arith.constant 0 : index
    %swap3A_42 = vector.load %arg10[%swap3A_40, %swap3A_41] : memref<10240x32xf32, #tpu.memory_space<vmem>>, vector<10240x32xf32>
    tpu.vector_store %arg10[%swap3A_40, %swap3A_41], %add3A_39 {strides = array<i32>} : memref<10240x32xf32, #tpu.memory_space<vmem>>, vector<10240x32xf32>,
    %swap3A_43 = arith.constant 0 : index
    %swap3A_44 = arith.constant 0 : index
    %swap3A_45 = vector.load %arg11[%swap3A_43, %swap3A_44] : memref<10240x1xf32, #tpu.memory_space<vmem>>, vector<10240x1xf32>
    tpu.vector_store %arg11[%swap3A_43, %swap3A_44], %div3A_8 {strides = array<i32>} : memref<10240x1xf32, #tpu.memory_space<vmem>>, vector<10240x1xf32>,
    return
  }
  func.func @transform_0(%arg0: i32) -> (i32, i32) {
    %c0_i32 = arith.constant 0 : i32
    %c0_i32_0 = arith.constant 0 : i32
    %c0_i32_1 = arith.constant 0 : i32
    return %c0_i32, %c0_i32_0 : i32, i32
  }
  func.func @transform_1(%arg0: i32) -> (i32, i32) {
    %c1_i32 = arith.constant 1 : i32
    %c0_i32 = arith.constant 0 : i32
    %c0_i32_0 = arith.constant 0 : i32
    return %c1_i32, %c0_i32 : i32, i32
  }
  func.func @transform_2(%arg0: i32) -> (i32, i32) {
    %c0_i32 = arith.constant 0 : i32
    %c0_i32_0 = arith.constant 0 : i32
    %c0_i32_1 = arith.constant 0 : i32
    return %c0_i32, %c0_i32_0 : i32, i32
  }
  func.func @transform_3(%arg0: i32) -> (i32, i32) {
    %c1_i32 = arith.constant 1 : i32
    %c0_i32 = arith.constant 0 : i32
    %c0_i32_0 = arith.constant 0 : i32
    return %c1_i32, %c0_i32 : i32, i32
  }
  func.func @transform_4(%arg0: i32) -> (i32, i32) {
    %c0_i32 = arith.constant 0 : i32
    %c0_i32_0 = arith.constant 0 : i32
    %c0_i32_1 = arith.constant 0 : i32
    return %c0_i32, %c0_i32_0 : i32, i32
  }
  func.func @transform_5(%arg0: i32) -> (i32, i32) {
    %c0_i32 = arith.constant 0 : i32
    %c0_i32_0 = arith.constant 0 : i32
    %c0_i32_1 = arith.constant 0 : i32
    return %c0_i32, %c0_i32_0 : i32, i32
  }
  func.func @transform_6(%arg0: i32) -> (i32, i32) {
    %c0_i32 = arith.constant 0 : i32
    %c0_i32_0 = arith.constant 0 : i32
    %c0_i32_1 = arith.constant 0 : i32
    return %c0_i32, %c0_i32_0 : i32, i32
  }
  func.func @transform_7(%arg0: i32) -> (i32, i32) {
    %c0_i32 = arith.constant 0 : i32
    %c0_i32_0 = arith.constant 0 : i32
    %c0_i32_1 = arith.constant 0 : i32
    return %c0_i32, %c0_i32_0 : i32, i32
  }
  func.func @transform_8(%arg0: i32) -> (i32, i32) {
    %c0_i32 = arith.constant 0 : i32
    %c0_i32_0 = arith.constant 0 : i32
    %c0_i32_1 = arith.constant 0 : i32
    return %c0_i32, %c0_i32_0 : i32, i32
  }
  func.func @transform_9(%arg0: i32) -> (i32, i32) {
    %c0_i32 = arith.constant 0 : i32
    %c0_i32_0 = arith.constant 0 : i32
    %c0_i32_1 = arith.constant 0 : i32
    return %c0_i32, %c0_i32_0 : i32, i32
  }
  func.func @transform_10(%arg0: i32) -> (i32, i32) {
    %c0_i32 = arith.constant 0 : i32
    %c0_i32_0 = arith.constant 0 : i32
    %c0_i32_1 = arith.constant 0 : i32
    return %c0_i32, %c0_i32_0 : i32, i32
  }
}

module attributes {stable_mosaic.version = 14 : i64} {
  func.func @_tc3_body(%arg0: i32, %arg1: memref<10240x32xf32, #tpu.memory_space<vmem>>, %arg2: memref<10240x32xf32, #tpu.memory_space<vmem>>, %arg3: memref<10240x1xf32, #tpu.memory_space<vmem>>, %arg4: memref<10240x32xf32, #tpu.memory_space<vmem>>, %arg5: memref<32x64xf32, #tpu.memory_space<vmem>>, %arg6: memref<10240x64xf32, #tpu.memory_space<vmem>>) attributes {dimension_semantics = [#tpu.dimension_semantics<arbitrary>], iteration_bounds = array<i64: 1>, scalar_prefetch = 0 : i64, scratch_operands = 0 : i64, tpu.core_type = #tpu.core_type<tc>, window_params = [{transform_indices = @transform_0, window_bounds = array<i64: 10240, 32>}, {transform_indices = @transform_1, window_bounds = array<i64: 10240, 32>}, {pipeline_mode = #tpu.pipeline_mode<synchronous>, transform_indices = @transform_2, window_bounds = array<i64: 10240, 1>}, {pipeline_mode = #tpu.pipeline_mode<synchronous>, transform_indices = @transform_3, window_bounds = array<i64: 10240, 32>}, {pipeline_mode = #tpu.pipeline_mode<synchronous>, transform_indices = @transform_4, window_bounds = array<i64: 32, 64>}, {pipeline_mode = #tpu.pipeline_mode<synchronous>, transform_indices = @transform_5, window_bounds = array<i64: 10240, 64>}]} {
    %get3A = arith.constant 0 : index
    %get3A_0 = arith.constant 0 : index
    %get3A_1 = vector.load %arg1[%get3A, %get3A_0] : memref<10240x32xf32, #tpu.memory_space<vmem>>, vector<10240x32xf32>
    %get3A_2 = arith.constant 0 : index
    %get3A_3 = arith.constant 0 : index
    %get3A_4 = vector.load %arg2[%get3A_2, %get3A_3] : memref<10240x32xf32, #tpu.memory_space<vmem>>, vector<10240x32xf32>
    %add3A = arith.addf %get3A_1, %get3A_4 : vector<10240x32xf32>
    %get3A_5 = arith.constant 0 : index
    %get3A_6 = arith.constant 0 : index
    %get3A_7 = vector.load %arg3[%get3A_5, %get3A_6] : memref<10240x1xf32, #tpu.memory_space<vmem>>, vector<10240x1xf32>
    %mul3A = vector.broadcast %get3A_7 : vector<10240x1xf32> to vector<10240x32xf32>
    %mul3A_8 = arith.mulf %add3A, %mul3A : vector<10240x32xf32>
    %get3A_9 = arith.constant 0 : index
    %get3A_10 = arith.constant 0 : index
    %get3A_11 = vector.load %arg4[%get3A_9, %get3A_10] : memref<10240x32xf32, #tpu.memory_space<vmem>>, vector<10240x32xf32>
    %add3A_12 = arith.addf %mul3A_8, %get3A_11 : vector<10240x32xf32>
    %max3A = arith.constant 0.000000e+00 : f32
    %max3A_13 = vector.broadcast %max3A : f32 to vector<10240x32xf32>
    %max3A_14 = arith.maximumf %add3A_12, %max3A_13 : vector<10240x32xf32>
    %get3A_15 = arith.constant 0 : index
    %get3A_16 = arith.constant 0 : index
    %get3A_17 = vector.load %arg5[%get3A_15, %get3A_16] : memref<32x64xf32, #tpu.memory_space<vmem>>, vector<32x64xf32>
    %dot_general3A = arith.constant dense<0.000000e+00> : vector<10240x64xf32>
    %dot_general3A_18 = tpu.matmul %max3A_14, %get3A_17, %dot_general3A {dimension_numbers = #tpu.dot_dimension_numbers<[1], [0], [0], [1], [0, 0, 1, 1], [], []>, transpose_lhs_hint = false} : vector<10240x32xf32>, vector<32x64xf32>, vector<10240x64xf32> -> vector<10240x64xf32>
    %swap3A = arith.constant 0 : index
    %swap3A_19 = arith.constant 0 : index
    %swap3A_20 = vector.load %arg6[%swap3A, %swap3A_19] : memref<10240x64xf32, #tpu.memory_space<vmem>>, vector<10240x64xf32>
    tpu.vector_store %arg6[%swap3A, %swap3A_19], %dot_general3A_18 {strides = array<i32>} : memref<10240x64xf32, #tpu.memory_space<vmem>>, vector<10240x64xf32>,
    return
  }
  func.func @transform_0(%arg0: i32) -> (i32, i32) {
    %c0_i32 = arith.constant 0 : i32
    %c0_i32_0 = arith.constant 0 : i32
    %c0_i32_1 = arith.constant 0 : i32
    return %c0_i32, %c0_i32_0 : i32, i32
  }
  func.func @transform_1(%arg0: i32) -> (i32, i32) {
    %c1_i32 = arith.constant 1 : i32
    %c0_i32 = arith.constant 0 : i32
    %c0_i32_0 = arith.constant 0 : i32
    return %c1_i32, %c0_i32 : i32, i32
  }
  func.func @transform_2(%arg0: i32) -> (i32, i32) {
    %c0_i32 = arith.constant 0 : i32
    %c0_i32_0 = arith.constant 0 : i32
    %c0_i32_1 = arith.constant 0 : i32
    return %c0_i32, %c0_i32_0 : i32, i32
  }
  func.func @transform_3(%arg0: i32) -> (i32, i32) {
    %c0_i32 = arith.constant 0 : i32
    %c0_i32_0 = arith.constant 0 : i32
    %c0_i32_1 = arith.constant 0 : i32
    return %c0_i32, %c0_i32_0 : i32, i32
  }
  func.func @transform_4(%arg0: i32) -> (i32, i32) {
    %c0_i32 = arith.constant 0 : i32
    %c0_i32_0 = arith.constant 0 : i32
    %c0_i32_1 = arith.constant 0 : i32
    return %c0_i32, %c0_i32_0 : i32, i32
  }
  func.func @transform_5(%arg0: i32) -> (i32, i32) {
    %c0_i32 = arith.constant 0 : i32
    %c0_i32_0 = arith.constant 0 : i32
    %c0_i32_1 = arith.constant 0 : i32
    return %c0_i32, %c0_i32_0 : i32, i32
  }
}

</mosaic_0001>

<sc_bundles>
// kernel: kernel.10.cloned.1.call-start
scs
__scs_entry_jumppad:
0x0: {  	(pc) =	sbr.rel $0x88, $3  }
0x1: {  	(tag) =	ssettag $0x0;
	lr =	simm.s32 $0x1  }
0x2: {  	[smem:$0x3F98] =	sst lr;
	_ =	strace $0xD0000000  }
0x3: {  	_ = 	snop  }
0x4: {  	_ = 	snop  }
0x5: {  	_ = 	snop  }
0x6: {  	_ = 	snop  }
0x7: {  	_ = 	snop  }
__scs_overlays_trampoline_lowered:
0x8: {  	[smem:$0x3FA7] =	sst s0  }
0x9: {  	[smem:$0x3FA8] =	sst s1  }
0xa: {  	[smem:$0x3FA9] =	sst s2  }
0xb: {  	[smem:$0x3FAA] =	sst s3  }
0xc: {  	[smem:$0x3FAB] =	sst s4  }
0xd: {  	[smem:$0x3FAC] =	sst s5  }
0xe: {  	[smem:$0x3FAD] =	sst s6  }
0xf: {  	[smem:$0x3FAE] =	sst s7  }
0x10: {  	[smem:$0x3FAF] =	sst s8  }
0x11: {  	[smem:$0x3FB0] =	sst s9;
	s0 =	simm.s32 @!p0 $0x0  }
0x12: {  	s1 =	sld [smem:$0x3F96];
	s0 =	simm.s32 @p0 $0x1  }
0x13: {  	[smem:$0x3FB1] =	sst s0;
	s0 =	simm.s32 @!p1 $0x0  }
0x14: {  	s2 =	sld [smem:$0x3F95];
	s0 =	simm.s32 @p1 $0x1  }
0x15: {  	[smem:$0x3FB2] =	sst s0;
	s0 =	simm.s32 @!p2 $0x0  }
0x16: {  	s3 =	sld [smem:$0x3FDB];
	s0 =	simm.s32 @p2 $0x1  }
0x17: {  	s4 =	simm.s32 $0x1BF5;
	[smem:$0x3FB4] =	sst s0  }
0x18: {  	s0 =	sld [smem:$0x3F97];
	_ =	swait.ge [sflag:s4], $0x0  }
0x19: {  	s7 =	sld [smem:$0x3F98]  }
0x1a: {  	s8 =	sadd.s32 $0xFFFFE003, lr  }
0x1b: {  	s9 =	sadd.s32 $0xFFFFFEF7, lr;
	s5 =	simm.s32 $0xFFFFFFFF;
	p2 =	slt.u32 s8, $0xFFFFF086  }
0x1c: {  	p1 =	slt.u32 s9, $0xF7A;
	s5 =	simm.s32 @!p2 $0x0  }
0x1d: {  	s5 =	simm.s32 @p1 $0x1;
	p0 =	seq.s32 s7, s2  }
0x1e: {  	s7 =	smul.u32 @!p0 $0xF7A, s2;
	p2 =	seq.s32 @!p0 s5, $0x0  }
0x1f: {  	s9 =	smul.u32 $0xF7A, s1;
	s8 =	simm.s32 @!p0 $0x1BF5;
	p2 =	por !p2, p0  }
0x20: {  	[sflag:s8] =	ssyncset.s32 @!p0 $0xFFFFF086;
	s6 =	sadd.s32 @!p0 s3, s7;
	s7 =	simm.s32 @!p0 $0x108  }
0x21: {  	s3 =	sadd.s32 s3, s9;
	s6 =	sadd.s32 @!p0 $0x88, s6;
	s7 =	simm.s32 @p2 $0x1082  }
0x22: {  	[simem:s7], [sflag:s8] =	dma.local @!p0 [hbm:s6], $0xF7A  }
0x23: {  	s9 =	sor.u32 $0xD0000000, s2;
	s6 =	simm.s32 $0x108;
	_ =	swait.ge @!p0 [sflag:s8], $0x0  }
0x24: {  	s3 =	sadd.s32 $0x88, s3;
	s6 =	simm.s32 @!p1 $0x1082;
	[sflag:s4] =	ssyncset.s32 $0xFFFFF086  }
0x25: {  	[simem:s6], [sflag:s4] =	dma.local [hbm:s3], $0xF7A  }
0x26: {  	[smem:$0x3F98] =	sst s1;
	(tag) =	ssettag s2;
	_ =	strace s9  }
0x27: {  	s1 =	sld [smem:$0x3FA8]  }
0x28: {  	s2 =	sld [smem:$0x3FA9]  }
0x29: {  	s4 =	sld [smem:$0x3FAB]  }
0x2a: {  	p0 =	seq.s32 s5, $0x0;
	s5 =	sld [smem:$0x3FAC]  }
0x2b: {  	s6 =	sld [smem:$0x3FAD]  }
0x2c: {  	s7 =	sld [smem:$0x3FAE]  }
0x2d: {  	s3 =	simm.s32 $0x108;
	s8 =	sld [smem:$0x3FAF]  }
0x2e: {  	s3 =	simm.s32 @!p0 $0x1082;
	s9 =	sld [smem:$0x3FB0]  }
0x2f: {  	lr =	sadd.s32 s0, s3;
	s0 =	sld [smem:$0x3FA7]  }
0x30: {  	s3 =	sld [smem:$0x3FAA]  }
0x31: {  	[smem:$0x3FB3] =	sst s10  }
0x32: {  	s10 =	sld [smem:$0x3FB1];
	_ =	sdelay $0x3  }
0x33: {  	p0 =	seq.s32 s10, $0x1;
	s10 =	sld [smem:$0x3FB3];
	_ =	sdelay $0x3  }
0x34: {  	[smem:$0x3FB3] =	sst s10  }
0x35: {  	s10 =	sld [smem:$0x3FB2];
	_ =	sdelay $0x3  }
0x36: {  	p1 =	seq.s32 s10, $0x1;
	s10 =	sld [smem:$0x3FB3];
	_ =	sdelay $0x3  }
0x37: {  	[smem:$0x3FB3] =	sst s10  }
0x38: {  	s10 =	sld [smem:$0x3FB4]  }
0x39: {  	_ = 	snop;
	(pc) =	sbr.ind lr, $3  }
0x3a: {  	_ = 	snop  }
0x3b: {  	_ = 	snop  }
0x3c: {  	p2 =	seq.s32 s10, $0x1;
	s10 =	sld [smem:$0x3FB3]  }
0x3d: {  	_ =	shalt  }
0x3e: {  	_ =	shalt  }
0x3f: {  	_ =	shalt  }
0x40: {  	_ =	shalt  }
0x41: {  	_ =	shalt  }
0x42: {  	_ =	shalt  }
0x43: {  	_ =	shalt  }
0x44: {  	_ =	shalt  }
0x45: {  	_ =	shalt  }
0x46: {  	_ =	shalt  }
0x47: {  	_ =	shalt  }
0x48: {  	_ =	shalt  }
0x49: {  	_ =	shalt  }
0x4a: {  	_ =	shalt  }
0x4b: {  	_ =	shalt  }
0x4c: {  	_ =	shalt  }
0x4d: {  	_ =	shalt  }
0x4e: {  	_ =	shalt  }
0x4f: {  	_ =	shalt  }
0x50: {  	_ =	shalt  }
0x51: {  	_ =	shalt  }
0x52: {  	_ =	shalt  }
0x53: {  	_ =	shalt  }
0x54: {  	_ =	shalt  }
0x55: {  	_ =	shalt  }
0x56: {  	_ =	shalt  }
0x57: {  	_ =	shalt  }
0x58: {  	_ =	shalt  }
0x59: {  	_ =	shalt  }
0x5a: {  	_ =	shalt  }
0x5b: {  	_ =	shalt  }
0x5c: {  	_ =	shalt  }
0x5d: {  	_ =	shalt  }
0x5e: {  	_ =	shalt  }
0x5f: {  	_ =	shalt  }
0x60: {  	_ =	shalt  }
0x61: {  	_ =	shalt  }
0x62: {  	_ =	shalt  }
0x63: {  	_ =	shalt  }
0x64: {  	_ =	shalt  }
0x65: {  	_ =	shalt  }
0x66: {  	_ =	shalt  }
0x67: {  	_ =	shalt  }
0x68: {  	_ =	shalt  }
0x69: {  	_ =	shalt  }
0x6a: {  	_ =	shalt  }
0x6b: {  	_ =	shalt  }
0x6c: {  	_ =	shalt  }
0x6d: {  	_ =	shalt  }
0x6e: {  	_ =	shalt  }
0x6f: {  	_ =	shalt  }
0x70: {  	_ =	shalt  }
0x71: {  	_ =	shalt  }
0x72: {  	_ =	shalt  }
0x73: {  	_ =	shalt  }
0x74: {  	_ =	shalt  }
0x75: {  	_ =	shalt  }
0x76: {  	_ =	shalt  }
0x77: {  	_ =	shalt  }
0x78: {  	_ =	shalt  }
0x79: {  	_ =	shalt  }
0x7a: {  	_ =	shalt  }
0x7b: {  	_ =	shalt  }
0x7c: {  	_ =	shalt  }
0x7d: {  	_ =	shalt  }
0x7e: {  	_ =	shalt  }
0x7f: {  	_ =	shalt  }
0x80: {  	_ =	shalt  }
0x81: {  	_ =	shalt  }
0x82: {  	_ =	shalt  }
0x83: {  	_ =	shalt  }
0x84: {  	_ =	shalt  }
0x85: {  	_ =	shalt  }
0x86: {  	_ =	shalt  }
0x87: {  	_ =	shalt  }
.Lfunc_end0:
.L_simem_size_0:
called_computation.1_lowered:
.L_overlay_start_0:
0x88: {  	s2 =	sld [smem:$0x3FD9]  }
0x89: {  	s3 =	sld [smem:$0x3FFE];
	_ =	sdelay $0x1  }
0x8a: {  	s1 =	srdreg.scid  }
0x8b: {  	s0 =	sand.u32 $0x1, s1  }
0x8c: {  	s17 =	sshll.u32 s0, $0xA;
	s2 =	sadd.s32 s3, s2  }
0x8d: {  	s2 =	sadd.s32 s2, s17  }
0x8e: {  	[smem:$0x3FBF] =	sst s2  }
0x8f: {  	_ = 	snop  }
0x90: {  	s2 =	sld [smem:$0x3FD0];
	(tm) =	ssettm $0x1  }
0x91: {  	s18 =	sld [smem:$0x3FFB];
	_ =	sdelay $0x3  }
0x92: {  	_ =	strace s18  }
0x93: {  	s3 =	sld [smem:$0x3FFC];
	_ =	sdelay $0x3  }
0x94: {  	_ =	strace s3  }
0x95: {  	s3 =	sld [smem:$0x3FFD];
	_ =	sdelay $0x3  }
0x96: {  	_ =	strace s3  }
0x97: {  	_ =	strace $0x8FFFFFFF  }
0x98: {  	s19 =	sld [smem:$0x3FDB];
	_ =	sdelay $0x1  }
0x99: {  	s4 =	simm.s32 $_scs_section_size  }
0x9a: {  	s5 =	simm.s32 $_size__tile_overlayer_lowered;
	s6 =	simm.s32 $_tile_overlayer_lowered  }
0x9b: {  	s22 =	simm.s32 $0x1BFF;
	s21 =	sshll.u32 s6, $0x1;
	s3 =	sadd.s32 s4, s19  }
0x9c: {  	s7 =	simm.s32 $0x0;
	s20 =	sshll.u32 s5, $0x1;
	s5 =	sadd.s32 s21, s3  }
0x9d: {  	[timem:s7], [sflag:s22] =	dma.local [hbm:s5], s20  }
0x9e: {  	_ =	swait.ge [sflag:s22], s20  }
0x9f: {  	s4 =	ssub.s32 $0x0, s20;
	[sflag:s22] =	ssyncset.done $0x0  }
0xa0: {  	[sflag:s22] =	ssyncadd.s32 s4;
	_ =	sdelay $0x1  }
0xa1: {  	s23 =	simm.s32 $0x1B8B  }
0xa2: {  	_ =	swait.ge [sflag:s23], $0x1  }
0xa3: {  	[sflag:s23] =	ssyncset.done $0x0  }
0xa4: {  	s25 =	simm.s32 $0x1B8E;
	s24 =	sld [smem:$0x3FFE];
	[sflag:s23] =	ssyncadd.s32 $0xFFFFFFFF  }
0xa5: {  	s26 =	simm.s32 $execute0_lowered;
	[smem:$0x3FD2] =	sst s25  }
0xa6: {  	s5 =	sshll.u32 s26, $0x1;
	_ =	strace $0x80000049;
	[dreg:$0x1] =	wrdreg $0xFFFFFFFF  }
0xa7: {  	s28 =	simm.s32 $_size_execute0_lowered;
	s3 =	sadd.s32 s3, s5;
	[dreg:$0x0] =	wrdreg $0x0  }
0xa8: {  	s5 =	sshll.u32 s28, $0x1;
	[dreg:$0x2] =	wrdreg s3  }
0xa9: {  	[dreg:$0x3] =	wrdreg s5  }
0xaa: {  	[dreg:$0x4] =	wrdreg $0xC0  }
0xab: {  	_ =	task [dreg:s7], $0x5FFFF  }
0xac: {  	[dreg:$0x1] =	wrdreg $0xFFFFFFFF  }
0xad: {  	[dreg:$0x0] =	wrdreg $0x60  }
0xae: {  	[dreg:$0x2] =	wrdreg s2  }
0xaf: {  	[dreg:$0x3] =	wrdreg s24  }
0xb0: {  	[dreg:$0x4] =	wrdreg $0x110000  }
0xb1: {  	[dreg:$0x5] =	wrdreg $0x160000  }
0xb2: {  	[dreg:$0x6] =	wrdreg $0x9  }
0xb3: {  	_ =	task.clear_ibuf [dreg:s7], $0x7FFFF;
	_ =	strace $0x90000049  }
0xb4: {  	s29 =	simm.s32 $0x9;
	_ =	strace $0x8000004B  }
0xb5: {  	_ =	swait.ge [sflag:s29], $0x1  }
0xb6: {  	[sflag:s29] =	ssyncadd.s32 $0xFFFFFFFF  }
0xb7: {  	_ =	strace $0x9000004B  }
0xb8: {  	_ =	sfence  }
0xb9: {  	s30 =	sld [smem:$0x0];
	_ =	sdelay $0x2  }
0xba: {  	s31 =	sshll.u32 s1, $0xD;
	s1 =	sshrl.u32 s1, $0x2  }
0xbb: {  	s3 =	sand.u32 $0x4000, s31;
	s1 =	sadd.s32 s1, s30  }
0xbc: {  	s0 =	sor.u32 s3, s0;
	s1 =	sshll.u32 s1, $0x11  }
0xbd: {  	s0 =	sor.u32 s1, s0  }
0xbe: {  	s0 =	sadd.s32 $0x8F2B, s0  }
0xbf: {  	[sflag:s0] =	ssyncadd.remote.s32 $0x1  }
0xc0: {  	_ =	sfence.sel $0xFFFF  }
0xc1: {  	[dreg:$0x0] =	wrdreg $0xFFFFFFFF;
	(pc) =	sbr.abs _section_cstart, $3  }
0xc2: {  	[dreg:$0x1] =	wrdreg $0xFFFFFFFF  }
0xc3: {  	_ =	task.clear_ibuf [dreg:s7], $0x2FFFF;
	_ =	strace $0x9FFFFFFF  }
0xc4: {  	(tm) =	ssettm $0x7FFFFFFF  }
0xc5: {  	_ =	shalt  }
tec
execute0_lowered:
.L_overlay_start_1:
0x0: {  	(tag) =	ssettag $0x1  }
0x1: {  	s1 =	rddreg [dreg:$0x0]  }
0x2: {  	s4 =	rddreg [dreg:$0x1];
	s3 =	srdreg.scid  }
0x3: {  	s0 =	stileid.u32;
	s2 =	rddreg [dreg:$0x2]  }
0x4: {  	s30 =	simm.s32 $0x0;
	s5 =	sand.u32 $0x1, s3;
	s3 =	rddreg [dreg:$0x3]  }
0x5: {  	s23 =	simm.s32 $0x400;
	[smem:$0x7FF] =	sst s30;
	s9 =	sadd.s32 $0x15800, s4  }
0x6: {  	s24 =	simm.s32 $0x2A00;
	_ =	strace $0x8000004A;
	[dreg:$0x5] =	wrdreg s9  }
0x7: {  	s25 =	simm.s32 $0x600;
	s26 =	simm.s32 $0x2C00;
	[dreg:$0xb] =	wrdreg s23  }
0x8: {  	s11 =	simm.s32 $0xC00;
	s12 =	simm.s32 $0x3200;
	[dreg:$0xc] =	wrdreg s24  }
0x9: {  	s14 =	simm.s32 $0xE00;
	s16 =	simm.s32 $0x3400;
	[dreg:$0xd] =	wrdreg s25  }
0xa: {  	s17 =	simm.s32 $0x1000;
	s31 =	simm.s32 $0x2800;
	[dreg:$0xe] =	wrdreg s26  }
0xb: {  	s29 =	simm.s32 $0x1A00;
	s28 =	simm.s32 $0x4000;
	[dreg:$0x13] =	wrdreg s11  }
0xc: {  	p0 =	por $0x0, $0x0;
	s7 =	smul.u32 $0xA00, s0;
	[dreg:$0x14] =	wrdreg s12  }
0xd: {  	s6 =	sshll.u32 s0, $0x1;
	s10 =	smul.u32 $0x5000, s0;
	[dreg:$0x15] =	wrdreg s14  }
0xe: {  	s15 =	sshll.u32 s0, $0x6;
	s6 =	sor.u32 s5, s6;
	[dreg:$0x16] =	wrdreg s16  }
0xf: {  	s8 =	smul.u32 $0xA000, s5;
	s9 =	simm.s32 $0x3000;
	[dreg:$0x17] =	wrdreg s17  }
0x10: {  	s23 =	simm.s32 $0x1600;
	s24 =	simm.s32 $0x3C00;
	s25 =	simm.s32 $0x1800  }
0x11: {  	s12 =	simm.s32 $0xD000;
	s26 =	simm.s32 $0x3E00;
	s11 =	simm.s32 $0x2  }
0x12: {  	s17 =	simm.s32 $0x4A00;
	s16 =	simm.s32 $0x2600;
	[dreg:$0x12] =	wrdreg s9  }
0x13: {  	s6 =	smul.u32 $0x500, s6;
	s19 =	sshrl.u32 s10, $0x3;
	[dreg:$0x1d] =	wrdreg s23  }
0x14: {  	s20 =	sadd.s32 s10, s3;
	s13 =	sadd.s32 s10, s2;
	[dreg:$0x1e] =	wrdreg s24  }
0x15: {  	s10 =	simm.s32 $0x5000;
	s9 =	simm.s32 $0x1;
	[dreg:$0x1f] =	wrdreg s25  }
0x16: {  	[smem:$0x7FD] =	sst s26;
	s26 =	simm.s32 $0x1C00;
	s25 =	simm.s32 $0x4200  }
0x17: {  	s24 =	simm.s32 $0x1E00;
	s23 =	simm.s32 $0x4400;
	s7 =	sadd.s32 s7, s8  }
0x18: {  	s1 =	sadd.s32 s1, s19;
	s22 =	sshrl.u32 s20, $0x3;
	s8 =	ssub.s32 $0x2, s5  }
0x19: {  	s19 =	simm.s32 $0x1200;
	s20 =	simm.s32 $0x3800;
	[dreg:$0x8] =	wrdreg s1  }
0x1a: {  	s6 =	sadd.s32 s6, s4;
	s4 =	sadd.s32 s7, s4;
	[dreg:$0xa] =	wrdreg s22  }
0x1b: {  	s7 =	simm.s32 $0xA00;
	s5 =	sshrl.u32 s8, $0x1;
	[dreg:$0x19] =	wrdreg s19  }
0x1c: {  	[dreg:$0x1a] =	wrdreg s20;
	s22 =	simm.s32 $0x3A00;
	s19 =	simm.s32 $0x2200  }
0x1d: {  	s20 =	simm.s32 $0x4800;
	s18 =	sadd.s32 $0xB600, s6;
	[dreg:$0x11] =	wrdreg s7  }
0x1e: {  	s6 =	sadd.s32 $0x1600, s6;
	s21 =	sadd.s32 $0x16200, s4;
	[dreg:$0x1c] =	wrdreg s22  }
0x1f: {  	s4 =	simm.s32 $0x800;
	s5 =	ssub.s32 s8, s5;
	[dreg:$0x6] =	wrdreg s18  }
0x20: {  	s7 =	simm.s32 $0x200;
	s8 =	simm.s32 $0x9000;
	[dreg:$0x7] =	wrdreg s6  }
0x21: {  	s22 =	simm.s32 $0x2000;
	[dreg:$0x9] =	wrdreg s21;
	s14 =	smax.u32 s5, $0x1  }
0x22: {  	[dreg:$0xf] =	wrdreg s4;
	s6 =	simm.s32 $0x2E00;
	p1 =	sne.s32 s14, $0x1  }
.Ltmp0:
0x23: {  	s4 =	sor.u32 $0x1C04, s15;
	s18 =	simm.s32 $0x3600;
	(pc) =	sbr.rel @!p1 .LBB2_3-.Ltmp0, $4  }
0x24: {  	s5 =	sshrl.u32 s13, $0x3;
	s21 =	simm.s32 $0x1400;
	[dreg:$0x10] =	wrdreg s6  }
0x25: {  	s13 =	simm.s32 $0x3;
	s15 =	simm.s32 $0x4C00;
	[dreg:$0x18] =	wrdreg s18  }
0x26: {  	s6 =	simm.s32 $0x4;
	[dreg:$0x1b] =	wrdreg s21;
	s21 =	simm.s32 $0x4600  }
0x27: {  	s0 =	sadd.s32 $0xFFFFFFFF, s14;
	s18 =	simm.s32 $0x2400;
	s14 =	simm.s32 $0x4E00  }
0x28: {  	[smem:$0x7FC] =	sst s0  }
0x29: {  	s1 =	rddreg [dreg:$0x5]  }
0x2a: {  	[spmem:s5], [sflag:s4] =	dma.local [hbm:s1], $0xA00  }
0x2b: {  	_ =	swait.ge [sflag:s6], $0xA00  }
0x2c: {  	[sflag:s6] =	ssyncset.done $0x0  }
0x2d: {  	s1 =	rddreg [dreg:$0x6];
	[sflag:s6] =	ssyncadd.s32 $0xFFFFF600  }
0x2e: {  	[tilespmem:s30], [sflag:$0x4] =	stream.linear.gather [hbm4b:s1+s30], $0x2800, $0x38;
	[tilespmem:$0x1B000] =	vst v63  }
0x2f: {  	_ =	swait.ge [sflag:s6], $0x2800  }
0x30: {  	[sflag:s6] =	ssyncset.done $0x0  }
0x31: {  	s1 =	rddreg [dreg:$0x7];
	[sflag:s6] =	ssyncadd.s32 $0xFFFFD800  }
0x32: {  	[tilespmem:s31], [sflag:$0x4] =	stream.linear.gather [hbm4b:s1+s30], $0x2800, $0x38;
	[tilespmem:$0x1B000] =	vst v63  }
0x33: {  	_ =	swait.ge [sflag:s6], $0x2800  }
0x34: {  	s0 =	rddreg [dreg:$0x8];
	[sflag:s6] =	ssyncset.done $0x0  }
0x35: {  	s1 =	rddreg [dreg:$0xa];
	[sflag:s6] =	ssyncadd.s32 $0xFFFFD800  }
0x36: {  	[spmem:s1], [sflag:s4] =	dma.local [hbm:s0], $0xA00  }
0x37: {  	_ =	swait.ge [sflag:s6], $0xA00  }
0x38: {  	[sflag:s6] =	ssyncset.done $0x0  }
0x39: {  	[sflag:s6] =	ssyncadd.s32 $0xFFFFF600  }
0x3a: {  	[bflag:$0x0] =	sbarrier.arrive $0xFFFF  }
0x3b: {  	[tilespmem:s10], [sflag:$0x1] =	stream.indirect.gather [spmem:s3], $0x20, s30, s7, $0xb8;
	[tilespmem:$0x1B000] =	vst v63  }
0x3c: {  	_ = 	snop  }
0x3d: {  	[tilespmem:s8], [sflag:$0x2] =	stream.indirect.gather [spmem:s3], $0x20, s7, s7, $0xb8;
	[tilespmem:$0x1B000] =	vst v63  }
0x3e: {  	_ =	swait.ge [sflag:s9], $0x4000  }
0x3f: {  	[sflag:s9] =	ssyncset.done $0x0  }
0x40: {  	[sflag:s9] =	ssyncadd.s32 $0xFFFFC000  }
0x41: {  	[spmem:s2] =	stream.indirect.scatter.add.f32 [tilespmem:s10], [sflag:$0x1], $0x20, s31, s7, $0xb8;
	[tilespmem:$0x1B000] =	vst v63  }
0x42: {  	s1 =	rddreg [dreg:$0xb]  }
0x43: {  	[tilespmem:s12], [sflag:$0x3] =	stream.indirect.gather [spmem:s3], $0x20, s1, s7, $0xb8;
	[tilespmem:$0x1B000] =	vst v63  }
0x44: {  	_ =	swait.ge [sflag:s11], $0x4000  }
0x45: {  	[sflag:s11] =	ssyncset.done $0x0  }
0x46: {  	s1 =	rddreg [dreg:$0xc];
	[sflag:s11] =	ssyncadd.s32 $0xFFFFC000  }
0x47: {  	[spmem:s2] =	stream.indirect.scatter.add.f32 [tilespmem:s8], [sflag:$0x2], $0x20, s1, s7, $0xb8;
	[tilespmem:$0x1B000] =	vst v63  }
0x48: {  	_ =	swait.ge [sflag:s9], $0x4000  }
0x49: {  	[sflag:s9] =	ssyncset.done $0x0  }
0x4a: {  	s1 =	rddreg [dreg:$0xd];
	[sflag:s9] =	ssyncadd.s32 $0xFFFFC000  }
0x4b: {  	[tilespmem:s10], [sflag:$0x1] =	stream.indirect.gather [spmem:s3], $0x20, s1, s7, $0xb8;
	[tilespmem:$0x1B000] =	vst v63  }
0x4c: {  	_ =	swait.ge [sflag:s13], $0x4000  }
0x4d: {  	[sflag:s13] =	ssyncset.done $0x0  }
0x4e: {  	s1 =	rddreg [dreg:$0xe];
	[sflag:s13] =	ssyncadd.s32 $0xFFFFC000  }
0x4f: {  	[spmem:s2] =	stream.indirect.scatter.add.f32 [tilespmem:s12], [sflag:$0x3], $0x20, s1, s7, $0xb8;
	[tilespmem:$0x1B000] =	vst v63  }
0x50: {  	_ =	swait.ge [sflag:s11], $0x4000  }
0x51: {  	[sflag:s11] =	ssyncset.done $0x0  }
0x52: {  	s1 =	rddreg [dreg:$0xf];
	[sflag:s11] =	ssyncadd.s32 $0xFFFFC000  }
0x53: {  	[tilespmem:s8], [sflag:$0x2] =	stream.indirect.gather [spmem:s3], $0x20, s1, s7, $0xb8;
	[tilespmem:$0x1B000] =	vst v63  }
0x54: {  	_ =	swait.ge [sflag:s9], $0x4000  }
0x55: {  	[sflag:s9] =	ssyncset.done $0x0  }
0x56: {  	s1 =	rddreg [dreg:$0x10];
	[sflag:s9] =	ssyncadd.s32 $0xFFFFC000  }
0x57: {  	[spmem:s2] =	stream.indirect.scatter.add.f32 [tilespmem:s10], [sflag:$0x1], $0x20, s1, s7, $0xb8;
	[tilespmem:$0x1B000] =	vst v63  }
0x58: {  	_ =	swait.ge [sflag:s13], $0x4000  }
0x59: {  	[sflag:s13] =	ssyncset.done $0x0  }
0x5a: {  	s1 =	rddreg [dreg:$0x11];
	[sflag:s13] =	ssyncadd.s32 $0xFFFFC000  }
0x5b: {  	[tilespmem:s12], [sflag:$0x3] =	stream.indirect.gather [spmem:s3], $0x20, s1, s7, $0xb8;
	[tilespmem:$0x1B000] =	vst v63  }
0x5c: {  	_ =	swait.ge [sflag:s11], $0x4000  }
0x5d: {  	[sflag:s11] =	ssyncset.done $0x0  }
0x5e: {  	s1 =	rddreg [dreg:$0x12];
	[sflag:s11] =	ssyncadd.s32 $0xFFFFC000  }
0x5f: {  	[spmem:s2] =	stream.indirect.scatter.add.f32 [tilespmem:s8], [sflag:$0x2], $0x20, s1, s7, $0xb8;
	[tilespmem:$0x1B000] =	vst v63  }
0x60: {  	_ =	swait.ge [sflag:s9], $0x4000  }
0x61: {  	[sflag:s9] =	ssyncset.done $0x0  }
0x62: {  	s1 =	rddreg [dreg:$0x13];
	[sflag:s9] =	ssyncadd.s32 $0xFFFFC000  }
0x63: {  	[tilespmem:s10], [sflag:$0x1] =	stream.indirect.gather [spmem:s3], $0x20, s1, s7, $0xb8;
	[tilespmem:$0x1B000] =	vst v63  }
0x64: {  	_ =	swait.ge [sflag:s13], $0x4000  }
0x65: {  	[sflag:s13] =	ssyncset.done $0x0  }
0x66: {  	s1 =	rddreg [dreg:$0x14];
	[sflag:s13] =	ssyncadd.s32 $0xFFFFC000  }
0x67: {  	[spmem:s2] =	stream.indirect.scatter.add.f32 [tilespmem:s12], [sflag:$0x3], $0x20, s1, s7, $0xb8;
	[tilespmem:$0x1B000] =	vst v63  }
0x68: {  	_ =	swait.ge [sflag:s11], $0x4000  }
0x69: {  	[sflag:s11] =	ssyncset.done $0x0  }
0x6a: {  	s1 =	rddreg [dreg:$0x15];
	[sflag:s11] =	ssyncadd.s32 $0xFFFFC000  }
0x6b: {  	[tilespmem:s8], [sflag:$0x2] =	stream.indirect.gather [spmem:s3], $0x20, s1, s7, $0xb8;
	[tilespmem:$0x1B000] =	vst v63  }
0x6c: {  	_ =	swait.ge [sflag:s9], $0x4000  }
0x6d: {  	[sflag:s9] =	ssyncset.done $0x0  }
0x6e: {  	s1 =	rddreg [dreg:$0x16];
	[sflag:s9] =	ssyncadd.s32 $0xFFFFC000  }
0x6f: {  	[spmem:s2] =	stream.indirect.scatter.add.f32 [tilespmem:s10], [sflag:$0x1], $0x20, s1, s7, $0xb8;
	[tilespmem:$0x1B000] =	vst v63  }
0x70: {  	_ =	swait.ge [sflag:s13], $0x4000  }
0x71: {  	[sflag:s13] =	ssyncset.done $0x0  }
0x72: {  	s1 =	rddreg [dreg:$0x17];
	[sflag:s13] =	ssyncadd.s32 $0xFFFFC000  }
0x73: {  	[tilespmem:s12], [sflag:$0x3] =	stream.indirect.gather [spmem:s3], $0x20, s1, s7, $0xb8;
	[tilespmem:$0x1B000] =	vst v63  }
0x74: {  	_ =	swait.ge [sflag:s11], $0x4000  }
0x75: {  	[sflag:s11] =	ssyncset.done $0x0  }
0x76: {  	s1 =	rddreg [dreg:$0x18];
	[sflag:s11] =	ssyncadd.s32 $0xFFFFC000  }
0x77: {  	[spmem:s2] =	stream.indirect.scatter.add.f32 [tilespmem:s8], [sflag:$0x2], $0x20, s1, s7, $0xb8;
	[tilespmem:$0x1B000] =	vst v63  }
0x78: {  	_ =	swait.ge [sflag:s9], $0x4000  }
0x79: {  	[sflag:s9] =	ssyncset.done $0x0  }
0x7a: {  	s1 =	rddreg [dreg:$0x19];
	[sflag:s9] =	ssyncadd.s32 $0xFFFFC000  }
0x7b: {  	[tilespmem:s10], [sflag:$0x1] =	stream.indirect.gather [spmem:s3], $0x20, s1, s7, $0xb8;
	[tilespmem:$0x1B000] =	vst v63  }
0x7c: {  	_ =	swait.ge [sflag:s13], $0x4000  }
0x7d: {  	[sflag:s13] =	ssyncset.done $0x0  }
0x7e: {  	s1 =	rddreg [dreg:$0x1a];
	[sflag:s13] =	ssyncadd.s32 $0xFFFFC000  }
0x7f: {  	[spmem:s2] =	stream.indirect.scatter.add.f32 [tilespmem:s12], [sflag:$0x3], $0x20, s1, s7, $0xb8;
	[tilespmem:$0x1B000] =	vst v63  }
0x80: {  	_ =	swait.ge [sflag:s11], $0x4000  }
0x81: {  	[sflag:s11] =	ssyncset.done $0x0  }
0x82: {  	s1 =	rddreg [dreg:$0x1b];
	[sflag:s11] =	ssyncadd.s32 $0xFFFFC000  }
0x83: {  	[tilespmem:s8], [sflag:$0x2] =	stream.indirect.gather [spmem:s3], $0x20, s1, s7, $0xb8;
	[tilespmem:$0x1B000] =	vst v63  }
0x84: {  	_ =	swait.ge [sflag:s9], $0x4000  }
0x85: {  	[sflag:s9] =	ssyncset.done $0x0  }
0x86: {  	s1 =	rddreg [dreg:$0x1c];
	[sflag:s9] =	ssyncadd.s32 $0xFFFFC000  }
0x87: {  	[spmem:s2] =	stream.indirect.scatter.add.f32 [tilespmem:s10], [sflag:$0x1], $0x20, s1, s7, $0xb8;
	[tilespmem:$0x1B000] =	vst v63  }
0x88: {  	_ =	swait.ge [sflag:s13], $0x4000  }
0x89: {  	[sflag:s13] =	ssyncset.done $0x0  }
0x8a: {  	s1 =	rddreg [dreg:$0x1d];
	[sflag:s13] =	ssyncadd.s32 $0xFFFFC000  }
0x8b: {  	[tilespmem:s12], [sflag:$0x3] =	stream.indirect.gather [spmem:s3], $0x20, s1, s7, $0xb8;
	[tilespmem:$0x1B000] =	vst v63  }
0x8c: {  	_ =	swait.ge [sflag:s11], $0x4000  }
0x8d: {  	[sflag:s11] =	ssyncset.done $0x0  }
0x8e: {  	s1 =	rddreg [dreg:$0x1e];
	[sflag:s11] =	ssyncadd.s32 $0xFFFFC000  }
0x8f: {  	[spmem:s2] =	stream.indirect.scatter.add.f32 [tilespmem:s8], [sflag:$0x2], $0x20, s1, s7, $0xb8;
	[tilespmem:$0x1B000] =	vst v63  }
0x90: {  	_ =	swait.ge [sflag:s9], $0x4000  }
0x91: {  	[sflag:s9] =	ssyncset.done $0x0  }
0x92: {  	s1 =	rddreg [dreg:$0x1f];
	[sflag:s9] =	ssyncadd.s32 $0xFFFFC000  }
0x93: {  	[tilespmem:s10], [sflag:$0x1] =	stream.indirect.gather [spmem:s3], $0x20, s1, s7, $0xb8;
	[tilespmem:$0x1B000] =	vst v63  }
0x94: {  	_ =	swait.ge [sflag:s13], $0x4000  }
0x95: {  	s1 =	sld [smem:$0x7FD]  }
0x96: {  	[sflag:s13] =	ssyncset.done $0x0  }
0x97: {  	[sflag:s13] =	ssyncadd.s32 $0xFFFFC000  }
0x98: {  	[spmem:s2] =	stream.indirect.scatter.add.f32 [tilespmem:s12], [sflag:$0x3], $0x20, s1, s7, $0xb8;
	[tilespmem:$0x1B000] =	vst v63  }
0x99: {  	_ =	swait.ge [sflag:s11], $0x4000  }
0x9a: {  	[sflag:s11] =	ssyncset.done $0x0  }
0x9b: {  	[sflag:s11] =	ssyncadd.s32 $0xFFFFC000  }
0x9c: {  	[tilespmem:s8], [sflag:$0x2] =	stream.indirect.gather [spmem:s3], $0x20, s29, s7, $0xb8;
	[tilespmem:$0x1B000] =	vst v63  }
0x9d: {  	_ =	swait.ge [sflag:s9], $0x4000  }
0x9e: {  	[sflag:s9] =	ssyncset.done $0x0  }
0x9f: {  	[sflag:s9] =	ssyncadd.s32 $0xFFFFC000  }
0xa0: {  	[spmem:s2] =	stream.indirect.scatter.add.f32 [tilespmem:s10], [sflag:$0x1], $0x20, s28, s7, $0xb8;
	[tilespmem:$0x1B000] =	vst v63  }
0xa1: {  	_ =	swait.ge [sflag:s13], $0x4000  }
0xa2: {  	[sflag:s13] =	ssyncset.done $0x0  }
0xa3: {  	[sflag:s13] =	ssyncadd.s32 $0xFFFFC000  }
0xa4: {  	[tilespmem:s12], [sflag:$0x3] =	stream.indirect.gather [spmem:s3], $0x20, s26, s7, $0xb8;
	[tilespmem:$0x1B000] =	vst v63  }
0xa5: {  	_ =	swait.ge [sflag:s11], $0x4000  }
0xa6: {  	[sflag:s11] =	ssyncset.done $0x0  }
0xa7: {  	[sflag:s11] =	ssyncadd.s32 $0xFFFFC000  }
0xa8: {  	[spmem:s2] =	stream.indirect.scatter.add.f32 [tilespmem:s8], [sflag:$0x2], $0x20, s25, s7, $0xb8;
	[tilespmem:$0x1B000] =	vst v63  }
0xa9: {  	_ =	swait.ge [sflag:s9], $0x4000  }
0xaa: {  	[sflag:s9] =	ssyncset.done $0x0  }
0xab: {  	[sflag:s9] =	ssyncadd.s32 $0xFFFFC000  }
0xac: {  	[tilespmem:s10], [sflag:$0x1] =	stream.indirect.gather [spmem:s3], $0x20, s24, s7, $0xb8;
	[tilespmem:$0x1B000] =	vst v63  }
0xad: {  	_ =	swait.ge [sflag:s13], $0x4000  }
0xae: {  	[sflag:s13] =	ssyncset.done $0x0  }
0xaf: {  	[sflag:s13] =	ssyncadd.s32 $0xFFFFC000  }
0xb0: {  	[spmem:s2] =	stream.indirect.scatter.add.f32 [tilespmem:s12], [sflag:$0x3], $0x20, s23, s7, $0xb8;
	[tilespmem:$0x1B000] =	vst v63  }
0xb1: {  	_ =	swait.ge [sflag:s11], $0x4000  }
0xb2: {  	[sflag:s11] =	ssyncset.done $0x0  }
0xb3: {  	[sflag:s11] =	ssyncadd.s32 $0xFFFFC000  }
0xb4: {  	[tilespmem:s8], [sflag:$0x2] =	stream.indirect.gather [spmem:s3], $0x20, s22, s7, $0xb8;
	[tilespmem:$0x1B000] =	vst v63  }
0xb5: {  	_ =	swait.ge [sflag:s9], $0x4000  }
0xb6: {  	[sflag:s9] =	ssyncset.done $0x0  }
0xb7: {  	[sflag:s9] =	ssyncadd.s32 $0xFFFFC000  }
0xb8: {  	[spmem:s2] =	stream.indirect.scatter.add.f32 [tilespmem:s10], [sflag:$0x1], $0x20, s21, s7, $0xb8;
	[tilespmem:$0x1B000] =	vst v63  }
0xb9: {  	_ =	swait.ge [sflag:s13], $0x4000  }
0xba: {  	[sflag:s13] =	ssyncset.done $0x0  }
0xbb: {  	[sflag:s13] =	ssyncadd.s32 $0xFFFFC000  }
0xbc: {  	[tilespmem:s12], [sflag:$0x3] =	stream.indirect.gather [spmem:s3], $0x20, s19, s7, $0xb8;
	[tilespmem:$0x1B000] =	vst v63  }
0xbd: {  	_ =	swait.ge [sflag:s11], $0x4000  }
0xbe: {  	[sflag:s11] =	ssyncset.done $0x0  }
0xbf: {  	[sflag:s11] =	ssyncadd.s32 $0xFFFFC000  }
0xc0: {  	[spmem:s2] =	stream.indirect.scatter.add.f32 [tilespmem:s8], [sflag:$0x2], $0x20, s20, s7, $0xb8;
	[tilespmem:$0x1B000] =	vst v63  }
0xc1: {  	_ =	swait.ge [sflag:s9], $0x4000  }
0xc2: {  	[sflag:s9] =	ssyncset.done $0x0  }
0xc3: {  	[sflag:s9] =	ssyncadd.s32 $0xFFFFC000  }
0xc4: {  	[tilespmem:s10], [sflag:$0x1] =	stream.indirect.gather [spmem:s3], $0x20, s18, s7, $0xb8;
	[tilespmem:$0x1B000] =	vst v63  }
0xc5: {  	_ =	swait.ge [sflag:s13], $0x4000  }
0xc6: {  	[sflag:s13] =	ssyncset.done $0x0  }
0xc7: {  	[sflag:s13] =	ssyncadd.s32 $0xFFFFC000  }
0xc8: {  	[spmem:s2] =	stream.indirect.scatter.add.f32 [tilespmem:s12], [sflag:$0x3], $0x20, s17, s7, $0xb8;
	[tilespmem:$0x1B000] =	vst v63  }
0xc9: {  	_ =	swait.ge [sflag:s11], $0x4000  }
0xca: {  	[sflag:s11] =	ssyncset.done $0x0  }
0xcb: {  	[sflag:s11] =	ssyncadd.s32 $0xFFFFC000  }
0xcc: {  	[tilespmem:s8], [sflag:$0x2] =	stream.indirect.gather [spmem:s3], $0x20, s16, s7, $0xb8;
	[tilespmem:$0x1B000] =	vst v63  }
0xcd: {  	_ =	swait.ge [sflag:s9], $0x4000  }
0xce: {  	[sflag:s9] =	ssyncset.done $0x0  }
0xcf: {  	[sflag:s9] =	ssyncadd.s32 $0xFFFFC000  }
0xd0: {  	[spmem:s2] =	stream.indirect.scatter.add.f32 [tilespmem:s10], [sflag:$0x1], $0x20, s15, s7, $0xb8;
	[tilespmem:$0x1B000] =	vst v63  }
0xd1: {  	_ =	swait.ge [sflag:s11], $0x4000  }
0xd2: {  	[sflag:s11] =	ssyncset.done $0x0  }
0xd3: {  	[sflag:s11] =	ssyncadd.s32 $0xFFFFC000  }
0xd4: {  	[spmem:s2] =	stream.indirect.scatter.add.f32 [tilespmem:s8], [sflag:$0x2], $0x20, s14, s7, $0xb8;
	[tilespmem:$0x1B000] =	vst v63  }
0xd5: {  	_ =	swait.ge [sflag:s9], $0x4000  }
0xd6: {  	[sflag:s9] =	ssyncset.done $0x0  }
0xd7: {  	[sflag:s9] =	ssyncadd.s32 $0xFFFFC000  }
0xd8: {  	_ =	swait.ge [sflag:s11], $0x4000  }
0xd9: {  	[sflag:s11] =	ssyncset.done $0x0  }
0xda: {  	[sflag:s11] =	ssyncadd.s32 $0xFFFFC000  }
0xdb: {  	[bflag:$0x0] =	sbarrier.arrive $0xFFFF  }
0xdc: {  	s1 =	rddreg [dreg:$0x9]  }
0xdd: {  	[hbm:s1], [sflag:s4] =	dma.local [spmem:s5], $0xA00  }
0xde: {  	s0 =	sld [smem:$0x7FC];
	_ =	sdelay $0x2  }
0xdf: {  	p1 =	sne.s32 s0, $0x1  }
.Ltmp1:
0xe0: {  	_ = 	snop;
	(pc) =	sbr.rel @!p1 .LBB2_3-.Ltmp1, $2  }
0xe1: {  	_ =	sdelay $0x2  }
0xe2: {  	p0 =	por $0x1, $0x1;
	_ =	swait.ge [sflag:s6], $0xA00;
	s1 =	sadd.s32 $0xFFFFFFFF, s0  }
.LBB2_2:
0xe3: {  	[sflag:s6] =	ssyncset.done $0x0  }
0xe4: {  	s0 =	rddreg [dreg:$0x5];
	[sflag:s6] =	ssyncadd.s32 $0xFFFFF600  }
0xe5: {  	[spmem:s5], [sflag:s4] =	dma.local [hbm:s0], $0xA00  }
0xe6: {  	_ =	swait.ge [sflag:s6], $0xA00  }
0xe7: {  	[sflag:s6] =	ssyncset.done $0x0  }
0xe8: {  	s14 =	rddreg [dreg:$0x6];
	[sflag:s6] =	ssyncadd.s32 $0xFFFFF600  }
0xe9: {  	[tilespmem:s30], [sflag:$0x4] =	stream.linear.gather [hbm4b:s14+s30], $0x2800, $0x38;
	[tilespmem:$0x1B000] =	vst v63  }
0xea: {  	_ =	swait.ge [sflag:s6], $0x2800  }
0xeb: {  	[sflag:s6] =	ssyncset.done $0x0  }
0xec: {  	s14 =	rddreg [dreg:$0x7];
	[sflag:s6] =	ssyncadd.s32 $0xFFFFD800  }
0xed: {  	[tilespmem:s31], [sflag:$0x4] =	stream.linear.gather [hbm4b:s14+s30], $0x2800, $0x38;
	[tilespmem:$0x1B000] =	vst v63  }
0xee: {  	_ =	swait.ge [sflag:s6], $0x2800  }
0xef: {  	[sflag:s6] =	ssyncset.done $0x0;
	s0 =	rddreg [dreg:$0x8]  }
0xf0: {  	s14 =	rddreg [dreg:$0xa];
	[sflag:s6] =	ssyncadd.s32 $0xFFFFD800  }
0xf1: {  	[spmem:s14], [sflag:s4] =	dma.local [hbm:s0], $0xA00  }
0xf2: {  	_ =	swait.ge [sflag:s6], $0xA00  }
0xf3: {  	[sflag:s6] =	ssyncset.done $0x0  }
0xf4: {  	[sflag:s6] =	ssyncadd.s32 $0xFFFFF600  }
0xf5: {  	[bflag:$0x0] =	sbarrier.arrive $0xFFFF  }
0xf6: {  	[tilespmem:s10], [sflag:$0x1] =	stream.indirect.gather [spmem:s3], $0x20, s30, s7, $0xb8;
	[tilespmem:$0x1B000] =	vst v63  }
0xf7: {  	_ = 	snop  }
0xf8: {  	[tilespmem:s8], [sflag:$0x2] =	stream.indirect.gather [spmem:s3], $0x20, s7, s7, $0xb8;
	[tilespmem:$0x1B000] =	vst v63  }
0xf9: {  	_ =	swait.ge [sflag:s9], $0x4000  }
0xfa: {  	[sflag:s9] =	ssyncset.done $0x0  }
0xfb: {  	[sflag:s9] =	ssyncadd.s32 $0xFFFFC000  }
0xfc: {  	[spmem:s2] =	stream.indirect.scatter.add.f32 [tilespmem:s10], [sflag:$0x1], $0x20, s31, s7, $0xb8;
	[tilespmem:$0x1B000] =	vst v63  }
0xfd: {  	s0 =	rddreg [dreg:$0xb]  }
0xfe: {  	[tilespmem:s12], [sflag:$0x3] =	stream.indirect.gather [spmem:s3], $0x20, s0, s7, $0xb8;
	[tilespmem:$0x1B000] =	vst v63  }
0xff: {  	_ =	swait.ge [sflag:s11], $0x4000  }
0x100: {  	[sflag:s11] =	ssyncset.done $0x0  }
0x101: {  	s0 =	rddreg [dreg:$0xc];
	[sflag:s11] =	ssyncadd.s32 $0xFFFFC000  }
0x102: {  	[spmem:s2] =	stream.indirect.scatter.add.f32 [tilespmem:s8], [sflag:$0x2], $0x20, s0, s7, $0xb8;
	[tilespmem:$0x1B000] =	vst v63  }
0x103: {  	_ =	swait.ge [sflag:s9], $0x4000  }
0x104: {  	[sflag:s9] =	ssyncset.done $0x0  }
0x105: {  	s0 =	rddreg [dreg:$0xd];
	[sflag:s9] =	ssyncadd.s32 $0xFFFFC000  }
0x106: {  	[tilespmem:s10], [sflag:$0x1] =	stream.indirect.gather [spmem:s3], $0x20, s0, s7, $0xb8;
	[tilespmem:$0x1B000] =	vst v63  }
0x107: {  	_ =	swait.ge [sflag:s13], $0x4000  }
0x108: {  	[sflag:s13] =	ssyncset.done $0x0  }
0x109: {  	s0 =	rddreg [dreg:$0xe];
	[sflag:s13] =	ssyncadd.s32 $0xFFFFC000  }
0x10a: {  	[spmem:s2] =	stream.indirect.scatter.add.f32 [tilespmem:s12], [sflag:$0x3], $0x20, s0, s7, $0xb8;
	[tilespmem:$0x1B000] =	vst v63  }
0x10b: {  	_ =	swait.ge [sflag:s11], $0x4000  }
0x10c: {  	[sflag:s11] =	ssyncset.done $0x0  }
0x10d: {  	s0 =	rddreg [dreg:$0xf];
	[sflag:s11] =	ssyncadd.s32 $0xFFFFC000  }
0x10e: {  	[tilespmem:s8], [sflag:$0x2] =	stream.indirect.gather [spmem:s3], $0x20, s0, s7, $0xb8;
	[tilespmem:$0x1B000] =	vst v63  }
0x10f: {  	_ =	swait.ge [sflag:s9], $0x4000  }
0x110: {  	[sflag:s9] =	ssyncset.done $0x0  }
0x111: {  	s0 =	rddreg [dreg:$0x10];
	[sflag:s9] =	ssyncadd.s32 $0xFFFFC000  }
0x112: {  	[spmem:s2] =	stream.indirect.scatter.add.f32 [tilespmem:s10], [sflag:$0x1], $0x20, s0, s7, $0xb8;
	[tilespmem:$0x1B000] =	vst v63  }
0x113: {  	_ =	swait.ge [sflag:s13], $0x4000  }
0x114: {  	[sflag:s13] =	ssyncset.done $0x0  }
0x115: {  	s0 =	rddreg [dreg:$0x11];
	[sflag:s13] =	ssyncadd.s32 $0xFFFFC000  }
0x116: {  	[tilespmem:s12], [sflag:$0x3] =	stream.indirect.gather [spmem:s3], $0x20, s0, s7, $0xb8;
	[tilespmem:$0x1B000] =	vst v63  }
0x117: {  	_ =	swait.ge [sflag:s11], $0x4000  }
0x118: {  	[sflag:s11] =	ssyncset.done $0x0  }
0x119: {  	s0 =	rddreg [dreg:$0x12];
	[sflag:s11] =	ssyncadd.s32 $0xFFFFC000  }
0x11a: {  	[spmem:s2] =	stream.indirect.scatter.add.f32 [tilespmem:s8], [sflag:$0x2], $0x20, s0, s7, $0xb8;
	[tilespmem:$0x1B000] =	vst v63  }
0x11b: {  	_ =	swait.ge [sflag:s9], $0x4000  }
0x11c: {  	[sflag:s9] =	ssyncset.done $0x0  }
0x11d: {  	s0 =	rddreg [dreg:$0x13];
	[sflag:s9] =	ssyncadd.s32 $0xFFFFC000  }
0x11e: {  	[tilespmem:s10], [sflag:$0x1] =	stream.indirect.gather [spmem:s3], $0x20, s0, s7, $0xb8;
	[tilespmem:$0x1B000] =	vst v63  }
0x11f: {  	_ =	swait.ge [sflag:s13], $0x4000  }
0x120: {  	[sflag:s13] =	ssyncset.done $0x0  }
0x121: {  	s0 =	rddreg [dreg:$0x14];
	[sflag:s13] =	ssyncadd.s32 $0xFFFFC000  }
0x122: {  	[spmem:s2] =	stream.indirect.scatter.add.f32 [tilespmem:s12], [sflag:$0x3], $0x20, s0, s7, $0xb8;
	[tilespmem:$0x1B000] =	vst v63  }
0x123: {  	_ =	swait.ge [sflag:s11], $0x4000  }
0x124: {  	[sflag:s11] =	ssyncset.done $0x0  }
0x125: {  	s0 =	rddreg [dreg:$0x15];
	[sflag:s11] =	ssyncadd.s32 $0xFFFFC000  }
0x126: {  	[tilespmem:s8], [sflag:$0x2] =	stream.indirect.gather [spmem:s3], $0x20, s0, s7, $0xb8;
	[tilespmem:$0x1B000] =	vst v63  }
0x127: {  	_ =	swait.ge [sflag:s9], $0x4000  }
0x128: {  	[sflag:s9] =	ssyncset.done $0x0  }
0x129: {  	s0 =	rddreg [dreg:$0x16];
	[sflag:s9] =	ssyncadd.s32 $0xFFFFC000  }
0x12a: {  	[spmem:s2] =	stream.indirect.scatter.add.f32 [tilespmem:s10], [sflag:$0x1], $0x20, s0, s7, $0xb8;
	[tilespmem:$0x1B000] =	vst v63  }
0x12b: {  	_ =	swait.ge [sflag:s13], $0x4000  }
0x12c: {  	[sflag:s13] =	ssyncset.done $0x0  }
0x12d: {  	s0 =	rddreg [dreg:$0x17];
	[sflag:s13] =	ssyncadd.s32 $0xFFFFC000  }
0x12e: {  	[tilespmem:s12], [sflag:$0x3] =	stream.indirect.gather [spmem:s3], $0x20, s0, s7, $0xb8;
	[tilespmem:$0x1B000] =	vst v63  }
0x12f: {  	_ =	swait.ge [sflag:s11], $0x4000  }
0x130: {  	[sflag:s11] =	ssyncset.done $0x0  }
0x131: {  	s0 =	rddreg [dreg:$0x18];
	[sflag:s11] =	ssyncadd.s32 $0xFFFFC000  }
0x132: {  	[spmem:s2] =	stream.indirect.scatter.add.f32 [tilespmem:s8], [sflag:$0x2], $0x20, s0, s7, $0xb8;
	[tilespmem:$0x1B000] =	vst v63  }
0x133: {  	_ =	swait.ge [sflag:s9], $0x4000  }
0x134: {  	[sflag:s9] =	ssyncset.done $0x0  }
0x135: {  	s0 =	rddreg [dreg:$0x19];
	[sflag:s9] =	ssyncadd.s32 $0xFFFFC000  }
0x136: {  	[tilespmem:s10], [sflag:$0x1] =	stream.indirect.gather [spmem:s3], $0x20, s0, s7, $0xb8;
	[tilespmem:$0x1B000] =	vst v63  }
0x137: {  	_ =	swait.ge [sflag:s13], $0x4000  }
0x138: {  	[sflag:s13] =	ssyncset.done $0x0  }
0x139: {  	s0 =	rddreg [dreg:$0x1a];
	[sflag:s13] =	ssyncadd.s32 $0xFFFFC000  }
0x13a: {  	[spmem:s2] =	stream.indirect.scatter.add.f32 [tilespmem:s12], [sflag:$0x3], $0x20, s0, s7, $0xb8;
	[tilespmem:$0x1B000] =	vst v63  }
0x13b: {  	_ =	swait.ge [sflag:s11], $0x4000  }
0x13c: {  	[sflag:s11] =	ssyncset.done $0x0  }
0x13d: {  	s0 =	rddreg [dreg:$0x1b];
	[sflag:s11] =	ssyncadd.s32 $0xFFFFC000  }
0x13e: {  	[tilespmem:s8], [sflag:$0x2] =	stream.indirect.gather [spmem:s3], $0x20, s0, s7, $0xb8;
	[tilespmem:$0x1B000] =	vst v63  }
0x13f: {  	_ =	swait.ge [sflag:s9], $0x4000  }
0x140: {  	[sflag:s9] =	ssyncset.done $0x0  }
0x141: {  	s0 =	rddreg [dreg:$0x1c];
	[sflag:s9] =	ssyncadd.s32 $0xFFFFC000  }
0x142: {  	[spmem:s2] =	stream.indirect.scatter.add.f32 [tilespmem:s10], [sflag:$0x1], $0x20, s0, s7, $0xb8;
	[tilespmem:$0x1B000] =	vst v63  }
0x143: {  	_ =	swait.ge [sflag:s13], $0x4000  }
0x144: {  	[sflag:s13] =	ssyncset.done $0x0  }
0x145: {  	s0 =	rddreg [dreg:$0x1d];
	[sflag:s13] =	ssyncadd.s32 $0xFFFFC000  }
0x146: {  	[tilespmem:s12], [sflag:$0x3] =	stream.indirect.gather [spmem:s3], $0x20, s0, s7, $0xb8;
	[tilespmem:$0x1B000] =	vst v63  }
0x147: {  	_ =	swait.ge [sflag:s11], $0x4000  }
0x148: {  	[sflag:s11] =	ssyncset.done $0x0  }
0x149: {  	s0 =	rddreg [dreg:$0x1e];
	[sflag:s11] =	ssyncadd.s32 $0xFFFFC000  }
0x14a: {  	[spmem:s2] =	stream.indirect.scatter.add.f32 [tilespmem:s8], [sflag:$0x2], $0x20, s0, s7, $0xb8;
	[tilespmem:$0x1B000] =	vst v63  }
0x14b: {  	_ =	swait.ge [sflag:s9], $0x4000  }
0x14c: {  	[sflag:s9] =	ssyncset.done $0x0  }
0x14d: {  	s0 =	rddreg [dreg:$0x1f];
	[sflag:s9] =	ssyncadd.s32 $0xFFFFC000  }
0x14e: {  	[tilespmem:s10], [sflag:$0x1] =	stream.indirect.gather [spmem:s3], $0x20, s0, s7, $0xb8;
	[tilespmem:$0x1B000] =	vst v63  }
0x14f: {  	_ =	swait.ge [sflag:s13], $0x4000  }
0x150: {  	s0 =	sld [smem:$0x7FD]  }
0x151: {  	[sflag:s13] =	ssyncset.done $0x0  }
0x152: {  	[sflag:s13] =	ssyncadd.s32 $0xFFFFC000  }
0x153: {  	[spmem:s2] =	stream.indirect.scatter.add.f32 [tilespmem:s12], [sflag:$0x3], $0x20, s0, s7, $0xb8;
	[tilespmem:$0x1B000] =	vst v63  }
0x154: {  	_ =	swait.ge [sflag:s11], $0x4000  }
0x155: {  	[sflag:s11] =	ssyncset.done $0x0  }
0x156: {  	[sflag:s11] =	ssyncadd.s32 $0xFFFFC000  }
0x157: {  	[tilespmem:s8], [sflag:$0x2] =	stream.indirect.gather [spmem:s3], $0x20, s29, s7, $0xb8;
	[tilespmem:$0x1B000] =	vst v63  }
0x158: {  	_ =	swait.ge [sflag:s9], $0x4000  }
0x159: {  	[sflag:s9] =	ssyncset.done $0x0  }
0x15a: {  	[sflag:s9] =	ssyncadd.s32 $0xFFFFC000  }
0x15b: {  	[spmem:s2] =	stream.indirect.scatter.add.f32 [tilespmem:s10], [sflag:$0x1], $0x20, s28, s7, $0xb8;
	[tilespmem:$0x1B000] =	vst v63  }
0x15c: {  	_ =	swait.ge [sflag:s13], $0x4000  }
0x15d: {  	[sflag:s13] =	ssyncset.done $0x0  }
0x15e: {  	[sflag:s13] =	ssyncadd.s32 $0xFFFFC000  }
0x15f: {  	[tilespmem:s12], [sflag:$0x3] =	stream.indirect.gather [spmem:s3], $0x20, s26, s7, $0xb8;
	[tilespmem:$0x1B000] =	vst v63  }
0x160: {  	_ =	swait.ge [sflag:s11], $0x4000  }
0x161: {  	[sflag:s11] =	ssyncset.done $0x0  }
0x162: {  	[sflag:s11] =	ssyncadd.s32 $0xFFFFC000  }
0x163: {  	[spmem:s2] =	stream.indirect.scatter.add.f32 [tilespmem:s8], [sflag:$0x2], $0x20, s25, s7, $0xb8;
	[tilespmem:$0x1B000] =	vst v63  }
0x164: {  	_ =	swait.ge [sflag:s9], $0x4000  }
0x165: {  	[sflag:s9] =	ssyncset.done $0x0  }
0x166: {  	[sflag:s9] =	ssyncadd.s32 $0xFFFFC000  }
0x167: {  	[tilespmem:s10], [sflag:$0x1] =	stream.indirect.gather [spmem:s3], $0x20, s24, s7, $0xb8;
	[tilespmem:$0x1B000] =	vst v63  }
0x168: {  	_ =	swait.ge [sflag:s13], $0x4000  }
0x169: {  	[sflag:s13] =	ssyncset.done $0x0  }
0x16a: {  	[sflag:s13] =	ssyncadd.s32 $0xFFFFC000  }
0x16b: {  	[spmem:s2] =	stream.indirect.scatter.add.f32 [tilespmem:s12], [sflag:$0x3], $0x20, s23, s7, $0xb8;
	[tilespmem:$0x1B000] =	vst v63  }
0x16c: {  	_ =	swait.ge [sflag:s11], $0x4000  }
0x16d: {  	[sflag:s11] =	ssyncset.done $0x0  }
0x16e: {  	[sflag:s11] =	ssyncadd.s32 $0xFFFFC000  }
0x16f: {  	[tilespmem:s8], [sflag:$0x2] =	stream.indirect.gather [spmem:s3], $0x20, s22, s7, $0xb8;
	[tilespmem:$0x1B000] =	vst v63  }
0x170: {  	_ =	swait.ge [sflag:s9], $0x4000  }
0x171: {  	[sflag:s9] =	ssyncset.done $0x0  }
0x172: {  	[sflag:s9] =	ssyncadd.s32 $0xFFFFC000  }
0x173: {  	[spmem:s2] =	stream.indirect.scatter.add.f32 [tilespmem:s10], [sflag:$0x1], $0x20, s21, s7, $0xb8;
	[tilespmem:$0x1B000] =	vst v63  }
0x174: {  	_ =	swait.ge [sflag:s13], $0x4000  }
0x175: {  	[sflag:s13] =	ssyncset.done $0x0  }
0x176: {  	[sflag:s13] =	ssyncadd.s32 $0xFFFFC000  }
0x177: {  	[tilespmem:s12], [sflag:$0x3] =	stream.indirect.gather [spmem:s3], $0x20, s19, s7, $0xb8;
	[tilespmem:$0x1B000] =	vst v63  }
0x178: {  	_ =	swait.ge [sflag:s11], $0x4000  }
0x179: {  	[sflag:s11] =	ssyncset.done $0x0  }
0x17a: {  	[sflag:s11] =	ssyncadd.s32 $0xFFFFC000  }
0x17b: {  	[spmem:s2] =	stream.indirect.scatter.add.f32 [tilespmem:s8], [sflag:$0x2], $0x20, s20, s7, $0xb8;
	[tilespmem:$0x1B000] =	vst v63  }
0x17c: {  	_ =	swait.ge [sflag:s9], $0x4000  }
0x17d: {  	[sflag:s9] =	ssyncset.done $0x0  }
0x17e: {  	[sflag:s9] =	ssyncadd.s32 $0xFFFFC000  }
0x17f: {  	[tilespmem:s10], [sflag:$0x1] =	stream.indirect.gather [spmem:s3], $0x20, s18, s7, $0xb8;
	[tilespmem:$0x1B000] =	vst v63  }
0x180: {  	_ =	swait.ge [sflag:s13], $0x4000  }
0x181: {  	[sflag:s13] =	ssyncset.done $0x0  }
0x182: {  	[sflag:s13] =	ssyncadd.s32 $0xFFFFC000  }
0x183: {  	[spmem:s2] =	stream.indirect.scatter.add.f32 [tilespmem:s12], [sflag:$0x3], $0x20, s17, s7, $0xb8;
	[tilespmem:$0x1B000] =	vst v63  }
0x184: {  	_ =	swait.ge [sflag:s11], $0x4000  }
0x185: {  	[sflag:s11] =	ssyncset.done $0x0  }
0x186: {  	[sflag:s11] =	ssyncadd.s32 $0xFFFFC000  }
0x187: {  	[tilespmem:s8], [sflag:$0x2] =	stream.indirect.gather [spmem:s3], $0x20, s16, s7, $0xb8;
	[tilespmem:$0x1B000] =	vst v63  }
0x188: {  	_ =	swait.ge [sflag:s9], $0x4000  }
0x189: {  	[sflag:s9] =	ssyncset.done $0x0  }
0x18a: {  	[sflag:s9] =	ssyncadd.s32 $0xFFFFC000  }
0x18b: {  	[spmem:s2] =	stream.indirect.scatter.add.f32 [tilespmem:s10], [sflag:$0x1], $0x20, s15, s7, $0xb8;
	[tilespmem:$0x1B000] =	vst v63  }
0x18c: {  	_ =	swait.ge [sflag:s11], $0x4000  }
0x18d: {  	[sflag:s11] =	ssyncset.done $0x0  }
0x18e: {  	s14 =	simm.s32 $0x4E00;
	[sflag:s11] =	ssyncadd.s32 $0xFFFFC000  }
0x18f: {  	[spmem:s2] =	stream.indirect.scatter.add.f32 [tilespmem:s8], [sflag:$0x2], $0x20, s14, s7, $0xb8;
	[tilespmem:$0x1B000] =	vst v63  }
0x190: {  	_ =	swait.ge [sflag:s9], $0x4000  }
0x191: {  	[sflag:s9] =	ssyncset.done $0x0  }
0x192: {  	[sflag:s9] =	ssyncadd.s32 $0xFFFFC000  }
0x193: {  	_ =	swait.ge [sflag:s11], $0x4000  }
0x194: {  	p1 =	sne.s32 s1, $0x1;
	[sflag:s11] =	ssyncset.done $0x0  }
.Ltmp2:
0x195: {  	[sflag:s11] =	ssyncadd.s32 $0xFFFFC000;
	(pc) =	sbr.rel @p1 .LBB2_2-.Ltmp2, $4  }
0x196: {  	[bflag:$0x0] =	sbarrier.arrive $0xFFFF  }
0x197: {  	s0 =	rddreg [dreg:$0x9]  }
0x198: {  	[hbm:s0], [sflag:s4] =	dma.local [spmem:s5], $0xA00  }
0x199: {  	s1 =	sadd.s32 $0xFFFFFFFF, s1;
	_ =	swait.ge [sflag:s6], $0xA00  }
.LBB2_3:
0x19a: {  	[sflag:s6] =	ssyncset.done @p0 $0x0  }
0x19b: {  	s0 =	rddreg [dreg:$0x5];
	[sflag:s6] =	ssyncadd.s32 @p0 $0xFFFFF600  }
0x19c: {  	[spmem:s5], [sflag:s4] =	dma.local [hbm:s0], $0xA00  }
0x19d: {  	_ =	swait.ge [sflag:s6], $0xA00  }
0x19e: {  	[sflag:s6] =	ssyncset.done $0x0  }
0x19f: {  	s1 =	rddreg [dreg:$0x6];
	[sflag:s6] =	ssyncadd.s32 $0xFFFFF600  }
0x1a0: {  	[tilespmem:s30], [sflag:$0x4] =	stream.linear.gather [hbm4b:s1+s30], $0x2800, $0x38;
	[tilespmem:$0x1B000] =	vst v63  }
0x1a1: {  	_ =	swait.ge [sflag:s6], $0x2800  }
0x1a2: {  	[sflag:s6] =	ssyncset.done $0x0  }
0x1a3: {  	s1 =	rddreg [dreg:$0x7];
	[sflag:s6] =	ssyncadd.s32 $0xFFFFD800  }
0x1a4: {  	[tilespmem:s31], [sflag:$0x4] =	stream.linear.gather [hbm4b:s1+s30], $0x2800, $0x38;
	[tilespmem:$0x1B000] =	vst v63  }
0x1a5: {  	_ =	swait.ge [sflag:s6], $0x2800  }
0x1a6: {  	s0 =	rddreg [dreg:$0x8];
	[sflag:s6] =	ssyncset.done $0x0  }
0x1a7: {  	s1 =	rddreg [dreg:$0xa];
	[sflag:s6] =	ssyncadd.s32 $0xFFFFD800  }
0x1a8: {  	[spmem:s1], [sflag:s4] =	dma.local [hbm:s0], $0xA00  }
0x1a9: {  	_ =	swait.ge [sflag:s6], $0xA00  }
0x1aa: {  	[sflag:s6] =	ssyncset.done $0x0  }
0x1ab: {  	[sflag:s6] =	ssyncadd.s32 $0xFFFFF600  }
0x1ac: {  	[bflag:$0x0] =	sbarrier.arrive $0xFFFF  }
0x1ad: {  	[tilespmem:s10], [sflag:$0x1] =	stream.indirect.gather [spmem:s3], $0x20, s30, s7, $0xb8;
	[tilespmem:$0x1B000] =	vst v63  }
0x1ae: {  	_ = 	snop  }
0x1af: {  	[tilespmem:s8], [sflag:$0x2] =	stream.indirect.gather [spmem:s3], $0x20, s7, s7, $0xb8;
	[tilespmem:$0x1B000] =	vst v63  }
0x1b0: {  	_ =	swait.ge [sflag:s9], $0x4000  }
0x1b1: {  	[sflag:s9] =	ssyncset.done $0x0  }
0x1b2: {  	[sflag:s9] =	ssyncadd.s32 $0xFFFFC000  }
0x1b3: {  	[spmem:s2] =	stream.indirect.scatter.add.f32 [tilespmem:s10], [sflag:$0x1], $0x20, s31, s7, $0xb8;
	[tilespmem:$0x1B000] =	vst v63  }
0x1b4: {  	s1 =	rddreg [dreg:$0xb]  }
0x1b5: {  	[tilespmem:s12], [sflag:$0x3] =	stream.indirect.gather [spmem:s3], $0x20, s1, s7, $0xb8;
	[tilespmem:$0x1B000] =	vst v63  }
0x1b6: {  	_ =	swait.ge [sflag:s11], $0x4000  }
0x1b7: {  	[sflag:s11] =	ssyncset.done $0x0  }
0x1b8: {  	s30 =	rddreg [dreg:$0xc];
	[sflag:s11] =	ssyncadd.s32 $0xFFFFC000  }
0x1b9: {  	[spmem:s2] =	stream.indirect.scatter.add.f32 [tilespmem:s8], [sflag:$0x2], $0x20, s30, s7, $0xb8;
	[tilespmem:$0x1B000] =	vst v63  }
0x1ba: {  	_ =	swait.ge [sflag:s9], $0x4000  }
0x1bb: {  	[sflag:s9] =	ssyncset.done $0x0  }
0x1bc: {  	s31 =	rddreg [dreg:$0xd];
	[sflag:s9] =	ssyncadd.s32 $0xFFFFC000  }
0x1bd: {  	[tilespmem:s10], [sflag:$0x1] =	stream.indirect.gather [spmem:s3], $0x20, s31, s7, $0xb8;
	[tilespmem:$0x1B000] =	vst v63  }
0x1be: {  	_ =	swait.ge [sflag:s13], $0x4000  }
0x1bf: {  	[sflag:s13] =	ssyncset.done $0x0  }
0x1c0: {  	s1 =	rddreg [dreg:$0xe];
	[sflag:s13] =	ssyncadd.s32 $0xFFFFC000  }
0x1c1: {  	[spmem:s2] =	stream.indirect.scatter.add.f32 [tilespmem:s12], [sflag:$0x3], $0x20, s1, s7, $0xb8;
	[tilespmem:$0x1B000] =	vst v63  }
0x1c2: {  	_ =	swait.ge [sflag:s11], $0x4000  }
0x1c3: {  	[sflag:s11] =	ssyncset.done $0x0  }
0x1c4: {  	s30 =	rddreg [dreg:$0xf];
	[sflag:s11] =	ssyncadd.s32 $0xFFFFC000  }
0x1c5: {  	[tilespmem:s8], [sflag:$0x2] =	stream.indirect.gather [spmem:s3], $0x20, s30, s7, $0xb8;
	[tilespmem:$0x1B000] =	vst v63  }
0x1c6: {  	_ =	swait.ge [sflag:s9], $0x4000  }
0x1c7: {  	[sflag:s9] =	ssyncset.done $0x0  }
0x1c8: {  	s31 =	rddreg [dreg:$0x10];
	[sflag:s9] =	ssyncadd.s32 $0xFFFFC000  }
0x1c9: {  	[spmem:s2] =	stream.indirect.scatter.add.f32 [tilespmem:s10], [sflag:$0x1], $0x20, s31, s7, $0xb8;
	[tilespmem:$0x1B000] =	vst v63  }
0x1ca: {  	_ =	swait.ge [sflag:s13], $0x4000  }
0x1cb: {  	[sflag:s13] =	ssyncset.done $0x0  }
0x1cc: {  	s1 =	rddreg [dreg:$0x11];
	[sflag:s13] =	ssyncadd.s32 $0xFFFFC000  }
0x1cd: {  	[tilespmem:s12], [sflag:$0x3] =	stream.indirect.gather [spmem:s3], $0x20, s1, s7, $0xb8;
	[tilespmem:$0x1B000] =	vst v63  }
0x1ce: {  	_ =	swait.ge [sflag:s11], $0x4000  }
0x1cf: {  	[sflag:s11] =	ssyncset.done $0x0  }
0x1d0: {  	s30 =	rddreg [dreg:$0x12];
	[sflag:s11] =	ssyncadd.s32 $0xFFFFC000  }
0x1d1: {  	[spmem:s2] =	stream.indirect.scatter.add.f32 [tilespmem:s8], [sflag:$0x2], $0x20, s30, s7, $0xb8;
	[tilespmem:$0x1B000] =	vst v63  }
0x1d2: {  	_ =	swait.ge [sflag:s9], $0x4000  }
0x1d3: {  	[sflag:s9] =	ssyncset.done $0x0  }
0x1d4: {  	s31 =	rddreg [dreg:$0x13];
	[sflag:s9] =	ssyncadd.s32 $0xFFFFC000  }
0x1d5: {  	[tilespmem:s10], [sflag:$0x1] =	stream.indirect.gather [spmem:s3], $0x20, s31, s7, $0xb8;
	[tilespmem:$0x1B000] =	vst v63  }
0x1d6: {  	_ =	swait.ge [sflag:s13], $0x4000  }
0x1d7: {  	[sflag:s13] =	ssyncset.done $0x0  }
0x1d8: {  	s1 =	rddreg [dreg:$0x14];
	[sflag:s13] =	ssyncadd.s32 $0xFFFFC000  }
0x1d9: {  	[spmem:s2] =	stream.indirect.scatter.add.f32 [tilespmem:s12], [sflag:$0x3], $0x20, s1, s7, $0xb8;
	[tilespmem:$0x1B000] =	vst v63  }
0x1da: {  	_ =	swait.ge [sflag:s11], $0x4000  }
0x1db: {  	[sflag:s11] =	ssyncset.done $0x0  }
0x1dc: {  	s30 =	rddreg [dreg:$0x15];
	[sflag:s11] =	ssyncadd.s32 $0xFFFFC000  }
0x1dd: {  	[tilespmem:s8], [sflag:$0x2] =	stream.indirect.gather [spmem:s3], $0x20, s30, s7, $0xb8;
	[tilespmem:$0x1B000] =	vst v63  }
0x1de: {  	_ =	swait.ge [sflag:s9], $0x4000  }
0x1df: {  	[sflag:s9] =	ssyncset.done $0x0  }
0x1e0: {  	s31 =	rddreg [dreg:$0x16];
	[sflag:s9] =	ssyncadd.s32 $0xFFFFC000  }
0x1e1: {  	[spmem:s2] =	stream.indirect.scatter.add.f32 [tilespmem:s10], [sflag:$0x1], $0x20, s31, s7, $0xb8;
	[tilespmem:$0x1B000] =	vst v63  }
0x1e2: {  	_ =	swait.ge [sflag:s13], $0x4000  }
0x1e3: {  	[sflag:s13] =	ssyncset.done $0x0  }
0x1e4: {  	s1 =	rddreg [dreg:$0x17];
	[sflag:s13] =	ssyncadd.s32 $0xFFFFC000  }
0x1e5: {  	[tilespmem:s12], [sflag:$0x3] =	stream.indirect.gather [spmem:s3], $0x20, s1, s7, $0xb8;
	[tilespmem:$0x1B000] =	vst v63  }
0x1e6: {  	_ =	swait.ge [sflag:s11], $0x4000  }
0x1e7: {  	[sflag:s11] =	ssyncset.done $0x0  }
0x1e8: {  	s30 =	rddreg [dreg:$0x18];
	[sflag:s11] =	ssyncadd.s32 $0xFFFFC000  }
0x1e9: {  	[spmem:s2] =	stream.indirect.scatter.add.f32 [tilespmem:s8], [sflag:$0x2], $0x20, s30, s7, $0xb8;
	[tilespmem:$0x1B000] =	vst v63  }
0x1ea: {  	_ =	swait.ge [sflag:s9], $0x4000  }
0x1eb: {  	[sflag:s9] =	ssyncset.done $0x0  }
0x1ec: {  	s31 =	rddreg [dreg:$0x19];
	[sflag:s9] =	ssyncadd.s32 $0xFFFFC000  }
0x1ed: {  	[tilespmem:s10], [sflag:$0x1] =	stream.indirect.gather [spmem:s3], $0x20, s31, s7, $0xb8;
	[tilespmem:$0x1B000] =	vst v63  }
0x1ee: {  	_ =	swait.ge [sflag:s13], $0x4000  }
0x1ef: {  	[sflag:s13] =	ssyncset.done $0x0  }
0x1f0: {  	s1 =	rddreg [dreg:$0x1a];
	[sflag:s13] =	ssyncadd.s32 $0xFFFFC000  }
0x1f1: {  	[spmem:s2] =	stream.indirect.scatter.add.f32 [tilespmem:s12], [sflag:$0x3], $0x20, s1, s7, $0xb8;
	[tilespmem:$0x1B000] =	vst v63  }
0x1f2: {  	_ =	swait.ge [sflag:s11], $0x4000  }
0x1f3: {  	[sflag:s11] =	ssyncset.done $0x0  }
0x1f4: {  	s30 =	rddreg [dreg:$0x1b];
	[sflag:s11] =	ssyncadd.s32 $0xFFFFC000  }
0x1f5: {  	[tilespmem:s8], [sflag:$0x2] =	stream.indirect.gather [spmem:s3], $0x20, s30, s7, $0xb8;
	[tilespmem:$0x1B000] =	vst v63  }
0x1f6: {  	_ =	swait.ge [sflag:s9], $0x4000  }
0x1f7: {  	[sflag:s9] =	ssyncset.done $0x0  }
0x1f8: {  	s31 =	rddreg [dreg:$0x1c];
	[sflag:s9] =	ssyncadd.s32 $0xFFFFC000  }
0x1f9: {  	[spmem:s2] =	stream.indirect.scatter.add.f32 [tilespmem:s10], [sflag:$0x1], $0x20, s31, s7, $0xb8;
	[tilespmem:$0x1B000] =	vst v63  }
0x1fa: {  	_ =	swait.ge [sflag:s13], $0x4000  }
0x1fb: {  	[sflag:s13] =	ssyncset.done $0x0  }
0x1fc: {  	s1 =	rddreg [dreg:$0x1d];
	[sflag:s13] =	ssyncadd.s32 $0xFFFFC000  }
0x1fd: {  	[tilespmem:s12], [sflag:$0x3] =	stream.indirect.gather [spmem:s3], $0x20, s1, s7, $0xb8;
	[tilespmem:$0x1B000] =	vst v63  }
0x1fe: {  	_ =	swait.ge [sflag:s11], $0x4000  }
0x1ff: {  	[sflag:s11] =	ssyncset.done $0x0  }
0x200: {  	s30 =	rddreg [dreg:$0x1e];
	[sflag:s11] =	ssyncadd.s32 $0xFFFFC000  }
0x201: {  	[spmem:s2] =	stream.indirect.scatter.add.f32 [tilespmem:s8], [sflag:$0x2], $0x20, s30, s7, $0xb8;
	[tilespmem:$0x1B000] =	vst v63  }
0x202: {  	_ =	swait.ge [sflag:s9], $0x4000  }
0x203: {  	[sflag:s9] =	ssyncset.done $0x0  }
0x204: {  	s31 =	rddreg [dreg:$0x1f];
	[sflag:s9] =	ssyncadd.s32 $0xFFFFC000  }
0x205: {  	[tilespmem:s10], [sflag:$0x1] =	stream.indirect.gather [spmem:s3], $0x20, s31, s7, $0xb8;
	[tilespmem:$0x1B000] =	vst v63  }
0x206: {  	_ =	swait.ge [sflag:s13], $0x4000  }
0x207: {  	s1 =	sld [smem:$0x7FD]  }
0x208: {  	[sflag:s13] =	ssyncset.done $0x0  }
0x209: {  	[sflag:s13] =	ssyncadd.s32 $0xFFFFC000  }
0x20a: {  	[spmem:s2] =	stream.indirect.scatter.add.f32 [tilespmem:s12], [sflag:$0x3], $0x20, s1, s7, $0xb8;
	[tilespmem:$0x1B000] =	vst v63  }
0x20b: {  	_ =	swait.ge [sflag:s11], $0x4000  }
0x20c: {  	[sflag:s11] =	ssyncset.done $0x0  }
0x20d: {  	[sflag:s11] =	ssyncadd.s32 $0xFFFFC000  }
0x20e: {  	[tilespmem:s8], [sflag:$0x2] =	stream.indirect.gather [spmem:s3], $0x20, s29, s7, $0xb8;
	[tilespmem:$0x1B000] =	vst v63  }
0x20f: {  	_ =	swait.ge [sflag:s9], $0x4000  }
0x210: {  	[sflag:s9] =	ssyncset.done $0x0  }
0x211: {  	[sflag:s9] =	ssyncadd.s32 $0xFFFFC000  }
0x212: {  	[spmem:s2] =	stream.indirect.scatter.add.f32 [tilespmem:s10], [sflag:$0x1], $0x20, s28, s7, $0xb8;
	[tilespmem:$0x1B000] =	vst v63  }
0x213: {  	_ =	swait.ge [sflag:s13], $0x4000  }
0x214: {  	[sflag:s13] =	ssyncset.done $0x0  }
0x215: {  	[sflag:s13] =	ssyncadd.s32 $0xFFFFC000  }
0x216: {  	[tilespmem:s12], [sflag:$0x3] =	stream.indirect.gather [spmem:s3], $0x20, s26, s7, $0xb8;
	[tilespmem:$0x1B000] =	vst v63  }
0x217: {  	_ =	swait.ge [sflag:s11], $0x4000  }
0x218: {  	[sflag:s11] =	ssyncset.done $0x0  }
0x219: {  	[sflag:s11] =	ssyncadd.s32 $0xFFFFC000  }
0x21a: {  	[spmem:s2] =	stream.indirect.scatter.add.f32 [tilespmem:s8], [sflag:$0x2], $0x20, s25, s7, $0xb8;
	[tilespmem:$0x1B000] =	vst v63  }
0x21b: {  	_ =	swait.ge [sflag:s9], $0x4000  }
0x21c: {  	[sflag:s9] =	ssyncset.done $0x0  }
0x21d: {  	[sflag:s9] =	ssyncadd.s32 $0xFFFFC000  }
0x21e: {  	[tilespmem:s10], [sflag:$0x1] =	stream.indirect.gather [spmem:s3], $0x20, s24, s7, $0xb8;
	[tilespmem:$0x1B000] =	vst v63  }
0x21f: {  	_ =	swait.ge [sflag:s13], $0x4000  }
0x220: {  	[sflag:s13] =	ssyncset.done $0x0  }
0x221: {  	[sflag:s13] =	ssyncadd.s32 $0xFFFFC000  }
0x222: {  	[spmem:s2] =	stream.indirect.scatter.add.f32 [tilespmem:s12], [sflag:$0x3], $0x20, s23, s7, $0xb8;
	[tilespmem:$0x1B000] =	vst v63  }
0x223: {  	_ =	swait.ge [sflag:s11], $0x4000  }
0x224: {  	[sflag:s11] =	ssyncset.done $0x0  }
0x225: {  	[sflag:s11] =	ssyncadd.s32 $0xFFFFC000  }
0x226: {  	[tilespmem:s8], [sflag:$0x2] =	stream.indirect.gather [spmem:s3], $0x20, s22, s7, $0xb8;
	[tilespmem:$0x1B000] =	vst v63  }
0x227: {  	_ =	swait.ge [sflag:s9], $0x4000  }
0x228: {  	[sflag:s9] =	ssyncset.done $0x0  }
0x229: {  	[sflag:s9] =	ssyncadd.s32 $0xFFFFC000  }
0x22a: {  	[spmem:s2] =	stream.indirect.scatter.add.f32 [tilespmem:s10], [sflag:$0x1], $0x20, s21, s7, $0xb8;
	[tilespmem:$0x1B000] =	vst v63  }
0x22b: {  	_ =	swait.ge [sflag:s13], $0x4000  }
0x22c: {  	[sflag:s13] =	ssyncset.done $0x0  }
0x22d: {  	[sflag:s13] =	ssyncadd.s32 $0xFFFFC000  }
0x22e: {  	[tilespmem:s12], [sflag:$0x3] =	stream.indirect.gather [spmem:s3], $0x20, s19, s7, $0xb8;
	[tilespmem:$0x1B000] =	vst v63  }
0x22f: {  	_ =	swait.ge [sflag:s11], $0x4000  }
0x230: {  	[sflag:s11] =	ssyncset.done $0x0  }
0x231: {  	[sflag:s11] =	ssyncadd.s32 $0xFFFFC000  }
0x232: {  	[spmem:s2] =	stream.indirect.scatter.add.f32 [tilespmem:s8], [sflag:$0x2], $0x20, s20, s7, $0xb8;
	[tilespmem:$0x1B000] =	vst v63  }
0x233: {  	_ =	swait.ge [sflag:s9], $0x4000  }
0x234: {  	[sflag:s9] =	ssyncset.done $0x0  }
0x235: {  	[sflag:s9] =	ssyncadd.s32 $0xFFFFC000  }
0x236: {  	[tilespmem:s10], [sflag:$0x1] =	stream.indirect.gather [spmem:s3], $0x20, s18, s7, $0xb8;
	[tilespmem:$0x1B000] =	vst v63  }
0x237: {  	_ =	swait.ge [sflag:s13], $0x4000  }
0x238: {  	[sflag:s13] =	ssyncset.done $0x0  }
0x239: {  	[sflag:s13] =	ssyncadd.s32 $0xFFFFC000  }
0x23a: {  	[spmem:s2] =	stream.indirect.scatter.add.f32 [tilespmem:s12], [sflag:$0x3], $0x20, s17, s7, $0xb8;
	[tilespmem:$0x1B000] =	vst v63  }
0x23b: {  	_ =	swait.ge [sflag:s11], $0x4000  }
0x23c: {  	[sflag:s11] =	ssyncset.done $0x0  }
0x23d: {  	[sflag:s11] =	ssyncadd.s32 $0xFFFFC000  }
0x23e: {  	[tilespmem:s8], [sflag:$0x2] =	stream.indirect.gather [spmem:s3], $0x20, s16, s7, $0xb8;
	[tilespmem:$0x1B000] =	vst v63  }
0x23f: {  	_ =	swait.ge [sflag:s9], $0x4000  }
0x240: {  	[sflag:s9] =	ssyncset.done $0x0  }
0x241: {  	[sflag:s9] =	ssyncadd.s32 $0xFFFFC000  }
0x242: {  	[spmem:s2] =	stream.indirect.scatter.add.f32 [tilespmem:s10], [sflag:$0x1], $0x20, s15, s7, $0xb8;
	[tilespmem:$0x1B000] =	vst v63  }
0x243: {  	_ =	swait.ge [sflag:s11], $0x4000  }
0x244: {  	[sflag:s11] =	ssyncset.done $0x0  }
0x245: {  	[sflag:s11] =	ssyncadd.s32 $0xFFFFC000  }
0x246: {  	[spmem:s2] =	stream.indirect.scatter.add.f32 [tilespmem:s8], [sflag:$0x2], $0x20, s14, s7, $0xb8;
	[tilespmem:$0x1B000] =	vst v63  }
0x247: {  	_ =	swait.ge [sflag:s9], $0x4000  }
0x248: {  	[sflag:s9] =	ssyncset.done $0x0  }
0x249: {  	[sflag:s9] =	ssyncadd.s32 $0xFFFFC000  }
0x24a: {  	_ =	swait.ge [sflag:s11], $0x4000  }
0x24b: {  	[sflag:s11] =	ssyncset.done $0x0  }
0x24c: {  	[sflag:s11] =	ssyncadd.s32 $0xFFFFC000  }
0x24d: {  	[bflag:$0x0] =	sbarrier.arrive $0xFFFF  }
0x24e: {  	s30 =	rddreg [dreg:$0x9]  }
0x24f: {  	[hbm:s30], [sflag:s4] =	dma.local [spmem:s5], $0xA00  }
0x250: {  	_ =	swait.ge [sflag:s6], $0xA00  }
0x251: {  	[sflag:s6] =	ssyncset.done $0x0  }
0x252: {  	[sflag:s6] =	ssyncadd.s32 $0xFFFFF600  }
0x253: {  	_ =	sfence.sel $0x180000  }
0x254: {  	[bflag:$0x0] =	sbarrier.arrive $0xFFFF  }
0x255: {  	_ =	strace $0x9000004A  }
0x256: {  	s31 =	stileid.u32;
	[bflag:$0x2] =	sbarrier.arrive $0xFFFF  }
0x257: {  	p0 =	sne.s32 s31, $0x0;
	s0 =	rddreg [dreg:$0x4]  }
0x258: {  	s0 =	sadd.s32 @!p0 $0x100000, s0  }
0x259: {  	[sflag:s0] =	ssyncadd.tile.s32 @!p0 $0x1;
	_ =	shalt  }
.Lfunc_end2:
_tile_overlayer_lowered:
.L_overlay_start_2:
0x25a: {  	(tag) =	ssettag $0x2  }
0x25b: {  	s0 =	rddreg [dreg:$0x0];
	s2 =	stileid.u32  }
0x25c: {  	s1 =	rddreg [dreg:$0x1];
	p0 =	sne.s32 s2, $0x0  }
0x25d: {  	s3 =	rddreg [dreg:$0x2];
	[bflag:$0x3] =	sbarrier.arrive $0xFFFF;
	s2 =	simm.s32 @!p0 $0x1C04  }
0x25e: {  	[timem:s3], [sflag:s2] =	dma.local @!p0 [hbm:s0], s1  }
0x25f: {  	s0 =	simm.s32 @!p0 $0x4  }
0x260: {  	_ =	swait.ge @!p0 [sflag:s0], s1  }
0x261: {  	s1 =	ssub.s32 @!p0 $0x0, s1;
	[sflag:s0] =	ssyncset.done @!p0 $0x0  }
0x262: {  	[sflag:s0] =	ssyncadd.s32 @!p0 s1  }
0x263: {  	[bflag:$0x3] =	sbarrier.arrive $0xFFFF  }
0x264: {  	_ =	shalt  }

// kernel: kernel.7.cloned.1.call-start
scs
__scs_entry_jumppad:
0x0: {  	(pc) =	sbr.rel $0x88, $3  }
0x1: {  	(tag) =	ssettag $0x0;
	lr =	simm.s32 $0x1  }
0x2: {  	[smem:$0x3F98] =	sst lr;
	_ =	strace $0xD0000000  }
0x3: {  	_ = 	snop  }
0x4: {  	_ = 	snop  }
0x5: {  	_ = 	snop  }
0x6: {  	_ = 	snop  }
0x7: {  	_ = 	snop  }
__scs_overlays_trampoline_lowered:
0x8: {  	[smem:$0x3FA7] =	sst s0  }
0x9: {  	[smem:$0x3FA8] =	sst s1  }
0xa: {  	[smem:$0x3FA9] =	sst s2  }
0xb: {  	[smem:$0x3FAA] =	sst s3  }
0xc: {  	[smem:$0x3FAB] =	sst s4  }
0xd: {  	[smem:$0x3FAC] =	sst s5  }
0xe: {  	[smem:$0x3FAD] =	sst s6  }
0xf: {  	[smem:$0x3FAE] =	sst s7  }
0x10: {  	[smem:$0x3FAF] =	sst s8  }
0x11: {  	[smem:$0x3FB0] =	sst s9;
	s0 =	simm.s32 @!p0 $0x0  }
0x12: {  	s1 =	sld [smem:$0x3F96];
	s0 =	simm.s32 @p0 $0x1  }
0x13: {  	[smem:$0x3FB1] =	sst s0;
	s0 =	simm.s32 @!p1 $0x0  }
0x14: {  	s2 =	sld [smem:$0x3F95];
	s0 =	simm.s32 @p1 $0x1  }
0x15: {  	[smem:$0x3FB2] =	sst s0;
	s0 =	simm.s32 @!p2 $0x0  }
0x16: {  	s3 =	sld [smem:$0x3FDB];
	s0 =	simm.s32 @p2 $0x1  }
0x17: {  	s4 =	simm.s32 $0x1BF5;
	[smem:$0x3FB4] =	sst s0  }
0x18: {  	s0 =	sld [smem:$0x3F97];
	_ =	swait.ge [sflag:s4], $0x0  }
0x19: {  	s7 =	sld [smem:$0x3F98]  }
0x1a: {  	s8 =	sadd.s32 $0xFFFFE003, lr  }
0x1b: {  	s9 =	sadd.s32 $0xFFFFFEF7, lr;
	s5 =	simm.s32 $0xFFFFFFFF;
	p2 =	slt.u32 s8, $0xFFFFF086  }
0x1c: {  	p1 =	slt.u32 s9, $0xF7A;
	s5 =	simm.s32 @!p2 $0x0  }
0x1d: {  	s5 =	simm.s32 @p1 $0x1;
	p0 =	seq.s32 s7, s2  }
0x1e: {  	s7 =	smul.u32 @!p0 $0xF7A, s2;
	p2 =	seq.s32 @!p0 s5, $0x0  }
0x1f: {  	s9 =	smul.u32 $0xF7A, s1;
	s8 =	simm.s32 @!p0 $0x1BF5;
	p2 =	por !p2, p0  }
0x20: {  	[sflag:s8] =	ssyncset.s32 @!p0 $0xFFFFF086;
	s6 =	sadd.s32 @!p0 s3, s7;
	s7 =	simm.s32 @!p0 $0x108  }
0x21: {  	s3 =	sadd.s32 s3, s9;
	s6 =	sadd.s32 @!p0 $0x88, s6;
	s7 =	simm.s32 @p2 $0x1082  }
0x22: {  	[simem:s7], [sflag:s8] =	dma.local @!p0 [hbm:s6], $0xF7A  }
0x23: {  	s9 =	sor.u32 $0xD0000000, s2;
	s6 =	simm.s32 $0x108;
	_ =	swait.ge @!p0 [sflag:s8], $0x0  }
0x24: {  	s3 =	sadd.s32 $0x88, s3;
	s6 =	simm.s32 @!p1 $0x1082;
	[sflag:s4] =	ssyncset.s32 $0xFFFFF086  }
0x25: {  	[simem:s6], [sflag:s4] =	dma.local [hbm:s3], $0xF7A  }
0x26: {  	[smem:$0x3F98] =	sst s1;
	(tag) =	ssettag s2;
	_ =	strace s9  }
0x27: {  	s1 =	sld [smem:$0x3FA8]  }
0x28: {  	s2 =	sld [smem:$0x3FA9]  }
0x29: {  	s4 =	sld [smem:$0x3FAB]  }
0x2a: {  	p0 =	seq.s32 s5, $0x0;
	s5 =	sld [smem:$0x3FAC]  }
0x2b: {  	s6 =	sld [smem:$0x3FAD]  }
0x2c: {  	s7 =	sld [smem:$0x3FAE]  }
0x2d: {  	s3 =	simm.s32 $0x108;
	s8 =	sld [smem:$0x3FAF]  }
0x2e: {  	s3 =	simm.s32 @!p0 $0x1082;
	s9 =	sld [smem:$0x3FB0]  }
0x2f: {  	lr =	sadd.s32 s0, s3;
	s0 =	sld [smem:$0x3FA7]  }
0x30: {  	s3 =	sld [smem:$0x3FAA]  }
0x31: {  	[smem:$0x3FB3] =	sst s10  }
0x32: {  	s10 =	sld [smem:$0x3FB1];
	_ =	sdelay $0x3  }
0x33: {  	p0 =	seq.s32 s10, $0x1;
	s10 =	sld [smem:$0x3FB3];
	_ =	sdelay $0x3  }
0x34: {  	[smem:$0x3FB3] =	sst s10  }
0x35: {  	s10 =	sld [smem:$0x3FB2];
	_ =	sdelay $0x3  }
0x36: {  	p1 =	seq.s32 s10, $0x1;
	s10 =	sld [smem:$0x3FB3];
	_ =	sdelay $0x3  }
0x37: {  	[smem:$0x3FB3] =	sst s10  }
0x38: {  	s10 =	sld [smem:$0x3FB4]  }
0x39: {  	_ = 	snop;
	(pc) =	sbr.ind lr, $3  }
0x3a: {  	_ = 	snop  }
0x3b: {  	_ = 	snop  }
0x3c: {  	p2 =	seq.s32 s10, $0x1;
	s10 =	sld [smem:$0x3FB3]  }
0x3d: {  	_ =	shalt  }
0x3e: {  	_ =	shalt  }
0x3f: {  	_ =	shalt  }
0x40: {  	_ =	shalt  }
0x41: {  	_ =	shalt  }
0x42: {  	_ =	shalt  }
0x43: {  	_ =	shalt  }
0x44: {  	_ =	shalt  }
0x45: {  	_ =	shalt  }
0x46: {  	_ =	shalt  }
0x47: {  	_ =	shalt  }
0x48: {  	_ =	shalt  }
0x49: {  	_ =	shalt  }
0x4a: {  	_ =	shalt  }
0x4b: {  	_ =	shalt  }
0x4c: {  	_ =	shalt  }
0x4d: {  	_ =	shalt  }
0x4e: {  	_ =	shalt  }
0x4f: {  	_ =	shalt  }
0x50: {  	_ =	shalt  }
0x51: {  	_ =	shalt  }
0x52: {  	_ =	shalt  }
0x53: {  	_ =	shalt  }
0x54: {  	_ =	shalt  }
0x55: {  	_ =	shalt  }
0x56: {  	_ =	shalt  }
0x57: {  	_ =	shalt  }
0x58: {  	_ =	shalt  }
0x59: {  	_ =	shalt  }
0x5a: {  	_ =	shalt  }
0x5b: {  	_ =	shalt  }
0x5c: {  	_ =	shalt  }
0x5d: {  	_ =	shalt  }
0x5e: {  	_ =	shalt  }
0x5f: {  	_ =	shalt  }
0x60: {  	_ =	shalt  }
0x61: {  	_ =	shalt  }
0x62: {  	_ =	shalt  }
0x63: {  	_ =	shalt  }
0x64: {  	_ =	shalt  }
0x65: {  	_ =	shalt  }
0x66: {  	_ =	shalt  }
0x67: {  	_ =	shalt  }
0x68: {  	_ =	shalt  }
0x69: {  	_ =	shalt  }
0x6a: {  	_ =	shalt  }
0x6b: {  	_ =	shalt  }
0x6c: {  	_ =	shalt  }
0x6d: {  	_ =	shalt  }
0x6e: {  	_ =	shalt  }
0x6f: {  	_ =	shalt  }
0x70: {  	_ =	shalt  }
0x71: {  	_ =	shalt  }
0x72: {  	_ =	shalt  }
0x73: {  	_ =	shalt  }
0x74: {  	_ =	shalt  }
0x75: {  	_ =	shalt  }
0x76: {  	_ =	shalt  }
0x77: {  	_ =	shalt  }
0x78: {  	_ =	shalt  }
0x79: {  	_ =	shalt  }
0x7a: {  	_ =	shalt  }
0x7b: {  	_ =	shalt  }
0x7c: {  	_ =	shalt  }
0x7d: {  	_ =	shalt  }
0x7e: {  	_ =	shalt  }
0x7f: {  	_ =	shalt  }
0x80: {  	_ =	shalt  }
0x81: {  	_ =	shalt  }
0x82: {  	_ =	shalt  }
0x83: {  	_ =	shalt  }
0x84: {  	_ =	shalt  }
0x85: {  	_ =	shalt  }
0x86: {  	_ =	shalt  }
0x87: {  	_ =	shalt  }
.Lfunc_end0:
.L_simem_size_0:
called_computation_lowered:
.L_overlay_start_0:
0x88: {  	s2 =	sld [smem:$0x3FD9]  }
0x89: {  	s3 =	sld [smem:$0x3FFE];
	_ =	sdelay $0x1  }
0x8a: {  	s1 =	srdreg.scid  }
0x8b: {  	s0 =	sand.u32 $0x1, s1  }
0x8c: {  	s17 =	sshll.u32 s0, $0xA;
	s2 =	sadd.s32 s3, s2  }
0x8d: {  	s2 =	sadd.s32 s2, s17  }
0x8e: {  	[smem:$0x3FBF] =	sst s2  }
0x8f: {  	_ = 	snop  }
0x90: {  	s2 =	sld [smem:$0x3FD0];
	(tm) =	ssettm $0x1  }
0x91: {  	s18 =	sld [smem:$0x3FFB];
	_ =	sdelay $0x3  }
0x92: {  	_ =	strace s18  }
0x93: {  	s3 =	sld [smem:$0x3FFC];
	_ =	sdelay $0x3  }
0x94: {  	_ =	strace s3  }
0x95: {  	s3 =	sld [smem:$0x3FFD];
	_ =	sdelay $0x3  }
0x96: {  	_ =	strace s3  }
0x97: {  	_ =	strace $0x8FFFFFFF  }
0x98: {  	s19 =	sld [smem:$0x3FDB];
	_ =	sdelay $0x1  }
0x99: {  	s4 =	simm.s32 $_scs_section_size  }
0x9a: {  	s5 =	simm.s32 $_size__tile_overlayer_lowered;
	s6 =	simm.s32 $_tile_overlayer_lowered  }
0x9b: {  	s22 =	simm.s32 $0x1BFF;
	s21 =	sshll.u32 s6, $0x1;
	s3 =	sadd.s32 s4, s19  }
0x9c: {  	s7 =	simm.s32 $0x0;
	s20 =	sshll.u32 s5, $0x1;
	s5 =	sadd.s32 s21, s3  }
0x9d: {  	[timem:s7], [sflag:s22] =	dma.local [hbm:s5], s20  }
0x9e: {  	_ =	swait.ge [sflag:s22], s20  }
0x9f: {  	s4 =	ssub.s32 $0x0, s20;
	[sflag:s22] =	ssyncset.done $0x0  }
0xa0: {  	[sflag:s22] =	ssyncadd.s32 s4;
	_ =	sdelay $0x1  }
0xa1: {  	s23 =	simm.s32 $0x1B8B  }
0xa2: {  	_ =	swait.ge [sflag:s23], $0x1  }
0xa3: {  	[sflag:s23] =	ssyncset.done $0x0  }
0xa4: {  	s25 =	simm.s32 $0x1B8E;
	s24 =	sld [smem:$0x3FFE];
	[sflag:s23] =	ssyncadd.s32 $0xFFFFFFFF  }
0xa5: {  	s26 =	simm.s32 $execute0_lowered;
	[smem:$0x3FD2] =	sst s25  }
0xa6: {  	s5 =	sshll.u32 s26, $0x1;
	_ =	strace $0x80000046;
	[dreg:$0x1] =	wrdreg $0xFFFFFFFF  }
0xa7: {  	s28 =	simm.s32 $_size_execute0_lowered;
	s3 =	sadd.s32 s3, s5;
	[dreg:$0x0] =	wrdreg $0x0  }
0xa8: {  	s5 =	sshll.u32 s28, $0x1;
	[dreg:$0x2] =	wrdreg s3  }
0xa9: {  	[dreg:$0x3] =	wrdreg s5  }
0xaa: {  	[dreg:$0x4] =	wrdreg $0xC0  }
0xab: {  	_ =	task [dreg:s7], $0x5FFFF  }
0xac: {  	[dreg:$0x1] =	wrdreg $0xFFFFFFFF  }
0xad: {  	[dreg:$0x0] =	wrdreg $0x60  }
0xae: {  	[dreg:$0x2] =	wrdreg s2  }
0xaf: {  	[dreg:$0x3] =	wrdreg s24  }
0xb0: {  	[dreg:$0x4] =	wrdreg $0x112000  }
0xb1: {  	[dreg:$0x5] =	wrdreg $0x162000  }
0xb2: {  	[dreg:$0x6] =	wrdreg $0x164800  }
0xb3: {  	[dreg:$0x7] =	wrdreg $0x9  }
0xb4: {  	_ =	task.clear_ibuf [dreg:s7], $0x8FFFF;
	_ =	strace $0x90000046  }
0xb5: {  	s29 =	simm.s32 $0x9;
	_ =	strace $0x80000048  }
0xb6: {  	_ =	swait.ge [sflag:s29], $0x1  }
0xb7: {  	[sflag:s29] =	ssyncadd.s32 $0xFFFFFFFF  }
0xb8: {  	_ =	strace $0x90000048  }
0xb9: {  	_ =	sfence  }
0xba: {  	s30 =	sld [smem:$0x0];
	_ =	sdelay $0x2  }
0xbb: {  	s31 =	sshll.u32 s1, $0xD;
	s1 =	sshrl.u32 s1, $0x2  }
0xbc: {  	s3 =	sand.u32 $0x4000, s31;
	s1 =	sadd.s32 s1, s30  }
0xbd: {  	s0 =	sor.u32 s3, s0;
	s1 =	sshll.u32 s1, $0x11  }
0xbe: {  	s0 =	sor.u32 s1, s0  }
0xbf: {  	s0 =	sadd.s32 $0x8F2B, s0  }
0xc0: {  	[sflag:s0] =	ssyncadd.remote.s32 $0x1  }
0xc1: {  	_ =	sfence.sel $0xFFFF  }
0xc2: {  	[dreg:$0x0] =	wrdreg $0xFFFFFFFF;
	(pc) =	sbr.abs _section_cstart, $3  }
0xc3: {  	[dreg:$0x1] =	wrdreg $0xFFFFFFFF  }
0xc4: {  	_ =	task.clear_ibuf [dreg:s7], $0x2FFFF;
	_ =	strace $0x9FFFFFFF  }
0xc5: {  	(tm) =	ssettm $0x7FFFFFFF  }
tec
execute0_lowered:
.L_overlay_start_1:
0x0: {  	(tag) =	ssettag $0x1  }
0x1: {  	s0 =	rddreg [dreg:$0x0]  }
0x2: {  	s2 =	rddreg [dreg:$0x1]  }
0x3: {  	s1 =	rddreg [dreg:$0x2]  }
0x4: {  	s3 =	rddreg [dreg:$0x3]  }
0x5: {  	s4 =	rddreg [dreg:$0x4];
	s6 =	srdreg.scid  }
0x6: {  	s13 =	stileid.u32;
	s5 =	simm.s32 $0x0;
	s14 =	simm.s32 $0xA00  }
0x7: {  	s15 =	simm.s32 $0xC00;
	s7 =	smul.u32 $0x280, s13;
	[smem:$0x7FF] =	sst s5  }
0x8: {  	s8 =	sshll.u32 s13, $0x1;
	s10 =	sadd.s32 $0x15800, s2;
	s18 =	sadd.s32 $0x15600, s2  }
0x9: {  	s20 =	smul.u32 $0x5000, s13;
	_ =	strace $0x80000047;
	[dreg:$0x6] =	wrdreg s10  }
0xa: {  	s28 =	sshll.u32 s13, $0x6;
	s13 =	simm.s32 $0x800;
	[dreg:$0x7] =	wrdreg s18  }
0xb: {  	s16 =	simm.s32 $0xE00;
	s17 =	simm.s32 $0x1000;
	[dreg:$0x10] =	wrdreg s13  }
0xc: {  	s30 =	simm.s32 $0x3C00;
	s6 =	sand.u32 $0x1, s6;
	[dreg:$0x11] =	wrdreg s14  }
0xd: {  	s31 =	simm.s32 $0x3E00;
	s9 =	smul.u32 $0x2800, s6;
	[dreg:$0x12] =	wrdreg s15  }
0xe: {  	s8 =	sor.u32 s6, s8;
	s6 =	ssub.s32 $0x2, s6;
	[dreg:$0x13] =	wrdreg s16  }
0xf: {  	s10 =	simm.s32 $0x400;
	[dreg:$0x14] =	wrdreg s17;
	s18 =	simm.s32 $0x1200  }
0x10: {  	s13 =	simm.s32 $0x5000;
	s14 =	simm.s32 $0x9000;
	s15 =	simm.s32 $0x1  }
0x11: {  	s16 =	simm.s32 $0x11000;
	s17 =	simm.s32 $0xD000;
	s8 =	smul.u32 $0x500, s8  }
0x12: {  	s21 =	sshrl.u32 s6, $0x1;
	s22 =	sshrl.u32 s20, $0x3;
	[dreg:$0xe] =	wrdreg s10  }
0x13: {  	s23 =	sadd.s32 s20, s1;
	s25 =	sadd.s32 s20, s4;
	[dreg:$0x15] =	wrdreg s18  }
0x14: {  	s20 =	simm.s32 $0x1600;
	s18 =	simm.s32 $0x2;
	s9 =	sadd.s32 s7, s9  }
0x15: {  	s0 =	sadd.s32 s0, s22;
	s29 =	sshrl.u32 s25, $0x3;
	[dreg:$0x17] =	wrdreg s20  }
0x16: {  	s22 =	simm.s32 $0x1A00;
	s25 =	simm.s32 $0x2000;
	[dreg:$0xa] =	wrdreg s0  }
0x17: {  	s20 =	simm.s32 $0x3;
	s11 =	sshll.u32 s9, $0x2;
	[dreg:$0xd] =	wrdreg s29  }
0x18: {  	s8 =	sadd.s32 s8, s2;
	s9 =	sshrl.u32 s9, $0x3;
	[dreg:$0x19] =	wrdreg s22  }
0x19: {  	[dreg:$0x1c] =	wrdreg s25;
	s29 =	simm.s32 $0x2600;
	s0 =	simm.s32 $0x4000  }
0x1a: {  	s22 =	simm.s32 $0x4800;
	s25 =	simm.s32 $0x4E00;
	s19 =	sadd.s32 s11, s2  }
0x1b: {  	s2 =	sadd.s32 s9, s2;
	s12 =	sadd.s32 $0xB600, s8;
	s8 =	sadd.s32 $0x1600, s8  }
0x1c: {  	s9 =	ssub.s32 s6, s21;
	s6 =	sor.u32 $0x1C05, s28;
	[dreg:$0x1f] =	wrdreg s29  }
0x1d: {  	s11 =	sadd.s32 s7, s3;
	s21 =	simm.s32 $0x1800;
	[dreg:$0x8] =	wrdreg s12  }
0x1e: {  	s28 =	simm.s32 $0x2400;
	[dreg:$0x9] =	wrdreg s8;
	s24 =	sadd.s32 $0x16200, s19  }
0x1f: {  	s26 =	sadd.s32 $0x2A200, s2;
	s12 =	simm.s32 $0x600;
	[dreg:$0x18] =	wrdreg s21  }
0x20: {  	s7 =	smax.u32 s9, $0x1;
	s8 =	sshrl.u32 s23, $0x3;
	[dreg:$0x1e] =	wrdreg s28  }
0x21: {  	s9 =	simm.s32 $0x5;
	s10 =	sshrl.u32 s11, $0x3;
	[dreg:$0xb] =	wrdreg s24  }
0x22: {  	s11 =	simm.s32 $0x2800;
	s19 =	simm.s32 $0x1400;
	[dreg:$0xc] =	wrdreg s26  }
0x23: {  	s23 =	simm.s32 $0x1C00;
	s2 =	simm.s32 $0x4200;
	[dreg:$0xf] =	wrdreg s12  }
0x24: {  	s21 =	simm.s32 $0x4600;
	s12 =	simm.s32 $0x200;
	[dreg:$0x16] =	wrdreg s19  }
0x25: {  	[dreg:$0x1a] =	wrdreg s23;
	s24 =	simm.s32 $0x1E00;
	s26 =	simm.s32 $0x2200  }
0x26: {  	s19 =	simm.s32 $0x4400;
	s23 =	simm.s32 $0x4A00;
	[dreg:$0x1b] =	wrdreg s24  }
0x27: {  	v0 =	vimm.f32 $1.000000000e+00;
	[dreg:$0x1d] =	wrdreg s26;
	s24 =	simm.s32 $0x4C00;
	s26 =	simm.s32 $0x4  }
.LBB2_1:
0x28: {  	s28 =	rddreg [dreg:$0x6]  }
0x29: {  	[spmem:s8], [sflag:s6] =	dma.local [hbm:s28], $0xA00  }
0x2a: {  	_ =	swait.ge [sflag:s9], $0xA00  }
0x2b: {  	[sflag:s9] =	ssyncset.done $0x0  }
0x2c: {  	s29 =	rddreg [dreg:$0x7];
	[sflag:s9] =	ssyncadd.s32 $0xFFFFF600  }
0x2d: {  	[spmem:s10], [sflag:s6] =	dma.local [hbm:s29], $0x50  }
0x2e: {  	_ =	swait.ge [sflag:s9], $0x50  }
0x2f: {  	[sflag:s9] =	ssyncset.done $0x0  }
0x30: {  	[sflag:s9] =	ssyncadd.s32 $0xFFFFFFB0  }
0x31: {  	[tilespmem:$0x11000] =	vst v0  }
0x32: {  	[tilespmem:$0x11010] =	vst v0  }
0x33: {  	[tilespmem:$0x11020] =	vst v0  }
0x34: {  	[tilespmem:$0x11030] =	vst v0  }
0x35: {  	[tilespmem:$0x11040] =	vst v0  }
0x36: {  	[tilespmem:$0x11050] =	vst v0  }
0x37: {  	[tilespmem:$0x11060] =	vst v0  }
0x38: {  	[tilespmem:$0x11070] =	vst v0  }
0x39: {  	[tilespmem:$0x11080] =	vst v0  }
0x3a: {  	[tilespmem:$0x11090] =	vst v0  }
0x3b: {  	[tilespmem:$0x110A0] =	vst v0  }
0x3c: {  	[tilespmem:$0x110B0] =	vst v0  }
0x3d: {  	[tilespmem:$0x110C0] =	vst v0  }
0x3e: {  	[tilespmem:$0x110D0] =	vst v0  }
0x3f: {  	[tilespmem:$0x110E0] =	vst v0  }
0x40: {  	[tilespmem:$0x110F0] =	vst v0  }
0x41: {  	[tilespmem:$0x11100] =	vst v0  }
0x42: {  	[tilespmem:$0x11110] =	vst v0  }
0x43: {  	[tilespmem:$0x11120] =	vst v0  }
0x44: {  	[tilespmem:$0x11130] =	vst v0  }
0x45: {  	[tilespmem:$0x11140] =	vst v0  }
0x46: {  	[tilespmem:$0x11150] =	vst v0  }
0x47: {  	[tilespmem:$0x11160] =	vst v0  }
0x48: {  	[tilespmem:$0x11170] =	vst v0  }
0x49: {  	[tilespmem:$0x11180] =	vst v0  }
0x4a: {  	[tilespmem:$0x11190] =	vst v0  }
0x4b: {  	[tilespmem:$0x111A0] =	vst v0  }
0x4c: {  	[tilespmem:$0x111B0] =	vst v0  }
0x4d: {  	[tilespmem:$0x111C0] =	vst v0  }
0x4e: {  	[tilespmem:$0x111D0] =	vst v0  }
0x4f: {  	[tilespmem:$0x111E0] =	vst v0  }
0x50: {  	s29 =	rddreg [dreg:$0x8];
	[tilespmem:$0x111F0] =	vst v0  }
0x51: {  	[tilespmem:s5], [sflag:$0x5] =	stream.linear.gather [hbm4b:s29+s5], $0x2800, $0x38;
	[tilespmem:$0x1B480] =	vst v63  }
0x52: {  	_ =	swait.ge [sflag:s9], $0x2800  }
0x53: {  	[sflag:s9] =	ssyncset.done $0x0  }
0x54: {  	s29 =	rddreg [dreg:$0x9];
	[sflag:s9] =	ssyncadd.s32 $0xFFFFD800  }
0x55: {  	[tilespmem:s11], [sflag:$0x5] =	stream.linear.gather [hbm4b:s29+s5], $0x2800, $0x38;
	[tilespmem:$0x1B480] =	vst v63  }
0x56: {  	_ =	swait.ge [sflag:s9], $0x2800  }
0x57: {  	s28 =	rddreg [dreg:$0xa];
	[sflag:s9] =	ssyncset.done $0x0  }
0x58: {  	s29 =	rddreg [dreg:$0xd];
	[sflag:s9] =	ssyncadd.s32 $0xFFFFD800  }
0x59: {  	[spmem:s29], [sflag:s6] =	dma.local [hbm:s28], $0xA00  }
0x5a: {  	_ =	swait.ge [sflag:s9], $0xA00  }
0x5b: {  	[sflag:s9] =	ssyncset.done $0x0  }
0x5c: {  	[sflag:s9] =	ssyncadd.s32 $0xFFFFF600  }
0x5d: {  	[bflag:$0x0] =	sbarrier.arrive $0xFFFF  }
0x5e: {  	[tilespmem:s13], [sflag:$0x1] =	stream.indirect.gather [spmem:s4], $0x20, s5, s12, $0xb8;
	[tilespmem:$0x1B480] =	vst v63  }
0x5f: {  	_ = 	snop  }
0x60: {  	[tilespmem:s14], [sflag:$0x2] =	stream.indirect.gather [spmem:s4], $0x20, s12, s12, $0xb8;
	[tilespmem:$0x1B480] =	vst v63  }
0x61: {  	_ =	swait.ge [sflag:s15], $0x4000  }
0x62: {  	[sflag:s15] =	ssyncset.done $0x0  }
0x63: {  	[sflag:s15] =	ssyncadd.s32 $0xFFFFC000  }
0x64: {  	[spmem:s1] =	stream.indirect.scatter.add.f32 [tilespmem:s13], [sflag:$0x1], $0x20, s11, s12, $0xb8;
	[tilespmem:$0x1B480] =	vst v63  }
0x65: {  	_ = 	snop  }
0x66: {  	[spmem:s3] =	stream.indirect.scatter.add.f32 [tilespmem:s16], [sflag:$0x4], $0x1, s11, s12, $0xb8;
	[tilespmem:$0x1B480] =	vst v63  }
0x67: {  	s29 =	rddreg [dreg:$0xe]  }
0x68: {  	[tilespmem:s17], [sflag:$0x3] =	stream.indirect.gather [spmem:s4], $0x20, s29, s12, $0xb8;
	[tilespmem:$0x1B480] =	vst v63  }
0x69: {  	_ =	swait.ge [sflag:s18], $0x4000  }
0x6a: {  	[sflag:s18] =	ssyncset.done $0x0  }
0x6b: {  	s29 =	simm.s32 $0x2A00;
	[sflag:s18] =	ssyncadd.s32 $0xFFFFC000  }
0x6c: {  	[spmem:s1] =	stream.indirect.scatter.add.f32 [tilespmem:s14], [sflag:$0x2], $0x20, s29, s12, $0xb8;
	[tilespmem:$0x1B480] =	vst v63  }
0x6d: {  	_ = 	snop  }
0x6e: {  	[spmem:s3] =	stream.indirect.scatter.add.f32 [tilespmem:s16], [sflag:$0x4], $0x1, s29, s12, $0xb8;
	[tilespmem:$0x1B480] =	vst v63  }
0x6f: {  	_ =	swait.ge [sflag:s15], $0x4000  }
0x70: {  	[sflag:s15] =	ssyncset.done $0x0  }
0x71: {  	s29 =	rddreg [dreg:$0xf];
	[sflag:s15] =	ssyncadd.s32 $0xFFFFC000  }
0x72: {  	[tilespmem:s13], [sflag:$0x1] =	stream.indirect.gather [spmem:s4], $0x20, s29, s12, $0xb8;
	[tilespmem:$0x1B480] =	vst v63  }
0x73: {  	_ =	swait.ge [sflag:s20], $0x4000  }
0x74: {  	[sflag:s20] =	ssyncset.done $0x0  }
0x75: {  	s29 =	simm.s32 $0x2C00;
	[sflag:s20] =	ssyncadd.s32 $0xFFFFC000  }
0x76: {  	[spmem:s1] =	stream.indirect.scatter.add.f32 [tilespmem:s17], [sflag:$0x3], $0x20, s29, s12, $0xb8;
	[tilespmem:$0x1B480] =	vst v63  }
0x77: {  	_ = 	snop  }
0x78: {  	[spmem:s3] =	stream.indirect.scatter.add.f32 [tilespmem:s16], [sflag:$0x4], $0x1, s29, s12, $0xb8;
	[tilespmem:$0x1B480] =	vst v63  }
0x79: {  	_ =	swait.ge [sflag:s18], $0x4000  }
0x7a: {  	[sflag:s18] =	ssyncset.done $0x0  }
0x7b: {  	s29 =	rddreg [dreg:$0x10];
	[sflag:s18] =	ssyncadd.s32 $0xFFFFC000  }
0x7c: {  	[tilespmem:s14], [sflag:$0x2] =	stream.indirect.gather [spmem:s4], $0x20, s29, s12, $0xb8;
	[tilespmem:$0x1B480] =	vst v63  }
0x7d: {  	_ =	swait.ge [sflag:s15], $0x4000  }
0x7e: {  	[sflag:s15] =	ssyncset.done $0x0  }
0x7f: {  	s29 =	simm.s32 $0x2E00;
	[sflag:s15] =	ssyncadd.s32 $0xFFFFC000  }
0x80: {  	[spmem:s1] =	stream.indirect.scatter.add.f32 [tilespmem:s13], [sflag:$0x1], $0x20, s29, s12, $0xb8;
	[tilespmem:$0x1B480] =	vst v63  }
0x81: {  	_ = 	snop  }
0x82: {  	[spmem:s3] =	stream.indirect.scatter.add.f32 [tilespmem:s16], [sflag:$0x4], $0x1, s29, s12, $0xb8;
	[tilespmem:$0x1B480] =	vst v63  }
0x83: {  	_ =	swait.ge [sflag:s20], $0x4000  }
0x84: {  	[sflag:s20] =	ssyncset.done $0x0  }
0x85: {  	s29 =	rddreg [dreg:$0x11];
	[sflag:s20] =	ssyncadd.s32 $0xFFFFC000  }
0x86: {  	[tilespmem:s17], [sflag:$0x3] =	stream.indirect.gather [spmem:s4], $0x20, s29, s12, $0xb8;
	[tilespmem:$0x1B480] =	vst v63  }
0x87: {  	_ =	swait.ge [sflag:s18], $0x4000  }
0x88: {  	[sflag:s18] =	ssyncset.done $0x0  }
0x89: {  	s29 =	simm.s32 $0x3000;
	[sflag:s18] =	ssyncadd.s32 $0xFFFFC000  }
0x8a: {  	[spmem:s1] =	stream.indirect.scatter.add.f32 [tilespmem:s14], [sflag:$0x2], $0x20, s29, s12, $0xb8;
	[tilespmem:$0x1B480] =	vst v63  }
0x8b: {  	_ = 	snop  }
0x8c: {  	[spmem:s3] =	stream.indirect.scatter.add.f32 [tilespmem:s16], [sflag:$0x4], $0x1, s29, s12, $0xb8;
	[tilespmem:$0x1B480] =	vst v63  }
0x8d: {  	_ =	swait.ge [sflag:s15], $0x4000  }
0x8e: {  	[sflag:s15] =	ssyncset.done $0x0  }
0x8f: {  	s29 =	rddreg [dreg:$0x12];
	[sflag:s15] =	ssyncadd.s32 $0xFFFFC000  }
0x90: {  	[tilespmem:s13], [sflag:$0x1] =	stream.indirect.gather [spmem:s4], $0x20, s29, s12, $0xb8;
	[tilespmem:$0x1B480] =	vst v63  }
0x91: {  	_ =	swait.ge [sflag:s20], $0x4000  }
0x92: {  	[sflag:s20] =	ssyncset.done $0x0  }
0x93: {  	s29 =	simm.s32 $0x3200;
	[sflag:s20] =	ssyncadd.s32 $0xFFFFC000  }
0x94: {  	[spmem:s1] =	stream.indirect.scatter.add.f32 [tilespmem:s17], [sflag:$0x3], $0x20, s29, s12, $0xb8;
	[tilespmem:$0x1B480] =	vst v63  }
0x95: {  	_ = 	snop  }
0x96: {  	[spmem:s3] =	stream.indirect.scatter.add.f32 [tilespmem:s16], [sflag:$0x4], $0x1, s29, s12, $0xb8;
	[tilespmem:$0x1B480] =	vst v63  }
0x97: {  	_ =	swait.ge [sflag:s18], $0x4000  }
0x98: {  	[sflag:s18] =	ssyncset.done $0x0  }
0x99: {  	s29 =	rddreg [dreg:$0x13];
	[sflag:s18] =	ssyncadd.s32 $0xFFFFC000  }
0x9a: {  	[tilespmem:s14], [sflag:$0x2] =	stream.indirect.gather [spmem:s4], $0x20, s29, s12, $0xb8;
	[tilespmem:$0x1B480] =	vst v63  }
0x9b: {  	_ =	swait.ge [sflag:s15], $0x4000  }
0x9c: {  	[sflag:s15] =	ssyncset.done $0x0  }
0x9d: {  	s29 =	simm.s32 $0x3400;
	[sflag:s15] =	ssyncadd.s32 $0xFFFFC000  }
0x9e: {  	[spmem:s1] =	stream.indirect.scatter.add.f32 [tilespmem:s13], [sflag:$0x1], $0x20, s29, s12, $0xb8;
	[tilespmem:$0x1B480] =	vst v63  }
0x9f: {  	_ = 	snop  }
0xa0: {  	[spmem:s3] =	stream.indirect.scatter.add.f32 [tilespmem:s16], [sflag:$0x4], $0x1, s29, s12, $0xb8;
	[tilespmem:$0x1B480] =	vst v63  }
0xa1: {  	_ =	swait.ge [sflag:s20], $0x4000  }
0xa2: {  	[sflag:s20] =	ssyncset.done $0x0  }
0xa3: {  	s29 =	rddreg [dreg:$0x14];
	[sflag:s20] =	ssyncadd.s32 $0xFFFFC000  }
0xa4: {  	[tilespmem:s17], [sflag:$0x3] =	stream.indirect.gather [spmem:s4], $0x20, s29, s12, $0xb8;
	[tilespmem:$0x1B480] =	vst v63  }
0xa5: {  	_ =	swait.ge [sflag:s18], $0x4000  }
0xa6: {  	[sflag:s18] =	ssyncset.done $0x0  }
0xa7: {  	s29 =	simm.s32 $0x3600;
	[sflag:s18] =	ssyncadd.s32 $0xFFFFC000  }
0xa8: {  	[spmem:s1] =	stream.indirect.scatter.add.f32 [tilespmem:s14], [sflag:$0x2], $0x20, s29, s12, $0xb8;
	[tilespmem:$0x1B480] =	vst v63  }
0xa9: {  	_ = 	snop  }
0xaa: {  	[spmem:s3] =	stream.indirect.scatter.add.f32 [tilespmem:s16], [sflag:$0x4], $0x1, s29, s12, $0xb8;
	[tilespmem:$0x1B480] =	vst v63  }
0xab: {  	_ =	swait.ge [sflag:s15], $0x4000  }
0xac: {  	[sflag:s15] =	ssyncset.done $0x0  }
0xad: {  	s29 =	rddreg [dreg:$0x15];
	[sflag:s15] =	ssyncadd.s32 $0xFFFFC000  }
0xae: {  	[tilespmem:s13], [sflag:$0x1] =	stream.indirect.gather [spmem:s4], $0x20, s29, s12, $0xb8;
	[tilespmem:$0x1B480] =	vst v63  }
0xaf: {  	_ =	swait.ge [sflag:s20], $0x4000  }
0xb0: {  	[sflag:s20] =	ssyncset.done $0x0  }
0xb1: {  	s29 =	simm.s32 $0x3800;
	[sflag:s20] =	ssyncadd.s32 $0xFFFFC000  }
0xb2: {  	[spmem:s1] =	stream.indirect.scatter.add.f32 [tilespmem:s17], [sflag:$0x3], $0x20, s29, s12, $0xb8;
	[tilespmem:$0x1B480] =	vst v63  }
0xb3: {  	_ = 	snop  }
0xb4: {  	[spmem:s3] =	stream.indirect.scatter.add.f32 [tilespmem:s16], [sflag:$0x4], $0x1, s29, s12, $0xb8;
	[tilespmem:$0x1B480] =	vst v63  }
0xb5: {  	_ =	swait.ge [sflag:s18], $0x4000  }
0xb6: {  	[sflag:s18] =	ssyncset.done $0x0  }
0xb7: {  	s29 =	rddreg [dreg:$0x16];
	[sflag:s18] =	ssyncadd.s32 $0xFFFFC000  }
0xb8: {  	[tilespmem:s14], [sflag:$0x2] =	stream.indirect.gather [spmem:s4], $0x20, s29, s12, $0xb8;
	[tilespmem:$0x1B480] =	vst v63  }
0xb9: {  	_ =	swait.ge [sflag:s15], $0x4000  }
0xba: {  	[sflag:s15] =	ssyncset.done $0x0  }
0xbb: {  	s29 =	simm.s32 $0x3A00;
	[sflag:s15] =	ssyncadd.s32 $0xFFFFC000  }
0xbc: {  	[spmem:s1] =	stream.indirect.scatter.add.f32 [tilespmem:s13], [sflag:$0x1], $0x20, s29, s12, $0xb8;
	[tilespmem:$0x1B480] =	vst v63  }
0xbd: {  	_ = 	snop  }
0xbe: {  	[spmem:s3] =	stream.indirect.scatter.add.f32 [tilespmem:s16], [sflag:$0x4], $0x1, s29, s12, $0xb8;
	[tilespmem:$0x1B480] =	vst v63  }
0xbf: {  	_ =	swait.ge [sflag:s20], $0x4000  }
0xc0: {  	[sflag:s20] =	ssyncset.done $0x0  }
0xc1: {  	s29 =	rddreg [dreg:$0x17];
	[sflag:s20] =	ssyncadd.s32 $0xFFFFC000  }
0xc2: {  	[tilespmem:s17], [sflag:$0x3] =	stream.indirect.gather [spmem:s4], $0x20, s29, s12, $0xb8;
	[tilespmem:$0x1B480] =	vst v63  }
0xc3: {  	_ =	swait.ge [sflag:s18], $0x4000  }
0xc4: {  	[sflag:s18] =	ssyncset.done $0x0  }
0xc5: {  	[sflag:s18] =	ssyncadd.s32 $0xFFFFC000  }
0xc6: {  	[spmem:s1] =	stream.indirect.scatter.add.f32 [tilespmem:s14], [sflag:$0x2], $0x20, s30, s12, $0xb8;
	[tilespmem:$0x1B480] =	vst v63  }
0xc7: {  	_ = 	snop  }
0xc8: {  	[spmem:s3] =	stream.indirect.scatter.add.f32 [tilespmem:s16], [sflag:$0x4], $0x1, s30, s12, $0xb8;
	[tilespmem:$0x1B480] =	vst v63  }
0xc9: {  	_ =	swait.ge [sflag:s15], $0x4000  }
0xca: {  	[sflag:s15] =	ssyncset.done $0x0  }
0xcb: {  	s29 =	rddreg [dreg:$0x18];
	[sflag:s15] =	ssyncadd.s32 $0xFFFFC000  }
0xcc: {  	[tilespmem:s13], [sflag:$0x1] =	stream.indirect.gather [spmem:s4], $0x20, s29, s12, $0xb8;
	[tilespmem:$0x1B480] =	vst v63  }
0xcd: {  	_ =	swait.ge [sflag:s20], $0x4000  }
0xce: {  	[sflag:s20] =	ssyncset.done $0x0  }
0xcf: {  	[sflag:s20] =	ssyncadd.s32 $0xFFFFC000  }
0xd0: {  	[spmem:s1] =	stream.indirect.scatter.add.f32 [tilespmem:s17], [sflag:$0x3], $0x20, s31, s12, $0xb8;
	[tilespmem:$0x1B480] =	vst v63  }
0xd1: {  	_ = 	snop  }
0xd2: {  	[spmem:s3] =	stream.indirect.scatter.add.f32 [tilespmem:s16], [sflag:$0x4], $0x1, s31, s12, $0xb8;
	[tilespmem:$0x1B480] =	vst v63  }
0xd3: {  	_ =	swait.ge [sflag:s18], $0x4000  }
0xd4: {  	[sflag:s18] =	ssyncset.done $0x0  }
0xd5: {  	s29 =	rddreg [dreg:$0x19];
	[sflag:s18] =	ssyncadd.s32 $0xFFFFC000  }
0xd6: {  	[tilespmem:s14], [sflag:$0x2] =	stream.indirect.gather [spmem:s4], $0x20, s29, s12, $0xb8;
	[tilespmem:$0x1B480] =	vst v63  }
0xd7: {  	_ =	swait.ge [sflag:s15], $0x4000  }
0xd8: {  	[sflag:s15] =	ssyncset.done $0x0  }
0xd9: {  	[sflag:s15] =	ssyncadd.s32 $0xFFFFC000  }
0xda: {  	[spmem:s1] =	stream.indirect.scatter.add.f32 [tilespmem:s13], [sflag:$0x1], $0x20, s0, s12, $0xb8;
	[tilespmem:$0x1B480] =	vst v63  }
0xdb: {  	_ = 	snop  }
0xdc: {  	[spmem:s3] =	stream.indirect.scatter.add.f32 [tilespmem:s16], [sflag:$0x4], $0x1, s0, s12, $0xb8;
	[tilespmem:$0x1B480] =	vst v63  }
0xdd: {  	_ =	swait.ge [sflag:s20], $0x4000  }
0xde: {  	[sflag:s20] =	ssyncset.done $0x0  }
0xdf: {  	s29 =	rddreg [dreg:$0x1a];
	[sflag:s20] =	ssyncadd.s32 $0xFFFFC000  }
0xe0: {  	[tilespmem:s17], [sflag:$0x3] =	stream.indirect.gather [spmem:s4], $0x20, s29, s12, $0xb8;
	[tilespmem:$0x1B480] =	vst v63  }
0xe1: {  	_ =	swait.ge [sflag:s18], $0x4000  }
0xe2: {  	[sflag:s18] =	ssyncset.done $0x0  }
0xe3: {  	[sflag:s18] =	ssyncadd.s32 $0xFFFFC000  }
0xe4: {  	[spmem:s1] =	stream.indirect.scatter.add.f32 [tilespmem:s14], [sflag:$0x2], $0x20, s2, s12, $0xb8;
	[tilespmem:$0x1B480] =	vst v63  }
0xe5: {  	_ = 	snop  }
0xe6: {  	[spmem:s3] =	stream.indirect.scatter.add.f32 [tilespmem:s16], [sflag:$0x4], $0x1, s2, s12, $0xb8;
	[tilespmem:$0x1B480] =	vst v63  }
0xe7: {  	_ =	swait.ge [sflag:s15], $0x4000  }
0xe8: {  	[sflag:s15] =	ssyncset.done $0x0  }
0xe9: {  	s29 =	rddreg [dreg:$0x1b];
	[sflag:s15] =	ssyncadd.s32 $0xFFFFC000  }
0xea: {  	[tilespmem:s13], [sflag:$0x1] =	stream.indirect.gather [spmem:s4], $0x20, s29, s12, $0xb8;
	[tilespmem:$0x1B480] =	vst v63  }
0xeb: {  	_ =	swait.ge [sflag:s20], $0x4000  }
0xec: {  	[sflag:s20] =	ssyncset.done $0x0  }
0xed: {  	[sflag:s20] =	ssyncadd.s32 $0xFFFFC000  }
0xee: {  	[spmem:s1] =	stream.indirect.scatter.add.f32 [tilespmem:s17], [sflag:$0x3], $0x20, s19, s12, $0xb8;
	[tilespmem:$0x1B480] =	vst v63  }
0xef: {  	_ = 	snop  }
0xf0: {  	[spmem:s3] =	stream.indirect.scatter.add.f32 [tilespmem:s16], [sflag:$0x4], $0x1, s19, s12, $0xb8;
	[tilespmem:$0x1B480] =	vst v63  }
0xf1: {  	_ =	swait.ge [sflag:s18], $0x4000  }
0xf2: {  	[sflag:s18] =	ssyncset.done $0x0  }
0xf3: {  	s29 =	rddreg [dreg:$0x1c];
	[sflag:s18] =	ssyncadd.s32 $0xFFFFC000  }
0xf4: {  	[tilespmem:s14], [sflag:$0x2] =	stream.indirect.gather [spmem:s4], $0x20, s29, s12, $0xb8;
	[tilespmem:$0x1B480] =	vst v63  }
0xf5: {  	_ =	swait.ge [sflag:s15], $0x4000  }
0xf6: {  	[sflag:s15] =	ssyncset.done $0x0  }
0xf7: {  	[sflag:s15] =	ssyncadd.s32 $0xFFFFC000  }
0xf8: {  	[spmem:s1] =	stream.indirect.scatter.add.f32 [tilespmem:s13], [sflag:$0x1], $0x20, s21, s12, $0xb8;
	[tilespmem:$0x1B480] =	vst v63  }
0xf9: {  	_ = 	snop  }
0xfa: {  	[spmem:s3] =	stream.indirect.scatter.add.f32 [tilespmem:s16], [sflag:$0x4], $0x1, s21, s12, $0xb8;
	[tilespmem:$0x1B480] =	vst v63  }
0xfb: {  	_ =	swait.ge [sflag:s20], $0x4000  }
0xfc: {  	[sflag:s20] =	ssyncset.done $0x0  }
0xfd: {  	s29 =	rddreg [dreg:$0x1d];
	[sflag:s20] =	ssyncadd.s32 $0xFFFFC000  }
0xfe: {  	[tilespmem:s17], [sflag:$0x3] =	stream.indirect.gather [spmem:s4], $0x20, s29, s12, $0xb8;
	[tilespmem:$0x1B480] =	vst v63  }
0xff: {  	_ =	swait.ge [sflag:s18], $0x4000  }
0x100: {  	[sflag:s18] =	ssyncset.done $0x0  }
0x101: {  	[sflag:s18] =	ssyncadd.s32 $0xFFFFC000  }
0x102: {  	[spmem:s1] =	stream.indirect.scatter.add.f32 [tilespmem:s14], [sflag:$0x2], $0x20, s22, s12, $0xb8;
	[tilespmem:$0x1B480] =	vst v63  }
0x103: {  	_ = 	snop  }
0x104: {  	[spmem:s3] =	stream.indirect.scatter.add.f32 [tilespmem:s16], [sflag:$0x4], $0x1, s22, s12, $0xb8;
	[tilespmem:$0x1B480] =	vst v63  }
0x105: {  	_ =	swait.ge [sflag:s15], $0x4000  }
0x106: {  	[sflag:s15] =	ssyncset.done $0x0  }
0x107: {  	s29 =	rddreg [dreg:$0x1e];
	[sflag:s15] =	ssyncadd.s32 $0xFFFFC000  }
0x108: {  	[tilespmem:s13], [sflag:$0x1] =	stream.indirect.gather [spmem:s4], $0x20, s29, s12, $0xb8;
	[tilespmem:$0x1B480] =	vst v63  }
0x109: {  	_ =	swait.ge [sflag:s20], $0x4000  }
0x10a: {  	[sflag:s20] =	ssyncset.done $0x0  }
0x10b: {  	[sflag:s20] =	ssyncadd.s32 $0xFFFFC000  }
0x10c: {  	[spmem:s1] =	stream.indirect.scatter.add.f32 [tilespmem:s17], [sflag:$0x3], $0x20, s23, s12, $0xb8;
	[tilespmem:$0x1B480] =	vst v63  }
0x10d: {  	_ = 	snop  }
0x10e: {  	[spmem:s3] =	stream.indirect.scatter.add.f32 [tilespmem:s16], [sflag:$0x4], $0x1, s23, s12, $0xb8;
	[tilespmem:$0x1B480] =	vst v63  }
0x10f: {  	_ =	swait.ge [sflag:s18], $0x4000  }
0x110: {  	[sflag:s18] =	ssyncset.done $0x0  }
0x111: {  	s29 =	rddreg [dreg:$0x1f];
	[sflag:s18] =	ssyncadd.s32 $0xFFFFC000  }
0x112: {  	[tilespmem:s14], [sflag:$0x2] =	stream.indirect.gather [spmem:s4], $0x20, s29, s12, $0xb8;
	[tilespmem:$0x1B480] =	vst v63  }
0x113: {  	_ =	swait.ge [sflag:s15], $0x4000  }
0x114: {  	[sflag:s15] =	ssyncset.done $0x0  }
0x115: {  	[sflag:s15] =	ssyncadd.s32 $0xFFFFC000  }
0x116: {  	[spmem:s1] =	stream.indirect.scatter.add.f32 [tilespmem:s13], [sflag:$0x1], $0x20, s24, s12, $0xb8;
	[tilespmem:$0x1B480] =	vst v63  }
0x117: {  	_ = 	snop  }
0x118: {  	[spmem:s3] =	stream.indirect.scatter.add.f32 [tilespmem:s16], [sflag:$0x4], $0x1, s24, s12, $0xb8;
	[tilespmem:$0x1B480] =	vst v63  }
0x119: {  	_ =	swait.ge [sflag:s18], $0x4000  }
0x11a: {  	[sflag:s18] =	ssyncset.done $0x0  }
0x11b: {  	[sflag:s18] =	ssyncadd.s32 $0xFFFFC000  }
0x11c: {  	[spmem:s1] =	stream.indirect.scatter.add.f32 [tilespmem:s14], [sflag:$0x2], $0x20, s25, s12, $0xb8;
	[tilespmem:$0x1B480] =	vst v63  }
0x11d: {  	_ = 	snop  }
0x11e: {  	[spmem:s3] =	stream.indirect.scatter.add.f32 [tilespmem:s16], [sflag:$0x4], $0x1, s25, s12, $0xb8;
	[tilespmem:$0x1B480] =	vst v63  }
0x11f: {  	_ =	swait.ge [sflag:s15], $0x4000  }
0x120: {  	[sflag:s15] =	ssyncset.done $0x0  }
0x121: {  	[sflag:s15] =	ssyncadd.s32 $0xFFFFC000  }
0x122: {  	_ =	swait.ge [sflag:s18], $0x4000  }
0x123: {  	[sflag:s18] =	ssyncset.done $0x0  }
0x124: {  	[sflag:s18] =	ssyncadd.s32 $0xFFFFC000  }
0x125: {  	_ =	swait.ge [sflag:s26], $0x200  }
0x126: {  	[sflag:s26] =	ssyncset.done $0x0  }
0x127: {  	[sflag:s26] =	ssyncadd.s32 $0xFFFFFE00  }
0x128: {  	_ =	swait.ge [sflag:s26], $0x200  }
0x129: {  	[sflag:s26] =	ssyncset.done $0x0  }
0x12a: {  	[sflag:s26] =	ssyncadd.s32 $0xFFFFFE00  }
0x12b: {  	_ =	swait.ge [sflag:s26], $0x200  }
0x12c: {  	[sflag:s26] =	ssyncset.done $0x0  }
0x12d: {  	[sflag:s26] =	ssyncadd.s32 $0xFFFFFE00  }
0x12e: {  	_ =	swait.ge [sflag:s26], $0x200  }
0x12f: {  	[sflag:s26] =	ssyncset.done $0x0  }
0x130: {  	[sflag:s26] =	ssyncadd.s32 $0xFFFFFE00  }
0x131: {  	_ =	swait.ge [sflag:s26], $0x200  }
0x132: {  	[sflag:s26] =	ssyncset.done $0x0  }
0x133: {  	[sflag:s26] =	ssyncadd.s32 $0xFFFFFE00  }
0x134: {  	_ =	swait.ge [sflag:s26], $0x200  }
0x135: {  	[sflag:s26] =	ssyncset.done $0x0  }
0x136: {  	[sflag:s26] =	ssyncadd.s32 $0xFFFFFE00  }
0x137: {  	_ =	swait.ge [sflag:s26], $0x200  }
0x138: {  	[sflag:s26] =	ssyncset.done $0x0  }
0x139: {  	[sflag:s26] =	ssyncadd.s32 $0xFFFFFE00  }
0x13a: {  	_ =	swait.ge [sflag:s26], $0x200  }
0x13b: {  	[sflag:s26] =	ssyncset.done $0x0  }
0x13c: {  	[sflag:s26] =	ssyncadd.s32 $0xFFFFFE00  }
0x13d: {  	_ =	swait.ge [sflag:s26], $0x200  }
0x13e: {  	[sflag:s26] =	ssyncset.done $0x0  }
0x13f: {  	[sflag:s26] =	ssyncadd.s32 $0xFFFFFE00  }
0x140: {  	_ =	swait.ge [sflag:s26], $0x200  }
0x141: {  	[sflag:s26] =	ssyncset.done $0x0  }
0x142: {  	[sflag:s26] =	ssyncadd.s32 $0xFFFFFE00  }
0x143: {  	_ =	swait.ge [sflag:s26], $0x200  }
0x144: {  	[sflag:s26] =	ssyncset.done $0x0  }
0x145: {  	[sflag:s26] =	ssyncadd.s32 $0xFFFFFE00  }
0x146: {  	_ =	swait.ge [sflag:s26], $0x200  }
0x147: {  	[sflag:s26] =	ssyncset.done $0x0  }
0x148: {  	[sflag:s26] =	ssyncadd.s32 $0xFFFFFE00  }
0x149: {  	_ =	swait.ge [sflag:s26], $0x200  }
0x14a: {  	[sflag:s26] =	ssyncset.done $0x0  }
0x14b: {  	[sflag:s26] =	ssyncadd.s32 $0xFFFFFE00  }
0x14c: {  	_ =	swait.ge [sflag:s26], $0x200  }
0x14d: {  	[sflag:s26] =	ssyncset.done $0x0  }
0x14e: {  	[sflag:s26] =	ssyncadd.s32 $0xFFFFFE00  }
0x14f: {  	_ =	swait.ge [sflag:s26], $0x200  }
0x150: {  	[sflag:s26] =	ssyncset.done $0x0  }
0x151: {  	[sflag:s26] =	ssyncadd.s32 $0xFFFFFE00  }
0x152: {  	_ =	swait.ge [sflag:s26], $0x200  }
0x153: {  	[sflag:s26] =	ssyncset.done $0x0  }
0x154: {  	[sflag:s26] =	ssyncadd.s32 $0xFFFFFE00  }
0x155: {  	_ =	swait.ge [sflag:s26], $0x200  }
0x156: {  	[sflag:s26] =	ssyncset.done $0x0  }
0x157: {  	[sflag:s26] =	ssyncadd.s32 $0xFFFFFE00  }
0x158: {  	_ =	swait.ge [sflag:s26], $0x200  }
0x159: {  	[sflag:s26] =	ssyncset.done $0x0  }
0x15a: {  	[sflag:s26] =	ssyncadd.s32 $0xFFFFFE00  }
0x15b: {  	_ =	swait.ge [sflag:s26], $0x200  }
0x15c: {  	[sflag:s26] =	ssyncset.done $0x0  }
0x15d: {  	[sflag:s26] =	ssyncadd.s32 $0xFFFFFE00  }
0x15e: {  	_ =	swait.ge [sflag:s26], $0x200  }
0x15f: {  	[sflag:s26] =	ssyncset.done $0x0  }
0x160: {  	[sflag:s26] =	ssyncadd.s32 $0xFFFFFE00  }
0x161: {  	[bflag:$0x0] =	sbarrier.arrive $0xFFFF  }
0x162: {  	s29 =	rddreg [dreg:$0xb]  }
0x163: {  	[hbm:s29], [sflag:s6] =	dma.local [spmem:s8], $0xA00  }
0x164: {  	_ =	swait.ge [sflag:s9], $0xA00  }
0x165: {  	p0 =	sne.s32 s7, $0x1;
	[sflag:s9] =	ssyncset.done $0x0  }
.Ltmp0:
0x166: {  	s29 =	rddreg [dreg:$0xc];
	[sflag:s9] =	ssyncadd.s32 $0xFFFFF600;
	(pc) =	sbr.rel @p0 .LBB2_1-.Ltmp0, $4  }
0x167: {  	[hbm:s29], [sflag:s6] =	dma.local [spmem:s10], $0x50  }
0x168: {  	_ =	swait.ge [sflag:s9], $0x50  }
0x169: {  	[sflag:s9] =	ssyncset.done $0x0  }
0x16a: {  	s7 =	sadd.s32 $0xFFFFFFFF, s7;
	[sflag:s9] =	ssyncadd.s32 $0xFFFFFFB0  }
0x16b: {  	_ =	sfence.sel $0x180000  }
0x16c: {  	[bflag:$0x0] =	sbarrier.arrive $0xFFFF  }
0x16d: {  	_ =	strace $0x90000047  }
0x16e: {  	s0 =	stileid.u32;
	[bflag:$0x2] =	sbarrier.arrive $0xFFFF  }
0x16f: {  	p0 =	sne.s32 s0, $0x0;
	s0 =	rddreg [dreg:$0x5]  }
0x170: {  	s0 =	sadd.s32 @!p0 $0x100000, s0  }
0x171: {  	[sflag:s0] =	ssyncadd.tile.s32 @!p0 $0x1;
	_ =	shalt  }
.Lfunc_end2:
_tile_overlayer_lowered:
.L_overlay_start_2:
0x172: {  	(tag) =	ssettag $0x2  }
0x173: {  	s0 =	rddreg [dreg:$0x0];
	s2 =	stileid.u32  }
0x174: {  	s1 =	rddreg [dreg:$0x1];
	p0 =	sne.s32 s2, $0x0  }
0x175: {  	s3 =	rddreg [dreg:$0x2];
	[bflag:$0x3] =	sbarrier.arrive $0xFFFF;
	s2 =	simm.s32 @!p0 $0x1C05  }
0x176: {  	[timem:s3], [sflag:s2] =	dma.local @!p0 [hbm:s0], s1  }
0x177: {  	s0 =	simm.s32 @!p0 $0x5  }
0x178: {  	_ =	swait.ge @!p0 [sflag:s0], s1  }
0x179: {  	s1 =	ssub.s32 @!p0 $0x0, s1;
	[sflag:s0] =	ssyncset.done @!p0 $0x0  }
0x17a: {  	[sflag:s0] =	ssyncadd.s32 @!p0 s1  }
0x17b: {  	[bflag:$0x3] =	sbarrier.arrive $0xFFFF  }
0x17c: {  	_ =	shalt  }

</sc_bundles>
